<compile_context>
chip_gen: v7x
topology: tpu7x:2x2x1
jax: 0.10.2.dev20260603
libtpu: 0.0.44.dev20260713+nightly
codegen_flags: <defaults>
</compile_context>

<pallas_src>
import functools

import jax
import jax.numpy as jnp
from jax import lax
from jax.experimental import pallas as pl
from jax.experimental.pallas import tpu as pltpu
from jax.experimental.pallas import tpu_sc as plsc

B, N, K, H = 2, 1024, 32, 128
H2 = 2 * H
SCALE = 30.0
EPS = 1e-5
NLAYERS = 3

TN = 256
NT = (B * N) // TN
NW = 32
EPW = (B * N * K) // NW
CHUNK = 128
NCHUNK = EPW // CHUNK
L = 16


def _gelu(x):
    return 0.5 * x * (1.0 + lax.erf(x * 0.7071067811865476))


def _ln(x, g, b):
    mu = jnp.mean(x, axis=-1, keepdims=True)
    xc = x - mu
    var = jnp.mean(xc * xc, axis=-1, keepdims=True)
    return xc * lax.rsqrt(var + EPS) * g + b


def _rnd_bf16_bits(x):
    bits = lax.bitcast_convert_type(x, jnp.int32)
    return (bits + 0x8000 + ((bits >> 16) & 1)) >> 16


def _pack_pair(u, v):
    return (_rnd_bf16_bits(u) << 16) | (_rnd_bf16_bits(v) & 0xFFFF)




def _unpack_pair(w):
    uf = lax.bitcast_convert_type(w & jnp.int32(-65536), jnp.float32)
    vf = lax.bitcast_convert_type(w << 16, jnp.float32)
    return uf, vf


def _prep_body(do_ref, hs_ref, hv_ref, wc0_ref, wd0_ref, cnt_ref, t0_ref):
    iota = lax.broadcasted_iota(jnp.int32, (N, N), 1)
    for b in range(B):
        do_b = do_ref[b, :].reshape(N, 1)
        eq = (do_b == iota).astype(jnp.float32)
        cnt_ref[b, :] = jnp.sum(eq, axis=0)
        v0 = jnp.dot(hv_ref[b], wd0_ref[...],
                     preferred_element_type=jnp.float32)
        d0 = jnp.dot(hs_ref[b], wc0_ref[...],
                     preferred_element_type=jnp.float32)
        t0_ref[b] = _pack_pair(d0, v0)


def _prep_call(do, h_S, h_V, wc0, wd0):
    return pl.pallas_call(
        _prep_body,
        out_shape=(
            jax.ShapeDtypeStruct((B, N), jnp.float32),
            jax.ShapeDtypeStruct((B, N, H), jnp.int32),
        ),
    )(do, h_S, h_V, wc0, wd0)


def _gather_chunks(t_hbm, g_hbm, eidx_v, bufs, gsems, ssems, ebase):
    def gfire(c):
        idxs = eidx_v.at[pl.ds(c * CHUNK, CHUNK)]
        return pltpu.async_copy(t_hbm.at[idxs], bufs[c % 2], gsems[c % 2])

    gh = [None] * NCHUNK
    sh = [None] * NCHUNK
    gh[0] = gfire(0)
    for c in range(NCHUNK):
        if c + 1 < NCHUNK:
            if c - 1 >= 0:
                sh[c - 1].wait()
            gh[c + 1] = gfire(c + 1)
        gh[c].wait()
        sh[c] = pltpu.async_copy(
            bufs[c % 2], g_hbm.at[pl.ds(ebase + c * CHUNK, CHUNK)],
            ssems[c % 2])
    sh[NCHUNK - 2].wait()
    sh[NCHUNK - 1].wait()


def _mask_body(eidx_hbm, cnt_hbm, t_hbm, m_hbm, eidxo_hbm, g_hbm,
               eidx_v, cnt_v, m_v, eo_v, rows0, rows1,
               gsem0, gsem1, ssem0, ssem1):
    wid = lax.axis_index("s") * 2 + lax.axis_index("c")
    b = wid // 16
    n0 = (wid % 16) * (N // 16)
    ebase = wid * EPW
    pltpu.sync_copy(eidx_hbm.at[pl.ds(ebase, EPW)], eidx_v)
    pltpu.sync_copy(cnt_hbm.at[pl.ds(b * N, N)], cnt_v)
    boff = b * N

    def body(i, carry):
        n_loc = n0 + i // (K // L)
        j16 = eidx_v[pl.ds(i * L, L)]
        nv = jnp.full((L,), n_loc, jnp.int32)
        cp = plsc.load_gather(cnt_v, [j16])
        cq = plsc.load_gather(cnt_v, [nv])
        mval = jnp.where(nv > j16, cq * cp,
                         jnp.where(nv == j16, 0.5 * cq * (cq - 1.0),
                                   jnp.zeros((L,), jnp.float32)))
        m_v[pl.ds(i * L, L)] = mval
        eo_v[pl.ds(i * L, L)] = j16 + boff
        return carry

    lax.fori_loop(0, EPW // L, body, 0)
    pltpu.sync_copy(m_v, m_hbm.at[pl.ds(ebase, EPW)])
    pltpu.sync_copy(eo_v, eidxo_hbm.at[pl.ds(ebase, EPW)])
    _gather_chunks(t_hbm, g_hbm, eo_v, (rows0, rows1),
                   (gsem0, gsem1), (ssem0, ssem1), ebase)


def _mask_call(eidx_flat, cnt_flat, t_packed):
    mesh = plsc.VectorSubcoreMesh(core_axis_name="c", subcore_axis_name="s")
    fn = functools.partial(
        pl.kernel,
        out_type=(
            jax.ShapeDtypeStruct((B * N * K,), jnp.float32),
            jax.ShapeDtypeStruct((B * N * K,), jnp.int32),
            jax.ShapeDtypeStruct((B * N * K, H), jnp.int32),
        ),
        mesh=mesh,
        scratch_types=[
            pltpu.VMEM((EPW,), jnp.int32),
            pltpu.VMEM((N,), jnp.float32),
            pltpu.VMEM((EPW,), jnp.float32),
            pltpu.VMEM((EPW,), jnp.int32),
            pltpu.VMEM((CHUNK, H), jnp.int32),
            pltpu.VMEM((CHUNK, H), jnp.int32),
            pltpu.SemaphoreType.DMA,
            pltpu.SemaphoreType.DMA,
            pltpu.SemaphoreType.DMA,
            pltpu.SemaphoreType.DMA,
        ],
        compiler_params=pltpu.CompilerParams(needs_layout_passes=False),
    )(_mask_body)
    return fn(eidx_flat, cnt_flat, t_packed)


def _gather_body(t_hbm, eidxo_hbm, g_hbm, eidx_v, rows0, rows1,
                 gsem0, gsem1, ssem0, ssem1):
    wid = lax.axis_index("s") * 2 + lax.axis_index("c")
    ebase = wid * EPW
    pltpu.sync_copy(eidxo_hbm.at[pl.ds(ebase, EPW)], eidx_v)
    _gather_chunks(t_hbm, g_hbm, eidx_v, (rows0, rows1),
                   (gsem0, gsem1), (ssem0, ssem1), ebase)


def _gather_call(t_packed, eidxo):
    mesh = plsc.VectorSubcoreMesh(core_axis_name="c", subcore_axis_name="s")
    fn = functools.partial(
        pl.kernel,
        out_type=jax.ShapeDtypeStruct((B * N * K, H), jnp.int32),
        mesh=mesh,
        scratch_types=[
            pltpu.VMEM((EPW,), jnp.int32),
            pltpu.VMEM((CHUNK, H), jnp.int32),
            pltpu.VMEM((CHUNK, H), jnp.int32),
            pltpu.SemaphoreType.DMA,
            pltpu.SemaphoreType.DMA,
            pltpu.SemaphoreType.DMA,
            pltpu.SemaphoreType.DMA,
        ],
        compiler_params=pltpu.CompilerParams(needs_layout_passes=False),
    )(_gather_body)
    return fn(t_packed, eidxo)


def _layer_body(hv_ref, hs_ref, hv0_ref, he_ref, g_ref, m_ref,
                w1_ref, w2_ref, w3_ref, win_ref, wout_ref,
                bias_ref, bin_ref, wcn_ref, wdn_ref,
                out_ref, tn_ref):
    hv = hv_ref[...]
    he = he_ref[...]
    gd, gv = _unpack_pair(g_ref[...])
    mf = m_ref[...]
    w1 = w1_ref[...]
    wa = w1[0:H]
    wb = w1[H:H2]
    b1 = bias_ref[0:1, :]
    b2 = bias_ref[1:2, :]
    b3 = bias_ref[2:3, :]
    bo = bias_ref[3:4, :]
    n1g = bias_ref[4:5, :]
    n1b = bias_ref[5:6, :]
    n2g = bias_ref[6:7, :]
    n2b = bias_ref[7:8, :]

    a = jnp.dot(hv, wa, preferred_element_type=jnp.float32) + b1
    pre2 = jnp.dot(he.astype(jnp.bfloat16), wb.astype(jnp.bfloat16),
                   preferred_element_type=jnp.float32)
    pre2 = pre2 + gv + mf * gd
    pre3 = a.reshape(TN, 1, H) + pre2.reshape(TN, K, H)
    z = _gelu(pre3).reshape(TN * K, H)
    y = jnp.dot(z.astype(jnp.bfloat16), w2_ref[...].astype(jnp.bfloat16),
                preferred_element_type=jnp.float32) + b2
    acc = jnp.sum(_gelu(y).reshape(TN, K, H), axis=1)
    dh = jnp.dot(acc, w3_ref[...],
                 preferred_element_type=jnp.float32) * (1.0 / SCALE) \
        + b3 * (K / SCALE)
    h1 = _ln(hv + dh, n1g, n1b)
    f = jnp.dot(_gelu(jnp.dot(h1, win_ref[...],
                              preferred_element_type=jnp.float32)
                      + bin_ref[...]),
                wout_ref[...], preferred_element_type=jnp.float32) + bo
    h2 = _ln(h1 + f, n2g, n2b)
    out_ref[...] = h2
    wdn = wdn_ref[...]
    v0n = jnp.dot(hv0_ref[...], wdn, preferred_element_type=jnp.float32)
    dn = jnp.dot(hs_ref[...], wcn_ref[...],
                 preferred_element_type=jnp.float32) \
        + jnp.dot(h2, wdn, preferred_element_type=jnp.float32) - v0n
    tn_ref[...] = _pack_pair(dn, v0n)


def _layer_call(hv, hs, hv0, he, g, m_col, w1, w2, w3, win, wout,
                bias8, binrow, wcn, wdn):
    node = pl.BlockSpec((TN, H), lambda i: (i, 0))
    edgeH = pl.BlockSpec((TN * K, H), lambda i: (i, 0))
    full = lambda arr: pl.BlockSpec(arr.shape, lambda i: tuple(0 for _ in arr.shape))
    return pl.pallas_call(
        _layer_body,
        grid=(NT,),
        in_specs=[
            node,
            node,
            node,
            edgeH,
            pl.BlockSpec((TN * K, H), lambda i: (i, 0)),
            pl.BlockSpec((TN * K, 1), lambda i: (i, 0)),
            full(w1), full(w2), full(w3), full(win), full(wout),
            full(bias8), full(binrow), full(wcn), full(wdn),
        ],
        out_specs=(
            node,
            pl.BlockSpec((TN, H), lambda i: (i, 0)),
        ),
        out_shape=(
            jax.ShapeDtypeStruct((B * N, H), jnp.float32),
            jax.ShapeDtypeStruct((B * N, H), jnp.int32),
        ),
    )(hv, hs, hv0, he, g, m_col, w1, w2, w3, win, wout, bias8, binrow,
      wcn, wdn)


def kernel(h_S, h_V, h_E, mask, params, E_idx, decoding_order):
    layers = params['layers']
    do = decoding_order.astype(jnp.int32)
    eidx_flat = E_idx.astype(jnp.int32).reshape(B * N * K)
    w1_0 = layers[0]['W1_w']
    cnt, t0 = _prep_call(do, h_S, h_V, w1_0[2 * H:3 * H], w1_0[3 * H:4 * H])
    t = t0.reshape(B * N, H)
    m_flat, eidxo, g = _mask_call(eidx_flat, cnt.reshape(B * N), t)
    m_col = m_flat.reshape(B * N * K, 1)

    hs_flat = h_S.reshape(B * N, H)
    hv0_flat = h_V.reshape(B * N, H)
    he_flat = h_E.reshape(B * N * K, H)
    hv = hv0_flat
    for l in range(NLAYERS):
        p = layers[l]
        pn = layers[(l + 1) % NLAYERS]
        if l > 0:
            g = _gather_call(t, eidxo)
        bias8 = jnp.stack([
            p['W1_b'], p['W2_b'], p['W3_b'], p['Wout_b'],
            p['n1_g'], p['n1_b'], p['n2_g'], p['n2_b'],
        ])
        binrow = p['Win_b'].reshape(1, 4 * H)
        w1n = pn['W1_w']
        hv, t = _layer_call(
            hv, hs_flat, hv0_flat, he_flat, g, m_col,
            p['W1_w'], p['W2_w'], p['W3_w'], p['Win_w'], p['Wout_w'],
            bias8, binrow, w1n[2 * H:3 * H], w1n[3 * H:4 * H])
    return hv.reshape(B, N, H)

# --- scband reference (transcript-rebuilt; emitter-appended) ---
"""Pipeline reference for scband-mpnnsequence-decoder-36490042147381 (READ-ONLY COPY).

The authoritative reference and input builder live on the scoring server;
editing this copy changes nothing except your own understanding.
"""

import jax, jax.numpy as jnp
import numpy as np

B, N, K, H = 2, 1024, 32, 128
NLAYERS = 3
SCALE = 30.0
EPS = 1e-5

def gather_nodes(nodes, idx):
    Bn, Nn, Kn = idx.shape
    C = nodes.shape[-1]
    flat = jnp.take_along_axis(nodes, idx.reshape(Bn, Nn * Kn, 1), axis=1)
    return flat.reshape(Bn, Nn, Kn, C)

def cat_neighbors_nodes(h_nodes, h_neighbors, E_idx):
    return jnp.concatenate([h_neighbors, gather_nodes(h_nodes, E_idx)], axis=-1)

def layer_norm(x, g, b):
    mu = jnp.mean(x, axis=-1, keepdims=True)
    var = jnp.mean((x - mu) ** 2, axis=-1, keepdims=True)
    return (x - mu) / jnp.sqrt(var + EPS) * g + b

def gelu(x):
    return jax.nn.gelu(x, approximate=False)

def linear(x, w, b):
    return x @ w + b

def dec_layer(p, h_V, h_E, mask_V):
    Kn = h_E.shape[-2]
    h_V_expand = jnp.broadcast_to(h_V[:, :, None, :], h_V.shape[:2] + (Kn, h_V.shape[-1]))
    h_EV = jnp.concatenate([h_V_expand, h_E], axis=-1)
    h_message = linear(gelu(linear(gelu(linear(h_EV, p['W1_w'], p['W1_b'])), p['W2_w'], p['W2_b'])), p['W3_w'], p['W3_b'])
    dh = jnp.sum(h_message, axis=-2) / SCALE
    h_V = layer_norm(h_V + dh, p['n1_g'], p['n1_b'])
    dh = linear(gelu(linear(h_V, p['Win_w'], p['Win_b'])), p['Wout_w'], p['Wout_b'])
    h_V = layer_norm(h_V + dh, p['n2_g'], p['n2_b'])
    h_V = mask_V[:, :, None] * h_V
    return h_V

def mpnn_forward(h_S, h_V, h_E, mask, params, E_idx, decoding_order):
    Nn = E_idx.shape[1]
    chain_mask = jnp.ones_like(mask) * mask
    perm = jax.nn.one_hot(decoding_order, Nn, dtype=jnp.float32)
    lower = 1.0 - jnp.triu(jnp.ones((Nn, Nn), jnp.float32))
    order_mask_backward = jnp.einsum('ij,biq,bjp->bqp', lower, perm, perm)
    mask_attend = jnp.take_along_axis(order_mask_backward, E_idx, axis=2)[..., None]
    mask_1D = mask[:, :, None, None]
    mask_bw = mask_1D * mask_attend
    mask_fw = mask_1D * (1.0 - mask_attend)
    h_ES = cat_neighbors_nodes(h_S, h_E, E_idx)
    h_EX_encoder = cat_neighbors_nodes(jnp.zeros_like(h_S), h_E, E_idx)
    h_EXV_encoder = cat_neighbors_nodes(h_V, h_EX_encoder, E_idx)
    h_EXV_encoder_fw = mask_fw * h_EXV_encoder
    for p in params['layers']:
        h_ESV = cat_neighbors_nodes(h_V, h_ES, E_idx)
        h_ESV = mask_bw * h_ESV + h_EXV_encoder_fw
        h_V = dec_layer(p, h_V, h_ESV, mask)
    return h_V

def setup_inputs(seed: int = 0):
    key = jax.random.key(seed)
    ks = jax.random.split(key, 8)
    h_S = jax.random.normal(ks[0], (B, N, H), jnp.float32)
    h_V = jax.random.normal(ks[1], (B, N, H), jnp.float32)
    h_E = jax.random.normal(ks[2], (B, N, K, H), jnp.float32)
    E_idx = jax.random.randint(ks[3], (B, N, K), 0, N)
    mask = jnp.ones((B, N), jnp.float32)
    decoding_order = jnp.sort(jax.random.randint(ks[4], (B, N), 0, N), axis=-1)
    pk = ks[5]
    def w(shape, tag):
        return jax.random.normal(jax.random.fold_in(pk, tag), shape, jnp.float32) * (1.0 / np.sqrt(shape[0]))
    layers = []
    for l in range(NLAYERS):
        p = {
            'W1_w': w((4 * H, H), l * 100 + 0), 'W1_b': jnp.zeros((H,), jnp.float32),
            'W2_w': w((H, H), l * 100 + 1), 'W2_b': jnp.zeros((H,), jnp.float32),
            'W3_w': w((H, H), l * 100 + 2), 'W3_b': jnp.zeros((H,), jnp.float32),
            'Win_w': w((H, 4 * H), l * 100 + 3), 'Win_b': jnp.zeros((4 * H,), jnp.float32),
            'Wout_w': w((4 * H, H), l * 100 + 4), 'Wout_b': jnp.zeros((H,), jnp.float32),
            'n1_g': jnp.ones((H,), jnp.float32), 'n1_b': jnp.zeros((H,), jnp.float32),
            'n2_g': jnp.ones((H,), jnp.float32), 'n2_b': jnp.zeros((H,), jnp.float32),
        }
        layers.append(p)
    params = {'layers': layers}
    return {'h_S': h_S, 'h_V': h_V, 'h_E': h_E, 'mask': mask, 'params': params, 'E_idx': E_idx, 'decoding_order': decoding_order}

def reference(h_S, h_V, h_E, mask, params, E_idx, decoding_order):
    return mpnn_forward(h_S, h_V, h_E, mask, params, E_idx, decoding_order)

if __name__ == "__main__":
    import jax
    _d = setup_inputs()
    print(jax.jit(kernel)(*tuple(_d.values())))

</pallas_src>

<mosaic_0001>
#map = affine_map<(d0, d1) -> (0, 0)>
#map1 = affine_map<(d0, d1) -> (0)>
module attributes {stable_mosaic.version = 14 : i64} {
  func.func @_gather_body(%arg0: i32, %arg1: i32, %arg2: memref<2048x128xi32, #tpu.memory_space<hbm>>, %arg3: memref<65536xi32, #tpu.memory_space<hbm>>, %arg4: memref<65536x128xi32, #tpu.memory_space<hbm>>, %arg5: memref<2048xi32, #tpu.memory_space<vmem>>, %arg6: memref<128x128xi32, #tpu.memory_space<vmem>>, %arg7: memref<128x128xi32, #tpu.memory_space<vmem>>, %arg8: memref<!tpu.dma_semaphore, #tpu.memory_space<semaphore_mem>>, %arg9: memref<!tpu.dma_semaphore, #tpu.memory_space<semaphore_mem>>, %arg10: memref<!tpu.dma_semaphore, #tpu.memory_space<semaphore_mem>>, %arg11: memref<!tpu.dma_semaphore, #tpu.memory_space<semaphore_mem>>) attributes {dimension_semantics = [#tpu.dimension_semantics<core_parallel>, #tpu.dimension_semantics<subcore_parallel>], iteration_bounds = array<i64: 2, 16>, scalar_prefetch = 0 : i64, scratch_operands = 7 : i64, tpu.core_type = #tpu.core_type<sc_vector_subcore>, window_params = [{transform_indices = #map}, {transform_indices = #map1}, {transform_indices = #map}]} {
    %mul3A = arith.constant 2 : i32
    %mul3A_0 = arith.muli %arg1, %mul3A : i32
    %add3A = arith.addi %mul3A_0, %arg0 : i32
    %mul3A_1 = arith.constant 2048 : i32
    %mul3A_2 = arith.muli %add3A, %mul3A_1 : i32
    "tpu.region"() ({
      %run_scoped3A = tpu.sem_alloc : memref<!tpu.dma_semaphore, #tpu.memory_space<semaphore_mem>>
      %dma_start3A_321 = tpu.memref_slice %arg3[%mul3A_2] : memref<65536xi32, #tpu.memory_space<hbm>> -> memref<2048xi32, #tpu.memory_space<hbm>>
      %dma_start3A_322 = tpu.memref_slice %arg3[%mul3A_2] : memref<65536xi32, #tpu.memory_space<hbm>> -> memref<2048xi32, #tpu.memory_space<hbm>>
      tpu.enqueue_dma source(%dma_start3A_322 : memref<2048xi32, #tpu.memory_space<hbm>>) target(%arg5 : memref<2048xi32, #tpu.memory_space<vmem>>) target_semaphore(%run_scoped3A : memref<!tpu.dma_semaphore, #tpu.memory_space<semaphore_mem>>)
      %dma_wait3A_323 = tpu.memref_slice %arg3[%mul3A_2] : memref<65536xi32, #tpu.memory_space<hbm>> -> memref<2048xi32, #tpu.memory_space<hbm>>
      %dma_wait3A_324 = tpu.memref_slice %arg3[%mul3A_2] : memref<65536xi32, #tpu.memory_space<hbm>> -> memref<2048xi32, #tpu.memory_space<hbm>>
      tpu.wait_dma2 semaphore(%run_scoped3A : memref<!tpu.dma_semaphore, #tpu.memory_space<semaphore_mem>>) src(%dma_wait3A_324 : memref<2048xi32, #tpu.memory_space<hbm>>) dst(%arg5 : memref<2048xi32, #tpu.memory_space<vmem>>)
      tpu.yield
    }) : () -> ()
    %dma_start3A = arith.constant 0 : i32
    %dma_start3A_3 = tpu.memref_slice %arg5[%dma_start3A] : memref<2048xi32, #tpu.memory_space<vmem>> -> memref<128xi32, #tpu.memory_space<vmem>>
    %dma_start3A_4 = arith.constant 0 : i32
    %dma_start3A_5 = arith.constant 0 : i32
    %dma_start3A_6 = tpu.memref_slice %arg2[%dma_start3A_4, %dma_start3A_5] : memref<2048x128xi32, #tpu.memory_space<hbm>> -> memref<2048x128xi32, #tpu.memory_space<hbm>>
    tpu.enqueue_indirect_dma source(%dma_start3A_6 : memref<2048x128xi32, #tpu.memory_space<hbm>>) target(%arg6 : memref<128x128xi32, #tpu.memory_space<vmem>>) offsets(%dma_start3A_3 : memref<128xi32, #tpu.memory_space<vmem>>) semaphore(%arg8 : memref<!tpu.dma_semaphore, #tpu.memory_space<semaphore_mem>>)
    %dma_start3A_7 = arith.constant 128 : i32
    %dma_start3A_8 = tpu.memref_slice %arg5[%dma_start3A_7] : memref<2048xi32, #tpu.memory_space<vmem>> -> memref<128xi32, #tpu.memory_space<vmem>>
    %dma_start3A_9 = arith.constant 0 : i32
    %dma_start3A_10 = arith.constant 0 : i32
    %dma_start3A_11 = tpu.memref_slice %arg2[%dma_start3A_9, %dma_start3A_10] : memref<2048x128xi32, #tpu.memory_space<hbm>> -> memref<2048x128xi32, #tpu.memory_space<hbm>>
    tpu.enqueue_indirect_dma source(%dma_start3A_11 : memref<2048x128xi32, #tpu.memory_space<hbm>>) target(%arg7 : memref<128x128xi32, #tpu.memory_space<vmem>>) offsets(%dma_start3A_8 : memref<128xi32, #tpu.memory_space<vmem>>) semaphore(%arg9 : memref<!tpu.dma_semaphore, #tpu.memory_space<semaphore_mem>>)
    %dma_wait3A = arith.constant 0 : i32
    %dma_wait3A_12 = tpu.memref_slice %arg5[%dma_wait3A] : memref<2048xi32, #tpu.memory_space<vmem>> -> memref<128xi32, #tpu.memory_space<vmem>>
    %dma_wait3A_13 = arith.constant 0 : i32
    %dma_wait3A_14 = arith.constant 0 : i32
    %dma_wait3A_15 = tpu.memref_slice %arg2[%dma_wait3A_13, %dma_wait3A_14] : memref<2048x128xi32, #tpu.memory_space<hbm>> -> memref<2048x128xi32, #tpu.memory_space<hbm>>
    tpu.wait_indirect_dma semaphore(%arg8 : memref<!tpu.dma_semaphore, #tpu.memory_space<semaphore_mem>>) src(%dma_wait3A_15 : memref<2048x128xi32, #tpu.memory_space<hbm>>) dst(%arg6 : memref<128x128xi32, #tpu.memory_space<vmem>>)
    %add3A_16 = arith.constant 0 : i32
    %add3A_17 = arith.addi %mul3A_2, %add3A_16 : i32
    %dma_start3A_18 = arith.constant 0 : i32
    %dma_start3A_19 = tpu.memref_slice %arg4[%add3A_17, %dma_start3A_18] : memref<65536x128xi32, #tpu.memory_space<hbm>> -> memref<128x128xi32, #tpu.memory_space<hbm>>
    %dma_start3A_20 = arith.constant 0 : i32
    %dma_start3A_21 = tpu.memref_slice %arg4[%add3A_17, %dma_start3A_20] : memref<65536x128xi32, #tpu.memory_space<hbm>> -> memref<128x128xi32, #tpu.memory_space<hbm>>
    tpu.enqueue_dma source(%arg6 : memref<128x128xi32, #tpu.memory_space<vmem>>) target(%dma_start3A_21 : memref<128x128xi32, #tpu.memory_space<hbm>>) target_semaphore(%arg10 : memref<!tpu.dma_semaphore, #tpu.memory_space<semaphore_mem>>)
    %dma_wait3A_22 = arith.constant 0 : i32
    %dma_wait3A_23 = tpu.memref_slice %arg4[%add3A_17, %dma_wait3A_22] : memref<65536x128xi32, #tpu.memory_space<hbm>> -> memref<128x128xi32, #tpu.memory_space<hbm>>
    %dma_wait3A_24 = arith.constant 0 : i32
    %dma_wait3A_25 = tpu.memref_slice %arg4[%add3A_17, %dma_wait3A_24] : memref<65536x128xi32, #tpu.memory_space<hbm>> -> memref<128x128xi32, #tpu.memory_space<hbm>>
    tpu.wait_dma2 semaphore(%arg10 : memref<!tpu.dma_semaphore, #tpu.memory_space<semaphore_mem>>) src(%arg6 : memref<128x128xi32, #tpu.memory_space<vmem>>) dst(%dma_wait3A_25 : memref<128x128xi32, #tpu.memory_space<hbm>>)
    %dma_start3A_26 = arith.constant 256 : i32
    %dma_start3A_27 = tpu.memref_slice %arg5[%dma_start3A_26] : memref<2048xi32, #tpu.memory_space<vmem>> -> memref<128xi32, #tpu.memory_space<vmem>>
    %dma_start3A_28 = arith.constant 0 : i32
    %dma_start3A_29 = arith.constant 0 : i32
    %dma_start3A_30 = tpu.memref_slice %arg2[%dma_start3A_28, %dma_start3A_29] : memref<2048x128xi32, #tpu.memory_space<hbm>> -> memref<2048x128xi32, #tpu.memory_space<hbm>>
    tpu.enqueue_indirect_dma source(%dma_start3A_30 : memref<2048x128xi32, #tpu.memory_space<hbm>>) target(%arg6 : memref<128x128xi32, #tpu.memory_space<vmem>>) offsets(%dma_start3A_27 : memref<128xi32, #tpu.memory_space<vmem>>) semaphore(%arg8 : memref<!tpu.dma_semaphore, #tpu.memory_space<semaphore_mem>>)
    %dma_wait3A_31 = arith.constant 128 : i32
    %dma_wait3A_32 = tpu.memref_slice %arg5[%dma_wait3A_31] : memref<2048xi32, #tpu.memory_space<vmem>> -> memref<128xi32, #tpu.memory_space<vmem>>
    %dma_wait3A_33 = arith.constant 0 : i32
    %dma_wait3A_34 = arith.constant 0 : i32
    %dma_wait3A_35 = tpu.memref_slice %arg2[%dma_wait3A_33, %dma_wait3A_34] : memref<2048x128xi32, #tpu.memory_space<hbm>> -> memref<2048x128xi32, #tpu.memory_space<hbm>>
    tpu.wait_indirect_dma semaphore(%arg9 : memref<!tpu.dma_semaphore, #tpu.memory_space<semaphore_mem>>) src(%dma_wait3A_35 : memref<2048x128xi32, #tpu.memory_space<hbm>>) dst(%arg7 : memref<128x128xi32, #tpu.memory_space<vmem>>)
    %add3A_36 = arith.constant 128 : i32
    %add3A_37 = arith.addi %mul3A_2, %add3A_36 : i32
    %dma_start3A_38 = arith.constant 0 : i32
    %dma_start3A_39 = tpu.memref_slice %arg4[%add3A_37, %dma_start3A_38] : memref<65536x128xi32, #tpu.memory_space<hbm>> -> memref<128x128xi32, #tpu.memory_space<hbm>>
    %dma_start3A_40 = arith.constant 0 : i32
    %dma_start3A_41 = tpu.memref_slice %arg4[%add3A_37, %dma_start3A_40] : memref<65536x128xi32, #tpu.memory_space<hbm>> -> memref<128x128xi32, #tpu.memory_space<hbm>>
    tpu.enqueue_dma source(%arg7 : memref<128x128xi32, #tpu.memory_space<vmem>>) target(%dma_start3A_41 : memref<128x128xi32, #tpu.memory_space<hbm>>) target_semaphore(%arg11 : memref<!tpu.dma_semaphore, #tpu.memory_space<semaphore_mem>>)
    %dma_wait3A_42 = arith.constant 0 : i32
    %dma_wait3A_43 = tpu.memref_slice %arg4[%add3A_37, %dma_wait3A_42] : memref<65536x128xi32, #tpu.memory_space<hbm>> -> memref<128x128xi32, #tpu.memory_space<hbm>>
    %dma_wait3A_44 = arith.constant 0 : i32
    %dma_wait3A_45 = tpu.memref_slice %arg4[%add3A_37, %dma_wait3A_44] : memref<65536x128xi32, #tpu.memory_space<hbm>> -> memref<128x128xi32, #tpu.memory_space<hbm>>
    tpu.wait_dma2 semaphore(%arg11 : memref<!tpu.dma_semaphore, #tpu.memory_space<semaphore_mem>>) src(%arg7 : memref<128x128xi32, #tpu.memory_space<vmem>>) dst(%dma_wait3A_45 : memref<128x128xi32, #tpu.memory_space<hbm>>)
    %dma_start3A_46 = arith.constant 384 : i32
    %dma_start3A_47 = tpu.memref_slice %arg5[%dma_start3A_46] : memref<2048xi32, #tpu.memory_space<vmem>> -> memref<128xi32, #tpu.memory_space<vmem>>
    %dma_start3A_48 = arith.constant 0 : i32
    %dma_start3A_49 = arith.constant 0 : i32
    %dma_start3A_50 = tpu.memref_slice %arg2[%dma_start3A_48, %dma_start3A_49] : memref<2048x128xi32, #tpu.memory_space<hbm>> -> memref<2048x128xi32, #tpu.memory_space<hbm>>
    tpu.enqueue_indirect_dma source(%dma_start3A_50 : memref<2048x128xi32, #tpu.memory_space<hbm>>) target(%arg7 : memref<128x128xi32, #tpu.memory_space<vmem>>) offsets(%dma_start3A_47 : memref<128xi32, #tpu.memory_space<vmem>>) semaphore(%arg9 : memref<!tpu.dma_semaphore, #tpu.memory_space<semaphore_mem>>)
    %dma_wait3A_51 = arith.constant 256 : i32
    %dma_wait3A_52 = tpu.memref_slice %arg5[%dma_wait3A_51] : memref<2048xi32, #tpu.memory_space<vmem>> -> memref<128xi32, #tpu.memory_space<vmem>>
    %dma_wait3A_53 = arith.constant 0 : i32
    %dma_wait3A_54 = arith.constant 0 : i32
    %dma_wait3A_55 = tpu.memref_slice %arg2[%dma_wait3A_53, %dma_wait3A_54] : memref<2048x128xi32, #tpu.memory_space<hbm>> -> memref<2048x128xi32, #tpu.memory_space<hbm>>
    tpu.wait_indirect_dma semaphore(%arg8 : memref<!tpu.dma_semaphore, #tpu.memory_space<semaphore_mem>>) src(%dma_wait3A_55 : memref<2048x128xi32, #tpu.memory_space<hbm>>) dst(%arg6 : memref<128x128xi32, #tpu.memory_space<vmem>>)
    %add3A_56 = arith.constant 256 : i32
    %add3A_57 = arith.addi %mul3A_2, %add3A_56 : i32
    %dma_start3A_58 = arith.constant 0 : i32
    %dma_start3A_59 = tpu.memref_slice %arg4[%add3A_57, %dma_start3A_58] : memref<65536x128xi32, #tpu.memory_space<hbm>> -> memref<128x128xi32, #tpu.memory_space<hbm>>
    %dma_start3A_60 = arith.constant 0 : i32
    %dma_start3A_61 = tpu.memref_slice %arg4[%add3A_57, %dma_start3A_60] : memref<65536x128xi32, #tpu.memory_space<hbm>> -> memref<128x128xi32, #tpu.memory_space<hbm>>
    tpu.enqueue_dma source(%arg6 : memref<128x128xi32, #tpu.memory_space<vmem>>) target(%dma_start3A_61 : memref<128x128xi32, #tpu.memory_space<hbm>>) target_semaphore(%arg10 : memref<!tpu.dma_semaphore, #tpu.memory_space<semaphore_mem>>)
    %dma_wait3A_62 = arith.constant 0 : i32
    %dma_wait3A_63 = tpu.memref_slice %arg4[%add3A_57, %dma_wait3A_62] : memref<65536x128xi32, #tpu.memory_space<hbm>> -> memref<128x128xi32, #tpu.memory_space<hbm>>
    %dma_wait3A_64 = arith.constant 0 : i32
    %dma_wait3A_65 = tpu.memref_slice %arg4[%add3A_57, %dma_wait3A_64] : memref<65536x128xi32, #tpu.memory_space<hbm>> -> memref<128x128xi32, #tpu.memory_space<hbm>>
    tpu.wait_dma2 semaphore(%arg10 : memref<!tpu.dma_semaphore, #tpu.memory_space<semaphore_mem>>) src(%arg6 : memref<128x128xi32, #tpu.memory_space<vmem>>) dst(%dma_wait3A_65 : memref<128x128xi32, #tpu.memory_space<hbm>>)
    %dma_start3A_66 = arith.constant 512 : i32
    %dma_start3A_67 = tpu.memref_slice %arg5[%dma_start3A_66] : memref<2048xi32, #tpu.memory_space<vmem>> -> memref<128xi32, #tpu.memory_space<vmem>>
    %dma_start3A_68 = arith.constant 0 : i32
    %dma_start3A_69 = arith.constant 0 : i32
    %dma_start3A_70 = tpu.memref_slice %arg2[%dma_start3A_68, %dma_start3A_69] : memref<2048x128xi32, #tpu.memory_space<hbm>> -> memref<2048x128xi32, #tpu.memory_space<hbm>>
    tpu.enqueue_indirect_dma source(%dma_start3A_70 : memref<2048x128xi32, #tpu.memory_space<hbm>>) target(%arg6 : memref<128x128xi32, #tpu.memory_space<vmem>>) offsets(%dma_start3A_67 : memref<128xi32, #tpu.memory_space<vmem>>) semaphore(%arg8 : memref<!tpu.dma_semaphore, #tpu.memory_space<semaphore_mem>>)
    %dma_wait3A_71 = arith.constant 384 : i32
    %dma_wait3A_72 = tpu.memref_slice %arg5[%dma_wait3A_71] : memref<2048xi32, #tpu.memory_space<vmem>> -> memref<128xi32, #tpu.memory_space<vmem>>
    %dma_wait3A_73 = arith.constant 0 : i32
    %dma_wait3A_74 = arith.constant 0 : i32
    %dma_wait3A_75 = tpu.memref_slice %arg2[%dma_wait3A_73, %dma_wait3A_74] : memref<2048x128xi32, #tpu.memory_space<hbm>> -> memref<2048x128xi32, #tpu.memory_space<hbm>>
    tpu.wait_indirect_dma semaphore(%arg9 : memref<!tpu.dma_semaphore, #tpu.memory_space<semaphore_mem>>) src(%dma_wait3A_75 : memref<2048x128xi32, #tpu.memory_space<hbm>>) dst(%arg7 : memref<128x128xi32, #tpu.memory_space<vmem>>)
    %add3A_76 = arith.constant 384 : i32
    %add3A_77 = arith.addi %mul3A_2, %add3A_76 : i32
    %dma_start3A_78 = arith.constant 0 : i32
    %dma_start3A_79 = tpu.memref_slice %arg4[%add3A_77, %dma_start3A_78] : memref<65536x128xi32, #tpu.memory_space<hbm>> -> memref<128x128xi32, #tpu.memory_space<hbm>>
    %dma_start3A_80 = arith.constant 0 : i32
    %dma_start3A_81 = tpu.memref_slice %arg4[%add3A_77, %dma_start3A_80] : memref<65536x128xi32, #tpu.memory_space<hbm>> -> memref<128x128xi32, #tpu.memory_space<hbm>>
    tpu.enqueue_dma source(%arg7 : memref<128x128xi32, #tpu.memory_space<vmem>>) target(%dma_start3A_81 : memref<128x128xi32, #tpu.memory_space<hbm>>) target_semaphore(%arg11 : memref<!tpu.dma_semaphore, #tpu.memory_space<semaphore_mem>>)
    %dma_wait3A_82 = arith.constant 0 : i32
    %dma_wait3A_83 = tpu.memref_slice %arg4[%add3A_77, %dma_wait3A_82] : memref<65536x128xi32, #tpu.memory_space<hbm>> -> memref<128x128xi32, #tpu.memory_space<hbm>>
    %dma_wait3A_84 = arith.constant 0 : i32
    %dma_wait3A_85 = tpu.memref_slice %arg4[%add3A_77, %dma_wait3A_84] : memref<65536x128xi32, #tpu.memory_space<hbm>> -> memref<128x128xi32, #tpu.memory_space<hbm>>
    tpu.wait_dma2 semaphore(%arg11 : memref<!tpu.dma_semaphore, #tpu.memory_space<semaphore_mem>>) src(%arg7 : memref<128x128xi32, #tpu.memory_space<vmem>>) dst(%dma_wait3A_85 : memref<128x128xi32, #tpu.memory_space<hbm>>)
    %dma_start3A_86 = arith.constant 640 : i32
    %dma_start3A_87 = tpu.memref_slice %arg5[%dma_start3A_86] : memref<2048xi32, #tpu.memory_space<vmem>> -> memref<128xi32, #tpu.memory_space<vmem>>
    %dma_start3A_88 = arith.constant 0 : i32
    %dma_start3A_89 = arith.constant 0 : i32
    %dma_start3A_90 = tpu.memref_slice %arg2[%dma_start3A_88, %dma_start3A_89] : memref<2048x128xi32, #tpu.memory_space<hbm>> -> memref<2048x128xi32, #tpu.memory_space<hbm>>
    tpu.enqueue_indirect_dma source(%dma_start3A_90 : memref<2048x128xi32, #tpu.memory_space<hbm>>) target(%arg7 : memref<128x128xi32, #tpu.memory_space<vmem>>) offsets(%dma_start3A_87 : memref<128xi32, #tpu.memory_space<vmem>>) semaphore(%arg9 : memref<!tpu.dma_semaphore, #tpu.memory_space<semaphore_mem>>)
    %dma_wait3A_91 = arith.constant 512 : i32
    %dma_wait3A_92 = tpu.memref_slice %arg5[%dma_wait3A_91] : memref<2048xi32, #tpu.memory_space<vmem>> -> memref<128xi32, #tpu.memory_space<vmem>>
    %dma_wait3A_93 = arith.constant 0 : i32
    %dma_wait3A_94 = arith.constant 0 : i32
    %dma_wait3A_95 = tpu.memref_slice %arg2[%dma_wait3A_93, %dma_wait3A_94] : memref<2048x128xi32, #tpu.memory_space<hbm>> -> memref<2048x128xi32, #tpu.memory_space<hbm>>
    tpu.wait_indirect_dma semaphore(%arg8 : memref<!tpu.dma_semaphore, #tpu.memory_space<semaphore_mem>>) src(%dma_wait3A_95 : memref<2048x128xi32, #tpu.memory_space<hbm>>) dst(%arg6 : memref<128x128xi32, #tpu.memory_space<vmem>>)
    %add3A_96 = arith.constant 512 : i32
    %add3A_97 = arith.addi %mul3A_2, %add3A_96 : i32
    %dma_start3A_98 = arith.constant 0 : i32
    %dma_start3A_99 = tpu.memref_slice %arg4[%add3A_97, %dma_start3A_98] : memref<65536x128xi32, #tpu.memory_space<hbm>> -> memref<128x128xi32, #tpu.memory_space<hbm>>
    %dma_start3A_100 = arith.constant 0 : i32
    %dma_start3A_101 = tpu.memref_slice %arg4[%add3A_97, %dma_start3A_100] : memref<65536x128xi32, #tpu.memory_space<hbm>> -> memref<128x128xi32, #tpu.memory_space<hbm>>
    tpu.enqueue_dma source(%arg6 : memref<128x128xi32, #tpu.memory_space<vmem>>) target(%dma_start3A_101 : memref<128x128xi32, #tpu.memory_space<hbm>>) target_semaphore(%arg10 : memref<!tpu.dma_semaphore, #tpu.memory_space<semaphore_mem>>)
    %dma_wait3A_102 = arith.constant 0 : i32
    %dma_wait3A_103 = tpu.memref_slice %arg4[%add3A_97, %dma_wait3A_102] : memref<65536x128xi32, #tpu.memory_space<hbm>> -> memref<128x128xi32, #tpu.memory_space<hbm>>
    %dma_wait3A_104 = arith.constant 0 : i32
    %dma_wait3A_105 = tpu.memref_slice %arg4[%add3A_97, %dma_wait3A_104] : memref<65536x128xi32, #tpu.memory_space<hbm>> -> memref<128x128xi32, #tpu.memory_space<hbm>>
    tpu.wait_dma2 semaphore(%arg10 : memref<!tpu.dma_semaphore, #tpu.memory_space<semaphore_mem>>) src(%arg6 : memref<128x128xi32, #tpu.memory_space<vmem>>) dst(%dma_wait3A_105 : memref<128x128xi32, #tpu.memory_space<hbm>>)
    %dma_start3A_106 = arith.constant 768 : i32
    %dma_start3A_107 = tpu.memref_slice %arg5[%dma_start3A_106] : memref<2048xi32, #tpu.memory_space<vmem>> -> memref<128xi32, #tpu.memory_space<vmem>>
    %dma_start3A_108 = arith.constant 0 : i32
    %dma_start3A_109 = arith.constant 0 : i32
    %dma_start3A_110 = tpu.memref_slice %arg2[%dma_start3A_108, %dma_start3A_109] : memref<2048x128xi32, #tpu.memory_space<hbm>> -> memref<2048x128xi32, #tpu.memory_space<hbm>>
    tpu.enqueue_indirect_dma source(%dma_start3A_110 : memref<2048x128xi32, #tpu.memory_space<hbm>>) target(%arg6 : memref<128x128xi32, #tpu.memory_space<vmem>>) offsets(%dma_start3A_107 : memref<128xi32, #tpu.memory_space<vmem>>) semaphore(%arg8 : memref<!tpu.dma_semaphore, #tpu.memory_space<semaphore_mem>>)
    %dma_wait3A_111 = arith.constant 640 : i32
    %dma_wait3A_112 = tpu.memref_slice %arg5[%dma_wait3A_111] : memref<2048xi32, #tpu.memory_space<vmem>> -> memref<128xi32, #tpu.memory_space<vmem>>
    %dma_wait3A_113 = arith.constant 0 : i32
    %dma_wait3A_114 = arith.constant 0 : i32
    %dma_wait3A_115 = tpu.memref_slice %arg2[%dma_wait3A_113, %dma_wait3A_114] : memref<2048x128xi32, #tpu.memory_space<hbm>> -> memref<2048x128xi32, #tpu.memory_space<hbm>>
    tpu.wait_indirect_dma semaphore(%arg9 : memref<!tpu.dma_semaphore, #tpu.memory_space<semaphore_mem>>) src(%dma_wait3A_115 : memref<2048x128xi32, #tpu.memory_space<hbm>>) dst(%arg7 : memref<128x128xi32, #tpu.memory_space<vmem>>)
    %add3A_116 = arith.constant 640 : i32
    %add3A_117 = arith.addi %mul3A_2, %add3A_116 : i32
    %dma_start3A_118 = arith.constant 0 : i32
    %dma_start3A_119 = tpu.memref_slice %arg4[%add3A_117, %dma_start3A_118] : memref<65536x128xi32, #tpu.memory_space<hbm>> -> memref<128x128xi32, #tpu.memory_space<hbm>>
    %dma_start3A_120 = arith.constant 0 : i32
    %dma_start3A_121 = tpu.memref_slice %arg4[%add3A_117, %dma_start3A_120] : memref<65536x128xi32, #tpu.memory_space<hbm>> -> memref<128x128xi32, #tpu.memory_space<hbm>>
    tpu.enqueue_dma source(%arg7 : memref<128x128xi32, #tpu.memory_space<vmem>>) target(%dma_start3A_121 : memref<128x128xi32, #tpu.memory_space<hbm>>) target_semaphore(%arg11 : memref<!tpu.dma_semaphore, #tpu.memory_space<semaphore_mem>>)
    %dma_wait3A_122 = arith.constant 0 : i32
    %dma_wait3A_123 = tpu.memref_slice %arg4[%add3A_117, %dma_wait3A_122] : memref<65536x128xi32, #tpu.memory_space<hbm>> -> memref<128x128xi32, #tpu.memory_space<hbm>>
    %dma_wait3A_124 = arith.constant 0 : i32
    %dma_wait3A_125 = tpu.memref_slice %arg4[%add3A_117, %dma_wait3A_124] : memref<65536x128xi32, #tpu.memory_space<hbm>> -> memref<128x128xi32, #tpu.memory_space<hbm>>
    tpu.wait_dma2 semaphore(%arg11 : memref<!tpu.dma_semaphore, #tpu.memory_space<semaphore_mem>>) src(%arg7 : memref<128x128xi32, #tpu.memory_space<vmem>>) dst(%dma_wait3A_125 : memref<128x128xi32, #tpu.memory_space<hbm>>)
    %dma_start3A_126 = arith.constant 896 : i32
    %dma_start3A_127 = tpu.memref_slice %arg5[%dma_start3A_126] : memref<2048xi32, #tpu.memory_space<vmem>> -> memref<128xi32, #tpu.memory_space<vmem>>
    %dma_start3A_128 = arith.constant 0 : i32
    %dma_start3A_129 = arith.constant 0 : i32
    %dma_start3A_130 = tpu.memref_slice %arg2[%dma_start3A_128, %dma_start3A_129] : memref<2048x128xi32, #tpu.memory_space<hbm>> -> memref<2048x128xi32, #tpu.memory_space<hbm>>
    tpu.enqueue_indirect_dma source(%dma_start3A_130 : memref<2048x128xi32, #tpu.memory_space<hbm>>) target(%arg7 : memref<128x128xi32, #tpu.memory_space<vmem>>) offsets(%dma_start3A_127 : memref<128xi32, #tpu.memory_space<vmem>>) semaphore(%arg9 : memref<!tpu.dma_semaphore, #tpu.memory_space<semaphore_mem>>)
    %dma_wait3A_131 = arith.constant 768 : i32
    %dma_wait3A_132 = tpu.memref_slice %arg5[%dma_wait3A_131] : memref<2048xi32, #tpu.memory_space<vmem>> -> memref<128xi32, #tpu.memory_space<vmem>>
    %dma_wait3A_133 = arith.constant 0 : i32
    %dma_wait3A_134 = arith.constant 0 : i32
    %dma_wait3A_135 = tpu.memref_slice %arg2[%dma_wait3A_133, %dma_wait3A_134] : memref<2048x128xi32, #tpu.memory_space<hbm>> -> memref<2048x128xi32, #tpu.memory_space<hbm>>
    tpu.wait_indirect_dma semaphore(%arg8 : memref<!tpu.dma_semaphore, #tpu.memory_space<semaphore_mem>>) src(%dma_wait3A_135 : memref<2048x128xi32, #tpu.memory_space<hbm>>) dst(%arg6 : memref<128x128xi32, #tpu.memory_space<vmem>>)
    %add3A_136 = arith.constant 768 : i32
    %add3A_137 = arith.addi %mul3A_2, %add3A_136 : i32
    %dma_start3A_138 = arith.constant 0 : i32
    %dma_start3A_139 = tpu.memref_slice %arg4[%add3A_137, %dma_start3A_138] : memref<65536x128xi32, #tpu.memory_space<hbm>> -> memref<128x128xi32, #tpu.memory_space<hbm>>
    %dma_start3A_140 = arith.constant 0 : i32
    %dma_start3A_141 = tpu.memref_slice %arg4[%add3A_137, %dma_start3A_140] : memref<65536x128xi32, #tpu.memory_space<hbm>> -> memref<128x128xi32, #tpu.memory_space<hbm>>
    tpu.enqueue_dma source(%arg6 : memref<128x128xi32, #tpu.memory_space<vmem>>) target(%dma_start3A_141 : memref<128x128xi32, #tpu.memory_space<hbm>>) target_semaphore(%arg10 : memref<!tpu.dma_semaphore, #tpu.memory_space<semaphore_mem>>)
    %dma_wait3A_142 = arith.constant 0 : i32
    %dma_wait3A_143 = tpu.memref_slice %arg4[%add3A_137, %dma_wait3A_142] : memref<65536x128xi32, #tpu.memory_space<hbm>> -> memref<128x128xi32, #tpu.memory_space<hbm>>
    %dma_wait3A_144 = arith.constant 0 : i32
    %dma_wait3A_145 = tpu.memref_slice %arg4[%add3A_137, %dma_wait3A_144] : memref<65536x128xi32, #tpu.memory_space<hbm>> -> memref<128x128xi32, #tpu.memory_space<hbm>>
    tpu.wait_dma2 semaphore(%arg10 : memref<!tpu.dma_semaphore, #tpu.memory_space<semaphore_mem>>) src(%arg6 : memref<128x128xi32, #tpu.memory_space<vmem>>) dst(%dma_wait3A_145 : memref<128x128xi32, #tpu.memory_space<hbm>>)
    %dma_start3A_146 = arith.constant 1024 : i32
    %dma_start3A_147 = tpu.memref_slice %arg5[%dma_start3A_146] : memref<2048xi32, #tpu.memory_space<vmem>> -> memref<128xi32, #tpu.memory_space<vmem>>
    %dma_start3A_148 = arith.constant 0 : i32
    %dma_start3A_149 = arith.constant 0 : i32
    %dma_start3A_150 = tpu.memref_slice %arg2[%dma_start3A_148, %dma_start3A_149] : memref<2048x128xi32, #tpu.memory_space<hbm>> -> memref<2048x128xi32, #tpu.memory_space<hbm>>
    tpu.enqueue_indirect_dma source(%dma_start3A_150 : memref<2048x128xi32, #tpu.memory_space<hbm>>) target(%arg6 : memref<128x128xi32, #tpu.memory_space<vmem>>) offsets(%dma_start3A_147 : memref<128xi32, #tpu.memory_space<vmem>>) semaphore(%arg8 : memref<!tpu.dma_semaphore, #tpu.memory_space<semaphore_mem>>)
    %dma_wait3A_151 = arith.constant 896 : i32
    %dma_wait3A_152 = tpu.memref_slice %arg5[%dma_wait3A_151] : memref<2048xi32, #tpu.memory_space<vmem>> -> memref<128xi32, #tpu.memory_space<vmem>>
    %dma_wait3A_153 = arith.constant 0 : i32
    %dma_wait3A_154 = arith.constant 0 : i32
    %dma_wait3A_155 = tpu.memref_slice %arg2[%dma_wait3A_153, %dma_wait3A_154] : memref<2048x128xi32, #tpu.memory_space<hbm>> -> memref<2048x128xi32, #tpu.memory_space<hbm>>
    tpu.wait_indirect_dma semaphore(%arg9 : memref<!tpu.dma_semaphore, #tpu.memory_space<semaphore_mem>>) src(%dma_wait3A_155 : memref<2048x128xi32, #tpu.memory_space<hbm>>) dst(%arg7 : memref<128x128xi32, #tpu.memory_space<vmem>>)
    %add3A_156 = arith.constant 896 : i32
    %add3A_157 = arith.addi %mul3A_2, %add3A_156 : i32
    %dma_start3A_158 = arith.constant 0 : i32
    %dma_start3A_159 = tpu.memref_slice %arg4[%add3A_157, %dma_start3A_158] : memref<65536x128xi32, #tpu.memory_space<hbm>> -> memref<128x128xi32, #tpu.memory_space<hbm>>
    %dma_start3A_160 = arith.constant 0 : i32
    %dma_start3A_161 = tpu.memref_slice %arg4[%add3A_157, %dma_start3A_160] : memref<65536x128xi32, #tpu.memory_space<hbm>> -> memref<128x128xi32, #tpu.memory_space<hbm>>
    tpu.enqueue_dma source(%arg7 : memref<128x128xi32, #tpu.memory_space<vmem>>) target(%dma_start3A_161 : memref<128x128xi32, #tpu.memory_space<hbm>>) target_semaphore(%arg11 : memref<!tpu.dma_semaphore, #tpu.memory_space<semaphore_mem>>)
    %dma_wait3A_162 = arith.constant 0 : i32
    %dma_wait3A_163 = tpu.memref_slice %arg4[%add3A_157, %dma_wait3A_162] : memref<65536x128xi32, #tpu.memory_space<hbm>> -> memref<128x128xi32, #tpu.memory_space<hbm>>
    %dma_wait3A_164 = arith.constant 0 : i32
    %dma_wait3A_165 = tpu.memref_slice %arg4[%add3A_157, %dma_wait3A_164] : memref<65536x128xi32, #tpu.memory_space<hbm>> -> memref<128x128xi32, #tpu.memory_space<hbm>>
    tpu.wait_dma2 semaphore(%arg11 : memref<!tpu.dma_semaphore, #tpu.memory_space<semaphore_mem>>) src(%arg7 : memref<128x128xi32, #tpu.memory_space<vmem>>) dst(%dma_wait3A_165 : memref<128x128xi32, #tpu.memory_space<hbm>>)
    %dma_start3A_166 = arith.constant 1152 : i32
    %dma_start3A_167 = tpu.memref_slice %arg5[%dma_start3A_166] : memref<2048xi32, #tpu.memory_space<vmem>> -> memref<128xi32, #tpu.memory_space<vmem>>
    %dma_start3A_168 = arith.constant 0 : i32
    %dma_start3A_169 = arith.constant 0 : i32
    %dma_start3A_170 = tpu.memref_slice %arg2[%dma_start3A_168, %dma_start3A_169] : memref<2048x128xi32, #tpu.memory_space<hbm>> -> memref<2048x128xi32, #tpu.memory_space<hbm>>
    tpu.enqueue_indirect_dma source(%dma_start3A_170 : memref<2048x128xi32, #tpu.memory_space<hbm>>) target(%arg7 : memref<128x128xi32, #tpu.memory_space<vmem>>) offsets(%dma_start3A_167 : memref<128xi32, #tpu.memory_space<vmem>>) semaphore(%arg9 : memref<!tpu.dma_semaphore, #tpu.memory_space<semaphore_mem>>)
    %dma_wait3A_171 = arith.constant 1024 : i32
    %dma_wait3A_172 = tpu.memref_slice %arg5[%dma_wait3A_171] : memref<2048xi32, #tpu.memory_space<vmem>> -> memref<128xi32, #tpu.memory_space<vmem>>
    %dma_wait3A_173 = arith.constant 0 : i32
    %dma_wait3A_174 = arith.constant 0 : i32
    %dma_wait3A_175 = tpu.memref_slice %arg2[%dma_wait3A_173, %dma_wait3A_174] : memref<2048x128xi32, #tpu.memory_space<hbm>> -> memref<2048x128xi32, #tpu.memory_space<hbm>>
    tpu.wait_indirect_dma semaphore(%arg8 : memref<!tpu.dma_semaphore, #tpu.memory_space<semaphore_mem>>) src(%dma_wait3A_175 : memref<2048x128xi32, #tpu.memory_space<hbm>>) dst(%arg6 : memref<128x128xi32, #tpu.memory_space<vmem>>)
    %add3A_176 = arith.constant 1024 : i32
    %add3A_177 = arith.addi %mul3A_2, %add3A_176 : i32
    %dma_start3A_178 = arith.constant 0 : i32
    %dma_start3A_179 = tpu.memref_slice %arg4[%add3A_177, %dma_start3A_178] : memref<65536x128xi32, #tpu.memory_space<hbm>> -> memref<128x128xi32, #tpu.memory_space<hbm>>
    %dma_start3A_180 = arith.constant 0 : i32
    %dma_start3A_181 = tpu.memref_slice %arg4[%add3A_177, %dma_start3A_180] : memref<65536x128xi32, #tpu.memory_space<hbm>> -> memref<128x128xi32, #tpu.memory_space<hbm>>
    tpu.enqueue_dma source(%arg6 : memref<128x128xi32, #tpu.memory_space<vmem>>) target(%dma_start3A_181 : memref<128x128xi32, #tpu.memory_space<hbm>>) target_semaphore(%arg10 : memref<!tpu.dma_semaphore, #tpu.memory_space<semaphore_mem>>)
    %dma_wait3A_182 = arith.constant 0 : i32
    %dma_wait3A_183 = tpu.memref_slice %arg4[%add3A_177, %dma_wait3A_182] : memref<65536x128xi32, #tpu.memory_space<hbm>> -> memref<128x128xi32, #tpu.memory_space<hbm>>
    %dma_wait3A_184 = arith.constant 0 : i32
    %dma_wait3A_185 = tpu.memref_slice %arg4[%add3A_177, %dma_wait3A_184] : memref<65536x128xi32, #tpu.memory_space<hbm>> -> memref<128x128xi32, #tpu.memory_space<hbm>>
    tpu.wait_dma2 semaphore(%arg10 : memref<!tpu.dma_semaphore, #tpu.memory_space<semaphore_mem>>) src(%arg6 : memref<128x128xi32, #tpu.memory_space<vmem>>) dst(%dma_wait3A_185 : memref<128x128xi32, #tpu.memory_space<hbm>>)
    %dma_start3A_186 = arith.constant 1280 : i32
    %dma_start3A_187 = tpu.memref_slice %arg5[%dma_start3A_186] : memref<2048xi32, #tpu.memory_space<vmem>> -> memref<128xi32, #tpu.memory_space<vmem>>
    %dma_start3A_188 = arith.constant 0 : i32
    %dma_start3A_189 = arith.constant 0 : i32
    %dma_start3A_190 = tpu.memref_slice %arg2[%dma_start3A_188, %dma_start3A_189] : memref<2048x128xi32, #tpu.memory_space<hbm>> -> memref<2048x128xi32, #tpu.memory_space<hbm>>
    tpu.enqueue_indirect_dma source(%dma_start3A_190 : memref<2048x128xi32, #tpu.memory_space<hbm>>) target(%arg6 : memref<128x128xi32, #tpu.memory_space<vmem>>) offsets(%dma_start3A_187 : memref<128xi32, #tpu.memory_space<vmem>>) semaphore(%arg8 : memref<!tpu.dma_semaphore, #tpu.memory_space<semaphore_mem>>)
    %dma_wait3A_191 = arith.constant 1152 : i32
    %dma_wait3A_192 = tpu.memref_slice %arg5[%dma_wait3A_191] : memref<2048xi32, #tpu.memory_space<vmem>> -> memref<128xi32, #tpu.memory_space<vmem>>
    %dma_wait3A_193 = arith.constant 0 : i32
    %dma_wait3A_194 = arith.constant 0 : i32
    %dma_wait3A_195 = tpu.memref_slice %arg2[%dma_wait3A_193, %dma_wait3A_194] : memref<2048x128xi32, #tpu.memory_space<hbm>> -> memref<2048x128xi32, #tpu.memory_space<hbm>>
    tpu.wait_indirect_dma semaphore(%arg9 : memref<!tpu.dma_semaphore, #tpu.memory_space<semaphore_mem>>) src(%dma_wait3A_195 : memref<2048x128xi32, #tpu.memory_space<hbm>>) dst(%arg7 : memref<128x128xi32, #tpu.memory_space<vmem>>)
    %add3A_196 = arith.constant 1152 : i32
    %add3A_197 = arith.addi %mul3A_2, %add3A_196 : i32
    %dma_start3A_198 = arith.constant 0 : i32
    %dma_start3A_199 = tpu.memref_slice %arg4[%add3A_197, %dma_start3A_198] : memref<65536x128xi32, #tpu.memory_space<hbm>> -> memref<128x128xi32, #tpu.memory_space<hbm>>
    %dma_start3A_200 = arith.constant 0 : i32
    %dma_start3A_201 = tpu.memref_slice %arg4[%add3A_197, %dma_start3A_200] : memref<65536x128xi32, #tpu.memory_space<hbm>> -> memref<128x128xi32, #tpu.memory_space<hbm>>
    tpu.enqueue_dma source(%arg7 : memref<128x128xi32, #tpu.memory_space<vmem>>) target(%dma_start3A_201 : memref<128x128xi32, #tpu.memory_space<hbm>>) target_semaphore(%arg11 : memref<!tpu.dma_semaphore, #tpu.memory_space<semaphore_mem>>)
    %dma_wait3A_202 = arith.constant 0 : i32
    %dma_wait3A_203 = tpu.memref_slice %arg4[%add3A_197, %dma_wait3A_202] : memref<65536x128xi32, #tpu.memory_space<hbm>> -> memref<128x128xi32, #tpu.memory_space<hbm>>
    %dma_wait3A_204 = arith.constant 0 : i32
    %dma_wait3A_205 = tpu.memref_slice %arg4[%add3A_197, %dma_wait3A_204] : memref<65536x128xi32, #tpu.memory_space<hbm>> -> memref<128x128xi32, #tpu.memory_space<hbm>>
    tpu.wait_dma2 semaphore(%arg11 : memref<!tpu.dma_semaphore, #tpu.memory_space<semaphore_mem>>) src(%arg7 : memref<128x128xi32, #tpu.memory_space<vmem>>) dst(%dma_wait3A_205 : memref<128x128xi32, #tpu.memory_space<hbm>>)
    %dma_start3A_206 = arith.constant 1408 : i32
    %dma_start3A_207 = tpu.memref_slice %arg5[%dma_start3A_206] : memref<2048xi32, #tpu.memory_space<vmem>> -> memref<128xi32, #tpu.memory_space<vmem>>
    %dma_start3A_208 = arith.constant 0 : i32
    %dma_start3A_209 = arith.constant 0 : i32
    %dma_start3A_210 = tpu.memref_slice %arg2[%dma_start3A_208, %dma_start3A_209] : memref<2048x128xi32, #tpu.memory_space<hbm>> -> memref<2048x128xi32, #tpu.memory_space<hbm>>
    tpu.enqueue_indirect_dma source(%dma_start3A_210 : memref<2048x128xi32, #tpu.memory_space<hbm>>) target(%arg7 : memref<128x128xi32, #tpu.memory_space<vmem>>) offsets(%dma_start3A_207 : memref<128xi32, #tpu.memory_space<vmem>>) semaphore(%arg9 : memref<!tpu.dma_semaphore, #tpu.memory_space<semaphore_mem>>)
    %dma_wait3A_211 = arith.constant 1280 : i32
    %dma_wait3A_212 = tpu.memref_slice %arg5[%dma_wait3A_211] : memref<2048xi32, #tpu.memory_space<vmem>> -> memref<128xi32, #tpu.memory_space<vmem>>
    %dma_wait3A_213 = arith.constant 0 : i32
    %dma_wait3A_214 = arith.constant 0 : i32
    %dma_wait3A_215 = tpu.memref_slice %arg2[%dma_wait3A_213, %dma_wait3A_214] : memref<2048x128xi32, #tpu.memory_space<hbm>> -> memref<2048x128xi32, #tpu.memory_space<hbm>>
    tpu.wait_indirect_dma semaphore(%arg8 : memref<!tpu.dma_semaphore, #tpu.memory_space<semaphore_mem>>) src(%dma_wait3A_215 : memref<2048x128xi32, #tpu.memory_space<hbm>>) dst(%arg6 : memref<128x128xi32, #tpu.memory_space<vmem>>)
    %add3A_216 = arith.constant 1280 : i32
    %add3A_217 = arith.addi %mul3A_2, %add3A_216 : i32
    %dma_start3A_218 = arith.constant 0 : i32
    %dma_start3A_219 = tpu.memref_slice %arg4[%add3A_217, %dma_start3A_218] : memref<65536x128xi32, #tpu.memory_space<hbm>> -> memref<128x128xi32, #tpu.memory_space<hbm>>
    %dma_start3A_220 = arith.constant 0 : i32
    %dma_start3A_221 = tpu.memref_slice %arg4[%add3A_217, %dma_start3A_220] : memref<65536x128xi32, #tpu.memory_space<hbm>> -> memref<128x128xi32, #tpu.memory_space<hbm>>
    tpu.enqueue_dma source(%arg6 : memref<128x128xi32, #tpu.memory_space<vmem>>) target(%dma_start3A_221 : memref<128x128xi32, #tpu.memory_space<hbm>>) target_semaphore(%arg10 : memref<!tpu.dma_semaphore, #tpu.memory_space<semaphore_mem>>)
    %dma_wait3A_222 = arith.constant 0 : i32
    %dma_wait3A_223 = tpu.memref_slice %arg4[%add3A_217, %dma_wait3A_222] : memref<65536x128xi32, #tpu.memory_space<hbm>> -> memref<128x128xi32, #tpu.memory_space<hbm>>
    %dma_wait3A_224 = arith.constant 0 : i32
    %dma_wait3A_225 = tpu.memref_slice %arg4[%add3A_217, %dma_wait3A_224] : memref<65536x128xi32, #tpu.memory_space<hbm>> -> memref<128x128xi32, #tpu.memory_space<hbm>>
    tpu.wait_dma2 semaphore(%arg10 : memref<!tpu.dma_semaphore, #tpu.memory_space<semaphore_mem>>) src(%arg6 : memref<128x128xi32, #tpu.memory_space<vmem>>) dst(%dma_wait3A_225 : memref<128x128xi32, #tpu.memory_space<hbm>>)
    %dma_start3A_226 = arith.constant 1536 : i32
    %dma_start3A_227 = tpu.memref_slice %arg5[%dma_start3A_226] : memref<2048xi32, #tpu.memory_space<vmem>> -> memref<128xi32, #tpu.memory_space<vmem>>
    %dma_start3A_228 = arith.constant 0 : i32
    %dma_start3A_229 = arith.constant 0 : i32
    %dma_start3A_230 = tpu.memref_slice %arg2[%dma_start3A_228, %dma_start3A_229] : memref<2048x128xi32, #tpu.memory_space<hbm>> -> memref<2048x128xi32, #tpu.memory_space<hbm>>
    tpu.enqueue_indirect_dma source(%dma_start3A_230 : memref<2048x128xi32, #tpu.memory_space<hbm>>) target(%arg6 : memref<128x128xi32, #tpu.memory_space<vmem>>) offsets(%dma_start3A_227 : memref<128xi32, #tpu.memory_space<vmem>>) semaphore(%arg8 : memref<!tpu.dma_semaphore, #tpu.memory_space<semaphore_mem>>)
    %dma_wait3A_231 = arith.constant 1408 : i32
    %dma_wait3A_232 = tpu.memref_slice %arg5[%dma_wait3A_231] : memref<2048xi32, #tpu.memory_space<vmem>> -> memref<128xi32, #tpu.memory_space<vmem>>
    %dma_wait3A_233 = arith.constant 0 : i32
    %dma_wait3A_234 = arith.constant 0 : i32
    %dma_wait3A_235 = tpu.memref_slice %arg2[%dma_wait3A_233, %dma_wait3A_234] : memref<2048x128xi32, #tpu.memory_space<hbm>> -> memref<2048x128xi32, #tpu.memory_space<hbm>>
    tpu.wait_indirect_dma semaphore(%arg9 : memref<!tpu.dma_semaphore, #tpu.memory_space<semaphore_mem>>) src(%dma_wait3A_235 : memref<2048x128xi32, #tpu.memory_space<hbm>>) dst(%arg7 : memref<128x128xi32, #tpu.memory_space<vmem>>)
    %add3A_236 = arith.constant 1408 : i32
    %add3A_237 = arith.addi %mul3A_2, %add3A_236 : i32
    %dma_start3A_238 = arith.constant 0 : i32
    %dma_start3A_239 = tpu.memref_slice %arg4[%add3A_237, %dma_start3A_238] : memref<65536x128xi32, #tpu.memory_space<hbm>> -> memref<128x128xi32, #tpu.memory_space<hbm>>
    %dma_start3A_240 = arith.constant 0 : i32
    %dma_start3A_241 = tpu.memref_slice %arg4[%add3A_237, %dma_start3A_240] : memref<65536x128xi32, #tpu.memory_space<hbm>> -> memref<128x128xi32, #tpu.memory_space<hbm>>
    tpu.enqueue_dma source(%arg7 : memref<128x128xi32, #tpu.memory_space<vmem>>) target(%dma_start3A_241 : memref<128x128xi32, #tpu.memory_space<hbm>>) target_semaphore(%arg11 : memref<!tpu.dma_semaphore, #tpu.memory_space<semaphore_mem>>)
    %dma_wait3A_242 = arith.constant 0 : i32
    %dma_wait3A_243 = tpu.memref_slice %arg4[%add3A_237, %dma_wait3A_242] : memref<65536x128xi32, #tpu.memory_space<hbm>> -> memref<128x128xi32, #tpu.memory_space<hbm>>
    %dma_wait3A_244 = arith.constant 0 : i32
    %dma_wait3A_245 = tpu.memref_slice %arg4[%add3A_237, %dma_wait3A_244] : memref<65536x128xi32, #tpu.memory_space<hbm>> -> memref<128x128xi32, #tpu.memory_space<hbm>>
    tpu.wait_dma2 semaphore(%arg11 : memref<!tpu.dma_semaphore, #tpu.memory_space<semaphore_mem>>) src(%arg7 : memref<128x128xi32, #tpu.memory_space<vmem>>) dst(%dma_wait3A_245 : memref<128x128xi32, #tpu.memory_space<hbm>>)
    %dma_start3A_246 = arith.constant 1664 : i32
    %dma_start3A_247 = tpu.memref_slice %arg5[%dma_start3A_246] : memref<2048xi32, #tpu.memory_space<vmem>> -> memref<128xi32, #tpu.memory_space<vmem>>
    %dma_start3A_248 = arith.constant 0 : i32
    %dma_start3A_249 = arith.constant 0 : i32
    %dma_start3A_250 = tpu.memref_slice %arg2[%dma_start3A_248, %dma_start3A_249] : memref<2048x128xi32, #tpu.memory_space<hbm>> -> memref<2048x128xi32, #tpu.memory_space<hbm>>
    tpu.enqueue_indirect_dma source(%dma_start3A_250 : memref<2048x128xi32, #tpu.memory_space<hbm>>) target(%arg7 : memref<128x128xi32, #tpu.memory_space<vmem>>) offsets(%dma_start3A_247 : memref<128xi32, #tpu.memory_space<vmem>>) semaphore(%arg9 : memref<!tpu.dma_semaphore, #tpu.memory_space<semaphore_mem>>)
    %dma_wait3A_251 = arith.constant 1536 : i32
    %dma_wait3A_252 = tpu.memref_slice %arg5[%dma_wait3A_251] : memref<2048xi32, #tpu.memory_space<vmem>> -> memref<128xi32, #tpu.memory_space<vmem>>
    %dma_wait3A_253 = arith.constant 0 : i32
    %dma_wait3A_254 = arith.constant 0 : i32
    %dma_wait3A_255 = tpu.memref_slice %arg2[%dma_wait3A_253, %dma_wait3A_254] : memref<2048x128xi32, #tpu.memory_space<hbm>> -> memref<2048x128xi32, #tpu.memory_space<hbm>>
    tpu.wait_indirect_dma semaphore(%arg8 : memref<!tpu.dma_semaphore, #tpu.memory_space<semaphore_mem>>) src(%dma_wait3A_255 : memref<2048x128xi32, #tpu.memory_space<hbm>>) dst(%arg6 : memref<128x128xi32, #tpu.memory_space<vmem>>)
    %add3A_256 = arith.constant 1536 : i32
    %add3A_257 = arith.addi %mul3A_2, %add3A_256 : i32
    %dma_start3A_258 = arith.constant 0 : i32
    %dma_start3A_259 = tpu.memref_slice %arg4[%add3A_257, %dma_start3A_258] : memref<65536x128xi32, #tpu.memory_space<hbm>> -> memref<128x128xi32, #tpu.memory_space<hbm>>
    %dma_start3A_260 = arith.constant 0 : i32
    %dma_start3A_261 = tpu.memref_slice %arg4[%add3A_257, %dma_start3A_260] : memref<65536x128xi32, #tpu.memory_space<hbm>> -> memref<128x128xi32, #tpu.memory_space<hbm>>
    tpu.enqueue_dma source(%arg6 : memref<128x128xi32, #tpu.memory_space<vmem>>) target(%dma_start3A_261 : memref<128x128xi32, #tpu.memory_space<hbm>>) target_semaphore(%arg10 : memref<!tpu.dma_semaphore, #tpu.memory_space<semaphore_mem>>)
    %dma_wait3A_262 = arith.constant 0 : i32
    %dma_wait3A_263 = tpu.memref_slice %arg4[%add3A_257, %dma_wait3A_262] : memref<65536x128xi32, #tpu.memory_space<hbm>> -> memref<128x128xi32, #tpu.memory_space<hbm>>
    %dma_wait3A_264 = arith.constant 0 : i32
    %dma_wait3A_265 = tpu.memref_slice %arg4[%add3A_257, %dma_wait3A_264] : memref<65536x128xi32, #tpu.memory_space<hbm>> -> memref<128x128xi32, #tpu.memory_space<hbm>>
    tpu.wait_dma2 semaphore(%arg10 : memref<!tpu.dma_semaphore, #tpu.memory_space<semaphore_mem>>) src(%arg6 : memref<128x128xi32, #tpu.memory_space<vmem>>) dst(%dma_wait3A_265 : memref<128x128xi32, #tpu.memory_space<hbm>>)
    %dma_start3A_266 = arith.constant 1792 : i32
    %dma_start3A_267 = tpu.memref_slice %arg5[%dma_start3A_266] : memref<2048xi32, #tpu.memory_space<vmem>> -> memref<128xi32, #tpu.memory_space<vmem>>
    %dma_start3A_268 = arith.constant 0 : i32
    %dma_start3A_269 = arith.constant 0 : i32
    %dma_start3A_270 = tpu.memref_slice %arg2[%dma_start3A_268, %dma_start3A_269] : memref<2048x128xi32, #tpu.memory_space<hbm>> -> memref<2048x128xi32, #tpu.memory_space<hbm>>
    tpu.enqueue_indirect_dma source(%dma_start3A_270 : memref<2048x128xi32, #tpu.memory_space<hbm>>) target(%arg6 : memref<128x128xi32, #tpu.memory_space<vmem>>) offsets(%dma_start3A_267 : memref<128xi32, #tpu.memory_space<vmem>>) semaphore(%arg8 : memref<!tpu.dma_semaphore, #tpu.memory_space<semaphore_mem>>)
    %dma_wait3A_271 = arith.constant 1664 : i32
    %dma_wait3A_272 = tpu.memref_slice %arg5[%dma_wait3A_271] : memref<2048xi32, #tpu.memory_space<vmem>> -> memref<128xi32, #tpu.memory_space<vmem>>
    %dma_wait3A_273 = arith.constant 0 : i32
    %dma_wait3A_274 = arith.constant 0 : i32
    %dma_wait3A_275 = tpu.memref_slice %arg2[%dma_wait3A_273, %dma_wait3A_274] : memref<2048x128xi32, #tpu.memory_space<hbm>> -> memref<2048x128xi32, #tpu.memory_space<hbm>>
    tpu.wait_indirect_dma semaphore(%arg9 : memref<!tpu.dma_semaphore, #tpu.memory_space<semaphore_mem>>) src(%dma_wait3A_275 : memref<2048x128xi32, #tpu.memory_space<hbm>>) dst(%arg7 : memref<128x128xi32, #tpu.memory_space<vmem>>)
    %add3A_276 = arith.constant 1664 : i32
    %add3A_277 = arith.addi %mul3A_2, %add3A_276 : i32
    %dma_start3A_278 = arith.constant 0 : i32
    %dma_start3A_279 = tpu.memref_slice %arg4[%add3A_277, %dma_start3A_278] : memref<65536x128xi32, #tpu.memory_space<hbm>> -> memref<128x128xi32, #tpu.memory_space<hbm>>
    %dma_start3A_280 = arith.constant 0 : i32
    %dma_start3A_281 = tpu.memref_slice %arg4[%add3A_277, %dma_start3A_280] : memref<65536x128xi32, #tpu.memory_space<hbm>> -> memref<128x128xi32, #tpu.memory_space<hbm>>
    tpu.enqueue_dma source(%arg7 : memref<128x128xi32, #tpu.memory_space<vmem>>) target(%dma_start3A_281 : memref<128x128xi32, #tpu.memory_space<hbm>>) target_semaphore(%arg11 : memref<!tpu.dma_semaphore, #tpu.memory_space<semaphore_mem>>)
    %dma_wait3A_282 = arith.constant 0 : i32
    %dma_wait3A_283 = tpu.memref_slice %arg4[%add3A_277, %dma_wait3A_282] : memref<65536x128xi32, #tpu.memory_space<hbm>> -> memref<128x128xi32, #tpu.memory_space<hbm>>
    %dma_wait3A_284 = arith.constant 0 : i32
    %dma_wait3A_285 = tpu.memref_slice %arg4[%add3A_277, %dma_wait3A_284] : memref<65536x128xi32, #tpu.memory_space<hbm>> -> memref<128x128xi32, #tpu.memory_space<hbm>>
    tpu.wait_dma2 semaphore(%arg11 : memref<!tpu.dma_semaphore, #tpu.memory_space<semaphore_mem>>) src(%arg7 : memref<128x128xi32, #tpu.memory_space<vmem>>) dst(%dma_wait3A_285 : memref<128x128xi32, #tpu.memory_space<hbm>>)
    %dma_start3A_286 = arith.constant 1920 : i32
    %dma_start3A_287 = tpu.memref_slice %arg5[%dma_start3A_286] : memref<2048xi32, #tpu.memory_space<vmem>> -> memref<128xi32, #tpu.memory_space<vmem>>
    %dma_start3A_288 = arith.constant 0 : i32
    %dma_start3A_289 = arith.constant 0 : i32
    %dma_start3A_290 = tpu.memref_slice %arg2[%dma_start3A_288, %dma_start3A_289] : memref<2048x128xi32, #tpu.memory_space<hbm>> -> memref<2048x128xi32, #tpu.memory_space<hbm>>
    tpu.enqueue_indirect_dma source(%dma_start3A_290 : memref<2048x128xi32, #tpu.memory_space<hbm>>) target(%arg7 : memref<128x128xi32, #tpu.memory_space<vmem>>) offsets(%dma_start3A_287 : memref<128xi32, #tpu.memory_space<vmem>>) semaphore(%arg9 : memref<!tpu.dma_semaphore, #tpu.memory_space<semaphore_mem>>)
    %dma_wait3A_291 = arith.constant 1792 : i32
    %dma_wait3A_292 = tpu.memref_slice %arg5[%dma_wait3A_291] : memref<2048xi32, #tpu.memory_space<vmem>> -> memref<128xi32, #tpu.memory_space<vmem>>
    %dma_wait3A_293 = arith.constant 0 : i32
    %dma_wait3A_294 = arith.constant 0 : i32
    %dma_wait3A_295 = tpu.memref_slice %arg2[%dma_wait3A_293, %dma_wait3A_294] : memref<2048x128xi32, #tpu.memory_space<hbm>> -> memref<2048x128xi32, #tpu.memory_space<hbm>>
    tpu.wait_indirect_dma semaphore(%arg8 : memref<!tpu.dma_semaphore, #tpu.memory_space<semaphore_mem>>) src(%dma_wait3A_295 : memref<2048x128xi32, #tpu.memory_space<hbm>>) dst(%arg6 : memref<128x128xi32, #tpu.memory_space<vmem>>)
    %add3A_296 = arith.constant 1792 : i32
    %add3A_297 = arith.addi %mul3A_2, %add3A_296 : i32
    %dma_start3A_298 = arith.constant 0 : i32
    %dma_start3A_299 = tpu.memref_slice %arg4[%add3A_297, %dma_start3A_298] : memref<65536x128xi32, #tpu.memory_space<hbm>> -> memref<128x128xi32, #tpu.memory_space<hbm>>
    %dma_start3A_300 = arith.constant 0 : i32
    %dma_start3A_301 = tpu.memref_slice %arg4[%add3A_297, %dma_start3A_300] : memref<65536x128xi32, #tpu.memory_space<hbm>> -> memref<128x128xi32, #tpu.memory_space<hbm>>
    tpu.enqueue_dma source(%arg6 : memref<128x128xi32, #tpu.memory_space<vmem>>) target(%dma_start3A_301 : memref<128x128xi32, #tpu.memory_space<hbm>>) target_semaphore(%arg10 : memref<!tpu.dma_semaphore, #tpu.memory_space<semaphore_mem>>)
    %dma_wait3A_302 = arith.constant 1920 : i32
    %dma_wait3A_303 = tpu.memref_slice %arg5[%dma_wait3A_302] : memref<2048xi32, #tpu.memory_space<vmem>> -> memref<128xi32, #tpu.memory_space<vmem>>
    %dma_wait3A_304 = arith.constant 0 : i32
    %dma_wait3A_305 = arith.constant 0 : i32
    %dma_wait3A_306 = tpu.memref_slice %arg2[%dma_wait3A_304, %dma_wait3A_305] : memref<2048x128xi32, #tpu.memory_space<hbm>> -> memref<2048x128xi32, #tpu.memory_space<hbm>>
    tpu.wait_indirect_dma semaphore(%arg9 : memref<!tpu.dma_semaphore, #tpu.memory_space<semaphore_mem>>) src(%dma_wait3A_306 : memref<2048x128xi32, #tpu.memory_space<hbm>>) dst(%arg7 : memref<128x128xi32, #tpu.memory_space<vmem>>)
    %add3A_307 = arith.constant 1920 : i32
    %add3A_308 = arith.addi %mul3A_2, %add3A_307 : i32
    %dma_start3A_309 = arith.constant 0 : i32
    %dma_start3A_310 = tpu.memref_slice %arg4[%add3A_308, %dma_start3A_309] : memref<65536x128xi32, #tpu.memory_space<hbm>> -> memref<128x128xi32, #tpu.memory_space<hbm>>
    %dma_start3A_311 = arith.constant 0 : i32
    %dma_start3A_312 = tpu.memref_slice %arg4[%add3A_308, %dma_start3A_311] : memref<65536x128xi32, #tpu.memory_space<hbm>> -> memref<128x128xi32, #tpu.memory_space<hbm>>
    tpu.enqueue_dma source(%arg7 : memref<128x128xi32, #tpu.memory_space<vmem>>) target(%dma_start3A_312 : memref<128x128xi32, #tpu.memory_space<hbm>>) target_semaphore(%arg11 : memref<!tpu.dma_semaphore, #tpu.memory_space<semaphore_mem>>)
    %dma_wait3A_313 = arith.constant 0 : i32
    %dma_wait3A_314 = tpu.memref_slice %arg4[%add3A_297, %dma_wait3A_313] : memref<65536x128xi32, #tpu.memory_space<hbm>> -> memref<128x128xi32, #tpu.memory_space<hbm>>
    %dma_wait3A_315 = arith.constant 0 : i32
    %dma_wait3A_316 = tpu.memref_slice %arg4[%add3A_297, %dma_wait3A_315] : memref<65536x128xi32, #tpu.memory_space<hbm>> -> memref<128x128xi32, #tpu.memory_space<hbm>>
    tpu.wait_dma2 semaphore(%arg10 : memref<!tpu.dma_semaphore, #tpu.memory_space<semaphore_mem>>) src(%arg6 : memref<128x128xi32, #tpu.memory_space<vmem>>) dst(%dma_wait3A_316 : memref<128x128xi32, #tpu.memory_space<hbm>>)
    %dma_wait3A_317 = arith.constant 0 : i32
    %dma_wait3A_318 = tpu.memref_slice %arg4[%add3A_308, %dma_wait3A_317] : memref<65536x128xi32, #tpu.memory_space<hbm>> -> memref<128x128xi32, #tpu.memory_space<hbm>>
    %dma_wait3A_319 = arith.constant 0 : i32
    %dma_wait3A_320 = tpu.memref_slice %arg4[%add3A_308, %dma_wait3A_319] : memref<65536x128xi32, #tpu.memory_space<hbm>> -> memref<128x128xi32, #tpu.memory_space<hbm>>
    tpu.wait_dma2 semaphore(%arg11 : memref<!tpu.dma_semaphore, #tpu.memory_space<semaphore_mem>>) src(%arg7 : memref<128x128xi32, #tpu.memory_space<vmem>>) dst(%dma_wait3A_320 : memref<128x128xi32, #tpu.memory_space<hbm>>)
    return
  }
}

#map = affine_map<(d0, d1) -> (0, 0)>
#map1 = affine_map<(d0, d1) -> (0)>
module attributes {stable_mosaic.version = 14 : i64} {
  func.func @_gather_body(%arg0: i32, %arg1: i32, %arg2: memref<2048x128xi32, #tpu.memory_space<hbm>>, %arg3: memref<65536xi32, #tpu.memory_space<hbm>>, %arg4: memref<65536x128xi32, #tpu.memory_space<hbm>>, %arg5: memref<2048xi32, #tpu.memory_space<vmem>>, %arg6: memref<128x128xi32, #tpu.memory_space<vmem>>, %arg7: memref<128x128xi32, #tpu.memory_space<vmem>>, %arg8: memref<!tpu.dma_semaphore, #tpu.memory_space<semaphore_mem>>, %arg9: memref<!tpu.dma_semaphore, #tpu.memory_space<semaphore_mem>>, %arg10: memref<!tpu.dma_semaphore, #tpu.memory_space<semaphore_mem>>, %arg11: memref<!tpu.dma_semaphore, #tpu.memory_space<semaphore_mem>>) attributes {dimension_semantics = [#tpu.dimension_semantics<core_parallel>, #tpu.dimension_semantics<subcore_parallel>], iteration_bounds = array<i64: 2, 16>, scalar_prefetch = 0 : i64, scratch_operands = 7 : i64, tpu.core_type = #tpu.core_type<sc_vector_subcore>, window_params = [{transform_indices = #map}, {transform_indices = #map1}, {transform_indices = #map}]} {
    %mul3A = arith.constant 2 : i32
    %mul3A_0 = arith.muli %arg1, %mul3A : i32
    %add3A = arith.addi %mul3A_0, %arg0 : i32
    %mul3A_1 = arith.constant 2048 : i32
    %mul3A_2 = arith.muli %add3A, %mul3A_1 : i32
    "tpu.region"() ({
      %run_scoped3A = tpu.sem_alloc : memref<!tpu.dma_semaphore, #tpu.memory_space<semaphore_mem>>
      %dma_start3A_321 = tpu.memref_slice %arg3[%mul3A_2] : memref<65536xi32, #tpu.memory_space<hbm>> -> memref<2048xi32, #tpu.memory_space<hbm>>
      %dma_start3A_322 = tpu.memref_slice %arg3[%mul3A_2] : memref<65536xi32, #tpu.memory_space<hbm>> -> memref<2048xi32, #tpu.memory_space<hbm>>
      tpu.enqueue_dma source(%dma_start3A_322 : memref<2048xi32, #tpu.memory_space<hbm>>) target(%arg5 : memref<2048xi32, #tpu.memory_space<vmem>>) target_semaphore(%run_scoped3A : memref<!tpu.dma_semaphore, #tpu.memory_space<semaphore_mem>>)
      %dma_wait3A_323 = tpu.memref_slice %arg3[%mul3A_2] : memref<65536xi32, #tpu.memory_space<hbm>> -> memref<2048xi32, #tpu.memory_space<hbm>>
      %dma_wait3A_324 = tpu.memref_slice %arg3[%mul3A_2] : memref<65536xi32, #tpu.memory_space<hbm>> -> memref<2048xi32, #tpu.memory_space<hbm>>
      tpu.wait_dma2 semaphore(%run_scoped3A : memref<!tpu.dma_semaphore, #tpu.memory_space<semaphore_mem>>) src(%dma_wait3A_324 : memref<2048xi32, #tpu.memory_space<hbm>>) dst(%arg5 : memref<2048xi32, #tpu.memory_space<vmem>>)
      tpu.yield
    }) : () -> ()
    %dma_start3A = arith.constant 0 : i32
    %dma_start3A_3 = tpu.memref_slice %arg5[%dma_start3A] : memref<2048xi32, #tpu.memory_space<vmem>> -> memref<128xi32, #tpu.memory_space<vmem>>
    %dma_start3A_4 = arith.constant 0 : i32
    %dma_start3A_5 = arith.constant 0 : i32
    %dma_start3A_6 = tpu.memref_slice %arg2[%dma_start3A_4, %dma_start3A_5] : memref<2048x128xi32, #tpu.memory_space<hbm>> -> memref<2048x128xi32, #tpu.memory_space<hbm>>
    tpu.enqueue_indirect_dma source(%dma_start3A_6 : memref<2048x128xi32, #tpu.memory_space<hbm>>) target(%arg6 : memref<128x128xi32, #tpu.memory_space<vmem>>) offsets(%dma_start3A_3 : memref<128xi32, #tpu.memory_space<vmem>>) semaphore(%arg8 : memref<!tpu.dma_semaphore, #tpu.memory_space<semaphore_mem>>)
    %dma_start3A_7 = arith.constant 128 : i32
    %dma_start3A_8 = tpu.memref_slice %arg5[%dma_start3A_7] : memref<2048xi32, #tpu.memory_space<vmem>> -> memref<128xi32, #tpu.memory_space<vmem>>
    %dma_start3A_9 = arith.constant 0 : i32
    %dma_start3A_10 = arith.constant 0 : i32
    %dma_start3A_11 = tpu.memref_slice %arg2[%dma_start3A_9, %dma_start3A_10] : memref<2048x128xi32, #tpu.memory_space<hbm>> -> memref<2048x128xi32, #tpu.memory_space<hbm>>
    tpu.enqueue_indirect_dma source(%dma_start3A_11 : memref<2048x128xi32, #tpu.memory_space<hbm>>) target(%arg7 : memref<128x128xi32, #tpu.memory_space<vmem>>) offsets(%dma_start3A_8 : memref<128xi32, #tpu.memory_space<vmem>>) semaphore(%arg9 : memref<!tpu.dma_semaphore, #tpu.memory_space<semaphore_mem>>)
    %dma_wait3A = arith.constant 0 : i32
    %dma_wait3A_12 = tpu.memref_slice %arg5[%dma_wait3A] : memref<2048xi32, #tpu.memory_space<vmem>> -> memref<128xi32, #tpu.memory_space<vmem>>
    %dma_wait3A_13 = arith.constant 0 : i32
    %dma_wait3A_14 = arith.constant 0 : i32
    %dma_wait3A_15 = tpu.memref_slice %arg2[%dma_wait3A_13, %dma_wait3A_14] : memref<2048x128xi32, #tpu.memory_space<hbm>> -> memref<2048x128xi32, #tpu.memory_space<hbm>>
    tpu.wait_indirect_dma semaphore(%arg8 : memref<!tpu.dma_semaphore, #tpu.memory_space<semaphore_mem>>) src(%dma_wait3A_15 : memref<2048x128xi32, #tpu.memory_space<hbm>>) dst(%arg6 : memref<128x128xi32, #tpu.memory_space<vmem>>)
    %add3A_16 = arith.constant 0 : i32
    %add3A_17 = arith.addi %mul3A_2, %add3A_16 : i32
    %dma_start3A_18 = arith.constant 0 : i32
    %dma_start3A_19 = tpu.memref_slice %arg4[%add3A_17, %dma_start3A_18] : memref<65536x128xi32, #tpu.memory_space<hbm>> -> memref<128x128xi32, #tpu.memory_space<hbm>>
    %dma_start3A_20 = arith.constant 0 : i32
    %dma_start3A_21 = tpu.memref_slice %arg4[%add3A_17, %dma_start3A_20] : memref<65536x128xi32, #tpu.memory_space<hbm>> -> memref<128x128xi32, #tpu.memory_space<hbm>>
    tpu.enqueue_dma source(%arg6 : memref<128x128xi32, #tpu.memory_space<vmem>>) target(%dma_start3A_21 : memref<128x128xi32, #tpu.memory_space<hbm>>) target_semaphore(%arg10 : memref<!tpu.dma_semaphore, #tpu.memory_space<semaphore_mem>>)
    %dma_wait3A_22 = arith.constant 0 : i32
    %dma_wait3A_23 = tpu.memref_slice %arg4[%add3A_17, %dma_wait3A_22] : memref<65536x128xi32, #tpu.memory_space<hbm>> -> memref<128x128xi32, #tpu.memory_space<hbm>>
    %dma_wait3A_24 = arith.constant 0 : i32
    %dma_wait3A_25 = tpu.memref_slice %arg4[%add3A_17, %dma_wait3A_24] : memref<65536x128xi32, #tpu.memory_space<hbm>> -> memref<128x128xi32, #tpu.memory_space<hbm>>
    tpu.wait_dma2 semaphore(%arg10 : memref<!tpu.dma_semaphore, #tpu.memory_space<semaphore_mem>>) src(%arg6 : memref<128x128xi32, #tpu.memory_space<vmem>>) dst(%dma_wait3A_25 : memref<128x128xi32, #tpu.memory_space<hbm>>)
    %dma_start3A_26 = arith.constant 256 : i32
    %dma_start3A_27 = tpu.memref_slice %arg5[%dma_start3A_26] : memref<2048xi32, #tpu.memory_space<vmem>> -> memref<128xi32, #tpu.memory_space<vmem>>
    %dma_start3A_28 = arith.constant 0 : i32
    %dma_start3A_29 = arith.constant 0 : i32
    %dma_start3A_30 = tpu.memref_slice %arg2[%dma_start3A_28, %dma_start3A_29] : memref<2048x128xi32, #tpu.memory_space<hbm>> -> memref<2048x128xi32, #tpu.memory_space<hbm>>
    tpu.enqueue_indirect_dma source(%dma_start3A_30 : memref<2048x128xi32, #tpu.memory_space<hbm>>) target(%arg6 : memref<128x128xi32, #tpu.memory_space<vmem>>) offsets(%dma_start3A_27 : memref<128xi32, #tpu.memory_space<vmem>>) semaphore(%arg8 : memref<!tpu.dma_semaphore, #tpu.memory_space<semaphore_mem>>)
    %dma_wait3A_31 = arith.constant 128 : i32
    %dma_wait3A_32 = tpu.memref_slice %arg5[%dma_wait3A_31] : memref<2048xi32, #tpu.memory_space<vmem>> -> memref<128xi32, #tpu.memory_space<vmem>>
    %dma_wait3A_33 = arith.constant 0 : i32
    %dma_wait3A_34 = arith.constant 0 : i32
    %dma_wait3A_35 = tpu.memref_slice %arg2[%dma_wait3A_33, %dma_wait3A_34] : memref<2048x128xi32, #tpu.memory_space<hbm>> -> memref<2048x128xi32, #tpu.memory_space<hbm>>
    tpu.wait_indirect_dma semaphore(%arg9 : memref<!tpu.dma_semaphore, #tpu.memory_space<semaphore_mem>>) src(%dma_wait3A_35 : memref<2048x128xi32, #tpu.memory_space<hbm>>) dst(%arg7 : memref<128x128xi32, #tpu.memory_space<vmem>>)
    %add3A_36 = arith.constant 128 : i32
    %add3A_37 = arith.addi %mul3A_2, %add3A_36 : i32
    %dma_start3A_38 = arith.constant 0 : i32
    %dma_start3A_39 = tpu.memref_slice %arg4[%add3A_37, %dma_start3A_38] : memref<65536x128xi32, #tpu.memory_space<hbm>> -> memref<128x128xi32, #tpu.memory_space<hbm>>
    %dma_start3A_40 = arith.constant 0 : i32
    %dma_start3A_41 = tpu.memref_slice %arg4[%add3A_37, %dma_start3A_40] : memref<65536x128xi32, #tpu.memory_space<hbm>> -> memref<128x128xi32, #tpu.memory_space<hbm>>
    tpu.enqueue_dma source(%arg7 : memref<128x128xi32, #tpu.memory_space<vmem>>) target(%dma_start3A_41 : memref<128x128xi32, #tpu.memory_space<hbm>>) target_semaphore(%arg11 : memref<!tpu.dma_semaphore, #tpu.memory_space<semaphore_mem>>)
    %dma_wait3A_42 = arith.constant 0 : i32
    %dma_wait3A_43 = tpu.memref_slice %arg4[%add3A_37, %dma_wait3A_42] : memref<65536x128xi32, #tpu.memory_space<hbm>> -> memref<128x128xi32, #tpu.memory_space<hbm>>
    %dma_wait3A_44 = arith.constant 0 : i32
    %dma_wait3A_45 = tpu.memref_slice %arg4[%add3A_37, %dma_wait3A_44] : memref<65536x128xi32, #tpu.memory_space<hbm>> -> memref<128x128xi32, #tpu.memory_space<hbm>>
    tpu.wait_dma2 semaphore(%arg11 : memref<!tpu.dma_semaphore, #tpu.memory_space<semaphore_mem>>) src(%arg7 : memref<128x128xi32, #tpu.memory_space<vmem>>) dst(%dma_wait3A_45 : memref<128x128xi32, #tpu.memory_space<hbm>>)
    %dma_start3A_46 = arith.constant 384 : i32
    %dma_start3A_47 = tpu.memref_slice %arg5[%dma_start3A_46] : memref<2048xi32, #tpu.memory_space<vmem>> -> memref<128xi32, #tpu.memory_space<vmem>>
    %dma_start3A_48 = arith.constant 0 : i32
    %dma_start3A_49 = arith.constant 0 : i32
    %dma_start3A_50 = tpu.memref_slice %arg2[%dma_start3A_48, %dma_start3A_49] : memref<2048x128xi32, #tpu.memory_space<hbm>> -> memref<2048x128xi32, #tpu.memory_space<hbm>>
    tpu.enqueue_indirect_dma source(%dma_start3A_50 : memref<2048x128xi32, #tpu.memory_space<hbm>>) target(%arg7 : memref<128x128xi32, #tpu.memory_space<vmem>>) offsets(%dma_start3A_47 : memref<128xi32, #tpu.memory_space<vmem>>) semaphore(%arg9 : memref<!tpu.dma_semaphore, #tpu.memory_space<semaphore_mem>>)
    %dma_wait3A_51 = arith.constant 256 : i32
    %dma_wait3A_52 = tpu.memref_slice %arg5[%dma_wait3A_51] : memref<2048xi32, #tpu.memory_space<vmem>> -> memref<128xi32, #tpu.memory_space<vmem>>
    %dma_wait3A_53 = arith.constant 0 : i32
    %dma_wait3A_54 = arith.constant 0 : i32
    %dma_wait3A_55 = tpu.memref_slice %arg2[%dma_wait3A_53, %dma_wait3A_54] : memref<2048x128xi32, #tpu.memory_space<hbm>> -> memref<2048x128xi32, #tpu.memory_space<hbm>>
    tpu.wait_indirect_dma semaphore(%arg8 : memref<!tpu.dma_semaphore, #tpu.memory_space<semaphore_mem>>) src(%dma_wait3A_55 : memref<2048x128xi32, #tpu.memory_space<hbm>>) dst(%arg6 : memref<128x128xi32, #tpu.memory_space<vmem>>)
    %add3A_56 = arith.constant 256 : i32
    %add3A_57 = arith.addi %mul3A_2, %add3A_56 : i32
    %dma_start3A_58 = arith.constant 0 : i32
    %dma_start3A_59 = tpu.memref_slice %arg4[%add3A_57, %dma_start3A_58] : memref<65536x128xi32, #tpu.memory_space<hbm>> -> memref<128x128xi32, #tpu.memory_space<hbm>>
    %dma_start3A_60 = arith.constant 0 : i32
    %dma_start3A_61 = tpu.memref_slice %arg4[%add3A_57, %dma_start3A_60] : memref<65536x128xi32, #tpu.memory_space<hbm>> -> memref<128x128xi32, #tpu.memory_space<hbm>>
    tpu.enqueue_dma source(%arg6 : memref<128x128xi32, #tpu.memory_space<vmem>>) target(%dma_start3A_61 : memref<128x128xi32, #tpu.memory_space<hbm>>) target_semaphore(%arg10 : memref<!tpu.dma_semaphore, #tpu.memory_space<semaphore_mem>>)
    %dma_wait3A_62 = arith.constant 0 : i32
    %dma_wait3A_63 = tpu.memref_slice %arg4[%add3A_57, %dma_wait3A_62] : memref<65536x128xi32, #tpu.memory_space<hbm>> -> memref<128x128xi32, #tpu.memory_space<hbm>>
    %dma_wait3A_64 = arith.constant 0 : i32
    %dma_wait3A_65 = tpu.memref_slice %arg4[%add3A_57, %dma_wait3A_64] : memref<65536x128xi32, #tpu.memory_space<hbm>> -> memref<128x128xi32, #tpu.memory_space<hbm>>
    tpu.wait_dma2 semaphore(%arg10 : memref<!tpu.dma_semaphore, #tpu.memory_space<semaphore_mem>>) src(%arg6 : memref<128x128xi32, #tpu.memory_space<vmem>>) dst(%dma_wait3A_65 : memref<128x128xi32, #tpu.memory_space<hbm>>)
    %dma_start3A_66 = arith.constant 512 : i32
    %dma_start3A_67 = tpu.memref_slice %arg5[%dma_start3A_66] : memref<2048xi32, #tpu.memory_space<vmem>> -> memref<128xi32, #tpu.memory_space<vmem>>
    %dma_start3A_68 = arith.constant 0 : i32
    %dma_start3A_69 = arith.constant 0 : i32
    %dma_start3A_70 = tpu.memref_slice %arg2[%dma_start3A_68, %dma_start3A_69] : memref<2048x128xi32, #tpu.memory_space<hbm>> -> memref<2048x128xi32, #tpu.memory_space<hbm>>
    tpu.enqueue_indirect_dma source(%dma_start3A_70 : memref<2048x128xi32, #tpu.memory_space<hbm>>) target(%arg6 : memref<128x128xi32, #tpu.memory_space<vmem>>) offsets(%dma_start3A_67 : memref<128xi32, #tpu.memory_space<vmem>>) semaphore(%arg8 : memref<!tpu.dma_semaphore, #tpu.memory_space<semaphore_mem>>)
    %dma_wait3A_71 = arith.constant 384 : i32
    %dma_wait3A_72 = tpu.memref_slice %arg5[%dma_wait3A_71] : memref<2048xi32, #tpu.memory_space<vmem>> -> memref<128xi32, #tpu.memory_space<vmem>>
    %dma_wait3A_73 = arith.constant 0 : i32
    %dma_wait3A_74 = arith.constant 0 : i32
    %dma_wait3A_75 = tpu.memref_slice %arg2[%dma_wait3A_73, %dma_wait3A_74] : memref<2048x128xi32, #tpu.memory_space<hbm>> -> memref<2048x128xi32, #tpu.memory_space<hbm>>
    tpu.wait_indirect_dma semaphore(%arg9 : memref<!tpu.dma_semaphore, #tpu.memory_space<semaphore_mem>>) src(%dma_wait3A_75 : memref<2048x128xi32, #tpu.memory_space<hbm>>) dst(%arg7 : memref<128x128xi32, #tpu.memory_space<vmem>>)
    %add3A_76 = arith.constant 384 : i32
    %add3A_77 = arith.addi %mul3A_2, %add3A_76 : i32
    %dma_start3A_78 = arith.constant 0 : i32
    %dma_start3A_79 = tpu.memref_slice %arg4[%add3A_77, %dma_start3A_78] : memref<65536x128xi32, #tpu.memory_space<hbm>> -> memref<128x128xi32, #tpu.memory_space<hbm>>
    %dma_start3A_80 = arith.constant 0 : i32
    %dma_start3A_81 = tpu.memref_slice %arg4[%add3A_77, %dma_start3A_80] : memref<65536x128xi32, #tpu.memory_space<hbm>> -> memref<128x128xi32, #tpu.memory_space<hbm>>
    tpu.enqueue_dma source(%arg7 : memref<128x128xi32, #tpu.memory_space<vmem>>) target(%dma_start3A_81 : memref<128x128xi32, #tpu.memory_space<hbm>>) target_semaphore(%arg11 : memref<!tpu.dma_semaphore, #tpu.memory_space<semaphore_mem>>)
    %dma_wait3A_82 = arith.constant 0 : i32
    %dma_wait3A_83 = tpu.memref_slice %arg4[%add3A_77, %dma_wait3A_82] : memref<65536x128xi32, #tpu.memory_space<hbm>> -> memref<128x128xi32, #tpu.memory_space<hbm>>
    %dma_wait3A_84 = arith.constant 0 : i32
    %dma_wait3A_85 = tpu.memref_slice %arg4[%add3A_77, %dma_wait3A_84] : memref<65536x128xi32, #tpu.memory_space<hbm>> -> memref<128x128xi32, #tpu.memory_space<hbm>>
    tpu.wait_dma2 semaphore(%arg11 : memref<!tpu.dma_semaphore, #tpu.memory_space<semaphore_mem>>) src(%arg7 : memref<128x128xi32, #tpu.memory_space<vmem>>) dst(%dma_wait3A_85 : memref<128x128xi32, #tpu.memory_space<hbm>>)
    %dma_start3A_86 = arith.constant 640 : i32
    %dma_start3A_87 = tpu.memref_slice %arg5[%dma_start3A_86] : memref<2048xi32, #tpu.memory_space<vmem>> -> memref<128xi32, #tpu.memory_space<vmem>>
    %dma_start3A_88 = arith.constant 0 : i32
    %dma_start3A_89 = arith.constant 0 : i32
    %dma_start3A_90 = tpu.memref_slice %arg2[%dma_start3A_88, %dma_start3A_89] : memref<2048x128xi32, #tpu.memory_space<hbm>> -> memref<2048x128xi32, #tpu.memory_space<hbm>>
    tpu.enqueue_indirect_dma source(%dma_start3A_90 : memref<2048x128xi32, #tpu.memory_space<hbm>>) target(%arg7 : memref<128x128xi32, #tpu.memory_space<vmem>>) offsets(%dma_start3A_87 : memref<128xi32, #tpu.memory_space<vmem>>) semaphore(%arg9 : memref<!tpu.dma_semaphore, #tpu.memory_space<semaphore_mem>>)
    %dma_wait3A_91 = arith.constant 512 : i32
    %dma_wait3A_92 = tpu.memref_slice %arg5[%dma_wait3A_91] : memref<2048xi32, #tpu.memory_space<vmem>> -> memref<128xi32, #tpu.memory_space<vmem>>
    %dma_wait3A_93 = arith.constant 0 : i32
    %dma_wait3A_94 = arith.constant 0 : i32
    %dma_wait3A_95 = tpu.memref_slice %arg2[%dma_wait3A_93, %dma_wait3A_94] : memref<2048x128xi32, #tpu.memory_space<hbm>> -> memref<2048x128xi32, #tpu.memory_space<hbm>>
    tpu.wait_indirect_dma semaphore(%arg8 : memref<!tpu.dma_semaphore, #tpu.memory_space<semaphore_mem>>) src(%dma_wait3A_95 : memref<2048x128xi32, #tpu.memory_space<hbm>>) dst(%arg6 : memref<128x128xi32, #tpu.memory_space<vmem>>)
    %add3A_96 = arith.constant 512 : i32
    %add3A_97 = arith.addi %mul3A_2, %add3A_96 : i32
    %dma_start3A_98 = arith.constant 0 : i32
    %dma_start3A_99 = tpu.memref_slice %arg4[%add3A_97, %dma_start3A_98] : memref<65536x128xi32, #tpu.memory_space<hbm>> -> memref<128x128xi32, #tpu.memory_space<hbm>>
    %dma_start3A_100 = arith.constant 0 : i32
    %dma_start3A_101 = tpu.memref_slice %arg4[%add3A_97, %dma_start3A_100] : memref<65536x128xi32, #tpu.memory_space<hbm>> -> memref<128x128xi32, #tpu.memory_space<hbm>>
    tpu.enqueue_dma source(%arg6 : memref<128x128xi32, #tpu.memory_space<vmem>>) target(%dma_start3A_101 : memref<128x128xi32, #tpu.memory_space<hbm>>) target_semaphore(%arg10 : memref<!tpu.dma_semaphore, #tpu.memory_space<semaphore_mem>>)
    %dma_wait3A_102 = arith.constant 0 : i32
    %dma_wait3A_103 = tpu.memref_slice %arg4[%add3A_97, %dma_wait3A_102] : memref<65536x128xi32, #tpu.memory_space<hbm>> -> memref<128x128xi32, #tpu.memory_space<hbm>>
    %dma_wait3A_104 = arith.constant 0 : i32
    %dma_wait3A_105 = tpu.memref_slice %arg4[%add3A_97, %dma_wait3A_104] : memref<65536x128xi32, #tpu.memory_space<hbm>> -> memref<128x128xi32, #tpu.memory_space<hbm>>
    tpu.wait_dma2 semaphore(%arg10 : memref<!tpu.dma_semaphore, #tpu.memory_space<semaphore_mem>>) src(%arg6 : memref<128x128xi32, #tpu.memory_space<vmem>>) dst(%dma_wait3A_105 : memref<128x128xi32, #tpu.memory_space<hbm>>)
    %dma_start3A_106 = arith.constant 768 : i32
    %dma_start3A_107 = tpu.memref_slice %arg5[%dma_start3A_106] : memref<2048xi32, #tpu.memory_space<vmem>> -> memref<128xi32, #tpu.memory_space<vmem>>
    %dma_start3A_108 = arith.constant 0 : i32
    %dma_start3A_109 = arith.constant 0 : i32
    %dma_start3A_110 = tpu.memref_slice %arg2[%dma_start3A_108, %dma_start3A_109] : memref<2048x128xi32, #tpu.memory_space<hbm>> -> memref<2048x128xi32, #tpu.memory_space<hbm>>
    tpu.enqueue_indirect_dma source(%dma_start3A_110 : memref<2048x128xi32, #tpu.memory_space<hbm>>) target(%arg6 : memref<128x128xi32, #tpu.memory_space<vmem>>) offsets(%dma_start3A_107 : memref<128xi32, #tpu.memory_space<vmem>>) semaphore(%arg8 : memref<!tpu.dma_semaphore, #tpu.memory_space<semaphore_mem>>)
    %dma_wait3A_111 = arith.constant 640 : i32
    %dma_wait3A_112 = tpu.memref_slice %arg5[%dma_wait3A_111] : memref<2048xi32, #tpu.memory_space<vmem>> -> memref<128xi32, #tpu.memory_space<vmem>>
    %dma_wait3A_113 = arith.constant 0 : i32
    %dma_wait3A_114 = arith.constant 0 : i32
    %dma_wait3A_115 = tpu.memref_slice %arg2[%dma_wait3A_113, %dma_wait3A_114] : memref<2048x128xi32, #tpu.memory_space<hbm>> -> memref<2048x128xi32, #tpu.memory_space<hbm>>
    tpu.wait_indirect_dma semaphore(%arg9 : memref<!tpu.dma_semaphore, #tpu.memory_space<semaphore_mem>>) src(%dma_wait3A_115 : memref<2048x128xi32, #tpu.memory_space<hbm>>) dst(%arg7 : memref<128x128xi32, #tpu.memory_space<vmem>>)
    %add3A_116 = arith.constant 640 : i32
    %add3A_117 = arith.addi %mul3A_2, %add3A_116 : i32
    %dma_start3A_118 = arith.constant 0 : i32
    %dma_start3A_119 = tpu.memref_slice %arg4[%add3A_117, %dma_start3A_118] : memref<65536x128xi32, #tpu.memory_space<hbm>> -> memref<128x128xi32, #tpu.memory_space<hbm>>
    %dma_start3A_120 = arith.constant 0 : i32
    %dma_start3A_121 = tpu.memref_slice %arg4[%add3A_117, %dma_start3A_120] : memref<65536x128xi32, #tpu.memory_space<hbm>> -> memref<128x128xi32, #tpu.memory_space<hbm>>
    tpu.enqueue_dma source(%arg7 : memref<128x128xi32, #tpu.memory_space<vmem>>) target(%dma_start3A_121 : memref<128x128xi32, #tpu.memory_space<hbm>>) target_semaphore(%arg11 : memref<!tpu.dma_semaphore, #tpu.memory_space<semaphore_mem>>)
    %dma_wait3A_122 = arith.constant 0 : i32
    %dma_wait3A_123 = tpu.memref_slice %arg4[%add3A_117, %dma_wait3A_122] : memref<65536x128xi32, #tpu.memory_space<hbm>> -> memref<128x128xi32, #tpu.memory_space<hbm>>
    %dma_wait3A_124 = arith.constant 0 : i32
    %dma_wait3A_125 = tpu.memref_slice %arg4[%add3A_117, %dma_wait3A_124] : memref<65536x128xi32, #tpu.memory_space<hbm>> -> memref<128x128xi32, #tpu.memory_space<hbm>>
    tpu.wait_dma2 semaphore(%arg11 : memref<!tpu.dma_semaphore, #tpu.memory_space<semaphore_mem>>) src(%arg7 : memref<128x128xi32, #tpu.memory_space<vmem>>) dst(%dma_wait3A_125 : memref<128x128xi32, #tpu.memory_space<hbm>>)
    %dma_start3A_126 = arith.constant 896 : i32
    %dma_start3A_127 = tpu.memref_slice %arg5[%dma_start3A_126] : memref<2048xi32, #tpu.memory_space<vmem>> -> memref<128xi32, #tpu.memory_space<vmem>>
    %dma_start3A_128 = arith.constant 0 : i32
    %dma_start3A_129 = arith.constant 0 : i32
    %dma_start3A_130 = tpu.memref_slice %arg2[%dma_start3A_128, %dma_start3A_129] : memref<2048x128xi32, #tpu.memory_space<hbm>> -> memref<2048x128xi32, #tpu.memory_space<hbm>>
    tpu.enqueue_indirect_dma source(%dma_start3A_130 : memref<2048x128xi32, #tpu.memory_space<hbm>>) target(%arg7 : memref<128x128xi32, #tpu.memory_space<vmem>>) offsets(%dma_start3A_127 : memref<128xi32, #tpu.memory_space<vmem>>) semaphore(%arg9 : memref<!tpu.dma_semaphore, #tpu.memory_space<semaphore_mem>>)
    %dma_wait3A_131 = arith.constant 768 : i32
    %dma_wait3A_132 = tpu.memref_slice %arg5[%dma_wait3A_131] : memref<2048xi32, #tpu.memory_space<vmem>> -> memref<128xi32, #tpu.memory_space<vmem>>
    %dma_wait3A_133 = arith.constant 0 : i32
    %dma_wait3A_134 = arith.constant 0 : i32
    %dma_wait3A_135 = tpu.memref_slice %arg2[%dma_wait3A_133, %dma_wait3A_134] : memref<2048x128xi32, #tpu.memory_space<hbm>> -> memref<2048x128xi32, #tpu.memory_space<hbm>>
    tpu.wait_indirect_dma semaphore(%arg8 : memref<!tpu.dma_semaphore, #tpu.memory_space<semaphore_mem>>) src(%dma_wait3A_135 : memref<2048x128xi32, #tpu.memory_space<hbm>>) dst(%arg6 : memref<128x128xi32, #tpu.memory_space<vmem>>)
    %add3A_136 = arith.constant 768 : i32
    %add3A_137 = arith.addi %mul3A_2, %add3A_136 : i32
    %dma_start3A_138 = arith.constant 0 : i32
    %dma_start3A_139 = tpu.memref_slice %arg4[%add3A_137, %dma_start3A_138] : memref<65536x128xi32, #tpu.memory_space<hbm>> -> memref<128x128xi32, #tpu.memory_space<hbm>>
    %dma_start3A_140 = arith.constant 0 : i32
    %dma_start3A_141 = tpu.memref_slice %arg4[%add3A_137, %dma_start3A_140] : memref<65536x128xi32, #tpu.memory_space<hbm>> -> memref<128x128xi32, #tpu.memory_space<hbm>>
    tpu.enqueue_dma source(%arg6 : memref<128x128xi32, #tpu.memory_space<vmem>>) target(%dma_start3A_141 : memref<128x128xi32, #tpu.memory_space<hbm>>) target_semaphore(%arg10 : memref<!tpu.dma_semaphore, #tpu.memory_space<semaphore_mem>>)
    %dma_wait3A_142 = arith.constant 0 : i32
    %dma_wait3A_143 = tpu.memref_slice %arg4[%add3A_137, %dma_wait3A_142] : memref<65536x128xi32, #tpu.memory_space<hbm>> -> memref<128x128xi32, #tpu.memory_space<hbm>>
    %dma_wait3A_144 = arith.constant 0 : i32
    %dma_wait3A_145 = tpu.memref_slice %arg4[%add3A_137, %dma_wait3A_144] : memref<65536x128xi32, #tpu.memory_space<hbm>> -> memref<128x128xi32, #tpu.memory_space<hbm>>
    tpu.wait_dma2 semaphore(%arg10 : memref<!tpu.dma_semaphore, #tpu.memory_space<semaphore_mem>>) src(%arg6 : memref<128x128xi32, #tpu.memory_space<vmem>>) dst(%dma_wait3A_145 : memref<128x128xi32, #tpu.memory_space<hbm>>)
    %dma_start3A_146 = arith.constant 1024 : i32
    %dma_start3A_147 = tpu.memref_slice %arg5[%dma_start3A_146] : memref<2048xi32, #tpu.memory_space<vmem>> -> memref<128xi32, #tpu.memory_space<vmem>>
    %dma_start3A_148 = arith.constant 0 : i32
    %dma_start3A_149 = arith.constant 0 : i32
    %dma_start3A_150 = tpu.memref_slice %arg2[%dma_start3A_148, %dma_start3A_149] : memref<2048x128xi32, #tpu.memory_space<hbm>> -> memref<2048x128xi32, #tpu.memory_space<hbm>>
    tpu.enqueue_indirect_dma source(%dma_start3A_150 : memref<2048x128xi32, #tpu.memory_space<hbm>>) target(%arg6 : memref<128x128xi32, #tpu.memory_space<vmem>>) offsets(%dma_start3A_147 : memref<128xi32, #tpu.memory_space<vmem>>) semaphore(%arg8 : memref<!tpu.dma_semaphore, #tpu.memory_space<semaphore_mem>>)
    %dma_wait3A_151 = arith.constant 896 : i32
    %dma_wait3A_152 = tpu.memref_slice %arg5[%dma_wait3A_151] : memref<2048xi32, #tpu.memory_space<vmem>> -> memref<128xi32, #tpu.memory_space<vmem>>
    %dma_wait3A_153 = arith.constant 0 : i32
    %dma_wait3A_154 = arith.constant 0 : i32
    %dma_wait3A_155 = tpu.memref_slice %arg2[%dma_wait3A_153, %dma_wait3A_154] : memref<2048x128xi32, #tpu.memory_space<hbm>> -> memref<2048x128xi32, #tpu.memory_space<hbm>>
    tpu.wait_indirect_dma semaphore(%arg9 : memref<!tpu.dma_semaphore, #tpu.memory_space<semaphore_mem>>) src(%dma_wait3A_155 : memref<2048x128xi32, #tpu.memory_space<hbm>>) dst(%arg7 : memref<128x128xi32, #tpu.memory_space<vmem>>)
    %add3A_156 = arith.constant 896 : i32
    %add3A_157 = arith.addi %mul3A_2, %add3A_156 : i32
    %dma_start3A_158 = arith.constant 0 : i32
    %dma_start3A_159 = tpu.memref_slice %arg4[%add3A_157, %dma_start3A_158] : memref<65536x128xi32, #tpu.memory_space<hbm>> -> memref<128x128xi32, #tpu.memory_space<hbm>>
    %dma_start3A_160 = arith.constant 0 : i32
    %dma_start3A_161 = tpu.memref_slice %arg4[%add3A_157, %dma_start3A_160] : memref<65536x128xi32, #tpu.memory_space<hbm>> -> memref<128x128xi32, #tpu.memory_space<hbm>>
    tpu.enqueue_dma source(%arg7 : memref<128x128xi32, #tpu.memory_space<vmem>>) target(%dma_start3A_161 : memref<128x128xi32, #tpu.memory_space<hbm>>) target_semaphore(%arg11 : memref<!tpu.dma_semaphore, #tpu.memory_space<semaphore_mem>>)
    %dma_wait3A_162 = arith.constant 0 : i32
    %dma_wait3A_163 = tpu.memref_slice %arg4[%add3A_157, %dma_wait3A_162] : memref<65536x128xi32, #tpu.memory_space<hbm>> -> memref<128x128xi32, #tpu.memory_space<hbm>>
    %dma_wait3A_164 = arith.constant 0 : i32
    %dma_wait3A_165 = tpu.memref_slice %arg4[%add3A_157, %dma_wait3A_164] : memref<65536x128xi32, #tpu.memory_space<hbm>> -> memref<128x128xi32, #tpu.memory_space<hbm>>
    tpu.wait_dma2 semaphore(%arg11 : memref<!tpu.dma_semaphore, #tpu.memory_space<semaphore_mem>>) src(%arg7 : memref<128x128xi32, #tpu.memory_space<vmem>>) dst(%dma_wait3A_165 : memref<128x128xi32, #tpu.memory_space<hbm>>)
    %dma_start3A_166 = arith.constant 1152 : i32
    %dma_start3A_167 = tpu.memref_slice %arg5[%dma_start3A_166] : memref<2048xi32, #tpu.memory_space<vmem>> -> memref<128xi32, #tpu.memory_space<vmem>>
    %dma_start3A_168 = arith.constant 0 : i32
    %dma_start3A_169 = arith.constant 0 : i32
    %dma_start3A_170 = tpu.memref_slice %arg2[%dma_start3A_168, %dma_start3A_169] : memref<2048x128xi32, #tpu.memory_space<hbm>> -> memref<2048x128xi32, #tpu.memory_space<hbm>>
    tpu.enqueue_indirect_dma source(%dma_start3A_170 : memref<2048x128xi32, #tpu.memory_space<hbm>>) target(%arg7 : memref<128x128xi32, #tpu.memory_space<vmem>>) offsets(%dma_start3A_167 : memref<128xi32, #tpu.memory_space<vmem>>) semaphore(%arg9 : memref<!tpu.dma_semaphore, #tpu.memory_space<semaphore_mem>>)
    %dma_wait3A_171 = arith.constant 1024 : i32
    %dma_wait3A_172 = tpu.memref_slice %arg5[%dma_wait3A_171] : memref<2048xi32, #tpu.memory_space<vmem>> -> memref<128xi32, #tpu.memory_space<vmem>>
    %dma_wait3A_173 = arith.constant 0 : i32
    %dma_wait3A_174 = arith.constant 0 : i32
    %dma_wait3A_175 = tpu.memref_slice %arg2[%dma_wait3A_173, %dma_wait3A_174] : memref<2048x128xi32, #tpu.memory_space<hbm>> -> memref<2048x128xi32, #tpu.memory_space<hbm>>
    tpu.wait_indirect_dma semaphore(%arg8 : memref<!tpu.dma_semaphore, #tpu.memory_space<semaphore_mem>>) src(%dma_wait3A_175 : memref<2048x128xi32, #tpu.memory_space<hbm>>) dst(%arg6 : memref<128x128xi32, #tpu.memory_space<vmem>>)
    %add3A_176 = arith.constant 1024 : i32
    %add3A_177 = arith.addi %mul3A_2, %add3A_176 : i32
    %dma_start3A_178 = arith.constant 0 : i32
    %dma_start3A_179 = tpu.memref_slice %arg4[%add3A_177, %dma_start3A_178] : memref<65536x128xi32, #tpu.memory_space<hbm>> -> memref<128x128xi32, #tpu.memory_space<hbm>>
    %dma_start3A_180 = arith.constant 0 : i32
    %dma_start3A_181 = tpu.memref_slice %arg4[%add3A_177, %dma_start3A_180] : memref<65536x128xi32, #tpu.memory_space<hbm>> -> memref<128x128xi32, #tpu.memory_space<hbm>>
    tpu.enqueue_dma source(%arg6 : memref<128x128xi32, #tpu.memory_space<vmem>>) target(%dma_start3A_181 : memref<128x128xi32, #tpu.memory_space<hbm>>) target_semaphore(%arg10 : memref<!tpu.dma_semaphore, #tpu.memory_space<semaphore_mem>>)
    %dma_wait3A_182 = arith.constant 0 : i32
    %dma_wait3A_183 = tpu.memref_slice %arg4[%add3A_177, %dma_wait3A_182] : memref<65536x128xi32, #tpu.memory_space<hbm>> -> memref<128x128xi32, #tpu.memory_space<hbm>>
    %dma_wait3A_184 = arith.constant 0 : i32
    %dma_wait3A_185 = tpu.memref_slice %arg4[%add3A_177, %dma_wait3A_184] : memref<65536x128xi32, #tpu.memory_space<hbm>> -> memref<128x128xi32, #tpu.memory_space<hbm>>
    tpu.wait_dma2 semaphore(%arg10 : memref<!tpu.dma_semaphore, #tpu.memory_space<semaphore_mem>>) src(%arg6 : memref<128x128xi32, #tpu.memory_space<vmem>>) dst(%dma_wait3A_185 : memref<128x128xi32, #tpu.memory_space<hbm>>)
    %dma_start3A_186 = arith.constant 1280 : i32
    %dma_start3A_187 = tpu.memref_slice %arg5[%dma_start3A_186] : memref<2048xi32, #tpu.memory_space<vmem>> -> memref<128xi32, #tpu.memory_space<vmem>>
    %dma_start3A_188 = arith.constant 0 : i32
    %dma_start3A_189 = arith.constant 0 : i32
    %dma_start3A_190 = tpu.memref_slice %arg2[%dma_start3A_188, %dma_start3A_189] : memref<2048x128xi32, #tpu.memory_space<hbm>> -> memref<2048x128xi32, #tpu.memory_space<hbm>>
    tpu.enqueue_indirect_dma source(%dma_start3A_190 : memref<2048x128xi32, #tpu.memory_space<hbm>>) target(%arg6 : memref<128x128xi32, #tpu.memory_space<vmem>>) offsets(%dma_start3A_187 : memref<128xi32, #tpu.memory_space<vmem>>) semaphore(%arg8 : memref<!tpu.dma_semaphore, #tpu.memory_space<semaphore_mem>>)
    %dma_wait3A_191 = arith.constant 1152 : i32
    %dma_wait3A_192 = tpu.memref_slice %arg5[%dma_wait3A_191] : memref<2048xi32, #tpu.memory_space<vmem>> -> memref<128xi32, #tpu.memory_space<vmem>>
    %dma_wait3A_193 = arith.constant 0 : i32
    %dma_wait3A_194 = arith.constant 0 : i32
    %dma_wait3A_195 = tpu.memref_slice %arg2[%dma_wait3A_193, %dma_wait3A_194] : memref<2048x128xi32, #tpu.memory_space<hbm>> -> memref<2048x128xi32, #tpu.memory_space<hbm>>
    tpu.wait_indirect_dma semaphore(%arg9 : memref<!tpu.dma_semaphore, #tpu.memory_space<semaphore_mem>>) src(%dma_wait3A_195 : memref<2048x128xi32, #tpu.memory_space<hbm>>) dst(%arg7 : memref<128x128xi32, #tpu.memory_space<vmem>>)
    %add3A_196 = arith.constant 1152 : i32
    %add3A_197 = arith.addi %mul3A_2, %add3A_196 : i32
    %dma_start3A_198 = arith.constant 0 : i32
    %dma_start3A_199 = tpu.memref_slice %arg4[%add3A_197, %dma_start3A_198] : memref<65536x128xi32, #tpu.memory_space<hbm>> -> memref<128x128xi32, #tpu.memory_space<hbm>>
    %dma_start3A_200 = arith.constant 0 : i32
    %dma_start3A_201 = tpu.memref_slice %arg4[%add3A_197, %dma_start3A_200] : memref<65536x128xi32, #tpu.memory_space<hbm>> -> memref<128x128xi32, #tpu.memory_space<hbm>>
    tpu.enqueue_dma source(%arg7 : memref<128x128xi32, #tpu.memory_space<vmem>>) target(%dma_start3A_201 : memref<128x128xi32, #tpu.memory_space<hbm>>) target_semaphore(%arg11 : memref<!tpu.dma_semaphore, #tpu.memory_space<semaphore_mem>>)
    %dma_wait3A_202 = arith.constant 0 : i32
    %dma_wait3A_203 = tpu.memref_slice %arg4[%add3A_197, %dma_wait3A_202] : memref<65536x128xi32, #tpu.memory_space<hbm>> -> memref<128x128xi32, #tpu.memory_space<hbm>>
    %dma_wait3A_204 = arith.constant 0 : i32
    %dma_wait3A_205 = tpu.memref_slice %arg4[%add3A_197, %dma_wait3A_204] : memref<65536x128xi32, #tpu.memory_space<hbm>> -> memref<128x128xi32, #tpu.memory_space<hbm>>
    tpu.wait_dma2 semaphore(%arg11 : memref<!tpu.dma_semaphore, #tpu.memory_space<semaphore_mem>>) src(%arg7 : memref<128x128xi32, #tpu.memory_space<vmem>>) dst(%dma_wait3A_205 : memref<128x128xi32, #tpu.memory_space<hbm>>)
    %dma_start3A_206 = arith.constant 1408 : i32
    %dma_start3A_207 = tpu.memref_slice %arg5[%dma_start3A_206] : memref<2048xi32, #tpu.memory_space<vmem>> -> memref<128xi32, #tpu.memory_space<vmem>>
    %dma_start3A_208 = arith.constant 0 : i32
    %dma_start3A_209 = arith.constant 0 : i32
    %dma_start3A_210 = tpu.memref_slice %arg2[%dma_start3A_208, %dma_start3A_209] : memref<2048x128xi32, #tpu.memory_space<hbm>> -> memref<2048x128xi32, #tpu.memory_space<hbm>>
    tpu.enqueue_indirect_dma source(%dma_start3A_210 : memref<2048x128xi32, #tpu.memory_space<hbm>>) target(%arg7 : memref<128x128xi32, #tpu.memory_space<vmem>>) offsets(%dma_start3A_207 : memref<128xi32, #tpu.memory_space<vmem>>) semaphore(%arg9 : memref<!tpu.dma_semaphore, #tpu.memory_space<semaphore_mem>>)
    %dma_wait3A_211 = arith.constant 1280 : i32
    %dma_wait3A_212 = tpu.memref_slice %arg5[%dma_wait3A_211] : memref<2048xi32, #tpu.memory_space<vmem>> -> memref<128xi32, #tpu.memory_space<vmem>>
    %dma_wait3A_213 = arith.constant 0 : i32
    %dma_wait3A_214 = arith.constant 0 : i32
    %dma_wait3A_215 = tpu.memref_slice %arg2[%dma_wait3A_213, %dma_wait3A_214] : memref<2048x128xi32, #tpu.memory_space<hbm>> -> memref<2048x128xi32, #tpu.memory_space<hbm>>
    tpu.wait_indirect_dma semaphore(%arg8 : memref<!tpu.dma_semaphore, #tpu.memory_space<semaphore_mem>>) src(%dma_wait3A_215 : memref<2048x128xi32, #tpu.memory_space<hbm>>) dst(%arg6 : memref<128x128xi32, #tpu.memory_space<vmem>>)
    %add3A_216 = arith.constant 1280 : i32
    %add3A_217 = arith.addi %mul3A_2, %add3A_216 : i32
    %dma_start3A_218 = arith.constant 0 : i32
    %dma_start3A_219 = tpu.memref_slice %arg4[%add3A_217, %dma_start3A_218] : memref<65536x128xi32, #tpu.memory_space<hbm>> -> memref<128x128xi32, #tpu.memory_space<hbm>>
    %dma_start3A_220 = arith.constant 0 : i32
    %dma_start3A_221 = tpu.memref_slice %arg4[%add3A_217, %dma_start3A_220] : memref<65536x128xi32, #tpu.memory_space<hbm>> -> memref<128x128xi32, #tpu.memory_space<hbm>>
    tpu.enqueue_dma source(%arg6 : memref<128x128xi32, #tpu.memory_space<vmem>>) target(%dma_start3A_221 : memref<128x128xi32, #tpu.memory_space<hbm>>) target_semaphore(%arg10 : memref<!tpu.dma_semaphore, #tpu.memory_space<semaphore_mem>>)
    %dma_wait3A_222 = arith.constant 0 : i32
    %dma_wait3A_223 = tpu.memref_slice %arg4[%add3A_217, %dma_wait3A_222] : memref<65536x128xi32, #tpu.memory_space<hbm>> -> memref<128x128xi32, #tpu.memory_space<hbm>>
    %dma_wait3A_224 = arith.constant 0 : i32
    %dma_wait3A_225 = tpu.memref_slice %arg4[%add3A_217, %dma_wait3A_224] : memref<65536x128xi32, #tpu.memory_space<hbm>> -> memref<128x128xi32, #tpu.memory_space<hbm>>
    tpu.wait_dma2 semaphore(%arg10 : memref<!tpu.dma_semaphore, #tpu.memory_space<semaphore_mem>>) src(%arg6 : memref<128x128xi32, #tpu.memory_space<vmem>>) dst(%dma_wait3A_225 : memref<128x128xi32, #tpu.memory_space<hbm>>)
    %dma_start3A_226 = arith.constant 1536 : i32
    %dma_start3A_227 = tpu.memref_slice %arg5[%dma_start3A_226] : memref<2048xi32, #tpu.memory_space<vmem>> -> memref<128xi32, #tpu.memory_space<vmem>>
    %dma_start3A_228 = arith.constant 0 : i32
    %dma_start3A_229 = arith.constant 0 : i32
    %dma_start3A_230 = tpu.memref_slice %arg2[%dma_start3A_228, %dma_start3A_229] : memref<2048x128xi32, #tpu.memory_space<hbm>> -> memref<2048x128xi32, #tpu.memory_space<hbm>>
    tpu.enqueue_indirect_dma source(%dma_start3A_230 : memref<2048x128xi32, #tpu.memory_space<hbm>>) target(%arg6 : memref<128x128xi32, #tpu.memory_space<vmem>>) offsets(%dma_start3A_227 : memref<128xi32, #tpu.memory_space<vmem>>) semaphore(%arg8 : memref<!tpu.dma_semaphore, #tpu.memory_space<semaphore_mem>>)
    %dma_wait3A_231 = arith.constant 1408 : i32
    %dma_wait3A_232 = tpu.memref_slice %arg5[%dma_wait3A_231] : memref<2048xi32, #tpu.memory_space<vmem>> -> memref<128xi32, #tpu.memory_space<vmem>>
    %dma_wait3A_233 = arith.constant 0 : i32
    %dma_wait3A_234 = arith.constant 0 : i32
    %dma_wait3A_235 = tpu.memref_slice %arg2[%dma_wait3A_233, %dma_wait3A_234] : memref<2048x128xi32, #tpu.memory_space<hbm>> -> memref<2048x128xi32, #tpu.memory_space<hbm>>
    tpu.wait_indirect_dma semaphore(%arg9 : memref<!tpu.dma_semaphore, #tpu.memory_space<semaphore_mem>>) src(%dma_wait3A_235 : memref<2048x128xi32, #tpu.memory_space<hbm>>) dst(%arg7 : memref<128x128xi32, #tpu.memory_space<vmem>>)
    %add3A_236 = arith.constant 1408 : i32
    %add3A_237 = arith.addi %mul3A_2, %add3A_236 : i32
    %dma_start3A_238 = arith.constant 0 : i32
    %dma_start3A_239 = tpu.memref_slice %arg4[%add3A_237, %dma_start3A_238] : memref<65536x128xi32, #tpu.memory_space<hbm>> -> memref<128x128xi32, #tpu.memory_space<hbm>>
    %dma_start3A_240 = arith.constant 0 : i32
    %dma_start3A_241 = tpu.memref_slice %arg4[%add3A_237, %dma_start3A_240] : memref<65536x128xi32, #tpu.memory_space<hbm>> -> memref<128x128xi32, #tpu.memory_space<hbm>>
    tpu.enqueue_dma source(%arg7 : memref<128x128xi32, #tpu.memory_space<vmem>>) target(%dma_start3A_241 : memref<128x128xi32, #tpu.memory_space<hbm>>) target_semaphore(%arg11 : memref<!tpu.dma_semaphore, #tpu.memory_space<semaphore_mem>>)
    %dma_wait3A_242 = arith.constant 0 : i32
    %dma_wait3A_243 = tpu.memref_slice %arg4[%add3A_237, %dma_wait3A_242] : memref<65536x128xi32, #tpu.memory_space<hbm>> -> memref<128x128xi32, #tpu.memory_space<hbm>>
    %dma_wait3A_244 = arith.constant 0 : i32
    %dma_wait3A_245 = tpu.memref_slice %arg4[%add3A_237, %dma_wait3A_244] : memref<65536x128xi32, #tpu.memory_space<hbm>> -> memref<128x128xi32, #tpu.memory_space<hbm>>
    tpu.wait_dma2 semaphore(%arg11 : memref<!tpu.dma_semaphore, #tpu.memory_space<semaphore_mem>>) src(%arg7 : memref<128x128xi32, #tpu.memory_space<vmem>>) dst(%dma_wait3A_245 : memref<128x128xi32, #tpu.memory_space<hbm>>)
    %dma_start3A_246 = arith.constant 1664 : i32
    %dma_start3A_247 = tpu.memref_slice %arg5[%dma_start3A_246] : memref<2048xi32, #tpu.memory_space<vmem>> -> memref<128xi32, #tpu.memory_space<vmem>>
    %dma_start3A_248 = arith.constant 0 : i32
    %dma_start3A_249 = arith.constant 0 : i32
    %dma_start3A_250 = tpu.memref_slice %arg2[%dma_start3A_248, %dma_start3A_249] : memref<2048x128xi32, #tpu.memory_space<hbm>> -> memref<2048x128xi32, #tpu.memory_space<hbm>>
    tpu.enqueue_indirect_dma source(%dma_start3A_250 : memref<2048x128xi32, #tpu.memory_space<hbm>>) target(%arg7 : memref<128x128xi32, #tpu.memory_space<vmem>>) offsets(%dma_start3A_247 : memref<128xi32, #tpu.memory_space<vmem>>) semaphore(%arg9 : memref<!tpu.dma_semaphore, #tpu.memory_space<semaphore_mem>>)
    %dma_wait3A_251 = arith.constant 1536 : i32
    %dma_wait3A_252 = tpu.memref_slice %arg5[%dma_wait3A_251] : memref<2048xi32, #tpu.memory_space<vmem>> -> memref<128xi32, #tpu.memory_space<vmem>>
    %dma_wait3A_253 = arith.constant 0 : i32
    %dma_wait3A_254 = arith.constant 0 : i32
    %dma_wait3A_255 = tpu.memref_slice %arg2[%dma_wait3A_253, %dma_wait3A_254] : memref<2048x128xi32, #tpu.memory_space<hbm>> -> memref<2048x128xi32, #tpu.memory_space<hbm>>
    tpu.wait_indirect_dma semaphore(%arg8 : memref<!tpu.dma_semaphore, #tpu.memory_space<semaphore_mem>>) src(%dma_wait3A_255 : memref<2048x128xi32, #tpu.memory_space<hbm>>) dst(%arg6 : memref<128x128xi32, #tpu.memory_space<vmem>>)
    %add3A_256 = arith.constant 1536 : i32
    %add3A_257 = arith.addi %mul3A_2, %add3A_256 : i32
    %dma_start3A_258 = arith.constant 0 : i32
    %dma_start3A_259 = tpu.memref_slice %arg4[%add3A_257, %dma_start3A_258] : memref<65536x128xi32, #tpu.memory_space<hbm>> -> memref<128x128xi32, #tpu.memory_space<hbm>>
    %dma_start3A_260 = arith.constant 0 : i32
    %dma_start3A_261 = tpu.memref_slice %arg4[%add3A_257, %dma_start3A_260] : memref<65536x128xi32, #tpu.memory_space<hbm>> -> memref<128x128xi32, #tpu.memory_space<hbm>>
    tpu.enqueue_dma source(%arg6 : memref<128x128xi32, #tpu.memory_space<vmem>>) target(%dma_start3A_261 : memref<128x128xi32, #tpu.memory_space<hbm>>) target_semaphore(%arg10 : memref<!tpu.dma_semaphore, #tpu.memory_space<semaphore_mem>>)
    %dma_wait3A_262 = arith.constant 0 : i32
    %dma_wait3A_263 = tpu.memref_slice %arg4[%add3A_257, %dma_wait3A_262] : memref<65536x128xi32, #tpu.memory_space<hbm>> -> memref<128x128xi32, #tpu.memory_space<hbm>>
    %dma_wait3A_264 = arith.constant 0 : i32
    %dma_wait3A_265 = tpu.memref_slice %arg4[%add3A_257, %dma_wait3A_264] : memref<65536x128xi32, #tpu.memory_space<hbm>> -> memref<128x128xi32, #tpu.memory_space<hbm>>
    tpu.wait_dma2 semaphore(%arg10 : memref<!tpu.dma_semaphore, #tpu.memory_space<semaphore_mem>>) src(%arg6 : memref<128x128xi32, #tpu.memory_space<vmem>>) dst(%dma_wait3A_265 : memref<128x128xi32, #tpu.memory_space<hbm>>)
    %dma_start3A_266 = arith.constant 1792 : i32
    %dma_start3A_267 = tpu.memref_slice %arg5[%dma_start3A_266] : memref<2048xi32, #tpu.memory_space<vmem>> -> memref<128xi32, #tpu.memory_space<vmem>>
    %dma_start3A_268 = arith.constant 0 : i32
    %dma_start3A_269 = arith.constant 0 : i32
    %dma_start3A_270 = tpu.memref_slice %arg2[%dma_start3A_268, %dma_start3A_269] : memref<2048x128xi32, #tpu.memory_space<hbm>> -> memref<2048x128xi32, #tpu.memory_space<hbm>>
    tpu.enqueue_indirect_dma source(%dma_start3A_270 : memref<2048x128xi32, #tpu.memory_space<hbm>>) target(%arg6 : memref<128x128xi32, #tpu.memory_space<vmem>>) offsets(%dma_start3A_267 : memref<128xi32, #tpu.memory_space<vmem>>) semaphore(%arg8 : memref<!tpu.dma_semaphore, #tpu.memory_space<semaphore_mem>>)
    %dma_wait3A_271 = arith.constant 1664 : i32
    %dma_wait3A_272 = tpu.memref_slice %arg5[%dma_wait3A_271] : memref<2048xi32, #tpu.memory_space<vmem>> -> memref<128xi32, #tpu.memory_space<vmem>>
    %dma_wait3A_273 = arith.constant 0 : i32
    %dma_wait3A_274 = arith.constant 0 : i32
    %dma_wait3A_275 = tpu.memref_slice %arg2[%dma_wait3A_273, %dma_wait3A_274] : memref<2048x128xi32, #tpu.memory_space<hbm>> -> memref<2048x128xi32, #tpu.memory_space<hbm>>
    tpu.wait_indirect_dma semaphore(%arg9 : memref<!tpu.dma_semaphore, #tpu.memory_space<semaphore_mem>>) src(%dma_wait3A_275 : memref<2048x128xi32, #tpu.memory_space<hbm>>) dst(%arg7 : memref<128x128xi32, #tpu.memory_space<vmem>>)
    %add3A_276 = arith.constant 1664 : i32
    %add3A_277 = arith.addi %mul3A_2, %add3A_276 : i32
    %dma_start3A_278 = arith.constant 0 : i32
    %dma_start3A_279 = tpu.memref_slice %arg4[%add3A_277, %dma_start3A_278] : memref<65536x128xi32, #tpu.memory_space<hbm>> -> memref<128x128xi32, #tpu.memory_space<hbm>>
    %dma_start3A_280 = arith.constant 0 : i32
    %dma_start3A_281 = tpu.memref_slice %arg4[%add3A_277, %dma_start3A_280] : memref<65536x128xi32, #tpu.memory_space<hbm>> -> memref<128x128xi32, #tpu.memory_space<hbm>>
    tpu.enqueue_dma source(%arg7 : memref<128x128xi32, #tpu.memory_space<vmem>>) target(%dma_start3A_281 : memref<128x128xi32, #tpu.memory_space<hbm>>) target_semaphore(%arg11 : memref<!tpu.dma_semaphore, #tpu.memory_space<semaphore_mem>>)
    %dma_wait3A_282 = arith.constant 0 : i32
    %dma_wait3A_283 = tpu.memref_slice %arg4[%add3A_277, %dma_wait3A_282] : memref<65536x128xi32, #tpu.memory_space<hbm>> -> memref<128x128xi32, #tpu.memory_space<hbm>>
    %dma_wait3A_284 = arith.constant 0 : i32
    %dma_wait3A_285 = tpu.memref_slice %arg4[%add3A_277, %dma_wait3A_284] : memref<65536x128xi32, #tpu.memory_space<hbm>> -> memref<128x128xi32, #tpu.memory_space<hbm>>
    tpu.wait_dma2 semaphore(%arg11 : memref<!tpu.dma_semaphore, #tpu.memory_space<semaphore_mem>>) src(%arg7 : memref<128x128xi32, #tpu.memory_space<vmem>>) dst(%dma_wait3A_285 : memref<128x128xi32, #tpu.memory_space<hbm>>)
    %dma_start3A_286 = arith.constant 1920 : i32
    %dma_start3A_287 = tpu.memref_slice %arg5[%dma_start3A_286] : memref<2048xi32, #tpu.memory_space<vmem>> -> memref<128xi32, #tpu.memory_space<vmem>>
    %dma_start3A_288 = arith.constant 0 : i32
    %dma_start3A_289 = arith.constant 0 : i32
    %dma_start3A_290 = tpu.memref_slice %arg2[%dma_start3A_288, %dma_start3A_289] : memref<2048x128xi32, #tpu.memory_space<hbm>> -> memref<2048x128xi32, #tpu.memory_space<hbm>>
    tpu.enqueue_indirect_dma source(%dma_start3A_290 : memref<2048x128xi32, #tpu.memory_space<hbm>>) target(%arg7 : memref<128x128xi32, #tpu.memory_space<vmem>>) offsets(%dma_start3A_287 : memref<128xi32, #tpu.memory_space<vmem>>) semaphore(%arg9 : memref<!tpu.dma_semaphore, #tpu.memory_space<semaphore_mem>>)
    %dma_wait3A_291 = arith.constant 1792 : i32
    %dma_wait3A_292 = tpu.memref_slice %arg5[%dma_wait3A_291] : memref<2048xi32, #tpu.memory_space<vmem>> -> memref<128xi32, #tpu.memory_space<vmem>>
    %dma_wait3A_293 = arith.constant 0 : i32
    %dma_wait3A_294 = arith.constant 0 : i32
    %dma_wait3A_295 = tpu.memref_slice %arg2[%dma_wait3A_293, %dma_wait3A_294] : memref<2048x128xi32, #tpu.memory_space<hbm>> -> memref<2048x128xi32, #tpu.memory_space<hbm>>
    tpu.wait_indirect_dma semaphore(%arg8 : memref<!tpu.dma_semaphore, #tpu.memory_space<semaphore_mem>>) src(%dma_wait3A_295 : memref<2048x128xi32, #tpu.memory_space<hbm>>) dst(%arg6 : memref<128x128xi32, #tpu.memory_space<vmem>>)
    %add3A_296 = arith.constant 1792 : i32
    %add3A_297 = arith.addi %mul3A_2, %add3A_296 : i32
    %dma_start3A_298 = arith.constant 0 : i32
    %dma_start3A_299 = tpu.memref_slice %arg4[%add3A_297, %dma_start3A_298] : memref<65536x128xi32, #tpu.memory_space<hbm>> -> memref<128x128xi32, #tpu.memory_space<hbm>>
    %dma_start3A_300 = arith.constant 0 : i32
    %dma_start3A_301 = tpu.memref_slice %arg4[%add3A_297, %dma_start3A_300] : memref<65536x128xi32, #tpu.memory_space<hbm>> -> memref<128x128xi32, #tpu.memory_space<hbm>>
    tpu.enqueue_dma source(%arg6 : memref<128x128xi32, #tpu.memory_space<vmem>>) target(%dma_start3A_301 : memref<128x128xi32, #tpu.memory_space<hbm>>) target_semaphore(%arg10 : memref<!tpu.dma_semaphore, #tpu.memory_space<semaphore_mem>>)
    %dma_wait3A_302 = arith.constant 1920 : i32
    %dma_wait3A_303 = tpu.memref_slice %arg5[%dma_wait3A_302] : memref<2048xi32, #tpu.memory_space<vmem>> -> memref<128xi32, #tpu.memory_space<vmem>>
    %dma_wait3A_304 = arith.constant 0 : i32
    %dma_wait3A_305 = arith.constant 0 : i32
    %dma_wait3A_306 = tpu.memref_slice %arg2[%dma_wait3A_304, %dma_wait3A_305] : memref<2048x128xi32, #tpu.memory_space<hbm>> -> memref<2048x128xi32, #tpu.memory_space<hbm>>
    tpu.wait_indirect_dma semaphore(%arg9 : memref<!tpu.dma_semaphore, #tpu.memory_space<semaphore_mem>>) src(%dma_wait3A_306 : memref<2048x128xi32, #tpu.memory_space<hbm>>) dst(%arg7 : memref<128x128xi32, #tpu.memory_space<vmem>>)
    %add3A_307 = arith.constant 1920 : i32
    %add3A_308 = arith.addi %mul3A_2, %add3A_307 : i32
    %dma_start3A_309 = arith.constant 0 : i32
    %dma_start3A_310 = tpu.memref_slice %arg4[%add3A_308, %dma_start3A_309] : memref<65536x128xi32, #tpu.memory_space<hbm>> -> memref<128x128xi32, #tpu.memory_space<hbm>>
    %dma_start3A_311 = arith.constant 0 : i32
    %dma_start3A_312 = tpu.memref_slice %arg4[%add3A_308, %dma_start3A_311] : memref<65536x128xi32, #tpu.memory_space<hbm>> -> memref<128x128xi32, #tpu.memory_space<hbm>>
    tpu.enqueue_dma source(%arg7 : memref<128x128xi32, #tpu.memory_space<vmem>>) target(%dma_start3A_312 : memref<128x128xi32, #tpu.memory_space<hbm>>) target_semaphore(%arg11 : memref<!tpu.dma_semaphore, #tpu.memory_space<semaphore_mem>>)
    %dma_wait3A_313 = arith.constant 0 : i32
    %dma_wait3A_314 = tpu.memref_slice %arg4[%add3A_297, %dma_wait3A_313] : memref<65536x128xi32, #tpu.memory_space<hbm>> -> memref<128x128xi32, #tpu.memory_space<hbm>>
    %dma_wait3A_315 = arith.constant 0 : i32
    %dma_wait3A_316 = tpu.memref_slice %arg4[%add3A_297, %dma_wait3A_315] : memref<65536x128xi32, #tpu.memory_space<hbm>> -> memref<128x128xi32, #tpu.memory_space<hbm>>
    tpu.wait_dma2 semaphore(%arg10 : memref<!tpu.dma_semaphore, #tpu.memory_space<semaphore_mem>>) src(%arg6 : memref<128x128xi32, #tpu.memory_space<vmem>>) dst(%dma_wait3A_316 : memref<128x128xi32, #tpu.memory_space<hbm>>)
    %dma_wait3A_317 = arith.constant 0 : i32
    %dma_wait3A_318 = tpu.memref_slice %arg4[%add3A_308, %dma_wait3A_317] : memref<65536x128xi32, #tpu.memory_space<hbm>> -> memref<128x128xi32, #tpu.memory_space<hbm>>
    %dma_wait3A_319 = arith.constant 0 : i32
    %dma_wait3A_320 = tpu.memref_slice %arg4[%add3A_308, %dma_wait3A_319] : memref<65536x128xi32, #tpu.memory_space<hbm>> -> memref<128x128xi32, #tpu.memory_space<hbm>>
    tpu.wait_dma2 semaphore(%arg11 : memref<!tpu.dma_semaphore, #tpu.memory_space<semaphore_mem>>) src(%arg7 : memref<128x128xi32, #tpu.memory_space<vmem>>) dst(%dma_wait3A_320 : memref<128x128xi32, #tpu.memory_space<hbm>>)
    return
  }
}

#map = affine_map<(d0, d1) -> (0)>
#map1 = affine_map<(d0, d1) -> (0, 0)>
module attributes {stable_mosaic.version = 14 : i64} {
  func.func @_mask_body(%arg0: i32, %arg1: i32, %arg2: memref<65536xi32, #tpu.memory_space<hbm>>, %arg3: memref<2048xf32, #tpu.memory_space<hbm>>, %arg4: memref<2048x128xi32, #tpu.memory_space<hbm>>, %arg5: memref<65536xf32, #tpu.memory_space<hbm>>, %arg6: memref<65536xi32, #tpu.memory_space<hbm>>, %arg7: memref<65536x128xi32, #tpu.memory_space<hbm>>, %arg8: memref<2048xi32, #tpu.memory_space<vmem>>, %arg9: memref<1024xf32, #tpu.memory_space<vmem>>, %arg10: memref<2048xf32, #tpu.memory_space<vmem>>, %arg11: memref<2048xi32, #tpu.memory_space<vmem>>, %arg12: memref<128x128xi32, #tpu.memory_space<vmem>>, %arg13: memref<128x128xi32, #tpu.memory_space<vmem>>, %arg14: memref<!tpu.dma_semaphore, #tpu.memory_space<semaphore_mem>>, %arg15: memref<!tpu.dma_semaphore, #tpu.memory_space<semaphore_mem>>, %arg16: memref<!tpu.dma_semaphore, #tpu.memory_space<semaphore_mem>>, %arg17: memref<!tpu.dma_semaphore, #tpu.memory_space<semaphore_mem>>) attributes {dimension_semantics = [#tpu.dimension_semantics<core_parallel>, #tpu.dimension_semantics<subcore_parallel>], iteration_bounds = array<i64: 2, 16>, scalar_prefetch = 0 : i64, scratch_operands = 10 : i64, tpu.core_type = #tpu.core_type<sc_vector_subcore>, window_params = [{transform_indices = #map}, {transform_indices = #map}, {transform_indices = #map1}, {transform_indices = #map}, {transform_indices = #map}, {transform_indices = #map1}]} {
    %mul3A = arith.constant 2 : i32
    %mul3A_0 = arith.muli %arg1, %mul3A : i32
    %add3A = arith.addi %mul3A_0, %arg0 : i32
    %jit3A = arith.constant 16 : i32
    %div3A = arith.divsi %add3A, %jit3A : i32
    %sign3A = arith.constant 0 : i32
    %sign3A_1 = arith.cmpi sgt, %add3A, %sign3A : i32
    %sign3A_2 = arith.extui %sign3A_1 : i1 to i32
    %sign3A_3 = arith.constant 0 : i32
    %sign3A_4 = arith.cmpi slt, %add3A, %sign3A_3 : i32
    %sign3A_5 = arith.extui %sign3A_4 : i1 to i32
    %sign3A_6 = arith.subi %sign3A_2, %sign3A_5 : i32
    %sign3A_7 = arith.constant 0 : i32
    %sign3A_8 = arith.cmpi sgt, %jit3A, %sign3A_7 : i32
    %sign3A_9 = arith.extui %sign3A_8 : i1 to i32
    %sign3A_10 = arith.constant 0 : i32
    %sign3A_11 = arith.cmpi slt, %jit3A, %sign3A_10 : i32
    %sign3A_12 = arith.extui %sign3A_11 : i1 to i32
    %sign3A_13 = arith.subi %sign3A_9, %sign3A_12 : i32
    %ne3A = arith.cmpi ne, %sign3A_6, %sign3A_13 : i32
    %rem3A = arith.remsi %add3A, %jit3A : i32
    %ne3A_14 = arith.constant 0 : i32
    %ne3A_15 = arith.cmpi ne, %rem3A, %ne3A_14 : i32
    %and3A = arith.andi %ne3A, %ne3A_15 : i1
    %sub3A = arith.constant 1 : i32
    %sub3A_16 = arith.subi %div3A, %sub3A : i32
    %select_n3A = arith.select %and3A, %sub3A_16, %div3A : i32
    %jit3A_17 = arith.constant 16 : i32
    %eq3A = arith.constant 0 : i32
    %eq3A_18 = arith.cmpi eq, %jit3A_17, %eq3A : i32
    %jit3A_19 = arith.constant 1 : i32
    %select_n3A_20 = arith.select %eq3A_18, %jit3A_19, %jit3A_17 : i32
    %rem3A_21 = arith.remsi %add3A, %select_n3A_20 : i32
    %ne3A_22 = arith.constant 0 : i32
    %ne3A_23 = arith.cmpi ne, %rem3A_21, %ne3A_22 : i32
    %lt3A = arith.constant 0 : i32
    %lt3A_24 = arith.cmpi slt, %rem3A_21, %lt3A : i32
    %lt3A_25 = arith.constant 0 : i32
    %lt3A_26 = arith.cmpi slt, %select_n3A_20, %lt3A_25 : i32
    %ne3A_27 = arith.xori %lt3A_24, %lt3A_26 : i1
    %and3A_28 = arith.andi %ne3A_27, %ne3A_23 : i1
    %add3A_29 = arith.addi %rem3A_21, %select_n3A_20 : i32
    %select_n3A_30 = arith.select %and3A_28, %add3A_29, %rem3A_21 : i32
    %mul3A_31 = arith.constant 64 : i32
    %mul3A_32 = arith.muli %select_n3A_30, %mul3A_31 : i32
    %mul3A_33 = arith.constant 2048 : i32
    %mul3A_34 = arith.muli %add3A, %mul3A_33 : i32
    "tpu.region"() ({
      %run_scoped3A = tpu.sem_alloc : memref<!tpu.dma_semaphore, #tpu.memory_space<semaphore_mem>>
      %dma_start3A_362 = tpu.memref_slice %arg2[%mul3A_34] : memref<65536xi32, #tpu.memory_space<hbm>> -> memref<2048xi32, #tpu.memory_space<hbm>>
      %dma_start3A_363 = tpu.memref_slice %arg2[%mul3A_34] : memref<65536xi32, #tpu.memory_space<hbm>> -> memref<2048xi32, #tpu.memory_space<hbm>>
      tpu.enqueue_dma source(%dma_start3A_363 : memref<2048xi32, #tpu.memory_space<hbm>>) target(%arg8 : memref<2048xi32, #tpu.memory_space<vmem>>) target_semaphore(%run_scoped3A : memref<!tpu.dma_semaphore, #tpu.memory_space<semaphore_mem>>)
      %dma_wait3A_364 = tpu.memref_slice %arg2[%mul3A_34] : memref<65536xi32, #tpu.memory_space<hbm>> -> memref<2048xi32, #tpu.memory_space<hbm>>
      %dma_wait3A_365 = tpu.memref_slice %arg2[%mul3A_34] : memref<65536xi32, #tpu.memory_space<hbm>> -> memref<2048xi32, #tpu.memory_space<hbm>>
      tpu.wait_dma2 semaphore(%run_scoped3A : memref<!tpu.dma_semaphore, #tpu.memory_space<semaphore_mem>>) src(%dma_wait3A_365 : memref<2048xi32, #tpu.memory_space<hbm>>) dst(%arg8 : memref<2048xi32, #tpu.memory_space<vmem>>)
      tpu.yield
    }) : () -> ()
    %mul3A_35 = arith.constant 1024 : i32
    %mul3A_36 = arith.muli %select_n3A, %mul3A_35 : i32
    "tpu.region"() ({
      %run_scoped3A = tpu.sem_alloc : memref<!tpu.dma_semaphore, #tpu.memory_space<semaphore_mem>>
      %dma_start3A_362 = tpu.memref_slice %arg3[%mul3A_36] : memref<2048xf32, #tpu.memory_space<hbm>> -> memref<1024xf32, #tpu.memory_space<hbm>>
      %dma_start3A_363 = tpu.memref_slice %arg3[%mul3A_36] : memref<2048xf32, #tpu.memory_space<hbm>> -> memref<1024xf32, #tpu.memory_space<hbm>>
      tpu.enqueue_dma source(%dma_start3A_363 : memref<1024xf32, #tpu.memory_space<hbm>>) target(%arg9 : memref<1024xf32, #tpu.memory_space<vmem>>) target_semaphore(%run_scoped3A : memref<!tpu.dma_semaphore, #tpu.memory_space<semaphore_mem>>)
      %dma_wait3A_364 = tpu.memref_slice %arg3[%mul3A_36] : memref<2048xf32, #tpu.memory_space<hbm>> -> memref<1024xf32, #tpu.memory_space<hbm>>
      %dma_wait3A_365 = tpu.memref_slice %arg3[%mul3A_36] : memref<2048xf32, #tpu.memory_space<hbm>> -> memref<1024xf32, #tpu.memory_space<hbm>>
      tpu.wait_dma2 semaphore(%run_scoped3A : memref<!tpu.dma_semaphore, #tpu.memory_space<semaphore_mem>>) src(%dma_wait3A_365 : memref<1024xf32, #tpu.memory_space<hbm>>) dst(%arg9 : memref<1024xf32, #tpu.memory_space<vmem>>)
      tpu.yield
    }) : () -> ()
    %mul3A_37 = arith.constant 1024 : i32
    %mul3A_38 = arith.muli %select_n3A, %mul3A_37 : i32
    %scan3A = arith.constant 0 : i32
    %scan3A_39 = arith.constant 0 : i32
    %scan3A_40 = arith.constant 128 : i32
    %scan3A_41 = arith.addi %scan3A_39, %scan3A_40 : i32
    %scan3A_42 = arith.constant 1 : i32
    scf.for %scan3A_362 = %scan3A_39 to %scan3A_41 step %scan3A_42  : i32 {
      %jit3A_363 = arith.constant 2 : i32
      %div3A_364 = arith.divsi %scan3A_362, %jit3A_363 : i32
      %sign3A_365 = arith.constant 0 : i32
      %sign3A_366 = arith.cmpi sgt, %scan3A_362, %sign3A_365 : i32
      %sign3A_367 = arith.extui %sign3A_366 : i1 to i32
      %sign3A_368 = arith.constant 0 : i32
      %sign3A_369 = arith.cmpi slt, %scan3A_362, %sign3A_368 : i32
      %sign3A_370 = arith.extui %sign3A_369 : i1 to i32
      %sign3A_371 = arith.subi %sign3A_367, %sign3A_370 : i32
      %sign3A_372 = arith.constant 0 : i32
      %sign3A_373 = arith.cmpi sgt, %jit3A_363, %sign3A_372 : i32
      %sign3A_374 = arith.extui %sign3A_373 : i1 to i32
      %sign3A_375 = arith.constant 0 : i32
      %sign3A_376 = arith.cmpi slt, %jit3A_363, %sign3A_375 : i32
      %sign3A_377 = arith.extui %sign3A_376 : i1 to i32
      %sign3A_378 = arith.subi %sign3A_374, %sign3A_377 : i32
      %ne3A_379 = arith.cmpi ne, %sign3A_371, %sign3A_378 : i32
      %rem3A_380 = arith.remsi %scan3A_362, %jit3A_363 : i32
      %ne3A_381 = arith.constant 0 : i32
      %ne3A_382 = arith.cmpi ne, %rem3A_380, %ne3A_381 : i32
      %and3A_383 = arith.andi %ne3A_379, %ne3A_382 : i1
      %sub3A_384 = arith.constant 1 : i32
      %sub3A_385 = arith.subi %div3A_364, %sub3A_384 : i32
      %select_n3A_386 = arith.select %and3A_383, %sub3A_385, %div3A_364 : i32
      %add3A_387 = arith.addi %mul3A_32, %select_n3A_386 : i32
      %mul3A_388 = arith.constant 16 : i32
      %mul3A_389 = arith.muli %scan3A_362, %mul3A_388 : i32
      %get3A = arith.index_cast %mul3A_389 : i32 to index
      %get3A_390 = tpu.vector_load %arg8[%get3A] {strides = array<i32>} : memref<2048xi32, #tpu.memory_space<vmem>>, vector<16xi32>,
      %broadcast_in_dim3A = vector.broadcast %add3A_387 : i32 to vector<16xi32>
      %gather3A = tpu.vector_load_idx %arg9[%get3A_390] : memref<1024xf32, #tpu.memory_space<vmem>>[vector<16xi32>], vector<16xf32>,
      %gather3A_391 = tpu.vector_load_idx %arg9[%broadcast_in_dim3A] : memref<1024xf32, #tpu.memory_space<vmem>>[vector<16xi32>], vector<16xf32>,
      %gt3A = arith.cmpi sgt, %broadcast_in_dim3A, %get3A_390 : vector<16xi32>
      %mul3A_392 = arith.mulf %gather3A_391, %gather3A : vector<16xf32>
      %eq3A_393 = arith.cmpi eq, %broadcast_in_dim3A, %get3A_390 : vector<16xi32>
      %mul3A_394 = arith.constant 5.000000e-01 : f32
      %mul3A_395 = vector.broadcast %mul3A_394 : f32 to vector<16xf32>
      %mul3A_396 = arith.mulf %mul3A_395, %gather3A_391 : vector<16xf32>
      %sub3A_397 = arith.constant 1.000000e+00 : f32
      %sub3A_398 = vector.broadcast %sub3A_397 : f32 to vector<16xf32>
      %sub3A_399 = arith.subf %gather3A_391, %sub3A_398 : vector<16xf32>
      %mul3A_400 = arith.mulf %mul3A_396, %sub3A_399 : vector<16xf32>
      %broadcast_in_dim3A_401 = arith.constant 0.000000e+00 : f32
      %broadcast_in_dim3A_402 = vector.broadcast %broadcast_in_dim3A_401 : f32 to vector<16xf32>
      %select_n3A_403 = arith.select %eq3A_393, %mul3A_400, %broadcast_in_dim3A_402 : vector<16xi1>, vector<16xf32>
      %select_n3A_404 = arith.select %gt3A, %mul3A_392, %select_n3A_403 : vector<16xi1>, vector<16xf32>
      %mul3A_405 = arith.constant 16 : i32
      %mul3A_406 = arith.muli %scan3A_362, %mul3A_405 : i32
      %swap3A = arith.index_cast %mul3A_406 : i32 to index
      %swap3A_407 = tpu.vector_load %arg10[%swap3A] {strides = array<i32>} : memref<2048xf32, #tpu.memory_space<vmem>>, vector<16xf32>,
      tpu.vector_store %arg10[%swap3A], %select_n3A_404 {strides = array<i32>} : memref<2048xf32, #tpu.memory_space<vmem>>, vector<16xf32>,
      %add3A_408 = vector.broadcast %mul3A_38 : i32 to vector<16xi32>
      %add3A_409 = arith.addi %get3A_390, %add3A_408 : vector<16xi32>
      %mul3A_410 = arith.constant 16 : i32
      %mul3A_411 = arith.muli %scan3A_362, %mul3A_410 : i32
      %swap3A_412 = arith.index_cast %mul3A_411 : i32 to index
      %swap3A_413 = tpu.vector_load %arg11[%swap3A_412] {strides = array<i32>} : memref<2048xi32, #tpu.memory_space<vmem>>, vector<16xi32>,
      tpu.vector_store %arg11[%swap3A_412], %add3A_409 {strides = array<i32>} : memref<2048xi32, #tpu.memory_space<vmem>>, vector<16xi32>,
    }
    %scan3A_43 = arith.constant 128 : i32
    "tpu.region"() ({
      %run_scoped3A = tpu.sem_alloc : memref<!tpu.dma_semaphore, #tpu.memory_space<semaphore_mem>>
      %dma_start3A_362 = tpu.memref_slice %arg5[%mul3A_34] : memref<65536xf32, #tpu.memory_space<hbm>> -> memref<2048xf32, #tpu.memory_space<hbm>>
      %dma_start3A_363 = tpu.memref_slice %arg5[%mul3A_34] : memref<65536xf32, #tpu.memory_space<hbm>> -> memref<2048xf32, #tpu.memory_space<hbm>>
      tpu.enqueue_dma source(%arg10 : memref<2048xf32, #tpu.memory_space<vmem>>) target(%dma_start3A_363 : memref<2048xf32, #tpu.memory_space<hbm>>) target_semaphore(%run_scoped3A : memref<!tpu.dma_semaphore, #tpu.memory_space<semaphore_mem>>)
      %dma_wait3A_364 = tpu.memref_slice %arg5[%mul3A_34] : memref<65536xf32, #tpu.memory_space<hbm>> -> memref<2048xf32, #tpu.memory_space<hbm>>
      %dma_wait3A_365 = tpu.memref_slice %arg5[%mul3A_34] : memref<65536xf32, #tpu.memory_space<hbm>> -> memref<2048xf32, #tpu.memory_space<hbm>>
      tpu.wait_dma2 semaphore(%run_scoped3A : memref<!tpu.dma_semaphore, #tpu.memory_space<semaphore_mem>>) src(%arg10 : memref<2048xf32, #tpu.memory_space<vmem>>) dst(%dma_wait3A_365 : memref<2048xf32, #tpu.memory_space<hbm>>)
      tpu.yield
    }) : () -> ()
    "tpu.region"() ({
      %run_scoped3A = tpu.sem_alloc : memref<!tpu.dma_semaphore, #tpu.memory_space<semaphore_mem>>
      %dma_start3A_362 = tpu.memref_slice %arg6[%mul3A_34] : memref<65536xi32, #tpu.memory_space<hbm>> -> memref<2048xi32, #tpu.memory_space<hbm>>
      %dma_start3A_363 = tpu.memref_slice %arg6[%mul3A_34] : memref<65536xi32, #tpu.memory_space<hbm>> -> memref<2048xi32, #tpu.memory_space<hbm>>
      tpu.enqueue_dma source(%arg11 : memref<2048xi32, #tpu.memory_space<vmem>>) target(%dma_start3A_363 : memref<2048xi32, #tpu.memory_space<hbm>>) target_semaphore(%run_scoped3A : memref<!tpu.dma_semaphore, #tpu.memory_space<semaphore_mem>>)
      %dma_wait3A_364 = tpu.memref_slice %arg6[%mul3A_34] : memref<65536xi32, #tpu.memory_space<hbm>> -> memref<2048xi32, #tpu.memory_space<hbm>>
      %dma_wait3A_365 = tpu.memref_slice %arg6[%mul3A_34] : memref<65536xi32, #tpu.memory_space<hbm>> -> memref<2048xi32, #tpu.memory_space<hbm>>
      tpu.wait_dma2 semaphore(%run_scoped3A : memref<!tpu.dma_semaphore, #tpu.memory_space<semaphore_mem>>) src(%arg11 : memref<2048xi32, #tpu.memory_space<vmem>>) dst(%dma_wait3A_365 : memref<2048xi32, #tpu.memory_space<hbm>>)
      tpu.yield
    }) : () -> ()
    %dma_start3A = arith.constant 0 : i32
    %dma_start3A_44 = tpu.memref_slice %arg11[%dma_start3A] : memref<2048xi32, #tpu.memory_space<vmem>> -> memref<128xi32, #tpu.memory_space<vmem>>
    %dma_start3A_45 = arith.constant 0 : i32
    %dma_start3A_46 = arith.constant 0 : i32
    %dma_start3A_47 = tpu.memref_slice %arg4[%dma_start3A_45, %dma_start3A_46] : memref<2048x128xi32, #tpu.memory_space<hbm>> -> memref<2048x128xi32, #tpu.memory_space<hbm>>
    tpu.enqueue_indirect_dma source(%dma_start3A_47 : memref<2048x128xi32, #tpu.memory_space<hbm>>) target(%arg12 : memref<128x128xi32, #tpu.memory_space<vmem>>) offsets(%dma_start3A_44 : memref<128xi32, #tpu.memory_space<vmem>>) semaphore(%arg14 : memref<!tpu.dma_semaphore, #tpu.memory_space<semaphore_mem>>)
    %dma_start3A_48 = arith.constant 128 : i32
    %dma_start3A_49 = tpu.memref_slice %arg11[%dma_start3A_48] : memref<2048xi32, #tpu.memory_space<vmem>> -> memref<128xi32, #tpu.memory_space<vmem>>
    %dma_start3A_50 = arith.constant 0 : i32
    %dma_start3A_51 = arith.constant 0 : i32
    %dma_start3A_52 = tpu.memref_slice %arg4[%dma_start3A_50, %dma_start3A_51] : memref<2048x128xi32, #tpu.memory_space<hbm>> -> memref<2048x128xi32, #tpu.memory_space<hbm>>
    tpu.enqueue_indirect_dma source(%dma_start3A_52 : memref<2048x128xi32, #tpu.memory_space<hbm>>) target(%arg13 : memref<128x128xi32, #tpu.memory_space<vmem>>) offsets(%dma_start3A_49 : memref<128xi32, #tpu.memory_space<vmem>>) semaphore(%arg15 : memref<!tpu.dma_semaphore, #tpu.memory_space<semaphore_mem>>)
    %dma_wait3A = arith.constant 0 : i32
    %dma_wait3A_53 = tpu.memref_slice %arg11[%dma_wait3A] : memref<2048xi32, #tpu.memory_space<vmem>> -> memref<128xi32, #tpu.memory_space<vmem>>
    %dma_wait3A_54 = arith.constant 0 : i32
    %dma_wait3A_55 = arith.constant 0 : i32
    %dma_wait3A_56 = tpu.memref_slice %arg4[%dma_wait3A_54, %dma_wait3A_55] : memref<2048x128xi32, #tpu.memory_space<hbm>> -> memref<2048x128xi32, #tpu.memory_space<hbm>>
    tpu.wait_indirect_dma semaphore(%arg14 : memref<!tpu.dma_semaphore, #tpu.memory_space<semaphore_mem>>) src(%dma_wait3A_56 : memref<2048x128xi32, #tpu.memory_space<hbm>>) dst(%arg12 : memref<128x128xi32, #tpu.memory_space<vmem>>)
    %add3A_57 = arith.constant 0 : i32
    %add3A_58 = arith.addi %mul3A_34, %add3A_57 : i32
    %dma_start3A_59 = arith.constant 0 : i32
    %dma_start3A_60 = tpu.memref_slice %arg7[%add3A_58, %dma_start3A_59] : memref<65536x128xi32, #tpu.memory_space<hbm>> -> memref<128x128xi32, #tpu.memory_space<hbm>>
    %dma_start3A_61 = arith.constant 0 : i32
    %dma_start3A_62 = tpu.memref_slice %arg7[%add3A_58, %dma_start3A_61] : memref<65536x128xi32, #tpu.memory_space<hbm>> -> memref<128x128xi32, #tpu.memory_space<hbm>>
    tpu.enqueue_dma source(%arg12 : memref<128x128xi32, #tpu.memory_space<vmem>>) target(%dma_start3A_62 : memref<128x128xi32, #tpu.memory_space<hbm>>) target_semaphore(%arg16 : memref<!tpu.dma_semaphore, #tpu.memory_space<semaphore_mem>>)
    %dma_wait3A_63 = arith.constant 0 : i32
    %dma_wait3A_64 = tpu.memref_slice %arg7[%add3A_58, %dma_wait3A_63] : memref<65536x128xi32, #tpu.memory_space<hbm>> -> memref<128x128xi32, #tpu.memory_space<hbm>>
    %dma_wait3A_65 = arith.constant 0 : i32
    %dma_wait3A_66 = tpu.memref_slice %arg7[%add3A_58, %dma_wait3A_65] : memref<65536x128xi32, #tpu.memory_space<hbm>> -> memref<128x128xi32, #tpu.memory_space<hbm>>
    tpu.wait_dma2 semaphore(%arg16 : memref<!tpu.dma_semaphore, #tpu.memory_space<semaphore_mem>>) src(%arg12 : memref<128x128xi32, #tpu.memory_space<vmem>>) dst(%dma_wait3A_66 : memref<128x128xi32, #tpu.memory_space<hbm>>)
    %dma_start3A_67 = arith.constant 256 : i32
    %dma_start3A_68 = tpu.memref_slice %arg11[%dma_start3A_67] : memref<2048xi32, #tpu.memory_space<vmem>> -> memref<128xi32, #tpu.memory_space<vmem>>
    %dma_start3A_69 = arith.constant 0 : i32
    %dma_start3A_70 = arith.constant 0 : i32
    %dma_start3A_71 = tpu.memref_slice %arg4[%dma_start3A_69, %dma_start3A_70] : memref<2048x128xi32, #tpu.memory_space<hbm>> -> memref<2048x128xi32, #tpu.memory_space<hbm>>
    tpu.enqueue_indirect_dma source(%dma_start3A_71 : memref<2048x128xi32, #tpu.memory_space<hbm>>) target(%arg12 : memref<128x128xi32, #tpu.memory_space<vmem>>) offsets(%dma_start3A_68 : memref<128xi32, #tpu.memory_space<vmem>>) semaphore(%arg14 : memref<!tpu.dma_semaphore, #tpu.memory_space<semaphore_mem>>)
    %dma_wait3A_72 = arith.constant 128 : i32
    %dma_wait3A_73 = tpu.memref_slice %arg11[%dma_wait3A_72] : memref<2048xi32, #tpu.memory_space<vmem>> -> memref<128xi32, #tpu.memory_space<vmem>>
    %dma_wait3A_74 = arith.constant 0 : i32
    %dma_wait3A_75 = arith.constant 0 : i32
    %dma_wait3A_76 = tpu.memref_slice %arg4[%dma_wait3A_74, %dma_wait3A_75] : memref<2048x128xi32, #tpu.memory_space<hbm>> -> memref<2048x128xi32, #tpu.memory_space<hbm>>
    tpu.wait_indirect_dma semaphore(%arg15 : memref<!tpu.dma_semaphore, #tpu.memory_space<semaphore_mem>>) src(%dma_wait3A_76 : memref<2048x128xi32, #tpu.memory_space<hbm>>) dst(%arg13 : memref<128x128xi32, #tpu.memory_space<vmem>>)
    %add3A_77 = arith.constant 128 : i32
    %add3A_78 = arith.addi %mul3A_34, %add3A_77 : i32
    %dma_start3A_79 = arith.constant 0 : i32
    %dma_start3A_80 = tpu.memref_slice %arg7[%add3A_78, %dma_start3A_79] : memref<65536x128xi32, #tpu.memory_space<hbm>> -> memref<128x128xi32, #tpu.memory_space<hbm>>
    %dma_start3A_81 = arith.constant 0 : i32
    %dma_start3A_82 = tpu.memref_slice %arg7[%add3A_78, %dma_start3A_81] : memref<65536x128xi32, #tpu.memory_space<hbm>> -> memref<128x128xi32, #tpu.memory_space<hbm>>
    tpu.enqueue_dma source(%arg13 : memref<128x128xi32, #tpu.memory_space<vmem>>) target(%dma_start3A_82 : memref<128x128xi32, #tpu.memory_space<hbm>>) target_semaphore(%arg17 : memref<!tpu.dma_semaphore, #tpu.memory_space<semaphore_mem>>)
    %dma_wait3A_83 = arith.constant 0 : i32
    %dma_wait3A_84 = tpu.memref_slice %arg7[%add3A_78, %dma_wait3A_83] : memref<65536x128xi32, #tpu.memory_space<hbm>> -> memref<128x128xi32, #tpu.memory_space<hbm>>
    %dma_wait3A_85 = arith.constant 0 : i32
    %dma_wait3A_86 = tpu.memref_slice %arg7[%add3A_78, %dma_wait3A_85] : memref<65536x128xi32, #tpu.memory_space<hbm>> -> memref<128x128xi32, #tpu.memory_space<hbm>>
    tpu.wait_dma2 semaphore(%arg17 : memref<!tpu.dma_semaphore, #tpu.memory_space<semaphore_mem>>) src(%arg13 : memref<128x128xi32, #tpu.memory_space<vmem>>) dst(%dma_wait3A_86 : memref<128x128xi32, #tpu.memory_space<hbm>>)
    %dma_start3A_87 = arith.constant 384 : i32
    %dma_start3A_88 = tpu.memref_slice %arg11[%dma_start3A_87] : memref<2048xi32, #tpu.memory_space<vmem>> -> memref<128xi32, #tpu.memory_space<vmem>>
    %dma_start3A_89 = arith.constant 0 : i32
    %dma_start3A_90 = arith.constant 0 : i32
    %dma_start3A_91 = tpu.memref_slice %arg4[%dma_start3A_89, %dma_start3A_90] : memref<2048x128xi32, #tpu.memory_space<hbm>> -> memref<2048x128xi32, #tpu.memory_space<hbm>>
    tpu.enqueue_indirect_dma source(%dma_start3A_91 : memref<2048x128xi32, #tpu.memory_space<hbm>>) target(%arg13 : memref<128x128xi32, #tpu.memory_space<vmem>>) offsets(%dma_start3A_88 : memref<128xi32, #tpu.memory_space<vmem>>) semaphore(%arg15 : memref<!tpu.dma_semaphore, #tpu.memory_space<semaphore_mem>>)
    %dma_wait3A_92 = arith.constant 256 : i32
    %dma_wait3A_93 = tpu.memref_slice %arg11[%dma_wait3A_92] : memref<2048xi32, #tpu.memory_space<vmem>> -> memref<128xi32, #tpu.memory_space<vmem>>
    %dma_wait3A_94 = arith.constant 0 : i32
    %dma_wait3A_95 = arith.constant 0 : i32
    %dma_wait3A_96 = tpu.memref_slice %arg4[%dma_wait3A_94, %dma_wait3A_95] : memref<2048x128xi32, #tpu.memory_space<hbm>> -> memref<2048x128xi32, #tpu.memory_space<hbm>>
    tpu.wait_indirect_dma semaphore(%arg14 : memref<!tpu.dma_semaphore, #tpu.memory_space<semaphore_mem>>) src(%dma_wait3A_96 : memref<2048x128xi32, #tpu.memory_space<hbm>>) dst(%arg12 : memref<128x128xi32, #tpu.memory_space<vmem>>)
    %add3A_97 = arith.constant 256 : i32
    %add3A_98 = arith.addi %mul3A_34, %add3A_97 : i32
    %dma_start3A_99 = arith.constant 0 : i32
    %dma_start3A_100 = tpu.memref_slice %arg7[%add3A_98, %dma_start3A_99] : memref<65536x128xi32, #tpu.memory_space<hbm>> -> memref<128x128xi32, #tpu.memory_space<hbm>>
    %dma_start3A_101 = arith.constant 0 : i32
    %dma_start3A_102 = tpu.memref_slice %arg7[%add3A_98, %dma_start3A_101] : memref<65536x128xi32, #tpu.memory_space<hbm>> -> memref<128x128xi32, #tpu.memory_space<hbm>>
    tpu.enqueue_dma source(%arg12 : memref<128x128xi32, #tpu.memory_space<vmem>>) target(%dma_start3A_102 : memref<128x128xi32, #tpu.memory_space<hbm>>) target_semaphore(%arg16 : memref<!tpu.dma_semaphore, #tpu.memory_space<semaphore_mem>>)
    %dma_wait3A_103 = arith.constant 0 : i32
    %dma_wait3A_104 = tpu.memref_slice %arg7[%add3A_98, %dma_wait3A_103] : memref<65536x128xi32, #tpu.memory_space<hbm>> -> memref<128x128xi32, #tpu.memory_space<hbm>>
    %dma_wait3A_105 = arith.constant 0 : i32
    %dma_wait3A_106 = tpu.memref_slice %arg7[%add3A_98, %dma_wait3A_105] : memref<65536x128xi32, #tpu.memory_space<hbm>> -> memref<128x128xi32, #tpu.memory_space<hbm>>
    tpu.wait_dma2 semaphore(%arg16 : memref<!tpu.dma_semaphore, #tpu.memory_space<semaphore_mem>>) src(%arg12 : memref<128x128xi32, #tpu.memory_space<vmem>>) dst(%dma_wait3A_106 : memref<128x128xi32, #tpu.memory_space<hbm>>)
    %dma_start3A_107 = arith.constant 512 : i32
    %dma_start3A_108 = tpu.memref_slice %arg11[%dma_start3A_107] : memref<2048xi32, #tpu.memory_space<vmem>> -> memref<128xi32, #tpu.memory_space<vmem>>
    %dma_start3A_109 = arith.constant 0 : i32
    %dma_start3A_110 = arith.constant 0 : i32
    %dma_start3A_111 = tpu.memref_slice %arg4[%dma_start3A_109, %dma_start3A_110] : memref<2048x128xi32, #tpu.memory_space<hbm>> -> memref<2048x128xi32, #tpu.memory_space<hbm>>
    tpu.enqueue_indirect_dma source(%dma_start3A_111 : memref<2048x128xi32, #tpu.memory_space<hbm>>) target(%arg12 : memref<128x128xi32, #tpu.memory_space<vmem>>) offsets(%dma_start3A_108 : memref<128xi32, #tpu.memory_space<vmem>>) semaphore(%arg14 : memref<!tpu.dma_semaphore, #tpu.memory_space<semaphore_mem>>)
    %dma_wait3A_112 = arith.constant 384 : i32
    %dma_wait3A_113 = tpu.memref_slice %arg11[%dma_wait3A_112] : memref<2048xi32, #tpu.memory_space<vmem>> -> memref<128xi32, #tpu.memory_space<vmem>>
    %dma_wait3A_114 = arith.constant 0 : i32
    %dma_wait3A_115 = arith.constant 0 : i32
    %dma_wait3A_116 = tpu.memref_slice %arg4[%dma_wait3A_114, %dma_wait3A_115] : memref<2048x128xi32, #tpu.memory_space<hbm>> -> memref<2048x128xi32, #tpu.memory_space<hbm>>
    tpu.wait_indirect_dma semaphore(%arg15 : memref<!tpu.dma_semaphore, #tpu.memory_space<semaphore_mem>>) src(%dma_wait3A_116 : memref<2048x128xi32, #tpu.memory_space<hbm>>) dst(%arg13 : memref<128x128xi32, #tpu.memory_space<vmem>>)
    %add3A_117 = arith.constant 384 : i32
    %add3A_118 = arith.addi %mul3A_34, %add3A_117 : i32
    %dma_start3A_119 = arith.constant 0 : i32
    %dma_start3A_120 = tpu.memref_slice %arg7[%add3A_118, %dma_start3A_119] : memref<65536x128xi32, #tpu.memory_space<hbm>> -> memref<128x128xi32, #tpu.memory_space<hbm>>
    %dma_start3A_121 = arith.constant 0 : i32
    %dma_start3A_122 = tpu.memref_slice %arg7[%add3A_118, %dma_start3A_121] : memref<65536x128xi32, #tpu.memory_space<hbm>> -> memref<128x128xi32, #tpu.memory_space<hbm>>
    tpu.enqueue_dma source(%arg13 : memref<128x128xi32, #tpu.memory_space<vmem>>) target(%dma_start3A_122 : memref<128x128xi32, #tpu.memory_space<hbm>>) target_semaphore(%arg17 : memref<!tpu.dma_semaphore, #tpu.memory_space<semaphore_mem>>)
    %dma_wait3A_123 = arith.constant 0 : i32
    %dma_wait3A_124 = tpu.memref_slice %arg7[%add3A_118, %dma_wait3A_123] : memref<65536x128xi32, #tpu.memory_space<hbm>> -> memref<128x128xi32, #tpu.memory_space<hbm>>
    %dma_wait3A_125 = arith.constant 0 : i32
    %dma_wait3A_126 = tpu.memref_slice %arg7[%add3A_118, %dma_wait3A_125] : memref<65536x128xi32, #tpu.memory_space<hbm>> -> memref<128x128xi32, #tpu.memory_space<hbm>>
    tpu.wait_dma2 semaphore(%arg17 : memref<!tpu.dma_semaphore, #tpu.memory_space<semaphore_mem>>) src(%arg13 : memref<128x128xi32, #tpu.memory_space<vmem>>) dst(%dma_wait3A_126 : memref<128x128xi32, #tpu.memory_space<hbm>>)
    %dma_start3A_127 = arith.constant 640 : i32
    %dma_start3A_128 = tpu.memref_slice %arg11[%dma_start3A_127] : memref<2048xi32, #tpu.memory_space<vmem>> -> memref<128xi32, #tpu.memory_space<vmem>>
    %dma_start3A_129 = arith.constant 0 : i32
    %dma_start3A_130 = arith.constant 0 : i32
    %dma_start3A_131 = tpu.memref_slice %arg4[%dma_start3A_129, %dma_start3A_130] : memref<2048x128xi32, #tpu.memory_space<hbm>> -> memref<2048x128xi32, #tpu.memory_space<hbm>>
    tpu.enqueue_indirect_dma source(%dma_start3A_131 : memref<2048x128xi32, #tpu.memory_space<hbm>>) target(%arg13 : memref<128x128xi32, #tpu.memory_space<vmem>>) offsets(%dma_start3A_128 : memref<128xi32, #tpu.memory_space<vmem>>) semaphore(%arg15 : memref<!tpu.dma_semaphore, #tpu.memory_space<semaphore_mem>>)
    %dma_wait3A_132 = arith.constant 512 : i32
    %dma_wait3A_133 = tpu.memref_slice %arg11[%dma_wait3A_132] : memref<2048xi32, #tpu.memory_space<vmem>> -> memref<128xi32, #tpu.memory_space<vmem>>
    %dma_wait3A_134 = arith.constant 0 : i32
    %dma_wait3A_135 = arith.constant 0 : i32
    %dma_wait3A_136 = tpu.memref_slice %arg4[%dma_wait3A_134, %dma_wait3A_135] : memref<2048x128xi32, #tpu.memory_space<hbm>> -> memref<2048x128xi32, #tpu.memory_space<hbm>>
    tpu.wait_indirect_dma semaphore(%arg14 : memref<!tpu.dma_semaphore, #tpu.memory_space<semaphore_mem>>) src(%dma_wait3A_136 : memref<2048x128xi32, #tpu.memory_space<hbm>>) dst(%arg12 : memref<128x128xi32, #tpu.memory_space<vmem>>)
    %add3A_137 = arith.constant 512 : i32
    %add3A_138 = arith.addi %mul3A_34, %add3A_137 : i32
    %dma_start3A_139 = arith.constant 0 : i32
    %dma_start3A_140 = tpu.memref_slice %arg7[%add3A_138, %dma_start3A_139] : memref<65536x128xi32, #tpu.memory_space<hbm>> -> memref<128x128xi32, #tpu.memory_space<hbm>>
    %dma_start3A_141 = arith.constant 0 : i32
    %dma_start3A_142 = tpu.memref_slice %arg7[%add3A_138, %dma_start3A_141] : memref<65536x128xi32, #tpu.memory_space<hbm>> -> memref<128x128xi32, #tpu.memory_space<hbm>>
    tpu.enqueue_dma source(%arg12 : memref<128x128xi32, #tpu.memory_space<vmem>>) target(%dma_start3A_142 : memref<128x128xi32, #tpu.memory_space<hbm>>) target_semaphore(%arg16 : memref<!tpu.dma_semaphore, #tpu.memory_space<semaphore_mem>>)
    %dma_wait3A_143 = arith.constant 0 : i32
    %dma_wait3A_144 = tpu.memref_slice %arg7[%add3A_138, %dma_wait3A_143] : memref<65536x128xi32, #tpu.memory_space<hbm>> -> memref<128x128xi32, #tpu.memory_space<hbm>>
    %dma_wait3A_145 = arith.constant 0 : i32
    %dma_wait3A_146 = tpu.memref_slice %arg7[%add3A_138, %dma_wait3A_145] : memref<65536x128xi32, #tpu.memory_space<hbm>> -> memref<128x128xi32, #tpu.memory_space<hbm>>
    tpu.wait_dma2 semaphore(%arg16 : memref<!tpu.dma_semaphore, #tpu.memory_space<semaphore_mem>>) src(%arg12 : memref<128x128xi32, #tpu.memory_space<vmem>>) dst(%dma_wait3A_146 : memref<128x128xi32, #tpu.memory_space<hbm>>)
    %dma_start3A_147 = arith.constant 768 : i32
    %dma_start3A_148 = tpu.memref_slice %arg11[%dma_start3A_147] : memref<2048xi32, #tpu.memory_space<vmem>> -> memref<128xi32, #tpu.memory_space<vmem>>
    %dma_start3A_149 = arith.constant 0 : i32
    %dma_start3A_150 = arith.constant 0 : i32
    %dma_start3A_151 = tpu.memref_slice %arg4[%dma_start3A_149, %dma_start3A_150] : memref<2048x128xi32, #tpu.memory_space<hbm>> -> memref<2048x128xi32, #tpu.memory_space<hbm>>
    tpu.enqueue_indirect_dma source(%dma_start3A_151 : memref<2048x128xi32, #tpu.memory_space<hbm>>) target(%arg12 : memref<128x128xi32, #tpu.memory_space<vmem>>) offsets(%dma_start3A_148 : memref<128xi32, #tpu.memory_space<vmem>>) semaphore(%arg14 : memref<!tpu.dma_semaphore, #tpu.memory_space<semaphore_mem>>)
    %dma_wait3A_152 = arith.constant 640 : i32
    %dma_wait3A_153 = tpu.memref_slice %arg11[%dma_wait3A_152] : memref<2048xi32, #tpu.memory_space<vmem>> -> memref<128xi32, #tpu.memory_space<vmem>>
    %dma_wait3A_154 = arith.constant 0 : i32
    %dma_wait3A_155 = arith.constant 0 : i32
    %dma_wait3A_156 = tpu.memref_slice %arg4[%dma_wait3A_154, %dma_wait3A_155] : memref<2048x128xi32, #tpu.memory_space<hbm>> -> memref<2048x128xi32, #tpu.memory_space<hbm>>
    tpu.wait_indirect_dma semaphore(%arg15 : memref<!tpu.dma_semaphore, #tpu.memory_space<semaphore_mem>>) src(%dma_wait3A_156 : memref<2048x128xi32, #tpu.memory_space<hbm>>) dst(%arg13 : memref<128x128xi32, #tpu.memory_space<vmem>>)
    %add3A_157 = arith.constant 640 : i32
    %add3A_158 = arith.addi %mul3A_34, %add3A_157 : i32
    %dma_start3A_159 = arith.constant 0 : i32
    %dma_start3A_160 = tpu.memref_slice %arg7[%add3A_158, %dma_start3A_159] : memref<65536x128xi32, #tpu.memory_space<hbm>> -> memref<128x128xi32, #tpu.memory_space<hbm>>
    %dma_start3A_161 = arith.constant 0 : i32
    %dma_start3A_162 = tpu.memref_slice %arg7[%add3A_158, %dma_start3A_161] : memref<65536x128xi32, #tpu.memory_space<hbm>> -> memref<128x128xi32, #tpu.memory_space<hbm>>
    tpu.enqueue_dma source(%arg13 : memref<128x128xi32, #tpu.memory_space<vmem>>) target(%dma_start3A_162 : memref<128x128xi32, #tpu.memory_space<hbm>>) target_semaphore(%arg17 : memref<!tpu.dma_semaphore, #tpu.memory_space<semaphore_mem>>)
    %dma_wait3A_163 = arith.constant 0 : i32
    %dma_wait3A_164 = tpu.memref_slice %arg7[%add3A_158, %dma_wait3A_163] : memref<65536x128xi32, #tpu.memory_space<hbm>> -> memref<128x128xi32, #tpu.memory_space<hbm>>
    %dma_wait3A_165 = arith.constant 0 : i32
    %dma_wait3A_166 = tpu.memref_slice %arg7[%add3A_158, %dma_wait3A_165] : memref<65536x128xi32, #tpu.memory_space<hbm>> -> memref<128x128xi32, #tpu.memory_space<hbm>>
    tpu.wait_dma2 semaphore(%arg17 : memref<!tpu.dma_semaphore, #tpu.memory_space<semaphore_mem>>) src(%arg13 : memref<128x128xi32, #tpu.memory_space<vmem>>) dst(%dma_wait3A_166 : memref<128x128xi32, #tpu.memory_space<hbm>>)
    %dma_start3A_167 = arith.constant 896 : i32
    %dma_start3A_168 = tpu.memref_slice %arg11[%dma_start3A_167] : memref<2048xi32, #tpu.memory_space<vmem>> -> memref<128xi32, #tpu.memory_space<vmem>>
    %dma_start3A_169 = arith.constant 0 : i32
    %dma_start3A_170 = arith.constant 0 : i32
    %dma_start3A_171 = tpu.memref_slice %arg4[%dma_start3A_169, %dma_start3A_170] : memref<2048x128xi32, #tpu.memory_space<hbm>> -> memref<2048x128xi32, #tpu.memory_space<hbm>>
    tpu.enqueue_indirect_dma source(%dma_start3A_171 : memref<2048x128xi32, #tpu.memory_space<hbm>>) target(%arg13 : memref<128x128xi32, #tpu.memory_space<vmem>>) offsets(%dma_start3A_168 : memref<128xi32, #tpu.memory_space<vmem>>) semaphore(%arg15 : memref<!tpu.dma_semaphore, #tpu.memory_space<semaphore_mem>>)
    %dma_wait3A_172 = arith.constant 768 : i32
    %dma_wait3A_173 = tpu.memref_slice %arg11[%dma_wait3A_172] : memref<2048xi32, #tpu.memory_space<vmem>> -> memref<128xi32, #tpu.memory_space<vmem>>
    %dma_wait3A_174 = arith.constant 0 : i32
    %dma_wait3A_175 = arith.constant 0 : i32
    %dma_wait3A_176 = tpu.memref_slice %arg4[%dma_wait3A_174, %dma_wait3A_175] : memref<2048x128xi32, #tpu.memory_space<hbm>> -> memref<2048x128xi32, #tpu.memory_space<hbm>>
    tpu.wait_indirect_dma semaphore(%arg14 : memref<!tpu.dma_semaphore, #tpu.memory_space<semaphore_mem>>) src(%dma_wait3A_176 : memref<2048x128xi32, #tpu.memory_space<hbm>>) dst(%arg12 : memref<128x128xi32, #tpu.memory_space<vmem>>)
    %add3A_177 = arith.constant 768 : i32
    %add3A_178 = arith.addi %mul3A_34, %add3A_177 : i32
    %dma_start3A_179 = arith.constant 0 : i32
    %dma_start3A_180 = tpu.memref_slice %arg7[%add3A_178, %dma_start3A_179] : memref<65536x128xi32, #tpu.memory_space<hbm>> -> memref<128x128xi32, #tpu.memory_space<hbm>>
    %dma_start3A_181 = arith.constant 0 : i32
    %dma_start3A_182 = tpu.memref_slice %arg7[%add3A_178, %dma_start3A_181] : memref<65536x128xi32, #tpu.memory_space<hbm>> -> memref<128x128xi32, #tpu.memory_space<hbm>>
    tpu.enqueue_dma source(%arg12 : memref<128x128xi32, #tpu.memory_space<vmem>>) target(%dma_start3A_182 : memref<128x128xi32, #tpu.memory_space<hbm>>) target_semaphore(%arg16 : memref<!tpu.dma_semaphore, #tpu.memory_space<semaphore_mem>>)
    %dma_wait3A_183 = arith.constant 0 : i32
    %dma_wait3A_184 = tpu.memref_slice %arg7[%add3A_178, %dma_wait3A_183] : memref<65536x128xi32, #tpu.memory_space<hbm>> -> memref<128x128xi32, #tpu.memory_space<hbm>>
    %dma_wait3A_185 = arith.constant 0 : i32
    %dma_wait3A_186 = tpu.memref_slice %arg7[%add3A_178, %dma_wait3A_185] : memref<65536x128xi32, #tpu.memory_space<hbm>> -> memref<128x128xi32, #tpu.memory_space<hbm>>
    tpu.wait_dma2 semaphore(%arg16 : memref<!tpu.dma_semaphore, #tpu.memory_space<semaphore_mem>>) src(%arg12 : memref<128x128xi32, #tpu.memory_space<vmem>>) dst(%dma_wait3A_186 : memref<128x128xi32, #tpu.memory_space<hbm>>)
    %dma_start3A_187 = arith.constant 1024 : i32
    %dma_start3A_188 = tpu.memref_slice %arg11[%dma_start3A_187] : memref<2048xi32, #tpu.memory_space<vmem>> -> memref<128xi32, #tpu.memory_space<vmem>>
    %dma_start3A_189 = arith.constant 0 : i32
    %dma_start3A_190 = arith.constant 0 : i32
    %dma_start3A_191 = tpu.memref_slice %arg4[%dma_start3A_189, %dma_start3A_190] : memref<2048x128xi32, #tpu.memory_space<hbm>> -> memref<2048x128xi32, #tpu.memory_space<hbm>>
    tpu.enqueue_indirect_dma source(%dma_start3A_191 : memref<2048x128xi32, #tpu.memory_space<hbm>>) target(%arg12 : memref<128x128xi32, #tpu.memory_space<vmem>>) offsets(%dma_start3A_188 : memref<128xi32, #tpu.memory_space<vmem>>) semaphore(%arg14 : memref<!tpu.dma_semaphore, #tpu.memory_space<semaphore_mem>>)
    %dma_wait3A_192 = arith.constant 896 : i32
    %dma_wait3A_193 = tpu.memref_slice %arg11[%dma_wait3A_192] : memref<2048xi32, #tpu.memory_space<vmem>> -> memref<128xi32, #tpu.memory_space<vmem>>
    %dma_wait3A_194 = arith.constant 0 : i32
    %dma_wait3A_195 = arith.constant 0 : i32
    %dma_wait3A_196 = tpu.memref_slice %arg4[%dma_wait3A_194, %dma_wait3A_195] : memref<2048x128xi32, #tpu.memory_space<hbm>> -> memref<2048x128xi32, #tpu.memory_space<hbm>>
    tpu.wait_indirect_dma semaphore(%arg15 : memref<!tpu.dma_semaphore, #tpu.memory_space<semaphore_mem>>) src(%dma_wait3A_196 : memref<2048x128xi32, #tpu.memory_space<hbm>>) dst(%arg13 : memref<128x128xi32, #tpu.memory_space<vmem>>)
    %add3A_197 = arith.constant 896 : i32
    %add3A_198 = arith.addi %mul3A_34, %add3A_197 : i32
    %dma_start3A_199 = arith.constant 0 : i32
    %dma_start3A_200 = tpu.memref_slice %arg7[%add3A_198, %dma_start3A_199] : memref<65536x128xi32, #tpu.memory_space<hbm>> -> memref<128x128xi32, #tpu.memory_space<hbm>>
    %dma_start3A_201 = arith.constant 0 : i32
    %dma_start3A_202 = tpu.memref_slice %arg7[%add3A_198, %dma_start3A_201] : memref<65536x128xi32, #tpu.memory_space<hbm>> -> memref<128x128xi32, #tpu.memory_space<hbm>>
    tpu.enqueue_dma source(%arg13 : memref<128x128xi32, #tpu.memory_space<vmem>>) target(%dma_start3A_202 : memref<128x128xi32, #tpu.memory_space<hbm>>) target_semaphore(%arg17 : memref<!tpu.dma_semaphore, #tpu.memory_space<semaphore_mem>>)
    %dma_wait3A_203 = arith.constant 0 : i32
    %dma_wait3A_204 = tpu.memref_slice %arg7[%add3A_198, %dma_wait3A_203] : memref<65536x128xi32, #tpu.memory_space<hbm>> -> memref<128x128xi32, #tpu.memory_space<hbm>>
    %dma_wait3A_205 = arith.constant 0 : i32
    %dma_wait3A_206 = tpu.memref_slice %arg7[%add3A_198, %dma_wait3A_205] : memref<65536x128xi32, #tpu.memory_space<hbm>> -> memref<128x128xi32, #tpu.memory_space<hbm>>
    tpu.wait_dma2 semaphore(%arg17 : memref<!tpu.dma_semaphore, #tpu.memory_space<semaphore_mem>>) src(%arg13 : memref<128x128xi32, #tpu.memory_space<vmem>>) dst(%dma_wait3A_206 : memref<128x128xi32, #tpu.memory_space<hbm>>)
    %dma_start3A_207 = arith.constant 1152 : i32
    %dma_start3A_208 = tpu.memref_slice %arg11[%dma_start3A_207] : memref<2048xi32, #tpu.memory_space<vmem>> -> memref<128xi32, #tpu.memory_space<vmem>>
    %dma_start3A_209 = arith.constant 0 : i32
    %dma_start3A_210 = arith.constant 0 : i32
    %dma_start3A_211 = tpu.memref_slice %arg4[%dma_start3A_209, %dma_start3A_210] : memref<2048x128xi32, #tpu.memory_space<hbm>> -> memref<2048x128xi32, #tpu.memory_space<hbm>>
    tpu.enqueue_indirect_dma source(%dma_start3A_211 : memref<2048x128xi32, #tpu.memory_space<hbm>>) target(%arg13 : memref<128x128xi32, #tpu.memory_space<vmem>>) offsets(%dma_start3A_208 : memref<128xi32, #tpu.memory_space<vmem>>) semaphore(%arg15 : memref<!tpu.dma_semaphore, #tpu.memory_space<semaphore_mem>>)
    %dma_wait3A_212 = arith.constant 1024 : i32
    %dma_wait3A_213 = tpu.memref_slice %arg11[%dma_wait3A_212] : memref<2048xi32, #tpu.memory_space<vmem>> -> memref<128xi32, #tpu.memory_space<vmem>>
    %dma_wait3A_214 = arith.constant 0 : i32
    %dma_wait3A_215 = arith.constant 0 : i32
    %dma_wait3A_216 = tpu.memref_slice %arg4[%dma_wait3A_214, %dma_wait3A_215] : memref<2048x128xi32, #tpu.memory_space<hbm>> -> memref<2048x128xi32, #tpu.memory_space<hbm>>
    tpu.wait_indirect_dma semaphore(%arg14 : memref<!tpu.dma_semaphore, #tpu.memory_space<semaphore_mem>>) src(%dma_wait3A_216 : memref<2048x128xi32, #tpu.memory_space<hbm>>) dst(%arg12 : memref<128x128xi32, #tpu.memory_space<vmem>>)
    %add3A_217 = arith.constant 1024 : i32
    %add3A_218 = arith.addi %mul3A_34, %add3A_217 : i32
    %dma_start3A_219 = arith.constant 0 : i32
    %dma_start3A_220 = tpu.memref_slice %arg7[%add3A_218, %dma_start3A_219] : memref<65536x128xi32, #tpu.memory_space<hbm>> -> memref<128x128xi32, #tpu.memory_space<hbm>>
    %dma_start3A_221 = arith.constant 0 : i32
    %dma_start3A_222 = tpu.memref_slice %arg7[%add3A_218, %dma_start3A_221] : memref<65536x128xi32, #tpu.memory_space<hbm>> -> memref<128x128xi32, #tpu.memory_space<hbm>>
    tpu.enqueue_dma source(%arg12 : memref<128x128xi32, #tpu.memory_space<vmem>>) target(%dma_start3A_222 : memref<128x128xi32, #tpu.memory_space<hbm>>) target_semaphore(%arg16 : memref<!tpu.dma_semaphore, #tpu.memory_space<semaphore_mem>>)
    %dma_wait3A_223 = arith.constant 0 : i32
    %dma_wait3A_224 = tpu.memref_slice %arg7[%add3A_218, %dma_wait3A_223] : memref<65536x128xi32, #tpu.memory_space<hbm>> -> memref<128x128xi32, #tpu.memory_space<hbm>>
    %dma_wait3A_225 = arith.constant 0 : i32
    %dma_wait3A_226 = tpu.memref_slice %arg7[%add3A_218, %dma_wait3A_225] : memref<65536x128xi32, #tpu.memory_space<hbm>> -> memref<128x128xi32, #tpu.memory_space<hbm>>
    tpu.wait_dma2 semaphore(%arg16 : memref<!tpu.dma_semaphore, #tpu.memory_space<semaphore_mem>>) src(%arg12 : memref<128x128xi32, #tpu.memory_space<vmem>>) dst(%dma_wait3A_226 : memref<128x128xi32, #tpu.memory_space<hbm>>)
    %dma_start3A_227 = arith.constant 1280 : i32
    %dma_start3A_228 = tpu.memref_slice %arg11[%dma_start3A_227] : memref<2048xi32, #tpu.memory_space<vmem>> -> memref<128xi32, #tpu.memory_space<vmem>>
    %dma_start3A_229 = arith.constant 0 : i32
    %dma_start3A_230 = arith.constant 0 : i32
    %dma_start3A_231 = tpu.memref_slice %arg4[%dma_start3A_229, %dma_start3A_230] : memref<2048x128xi32, #tpu.memory_space<hbm>> -> memref<2048x128xi32, #tpu.memory_space<hbm>>
    tpu.enqueue_indirect_dma source(%dma_start3A_231 : memref<2048x128xi32, #tpu.memory_space<hbm>>) target(%arg12 : memref<128x128xi32, #tpu.memory_space<vmem>>) offsets(%dma_start3A_228 : memref<128xi32, #tpu.memory_space<vmem>>) semaphore(%arg14 : memref<!tpu.dma_semaphore, #tpu.memory_space<semaphore_mem>>)
    %dma_wait3A_232 = arith.constant 1152 : i32
    %dma_wait3A_233 = tpu.memref_slice %arg11[%dma_wait3A_232] : memref<2048xi32, #tpu.memory_space<vmem>> -> memref<128xi32, #tpu.memory_space<vmem>>
    %dma_wait3A_234 = arith.constant 0 : i32
    %dma_wait3A_235 = arith.constant 0 : i32
    %dma_wait3A_236 = tpu.memref_slice %arg4[%dma_wait3A_234, %dma_wait3A_235] : memref<2048x128xi32, #tpu.memory_space<hbm>> -> memref<2048x128xi32, #tpu.memory_space<hbm>>
    tpu.wait_indirect_dma semaphore(%arg15 : memref<!tpu.dma_semaphore, #tpu.memory_space<semaphore_mem>>) src(%dma_wait3A_236 : memref<2048x128xi32, #tpu.memory_space<hbm>>) dst(%arg13 : memref<128x128xi32, #tpu.memory_space<vmem>>)
    %add3A_237 = arith.constant 1152 : i32
    %add3A_238 = arith.addi %mul3A_34, %add3A_237 : i32
    %dma_start3A_239 = arith.constant 0 : i32
    %dma_start3A_240 = tpu.memref_slice %arg7[%add3A_238, %dma_start3A_239] : memref<65536x128xi32, #tpu.memory_space<hbm>> -> memref<128x128xi32, #tpu.memory_space<hbm>>
    %dma_start3A_241 = arith.constant 0 : i32
    %dma_start3A_242 = tpu.memref_slice %arg7[%add3A_238, %dma_start3A_241] : memref<65536x128xi32, #tpu.memory_space<hbm>> -> memref<128x128xi32, #tpu.memory_space<hbm>>
    tpu.enqueue_dma source(%arg13 : memref<128x128xi32, #tpu.memory_space<vmem>>) target(%dma_start3A_242 : memref<128x128xi32, #tpu.memory_space<hbm>>) target_semaphore(%arg17 : memref<!tpu.dma_semaphore, #tpu.memory_space<semaphore_mem>>)
    %dma_wait3A_243 = arith.constant 0 : i32
    %dma_wait3A_244 = tpu.memref_slice %arg7[%add3A_238, %dma_wait3A_243] : memref<65536x128xi32, #tpu.memory_space<hbm>> -> memref<128x128xi32, #tpu.memory_space<hbm>>
    %dma_wait3A_245 = arith.constant 0 : i32
    %dma_wait3A_246 = tpu.memref_slice %arg7[%add3A_238, %dma_wait3A_245] : memref<65536x128xi32, #tpu.memory_space<hbm>> -> memref<128x128xi32, #tpu.memory_space<hbm>>
    tpu.wait_dma2 semaphore(%arg17 : memref<!tpu.dma_semaphore, #tpu.memory_space<semaphore_mem>>) src(%arg13 : memref<128x128xi32, #tpu.memory_space<vmem>>) dst(%dma_wait3A_246 : memref<128x128xi32, #tpu.memory_space<hbm>>)
    %dma_start3A_247 = arith.constant 1408 : i32
    %dma_start3A_248 = tpu.memref_slice %arg11[%dma_start3A_247] : memref<2048xi32, #tpu.memory_space<vmem>> -> memref<128xi32, #tpu.memory_space<vmem>>
    %dma_start3A_249 = arith.constant 0 : i32
    %dma_start3A_250 = arith.constant 0 : i32
    %dma_start3A_251 = tpu.memref_slice %arg4[%dma_start3A_249, %dma_start3A_250] : memref<2048x128xi32, #tpu.memory_space<hbm>> -> memref<2048x128xi32, #tpu.memory_space<hbm>>
    tpu.enqueue_indirect_dma source(%dma_start3A_251 : memref<2048x128xi32, #tpu.memory_space<hbm>>) target(%arg13 : memref<128x128xi32, #tpu.memory_space<vmem>>) offsets(%dma_start3A_248 : memref<128xi32, #tpu.memory_space<vmem>>) semaphore(%arg15 : memref<!tpu.dma_semaphore, #tpu.memory_space<semaphore_mem>>)
    %dma_wait3A_252 = arith.constant 1280 : i32
    %dma_wait3A_253 = tpu.memref_slice %arg11[%dma_wait3A_252] : memref<2048xi32, #tpu.memory_space<vmem>> -> memref<128xi32, #tpu.memory_space<vmem>>
    %dma_wait3A_254 = arith.constant 0 : i32
    %dma_wait3A_255 = arith.constant 0 : i32
    %dma_wait3A_256 = tpu.memref_slice %arg4[%dma_wait3A_254, %dma_wait3A_255] : memref<2048x128xi32, #tpu.memory_space<hbm>> -> memref<2048x128xi32, #tpu.memory_space<hbm>>
    tpu.wait_indirect_dma semaphore(%arg14 : memref<!tpu.dma_semaphore, #tpu.memory_space<semaphore_mem>>) src(%dma_wait3A_256 : memref<2048x128xi32, #tpu.memory_space<hbm>>) dst(%arg12 : memref<128x128xi32, #tpu.memory_space<vmem>>)
    %add3A_257 = arith.constant 1280 : i32
    %add3A_258 = arith.addi %mul3A_34, %add3A_257 : i32
    %dma_start3A_259 = arith.constant 0 : i32
    %dma_start3A_260 = tpu.memref_slice %arg7[%add3A_258, %dma_start3A_259] : memref<65536x128xi32, #tpu.memory_space<hbm>> -> memref<128x128xi32, #tpu.memory_space<hbm>>
    %dma_start3A_261 = arith.constant 0 : i32
    %dma_start3A_262 = tpu.memref_slice %arg7[%add3A_258, %dma_start3A_261] : memref<65536x128xi32, #tpu.memory_space<hbm>> -> memref<128x128xi32, #tpu.memory_space<hbm>>
    tpu.enqueue_dma source(%arg12 : memref<128x128xi32, #tpu.memory_space<vmem>>) target(%dma_start3A_262 : memref<128x128xi32, #tpu.memory_space<hbm>>) target_semaphore(%arg16 : memref<!tpu.dma_semaphore, #tpu.memory_space<semaphore_mem>>)
    %dma_wait3A_263 = arith.constant 0 : i32
    %dma_wait3A_264 = tpu.memref_slice %arg7[%add3A_258, %dma_wait3A_263] : memref<65536x128xi32, #tpu.memory_space<hbm>> -> memref<128x128xi32, #tpu.memory_space<hbm>>
    %dma_wait3A_265 = arith.constant 0 : i32
    %dma_wait3A_266 = tpu.memref_slice %arg7[%add3A_258, %dma_wait3A_265] : memref<65536x128xi32, #tpu.memory_space<hbm>> -> memref<128x128xi32, #tpu.memory_space<hbm>>
    tpu.wait_dma2 semaphore(%arg16 : memref<!tpu.dma_semaphore, #tpu.memory_space<semaphore_mem>>) src(%arg12 : memref<128x128xi32, #tpu.memory_space<vmem>>) dst(%dma_wait3A_266 : memref<128x128xi32, #tpu.memory_space<hbm>>)
    %dma_start3A_267 = arith.constant 1536 : i32
    %dma_start3A_268 = tpu.memref_slice %arg11[%dma_start3A_267] : memref<2048xi32, #tpu.memory_space<vmem>> -> memref<128xi32, #tpu.memory_space<vmem>>
    %dma_start3A_269 = arith.constant 0 : i32
    %dma_start3A_270 = arith.constant 0 : i32
    %dma_start3A_271 = tpu.memref_slice %arg4[%dma_start3A_269, %dma_start3A_270] : memref<2048x128xi32, #tpu.memory_space<hbm>> -> memref<2048x128xi32, #tpu.memory_space<hbm>>
    tpu.enqueue_indirect_dma source(%dma_start3A_271 : memref<2048x128xi32, #tpu.memory_space<hbm>>) target(%arg12 : memref<128x128xi32, #tpu.memory_space<vmem>>) offsets(%dma_start3A_268 : memref<128xi32, #tpu.memory_space<vmem>>) semaphore(%arg14 : memref<!tpu.dma_semaphore, #tpu.memory_space<semaphore_mem>>)
    %dma_wait3A_272 = arith.constant 1408 : i32
    %dma_wait3A_273 = tpu.memref_slice %arg11[%dma_wait3A_272] : memref<2048xi32, #tpu.memory_space<vmem>> -> memref<128xi32, #tpu.memory_space<vmem>>
    %dma_wait3A_274 = arith.constant 0 : i32
    %dma_wait3A_275 = arith.constant 0 : i32
    %dma_wait3A_276 = tpu.memref_slice %arg4[%dma_wait3A_274, %dma_wait3A_275] : memref<2048x128xi32, #tpu.memory_space<hbm>> -> memref<2048x128xi32, #tpu.memory_space<hbm>>
    tpu.wait_indirect_dma semaphore(%arg15 : memref<!tpu.dma_semaphore, #tpu.memory_space<semaphore_mem>>) src(%dma_wait3A_276 : memref<2048x128xi32, #tpu.memory_space<hbm>>) dst(%arg13 : memref<128x128xi32, #tpu.memory_space<vmem>>)
    %add3A_277 = arith.constant 1408 : i32
    %add3A_278 = arith.addi %mul3A_34, %add3A_277 : i32
    %dma_start3A_279 = arith.constant 0 : i32
    %dma_start3A_280 = tpu.memref_slice %arg7[%add3A_278, %dma_start3A_279] : memref<65536x128xi32, #tpu.memory_space<hbm>> -> memref<128x128xi32, #tpu.memory_space<hbm>>
    %dma_start3A_281 = arith.constant 0 : i32
    %dma_start3A_282 = tpu.memref_slice %arg7[%add3A_278, %dma_start3A_281] : memref<65536x128xi32, #tpu.memory_space<hbm>> -> memref<128x128xi32, #tpu.memory_space<hbm>>
    tpu.enqueue_dma source(%arg13 : memref<128x128xi32, #tpu.memory_space<vmem>>) target(%dma_start3A_282 : memref<128x128xi32, #tpu.memory_space<hbm>>) target_semaphore(%arg17 : memref<!tpu.dma_semaphore, #tpu.memory_space<semaphore_mem>>)
    %dma_wait3A_283 = arith.constant 0 : i32
    %dma_wait3A_284 = tpu.memref_slice %arg7[%add3A_278, %dma_wait3A_283] : memref<65536x128xi32, #tpu.memory_space<hbm>> -> memref<128x128xi32, #tpu.memory_space<hbm>>
    %dma_wait3A_285 = arith.constant 0 : i32
    %dma_wait3A_286 = tpu.memref_slice %arg7[%add3A_278, %dma_wait3A_285] : memref<65536x128xi32, #tpu.memory_space<hbm>> -> memref<128x128xi32, #tpu.memory_space<hbm>>
    tpu.wait_dma2 semaphore(%arg17 : memref<!tpu.dma_semaphore, #tpu.memory_space<semaphore_mem>>) src(%arg13 : memref<128x128xi32, #tpu.memory_space<vmem>>) dst(%dma_wait3A_286 : memref<128x128xi32, #tpu.memory_space<hbm>>)
    %dma_start3A_287 = arith.constant 1664 : i32
    %dma_start3A_288 = tpu.memref_slice %arg11[%dma_start3A_287] : memref<2048xi32, #tpu.memory_space<vmem>> -> memref<128xi32, #tpu.memory_space<vmem>>
    %dma_start3A_289 = arith.constant 0 : i32
    %dma_start3A_290 = arith.constant 0 : i32
    %dma_start3A_291 = tpu.memref_slice %arg4[%dma_start3A_289, %dma_start3A_290] : memref<2048x128xi32, #tpu.memory_space<hbm>> -> memref<2048x128xi32, #tpu.memory_space<hbm>>
    tpu.enqueue_indirect_dma source(%dma_start3A_291 : memref<2048x128xi32, #tpu.memory_space<hbm>>) target(%arg13 : memref<128x128xi32, #tpu.memory_space<vmem>>) offsets(%dma_start3A_288 : memref<128xi32, #tpu.memory_space<vmem>>) semaphore(%arg15 : memref<!tpu.dma_semaphore, #tpu.memory_space<semaphore_mem>>)
    %dma_wait3A_292 = arith.constant 1536 : i32
    %dma_wait3A_293 = tpu.memref_slice %arg11[%dma_wait3A_292] : memref<2048xi32, #tpu.memory_space<vmem>> -> memref<128xi32, #tpu.memory_space<vmem>>
    %dma_wait3A_294 = arith.constant 0 : i32
    %dma_wait3A_295 = arith.constant 0 : i32
    %dma_wait3A_296 = tpu.memref_slice %arg4[%dma_wait3A_294, %dma_wait3A_295] : memref<2048x128xi32, #tpu.memory_space<hbm>> -> memref<2048x128xi32, #tpu.memory_space<hbm>>
    tpu.wait_indirect_dma semaphore(%arg14 : memref<!tpu.dma_semaphore, #tpu.memory_space<semaphore_mem>>) src(%dma_wait3A_296 : memref<2048x128xi32, #tpu.memory_space<hbm>>) dst(%arg12 : memref<128x128xi32, #tpu.memory_space<vmem>>)
    %add3A_297 = arith.constant 1536 : i32
    %add3A_298 = arith.addi %mul3A_34, %add3A_297 : i32
    %dma_start3A_299 = arith.constant 0 : i32
    %dma_start3A_300 = tpu.memref_slice %arg7[%add3A_298, %dma_start3A_299] : memref<65536x128xi32, #tpu.memory_space<hbm>> -> memref<128x128xi32, #tpu.memory_space<hbm>>
    %dma_start3A_301 = arith.constant 0 : i32
    %dma_start3A_302 = tpu.memref_slice %arg7[%add3A_298, %dma_start3A_301] : memref<65536x128xi32, #tpu.memory_space<hbm>> -> memref<128x128xi32, #tpu.memory_space<hbm>>
    tpu.enqueue_dma source(%arg12 : memref<128x128xi32, #tpu.memory_space<vmem>>) target(%dma_start3A_302 : memref<128x128xi32, #tpu.memory_space<hbm>>) target_semaphore(%arg16 : memref<!tpu.dma_semaphore, #tpu.memory_space<semaphore_mem>>)
    %dma_wait3A_303 = arith.constant 0 : i32
    %dma_wait3A_304 = tpu.memref_slice %arg7[%add3A_298, %dma_wait3A_303] : memref<65536x128xi32, #tpu.memory_space<hbm>> -> memref<128x128xi32, #tpu.memory_space<hbm>>
    %dma_wait3A_305 = arith.constant 0 : i32
    %dma_wait3A_306 = tpu.memref_slice %arg7[%add3A_298, %dma_wait3A_305] : memref<65536x128xi32, #tpu.memory_space<hbm>> -> memref<128x128xi32, #tpu.memory_space<hbm>>
    tpu.wait_dma2 semaphore(%arg16 : memref<!tpu.dma_semaphore, #tpu.memory_space<semaphore_mem>>) src(%arg12 : memref<128x128xi32, #tpu.memory_space<vmem>>) dst(%dma_wait3A_306 : memref<128x128xi32, #tpu.memory_space<hbm>>)
    %dma_start3A_307 = arith.constant 1792 : i32
    %dma_start3A_308 = tpu.memref_slice %arg11[%dma_start3A_307] : memref<2048xi32, #tpu.memory_space<vmem>> -> memref<128xi32, #tpu.memory_space<vmem>>
    %dma_start3A_309 = arith.constant 0 : i32
    %dma_start3A_310 = arith.constant 0 : i32
    %dma_start3A_311 = tpu.memref_slice %arg4[%dma_start3A_309, %dma_start3A_310] : memref<2048x128xi32, #tpu.memory_space<hbm>> -> memref<2048x128xi32, #tpu.memory_space<hbm>>
    tpu.enqueue_indirect_dma source(%dma_start3A_311 : memref<2048x128xi32, #tpu.memory_space<hbm>>) target(%arg12 : memref<128x128xi32, #tpu.memory_space<vmem>>) offsets(%dma_start3A_308 : memref<128xi32, #tpu.memory_space<vmem>>) semaphore(%arg14 : memref<!tpu.dma_semaphore, #tpu.memory_space<semaphore_mem>>)
    %dma_wait3A_312 = arith.constant 1664 : i32
    %dma_wait3A_313 = tpu.memref_slice %arg11[%dma_wait3A_312] : memref<2048xi32, #tpu.memory_space<vmem>> -> memref<128xi32, #tpu.memory_space<vmem>>
    %dma_wait3A_314 = arith.constant 0 : i32
    %dma_wait3A_315 = arith.constant 0 : i32
    %dma_wait3A_316 = tpu.memref_slice %arg4[%dma_wait3A_314, %dma_wait3A_315] : memref<2048x128xi32, #tpu.memory_space<hbm>> -> memref<2048x128xi32, #tpu.memory_space<hbm>>
    tpu.wait_indirect_dma semaphore(%arg15 : memref<!tpu.dma_semaphore, #tpu.memory_space<semaphore_mem>>) src(%dma_wait3A_316 : memref<2048x128xi32, #tpu.memory_space<hbm>>) dst(%arg13 : memref<128x128xi32, #tpu.memory_space<vmem>>)
    %add3A_317 = arith.constant 1664 : i32
    %add3A_318 = arith.addi %mul3A_34, %add3A_317 : i32
    %dma_start3A_319 = arith.constant 0 : i32
    %dma_start3A_320 = tpu.memref_slice %arg7[%add3A_318, %dma_start3A_319] : memref<65536x128xi32, #tpu.memory_space<hbm>> -> memref<128x128xi32, #tpu.memory_space<hbm>>
    %dma_start3A_321 = arith.constant 0 : i32
    %dma_start3A_322 = tpu.memref_slice %arg7[%add3A_318, %dma_start3A_321] : memref<65536x128xi32, #tpu.memory_space<hbm>> -> memref<128x128xi32, #tpu.memory_space<hbm>>
    tpu.enqueue_dma source(%arg13 : memref<128x128xi32, #tpu.memory_space<vmem>>) target(%dma_start3A_322 : memref<128x128xi32, #tpu.memory_space<hbm>>) target_semaphore(%arg17 : memref<!tpu.dma_semaphore, #tpu.memory_space<semaphore_mem>>)
    %dma_wait3A_323 = arith.constant 0 : i32
    %dma_wait3A_324 = tpu.memref_slice %arg7[%add3A_318, %dma_wait3A_323] : memref<65536x128xi32, #tpu.memory_space<hbm>> -> memref<128x128xi32, #tpu.memory_space<hbm>>
    %dma_wait3A_325 = arith.constant 0 : i32
    %dma_wait3A_326 = tpu.memref_slice %arg7[%add3A_318, %dma_wait3A_325] : memref<65536x128xi32, #tpu.memory_space<hbm>> -> memref<128x128xi32, #tpu.memory_space<hbm>>
    tpu.wait_dma2 semaphore(%arg17 : memref<!tpu.dma_semaphore, #tpu.memory_space<semaphore_mem>>) src(%arg13 : memref<128x128xi32, #tpu.memory_space<vmem>>) dst(%dma_wait3A_326 : memref<128x128xi32, #tpu.memory_space<hbm>>)
    %dma_start3A_327 = arith.constant 1920 : i32
    %dma_start3A_328 = tpu.memref_slice %arg11[%dma_start3A_327] : memref<2048xi32, #tpu.memory_space<vmem>> -> memref<128xi32, #tpu.memory_space<vmem>>
    %dma_start3A_329 = arith.constant 0 : i32
    %dma_start3A_330 = arith.constant 0 : i32
    %dma_start3A_331 = tpu.memref_slice %arg4[%dma_start3A_329, %dma_start3A_330] : memref<2048x128xi32, #tpu.memory_space<hbm>> -> memref<2048x128xi32, #tpu.memory_space<hbm>>
    tpu.enqueue_indirect_dma source(%dma_start3A_331 : memref<2048x128xi32, #tpu.memory_space<hbm>>) target(%arg13 : memref<128x128xi32, #tpu.memory_space<vmem>>) offsets(%dma_start3A_328 : memref<128xi32, #tpu.memory_space<vmem>>) semaphore(%arg15 : memref<!tpu.dma_semaphore, #tpu.memory_space<semaphore_mem>>)
    %dma_wait3A_332 = arith.constant 1792 : i32
    %dma_wait3A_333 = tpu.memref_slice %arg11[%dma_wait3A_332] : memref<2048xi32, #tpu.memory_space<vmem>> -> memref<128xi32, #tpu.memory_space<vmem>>
    %dma_wait3A_334 = arith.constant 0 : i32
    %dma_wait3A_335 = arith.constant 0 : i32
    %dma_wait3A_336 = tpu.memref_slice %arg4[%dma_wait3A_334, %dma_wait3A_335] : memref<2048x128xi32, #tpu.memory_space<hbm>> -> memref<2048x128xi32, #tpu.memory_space<hbm>>
    tpu.wait_indirect_dma semaphore(%arg14 : memref<!tpu.dma_semaphore, #tpu.memory_space<semaphore_mem>>) src(%dma_wait3A_336 : memref<2048x128xi32, #tpu.memory_space<hbm>>) dst(%arg12 : memref<128x128xi32, #tpu.memory_space<vmem>>)
    %add3A_337 = arith.constant 1792 : i32
    %add3A_338 = arith.addi %mul3A_34, %add3A_337 : i32
    %dma_start3A_339 = arith.constant 0 : i32
    %dma_start3A_340 = tpu.memref_slice %arg7[%add3A_338, %dma_start3A_339] : memref<65536x128xi32, #tpu.memory_space<hbm>> -> memref<128x128xi32, #tpu.memory_space<hbm>>
    %dma_start3A_341 = arith.constant 0 : i32
    %dma_start3A_342 = tpu.memref_slice %arg7[%add3A_338, %dma_start3A_341] : memref<65536x128xi32, #tpu.memory_space<hbm>> -> memref<128x128xi32, #tpu.memory_space<hbm>>
    tpu.enqueue_dma source(%arg12 : memref<128x128xi32, #tpu.memory_space<vmem>>) target(%dma_start3A_342 : memref<128x128xi32, #tpu.memory_space<hbm>>) target_semaphore(%arg16 : memref<!tpu.dma_semaphore, #tpu.memory_space<semaphore_mem>>)
    %dma_wait3A_343 = arith.constant 1920 : i32
    %dma_wait3A_344 = tpu.memref_slice %arg11[%dma_wait3A_343] : memref<2048xi32, #tpu.memory_space<vmem>> -> memref<128xi32, #tpu.memory_space<vmem>>
    %dma_wait3A_345 = arith.constant 0 : i32
    %dma_wait3A_346 = arith.constant 0 : i32
    %dma_wait3A_347 = tpu.memref_slice %arg4[%dma_wait3A_345, %dma_wait3A_346] : memref<2048x128xi32, #tpu.memory_space<hbm>> -> memref<2048x128xi32, #tpu.memory_space<hbm>>
    tpu.wait_indirect_dma semaphore(%arg15 : memref<!tpu.dma_semaphore, #tpu.memory_space<semaphore_mem>>) src(%dma_wait3A_347 : memref<2048x128xi32, #tpu.memory_space<hbm>>) dst(%arg13 : memref<128x128xi32, #tpu.memory_space<vmem>>)
    %add3A_348 = arith.constant 1920 : i32
    %add3A_349 = arith.addi %mul3A_34, %add3A_348 : i32
    %dma_start3A_350 = arith.constant 0 : i32
    %dma_start3A_351 = tpu.memref_slice %arg7[%add3A_349, %dma_start3A_350] : memref<65536x128xi32, #tpu.memory_space<hbm>> -> memref<128x128xi32, #tpu.memory_space<hbm>>
    %dma_start3A_352 = arith.constant 0 : i32
    %dma_start3A_353 = tpu.memref_slice %arg7[%add3A_349, %dma_start3A_352] : memref<65536x128xi32, #tpu.memory_space<hbm>> -> memref<128x128xi32, #tpu.memory_space<hbm>>
    tpu.enqueue_dma source(%arg13 : memref<128x128xi32, #tpu.memory_space<vmem>>) target(%dma_start3A_353 : memref<128x128xi32, #tpu.memory_space<hbm>>) target_semaphore(%arg17 : memref<!tpu.dma_semaphore, #tpu.memory_space<semaphore_mem>>)
    %dma_wait3A_354 = arith.constant 0 : i32
    %dma_wait3A_355 = tpu.memref_slice %arg7[%add3A_338, %dma_wait3A_354] : memref<65536x128xi32, #tpu.memory_space<hbm>> -> memref<128x128xi32, #tpu.memory_space<hbm>>
    %dma_wait3A_356 = arith.constant 0 : i32
    %dma_wait3A_357 = tpu.memref_slice %arg7[%add3A_338, %dma_wait3A_356] : memref<65536x128xi32, #tpu.memory_space<hbm>> -> memref<128x128xi32, #tpu.memory_space<hbm>>
    tpu.wait_dma2 semaphore(%arg16 : memref<!tpu.dma_semaphore, #tpu.memory_space<semaphore_mem>>) src(%arg12 : memref<128x128xi32, #tpu.memory_space<vmem>>) dst(%dma_wait3A_357 : memref<128x128xi32, #tpu.memory_space<hbm>>)
    %dma_wait3A_358 = arith.constant 0 : i32
    %dma_wait3A_359 = tpu.memref_slice %arg7[%add3A_349, %dma_wait3A_358] : memref<65536x128xi32, #tpu.memory_space<hbm>> -> memref<128x128xi32, #tpu.memory_space<hbm>>
    %dma_wait3A_360 = arith.constant 0 : i32
    %dma_wait3A_361 = tpu.memref_slice %arg7[%add3A_349, %dma_wait3A_360] : memref<65536x128xi32, #tpu.memory_space<hbm>> -> memref<128x128xi32, #tpu.memory_space<hbm>>
    tpu.wait_dma2 semaphore(%arg17 : memref<!tpu.dma_semaphore, #tpu.memory_space<semaphore_mem>>) src(%arg13 : memref<128x128xi32, #tpu.memory_space<vmem>>) dst(%dma_wait3A_361 : memref<128x128xi32, #tpu.memory_space<hbm>>)
    return
  }
}

module attributes {stable_mosaic.version = 14 : i64} {
  func.func @_prep_body(%arg0: memref<2x1024xi32, #tpu.memory_space<vmem>>, %arg1: memref<2x1024x128xf32, #tpu.memory_space<vmem>>, %arg2: memref<2x1024x128xf32, #tpu.memory_space<vmem>>, %arg3: memref<128x128xf32, #tpu.memory_space<vmem>>, %arg4: memref<128x128xf32, #tpu.memory_space<vmem>>, %arg5: memref<2x1024xf32, #tpu.memory_space<vmem>>, %arg6: memref<2x1024x128xi32, #tpu.memory_space<vmem>>) attributes {dimension_semantics = [], scalar_prefetch = 0 : i64, scratch_operands = 0 : i64, tpu.core_type = #tpu.core_type<tc>} {
    %iota3A = tpu.iota {dimensions = array<i32: 1>} : vector<1024x1024xi32>
    %get3A = arith.constant 0 : index
    %get3A_0 = arith.constant 0 : index
    %get3A_1 = vector.load %arg0[%get3A, %get3A_0] : memref<2x1024xi32, #tpu.memory_space<vmem>>, vector<1x1024xi32>
    %get3A_2 = vector.shape_cast %get3A_1 : vector<1x1024xi32> to vector<1024xi32>
    %reshape3A = vector.shape_cast %get3A_2 : vector<1024xi32> to vector<1024x1xi32>
    %eq3A = vector.broadcast %reshape3A : vector<1024x1xi32> to vector<1024x1024xi32>
    %eq3A_3 = arith.cmpi eq, %eq3A, %iota3A : vector<1024x1024xi32>
    %convert_element_type3A = arith.extui %eq3A_3 : vector<1024x1024xi1> to vector<1024x1024xi32>
    %convert_element_type3A_4 = arith.sitofp %convert_element_type3A : vector<1024x1024xi32> to vector<1024x1024xf32>
    %reduce_sum3A = arith.constant dense<0.000000e+00> : vector<1024xf32>
    %reduce_sum3A_5 = vector.multi_reduction <add>, %convert_element_type3A_4, %reduce_sum3A [0] : vector<1024x1024xf32> to vector<1024xf32>
    %swap3A = arith.constant 0 : index
    %swap3A_6 = arith.constant 0 : index
    %swap3A_7 = vector.load %arg5[%swap3A, %swap3A_6] : memref<2x1024xf32, #tpu.memory_space<vmem>>, vector<1x1024xf32>
    %swap3A_8 = vector.shape_cast %swap3A_7 : vector<1x1024xf32> to vector<1024xf32>
    %swap3A_9 = vector.shape_cast %reduce_sum3A_5 : vector<1024xf32> to vector<1x1024xf32>
    tpu.vector_store %arg5[%swap3A, %swap3A_6], %swap3A_9 {strides = array<i32>} : memref<2x1024xf32, #tpu.memory_space<vmem>>, vector<1x1024xf32>,
    %get3A_10 = arith.constant 0 : index
    %get3A_11 = arith.constant 0 : index
    %get3A_12 = arith.constant 0 : index
    %get3A_13 = vector.load %arg2[%get3A_10, %get3A_11, %get3A_12] : memref<2x1024x128xf32, #tpu.memory_space<vmem>>, vector<1x1024x128xf32>
    %get3A_14 = vector.shape_cast %get3A_13 : vector<1x1024x128xf32> to vector<1024x128xf32>
    %get3A_15 = arith.constant 0 : index
    %get3A_16 = arith.constant 0 : index
    %get3A_17 = vector.load %arg4[%get3A_15, %get3A_16] : memref<128x128xf32, #tpu.memory_space<vmem>>, vector<128x128xf32>
    %dot_general3A = arith.constant dense<0.000000e+00> : vector<1024x128xf32>
    %dot_general3A_18 = tpu.matmul %get3A_14, %get3A_17, %dot_general3A {dimension_numbers = #tpu.dot_dimension_numbers<[1], [0], [0], [1], [0, 0, 1, 1], [], []>, transpose_lhs_hint = false} : vector<1024x128xf32>, vector<128x128xf32>, vector<1024x128xf32> -> vector<1024x128xf32>
    %get3A_19 = arith.constant 0 : index
    %get3A_20 = arith.constant 0 : index
    %get3A_21 = arith.constant 0 : index
    %get3A_22 = vector.load %arg1[%get3A_19, %get3A_20, %get3A_21] : memref<2x1024x128xf32, #tpu.memory_space<vmem>>, vector<1x1024x128xf32>
    %get3A_23 = vector.shape_cast %get3A_22 : vector<1x1024x128xf32> to vector<1024x128xf32>
    %get3A_24 = arith.constant 0 : index
    %get3A_25 = arith.constant 0 : index
    %get3A_26 = vector.load %arg3[%get3A_24, %get3A_25] : memref<128x128xf32, #tpu.memory_space<vmem>>, vector<128x128xf32>
    %dot_general3A_27 = arith.constant dense<0.000000e+00> : vector<1024x128xf32>
    %dot_general3A_28 = tpu.matmul %get3A_23, %get3A_26, %dot_general3A_27 {dimension_numbers = #tpu.dot_dimension_numbers<[1], [0], [0], [1], [0, 0, 1, 1], [], []>, transpose_lhs_hint = false} : vector<1024x128xf32>, vector<128x128xf32>, vector<1024x128xf32> -> vector<1024x128xf32>
    %bitcast_convert_type3A = tpu.bitcast %dot_general3A_28 : vector<1024x128xf32> -> vector<1024x128xi32>
    %add3A = arith.constant 32768 : i32
    %add3A_29 = vector.broadcast %add3A : i32 to vector<1024x128xi32>
    %add3A_30 = arith.addi %bitcast_convert_type3A, %add3A_29 : vector<1024x128xi32>
    %shift_right_arithmetic3A = arith.constant 16 : i32
    %shift_right_arithmetic3A_31 = vector.broadcast %shift_right_arithmetic3A : i32 to vector<1024x128xi32>
    %shift_right_arithmetic3A_32 = arith.shrsi %bitcast_convert_type3A, %shift_right_arithmetic3A_31 : vector<1024x128xi32>
    %and3A = arith.constant 1 : i32
    %and3A_33 = vector.broadcast %and3A : i32 to vector<1024x128xi32>
    %and3A_34 = arith.andi %shift_right_arithmetic3A_32, %and3A_33 : vector<1024x128xi32>
    %add3A_35 = arith.addi %add3A_30, %and3A_34 : vector<1024x128xi32>
    %shift_right_arithmetic3A_36 = arith.constant 16 : i32
    %shift_right_arithmetic3A_37 = vector.broadcast %shift_right_arithmetic3A_36 : i32 to vector<1024x128xi32>
    %shift_right_arithmetic3A_38 = arith.shrsi %add3A_35, %shift_right_arithmetic3A_37 : vector<1024x128xi32>
    %shift_left3A = arith.constant 16 : i32
    %shift_left3A_39 = vector.broadcast %shift_left3A : i32 to vector<1024x128xi32>
    %shift_left3A_40 = arith.shli %shift_right_arithmetic3A_38, %shift_left3A_39 : vector<1024x128xi32>
    %bitcast_convert_type3A_41 = tpu.bitcast %dot_general3A_18 : vector<1024x128xf32> -> vector<1024x128xi32>
    %add3A_42 = arith.constant 32768 : i32
    %add3A_43 = vector.broadcast %add3A_42 : i32 to vector<1024x128xi32>
    %add3A_44 = arith.addi %bitcast_convert_type3A_41, %add3A_43 : vector<1024x128xi32>
    %shift_right_arithmetic3A_45 = arith.constant 16 : i32
    %shift_right_arithmetic3A_46 = vector.broadcast %shift_right_arithmetic3A_45 : i32 to vector<1024x128xi32>
    %shift_right_arithmetic3A_47 = arith.shrsi %bitcast_convert_type3A_41, %shift_right_arithmetic3A_46 : vector<1024x128xi32>
    %and3A_48 = arith.constant 1 : i32
    %and3A_49 = vector.broadcast %and3A_48 : i32 to vector<1024x128xi32>
    %and3A_50 = arith.andi %shift_right_arithmetic3A_47, %and3A_49 : vector<1024x128xi32>
    %add3A_51 = arith.addi %add3A_44, %and3A_50 : vector<1024x128xi32>
    %shift_right_arithmetic3A_52 = arith.constant 16 : i32
    %shift_right_arithmetic3A_53 = vector.broadcast %shift_right_arithmetic3A_52 : i32 to vector<1024x128xi32>
    %shift_right_arithmetic3A_54 = arith.shrsi %add3A_51, %shift_right_arithmetic3A_53 : vector<1024x128xi32>
    %and3A_55 = arith.constant 65535 : i32
    %and3A_56 = vector.broadcast %and3A_55 : i32 to vector<1024x128xi32>
    %and3A_57 = arith.andi %shift_right_arithmetic3A_54, %and3A_56 : vector<1024x128xi32>
    %or3A = arith.ori %shift_left3A_40, %and3A_57 : vector<1024x128xi32>
    %swap3A_58 = arith.constant 0 : index
    %swap3A_59 = arith.constant 0 : index
    %swap3A_60 = arith.constant 0 : index
    %swap3A_61 = vector.load %arg6[%swap3A_58, %swap3A_59, %swap3A_60] : memref<2x1024x128xi32, #tpu.memory_space<vmem>>, vector<1x1024x128xi32>
    %swap3A_62 = vector.shape_cast %swap3A_61 : vector<1x1024x128xi32> to vector<1024x128xi32>
    %swap3A_63 = vector.shape_cast %or3A : vector<1024x128xi32> to vector<1x1024x128xi32>
    tpu.vector_store %arg6[%swap3A_58, %swap3A_59, %swap3A_60], %swap3A_63 {strides = array<i32>} : memref<2x1024x128xi32, #tpu.memory_space<vmem>>, vector<1x1024x128xi32>,
    %get3A_64 = arith.constant 1 : index
    %get3A_65 = arith.constant 0 : index
    %get3A_66 = vector.load %arg0[%get3A_64, %get3A_65] : memref<2x1024xi32, #tpu.memory_space<vmem>>, vector<1x1024xi32>
    %get3A_67 = vector.shape_cast %get3A_66 : vector<1x1024xi32> to vector<1024xi32>
    %reshape3A_68 = vector.shape_cast %get3A_67 : vector<1024xi32> to vector<1024x1xi32>
    %eq3A_69 = vector.broadcast %reshape3A_68 : vector<1024x1xi32> to vector<1024x1024xi32>
    %eq3A_70 = arith.cmpi eq, %eq3A_69, %iota3A : vector<1024x1024xi32>
    %convert_element_type3A_71 = arith.extui %eq3A_70 : vector<1024x1024xi1> to vector<1024x1024xi32>
    %convert_element_type3A_72 = arith.sitofp %convert_element_type3A_71 : vector<1024x1024xi32> to vector<1024x1024xf32>
    %reduce_sum3A_73 = arith.constant dense<0.000000e+00> : vector<1024xf32>
    %reduce_sum3A_74 = vector.multi_reduction <add>, %convert_element_type3A_72, %reduce_sum3A_73 [0] : vector<1024x1024xf32> to vector<1024xf32>
    %swap3A_75 = arith.constant 1 : index
    %swap3A_76 = arith.constant 0 : index
    %swap3A_77 = vector.load %arg5[%swap3A_75, %swap3A_76] : memref<2x1024xf32, #tpu.memory_space<vmem>>, vector<1x1024xf32>
    %swap3A_78 = vector.shape_cast %swap3A_77 : vector<1x1024xf32> to vector<1024xf32>
    %swap3A_79 = vector.shape_cast %reduce_sum3A_74 : vector<1024xf32> to vector<1x1024xf32>
    tpu.vector_store %arg5[%swap3A_75, %swap3A_76], %swap3A_79 {strides = array<i32>} : memref<2x1024xf32, #tpu.memory_space<vmem>>, vector<1x1024xf32>,
    %get3A_80 = arith.constant 1 : index
    %get3A_81 = arith.constant 0 : index
    %get3A_82 = arith.constant 0 : index
    %get3A_83 = vector.load %arg2[%get3A_80, %get3A_81, %get3A_82] : memref<2x1024x128xf32, #tpu.memory_space<vmem>>, vector<1x1024x128xf32>
    %get3A_84 = vector.shape_cast %get3A_83 : vector<1x1024x128xf32> to vector<1024x128xf32>
    %get3A_85 = arith.constant 0 : index
    %get3A_86 = arith.constant 0 : index
    %get3A_87 = vector.load %arg4[%get3A_85, %get3A_86] : memref<128x128xf32, #tpu.memory_space<vmem>>, vector<128x128xf32>
    %dot_general3A_88 = arith.constant dense<0.000000e+00> : vector<1024x128xf32>
    %dot_general3A_89 = tpu.matmul %get3A_84, %get3A_87, %dot_general3A_88 {dimension_numbers = #tpu.dot_dimension_numbers<[1], [0], [0], [1], [0, 0, 1, 1], [], []>, transpose_lhs_hint = false} : vector<1024x128xf32>, vector<128x128xf32>, vector<1024x128xf32> -> vector<1024x128xf32>
    %get3A_90 = arith.constant 1 : index
    %get3A_91 = arith.constant 0 : index
    %get3A_92 = arith.constant 0 : index
    %get3A_93 = vector.load %arg1[%get3A_90, %get3A_91, %get3A_92] : memref<2x1024x128xf32, #tpu.memory_space<vmem>>, vector<1x1024x128xf32>
    %get3A_94 = vector.shape_cast %get3A_93 : vector<1x1024x128xf32> to vector<1024x128xf32>
    %get3A_95 = arith.constant 0 : index
    %get3A_96 = arith.constant 0 : index
    %get3A_97 = vector.load %arg3[%get3A_95, %get3A_96] : memref<128x128xf32, #tpu.memory_space<vmem>>, vector<128x128xf32>
    %dot_general3A_98 = arith.constant dense<0.000000e+00> : vector<1024x128xf32>
    %dot_general3A_99 = tpu.matmul %get3A_94, %get3A_97, %dot_general3A_98 {dimension_numbers = #tpu.dot_dimension_numbers<[1], [0], [0], [1], [0, 0, 1, 1], [], []>, transpose_lhs_hint = false} : vector<1024x128xf32>, vector<128x128xf32>, vector<1024x128xf32> -> vector<1024x128xf32>
    %bitcast_convert_type3A_100 = tpu.bitcast %dot_general3A_99 : vector<1024x128xf32> -> vector<1024x128xi32>
    %add3A_101 = arith.constant 32768 : i32
    %add3A_102 = vector.broadcast %add3A_101 : i32 to vector<1024x128xi32>
    %add3A_103 = arith.addi %bitcast_convert_type3A_100, %add3A_102 : vector<1024x128xi32>
    %shift_right_arithmetic3A_104 = arith.constant 16 : i32
    %shift_right_arithmetic3A_105 = vector.broadcast %shift_right_arithmetic3A_104 : i32 to vector<1024x128xi32>
    %shift_right_arithmetic3A_106 = arith.shrsi %bitcast_convert_type3A_100, %shift_right_arithmetic3A_105 : vector<1024x128xi32>
    %and3A_107 = arith.constant 1 : i32
    %and3A_108 = vector.broadcast %and3A_107 : i32 to vector<1024x128xi32>
    %and3A_109 = arith.andi %shift_right_arithmetic3A_106, %and3A_108 : vector<1024x128xi32>
    %add3A_110 = arith.addi %add3A_103, %and3A_109 : vector<1024x128xi32>
    %shift_right_arithmetic3A_111 = arith.constant 16 : i32
    %shift_right_arithmetic3A_112 = vector.broadcast %shift_right_arithmetic3A_111 : i32 to vector<1024x128xi32>
    %shift_right_arithmetic3A_113 = arith.shrsi %add3A_110, %shift_right_arithmetic3A_112 : vector<1024x128xi32>
    %shift_left3A_114 = arith.constant 16 : i32
    %shift_left3A_115 = vector.broadcast %shift_left3A_114 : i32 to vector<1024x128xi32>
    %shift_left3A_116 = arith.shli %shift_right_arithmetic3A_113, %shift_left3A_115 : vector<1024x128xi32>
    %bitcast_convert_type3A_117 = tpu.bitcast %dot_general3A_89 : vector<1024x128xf32> -> vector<1024x128xi32>
    %add3A_118 = arith.constant 32768 : i32
    %add3A_119 = vector.broadcast %add3A_118 : i32 to vector<1024x128xi32>
    %add3A_120 = arith.addi %bitcast_convert_type3A_117, %add3A_119 : vector<1024x128xi32>
    %shift_right_arithmetic3A_121 = arith.constant 16 : i32
    %shift_right_arithmetic3A_122 = vector.broadcast %shift_right_arithmetic3A_121 : i32 to vector<1024x128xi32>
    %shift_right_arithmetic3A_123 = arith.shrsi %bitcast_convert_type3A_117, %shift_right_arithmetic3A_122 : vector<1024x128xi32>
    %and3A_124 = arith.constant 1 : i32
    %and3A_125 = vector.broadcast %and3A_124 : i32 to vector<1024x128xi32>
    %and3A_126 = arith.andi %shift_right_arithmetic3A_123, %and3A_125 : vector<1024x128xi32>
    %add3A_127 = arith.addi %add3A_120, %and3A_126 : vector<1024x128xi32>
    %shift_right_arithmetic3A_128 = arith.constant 16 : i32
    %shift_right_arithmetic3A_129 = vector.broadcast %shift_right_arithmetic3A_128 : i32 to vector<1024x128xi32>
    %shift_right_arithmetic3A_130 = arith.shrsi %add3A_127, %shift_right_arithmetic3A_129 : vector<1024x128xi32>
    %and3A_131 = arith.constant 65535 : i32
    %and3A_132 = vector.broadcast %and3A_131 : i32 to vector<1024x128xi32>
    %and3A_133 = arith.andi %shift_right_arithmetic3A_130, %and3A_132 : vector<1024x128xi32>
    %or3A_134 = arith.ori %shift_left3A_116, %and3A_133 : vector<1024x128xi32>
    %swap3A_135 = arith.constant 1 : index
    %swap3A_136 = arith.constant 0 : index
    %swap3A_137 = arith.constant 0 : index
    %swap3A_138 = vector.load %arg6[%swap3A_135, %swap3A_136, %swap3A_137] : memref<2x1024x128xi32, #tpu.memory_space<vmem>>, vector<1x1024x128xi32>
    %swap3A_139 = vector.shape_cast %swap3A_138 : vector<1x1024x128xi32> to vector<1024x128xi32>
    %swap3A_140 = vector.shape_cast %or3A_134 : vector<1024x128xi32> to vector<1x1024x128xi32>
    tpu.vector_store %arg6[%swap3A_135, %swap3A_136, %swap3A_137], %swap3A_140 {strides = array<i32>} : memref<2x1024x128xi32, #tpu.memory_space<vmem>>, vector<1x1024x128xi32>,
    return
  }
}

module attributes {stable_mosaic.version = 14 : i64} {
  func.func @_layer_body(%arg0: i32, %arg1: memref<256x128xf32, #tpu.memory_space<vmem>>, %arg2: memref<256x128xf32, #tpu.memory_space<vmem>>, %arg3: memref<256x128xf32, #tpu.memory_space<vmem>>, %arg4: memref<8192x128xf32, #tpu.memory_space<vmem>>, %arg5: memref<8192x128xi32, #tpu.memory_space<vmem>>, %arg6: memref<8192x1xf32, #tpu.memory_space<vmem>>, %arg7: memref<512x128xf32, #tpu.memory_space<vmem>>, %arg8: memref<128x128xf32, #tpu.memory_space<vmem>>, %arg9: memref<128x128xf32, #tpu.memory_space<vmem>>, %arg10: memref<128x512xf32, #tpu.memory_space<vmem>>, %arg11: memref<512x128xf32, #tpu.memory_space<vmem>>, %arg12: memref<8x128xf32, #tpu.memory_space<vmem>>, %arg13: memref<1x512xf32, #tpu.memory_space<vmem>>, %arg14: memref<128x128xf32, #tpu.memory_space<vmem>>, %arg15: memref<128x128xf32, #tpu.memory_space<vmem>>, %arg16: memref<256x128xf32, #tpu.memory_space<vmem>>, %arg17: memref<256x128xi32, #tpu.memory_space<vmem>>) attributes {dimension_semantics = [#tpu.dimension_semantics<arbitrary>], iteration_bounds = array<i64: 8>, scalar_prefetch = 0 : i64, scratch_operands = 0 : i64, tpu.core_type = #tpu.core_type<tc>, window_params = [{transform_indices = @transform_0, window_bounds = array<i64: 256, 128>}, {transform_indices = @transform_1, window_bounds = array<i64: 256, 128>}, {transform_indices = @transform_2, window_bounds = array<i64: 256, 128>}, {transform_indices = @transform_3, window_bounds = array<i64: 8192, 128>}, {transform_indices = @transform_4, window_bounds = array<i64: 8192, 128>}, {transform_indices = @transform_5, window_bounds = array<i64: 8192, 1>}, {pipeline_mode = #tpu.pipeline_mode<synchronous>, transform_indices = @transform_6, window_bounds = array<i64: 512, 128>}, {pipeline_mode = #tpu.pipeline_mode<synchronous>, transform_indices = @transform_7, window_bounds = array<i64: 128, 128>}, {pipeline_mode = #tpu.pipeline_mode<synchronous>, transform_indices = @transform_8, window_bounds = array<i64: 128, 128>}, {pipeline_mode = #tpu.pipeline_mode<synchronous>, transform_indices = @transform_9, window_bounds = array<i64: 128, 512>}, {pipeline_mode = #tpu.pipeline_mode<synchronous>, transform_indices = @transform_10, window_bounds = array<i64: 512, 128>}, {pipeline_mode = #tpu.pipeline_mode<synchronous>, transform_indices = @transform_11, window_bounds = array<i64: 8, 128>}, {pipeline_mode = #tpu.pipeline_mode<synchronous>, transform_indices = @transform_12, window_bounds = array<i64: 1, 512>}, {pipeline_mode = #tpu.pipeline_mode<synchronous>, transform_indices = @transform_13, window_bounds = array<i64: 128, 128>}, {pipeline_mode = #tpu.pipeline_mode<synchronous>, transform_indices = @transform_14, window_bounds = array<i64: 128, 128>}, {transform_indices = @transform_15, window_bounds = array<i64: 256, 128>}, {transform_indices = @transform_16, window_bounds = array<i64: 256, 128>}]} {
    %get3A = arith.constant 0 : index
    %get3A_0 = arith.constant 0 : index
    %get3A_1 = vector.load %arg1[%get3A, %get3A_0] : memref<256x128xf32, #tpu.memory_space<vmem>>, vector<256x128xf32>
    %get3A_2 = arith.constant 0 : index
    %get3A_3 = arith.constant 0 : index
    %get3A_4 = vector.load %arg4[%get3A_2, %get3A_3] : memref<8192x128xf32, #tpu.memory_space<vmem>>, vector<8192x128xf32>
    %get3A_5 = arith.constant 0 : index
    %get3A_6 = arith.constant 0 : index
    %get3A_7 = vector.load %arg5[%get3A_5, %get3A_6] : memref<8192x128xi32, #tpu.memory_space<vmem>>, vector<8192x128xi32>
    %and3A = arith.constant -65536 : i32
    %and3A_8 = vector.broadcast %and3A : i32 to vector<8192x128xi32>
    %and3A_9 = arith.andi %get3A_7, %and3A_8 : vector<8192x128xi32>
    %bitcast_convert_type3A = tpu.bitcast %and3A_9 : vector<8192x128xi32> -> vector<8192x128xf32>
    %shift_left3A = arith.constant 16 : i32
    %shift_left3A_10 = vector.broadcast %shift_left3A : i32 to vector<8192x128xi32>
    %shift_left3A_11 = arith.shli %get3A_7, %shift_left3A_10 : vector<8192x128xi32>
    %bitcast_convert_type3A_12 = tpu.bitcast %shift_left3A_11 : vector<8192x128xi32> -> vector<8192x128xf32>
    %get3A_13 = arith.constant 0 : index
    %get3A_14 = arith.constant 0 : index
    %get3A_15 = vector.load %arg6[%get3A_13, %get3A_14] : memref<8192x1xf32, #tpu.memory_space<vmem>>, vector<8192x1xf32>
    %get3A_16 = arith.constant 0 : index
    %get3A_17 = arith.constant 0 : index
    %get3A_18 = vector.load %arg7[%get3A_16, %get3A_17] : memref<512x128xf32, #tpu.memory_space<vmem>>, vector<512x128xf32>
    %slice3A = vector.extract_strided_slice %get3A_18 {offsets = [0, 0], sizes = [128, 128], strides = [1, 1]} : vector<512x128xf32> to vector<128x128xf32>
    %slice3A_19 = vector.extract_strided_slice %get3A_18 {offsets = [128, 0], sizes = [128, 128], strides = [1, 1]} : vector<512x128xf32> to vector<128x128xf32>
    %get3A_20 = arith.constant 0 : index
    %get3A_21 = arith.constant 0 : index
    %get3A_22 = vector.load %arg12[%get3A_20, %get3A_21] : memref<8x128xf32, #tpu.memory_space<vmem>>, vector<1x128xf32>
    %get3A_23 = arith.constant 1 : index
    %get3A_24 = arith.constant 0 : index
    %get3A_25 = vector.load %arg12[%get3A_23, %get3A_24] : memref<8x128xf32, #tpu.memory_space<vmem>>, vector<1x128xf32>
    %get3A_26 = arith.constant 2 : index
    %get3A_27 = arith.constant 0 : index
    %get3A_28 = vector.load %arg12[%get3A_26, %get3A_27] : memref<8x128xf32, #tpu.memory_space<vmem>>, vector<1x128xf32>
    %get3A_29 = arith.constant 3 : index
    %get3A_30 = arith.constant 0 : index
    %get3A_31 = vector.load %arg12[%get3A_29, %get3A_30] : memref<8x128xf32, #tpu.memory_space<vmem>>, vector<1x128xf32>
    %get3A_32 = arith.constant 4 : index
    %get3A_33 = arith.constant 0 : index
    %get3A_34 = vector.load %arg12[%get3A_32, %get3A_33] : memref<8x128xf32, #tpu.memory_space<vmem>>, vector<1x128xf32>
    %get3A_35 = arith.constant 5 : index
    %get3A_36 = arith.constant 0 : index
    %get3A_37 = vector.load %arg12[%get3A_35, %get3A_36] : memref<8x128xf32, #tpu.memory_space<vmem>>, vector<1x128xf32>
    %get3A_38 = arith.constant 6 : index
    %get3A_39 = arith.constant 0 : index
    %get3A_40 = vector.load %arg12[%get3A_38, %get3A_39] : memref<8x128xf32, #tpu.memory_space<vmem>>, vector<1x128xf32>
    %get3A_41 = arith.constant 7 : index
    %get3A_42 = arith.constant 0 : index
    %get3A_43 = vector.load %arg12[%get3A_41, %get3A_42] : memref<8x128xf32, #tpu.memory_space<vmem>>, vector<1x128xf32>
    %dot_general3A = arith.constant dense<0.000000e+00> : vector<256x128xf32>
    %dot_general3A_44 = tpu.matmul %get3A_1, %slice3A, %dot_general3A {dimension_numbers = #tpu.dot_dimension_numbers<[1], [0], [0], [1], [0, 0, 1, 1], [], []>, transpose_lhs_hint = false} : vector<256x128xf32>, vector<128x128xf32>, vector<256x128xf32> -> vector<256x128xf32>
    %add3A = vector.broadcast %get3A_22 : vector<1x128xf32> to vector<256x128xf32>
    %add3A_45 = arith.addf %dot_general3A_44, %add3A : vector<256x128xf32>
    %convert_element_type3A = arith.truncf %get3A_4 : vector<8192x128xf32> to vector<8192x128xbf16>
    %convert_element_type3A_46 = arith.truncf %slice3A_19 : vector<128x128xf32> to vector<128x128xbf16>
    %dot_general3A_47 = arith.constant dense<0.000000e+00> : vector<8192x128xf32>
    %dot_general3A_48 = tpu.matmul %convert_element_type3A, %convert_element_type3A_46, %dot_general3A_47 {dimension_numbers = #tpu.dot_dimension_numbers<[1], [0], [0], [1], [0, 0, 1, 1], [], []>, transpose_lhs_hint = false} : vector<8192x128xbf16>, vector<128x128xbf16>, vector<8192x128xf32> -> vector<8192x128xf32>
    %add3A_49 = arith.addf %dot_general3A_48, %bitcast_convert_type3A_12 : vector<8192x128xf32>
    %mul3A = vector.broadcast %get3A_15 : vector<8192x1xf32> to vector<8192x128xf32>
    %mul3A_50 = arith.mulf %mul3A, %bitcast_convert_type3A : vector<8192x128xf32>
    %add3A_51 = arith.addf %add3A_49, %mul3A_50 : vector<8192x128xf32>
    %reshape3A = vector.shape_cast %add3A_45 : vector<256x128xf32> to vector<256x1x128xf32>
    %reshape3A_52 = vector.shape_cast %add3A_51 : vector<8192x128xf32> to vector<256x32x128xf32>
    %add3A_53 = vector.broadcast %reshape3A : vector<256x1x128xf32> to vector<256x32x128xf32>
    %add3A_54 = arith.addf %add3A_53, %reshape3A_52 : vector<256x32x128xf32>
    %mul3A_55 = arith.constant 5.000000e-01 : f32
    %mul3A_56 = vector.broadcast %mul3A_55 : f32 to vector<256x32x128xf32>
    %mul3A_57 = arith.mulf %mul3A_56, %add3A_54 : vector<256x32x128xf32>
    %mul3A_58 = arith.constant 0.707106769 : f32
    %mul3A_59 = vector.broadcast %mul3A_58 : f32 to vector<256x32x128xf32>
    %mul3A_60 = arith.mulf %add3A_54, %mul3A_59 : vector<256x32x128xf32>
    %erf3A = math.erf %mul3A_60 : vector<256x32x128xf32>
    %add3A_61 = arith.constant 1.000000e+00 : f32
    %add3A_62 = vector.broadcast %add3A_61 : f32 to vector<256x32x128xf32>
    %add3A_63 = arith.addf %add3A_62, %erf3A : vector<256x32x128xf32>
    %mul3A_64 = arith.mulf %mul3A_57, %add3A_63 : vector<256x32x128xf32>
    %reshape3A_65 = vector.shape_cast %mul3A_64 : vector<256x32x128xf32> to vector<8192x128xf32>
    %convert_element_type3A_66 = arith.truncf %reshape3A_65 : vector<8192x128xf32> to vector<8192x128xbf16>
    %get3A_67 = arith.constant 0 : index
    %get3A_68 = arith.constant 0 : index
    %get3A_69 = vector.load %arg8[%get3A_67, %get3A_68] : memref<128x128xf32, #tpu.memory_space<vmem>>, vector<128x128xf32>
    %convert_element_type3A_70 = arith.truncf %get3A_69 : vector<128x128xf32> to vector<128x128xbf16>
    %dot_general3A_71 = arith.constant dense<0.000000e+00> : vector<8192x128xf32>
    %dot_general3A_72 = tpu.matmul %convert_element_type3A_66, %convert_element_type3A_70, %dot_general3A_71 {dimension_numbers = #tpu.dot_dimension_numbers<[1], [0], [0], [1], [0, 0, 1, 1], [], []>, transpose_lhs_hint = false} : vector<8192x128xbf16>, vector<128x128xbf16>, vector<8192x128xf32> -> vector<8192x128xf32>
    %add3A_73 = vector.broadcast %get3A_25 : vector<1x128xf32> to vector<8192x128xf32>
    %add3A_74 = arith.addf %dot_general3A_72, %add3A_73 : vector<8192x128xf32>
    %mul3A_75 = arith.constant 5.000000e-01 : f32
    %mul3A_76 = vector.broadcast %mul3A_75 : f32 to vector<8192x128xf32>
    %mul3A_77 = arith.mulf %mul3A_76, %add3A_74 : vector<8192x128xf32>
    %mul3A_78 = arith.constant 0.707106769 : f32
    %mul3A_79 = vector.broadcast %mul3A_78 : f32 to vector<8192x128xf32>
    %mul3A_80 = arith.mulf %add3A_74, %mul3A_79 : vector<8192x128xf32>
    %erf3A_81 = math.erf %mul3A_80 : vector<8192x128xf32>
    %add3A_82 = arith.constant 1.000000e+00 : f32
    %add3A_83 = vector.broadcast %add3A_82 : f32 to vector<8192x128xf32>
    %add3A_84 = arith.addf %add3A_83, %erf3A_81 : vector<8192x128xf32>
    %mul3A_85 = arith.mulf %mul3A_77, %add3A_84 : vector<8192x128xf32>
    %reshape3A_86 = vector.shape_cast %mul3A_85 : vector<8192x128xf32> to vector<256x32x128xf32>
    %reduce_sum3A = arith.constant dense<0.000000e+00> : vector<256x128xf32>
    %reduce_sum3A_87 = vector.multi_reduction <add>, %reshape3A_86, %reduce_sum3A [1] : vector<256x32x128xf32> to vector<256x128xf32>
    %get3A_88 = arith.constant 0 : index
    %get3A_89 = arith.constant 0 : index
    %get3A_90 = vector.load %arg9[%get3A_88, %get3A_89] : memref<128x128xf32, #tpu.memory_space<vmem>>, vector<128x128xf32>
    %dot_general3A_91 = arith.constant dense<0.000000e+00> : vector<256x128xf32>
    %dot_general3A_92 = tpu.matmul %reduce_sum3A_87, %get3A_90, %dot_general3A_91 {dimension_numbers = #tpu.dot_dimension_numbers<[1], [0], [0], [1], [0, 0, 1, 1], [], []>, transpose_lhs_hint = false} : vector<256x128xf32>, vector<128x128xf32>, vector<256x128xf32> -> vector<256x128xf32>
    %mul3A_93 = arith.constant 0.0333333351 : f32
    %mul3A_94 = vector.broadcast %mul3A_93 : f32 to vector<256x128xf32>
    %mul3A_95 = arith.mulf %dot_general3A_92, %mul3A_94 : vector<256x128xf32>
    %mul3A_96 = arith.constant 1.06666672 : f32
    %mul3A_97 = vector.broadcast %mul3A_96 : f32 to vector<1x128xf32>
    %mul3A_98 = arith.mulf %get3A_28, %mul3A_97 : vector<1x128xf32>
    %add3A_99 = vector.broadcast %mul3A_98 : vector<1x128xf32> to vector<256x128xf32>
    %add3A_100 = arith.addf %mul3A_95, %add3A_99 : vector<256x128xf32>
    %add3A_101 = arith.addf %get3A_1, %add3A_100 : vector<256x128xf32>
    %reduce_sum3A_102 = arith.constant dense<0.000000e+00> : vector<256xf32>
    %reduce_sum3A_103 = vector.multi_reduction <add>, %add3A_101, %reduce_sum3A_102 [1] : vector<256x128xf32> to vector<256xf32>
    %broadcast_in_dim3A = vector.shape_cast %reduce_sum3A_103 : vector<256xf32> to vector<256x1xf32>
    %div3A = arith.constant 1.280000e+02 : f32
    %div3A_104 = vector.broadcast %div3A : f32 to vector<256x1xf32>
    %div3A_105 = arith.divf %broadcast_in_dim3A, %div3A_104 : vector<256x1xf32>
    %sub3A = vector.broadcast %div3A_105 : vector<256x1xf32> to vector<256x128xf32>
    %sub3A_106 = arith.subf %add3A_101, %sub3A : vector<256x128xf32>
    %mul3A_107 = arith.mulf %sub3A_106, %sub3A_106 : vector<256x128xf32>
    %reduce_sum3A_108 = arith.constant dense<0.000000e+00> : vector<256xf32>
    %reduce_sum3A_109 = vector.multi_reduction <add>, %mul3A_107, %reduce_sum3A_108 [1] : vector<256x128xf32> to vector<256xf32>
    %broadcast_in_dim3A_110 = vector.shape_cast %reduce_sum3A_109 : vector<256xf32> to vector<256x1xf32>
    %div3A_111 = arith.constant 1.280000e+02 : f32
    %div3A_112 = vector.broadcast %div3A_111 : f32 to vector<256x1xf32>
    %div3A_113 = arith.divf %broadcast_in_dim3A_110, %div3A_112 : vector<256x1xf32>
    %add3A_114 = arith.constant 9.99999974E-6 : f32
    %add3A_115 = vector.broadcast %add3A_114 : f32 to vector<256x1xf32>
    %add3A_116 = arith.addf %div3A_113, %add3A_115 : vector<256x1xf32>
    %rsqrt3A = math.rsqrt %add3A_116 : vector<256x1xf32>
    %mul3A_117 = vector.broadcast %rsqrt3A : vector<256x1xf32> to vector<256x128xf32>
    %mul3A_118 = arith.mulf %sub3A_106, %mul3A_117 : vector<256x128xf32>
    %mul3A_119 = vector.broadcast %get3A_34 : vector<1x128xf32> to vector<256x128xf32>
    %mul3A_120 = arith.mulf %mul3A_118, %mul3A_119 : vector<256x128xf32>
    %add3A_121 = vector.broadcast %get3A_37 : vector<1x128xf32> to vector<256x128xf32>
    %add3A_122 = arith.addf %mul3A_120, %add3A_121 : vector<256x128xf32>
    %get3A_123 = arith.constant 0 : index
    %get3A_124 = arith.constant 0 : index
    %get3A_125 = vector.load %arg10[%get3A_123, %get3A_124] : memref<128x512xf32, #tpu.memory_space<vmem>>, vector<128x512xf32>
    %dot_general3A_126 = arith.constant dense<0.000000e+00> : vector<256x512xf32>
    %dot_general3A_127 = tpu.matmul %add3A_122, %get3A_125, %dot_general3A_126 {dimension_numbers = #tpu.dot_dimension_numbers<[1], [0], [0], [1], [0, 0, 1, 1], [], []>, transpose_lhs_hint = false} : vector<256x128xf32>, vector<128x512xf32>, vector<256x512xf32> -> vector<256x512xf32>
    %get3A_128 = arith.constant 0 : index
    %get3A_129 = arith.constant 0 : index
    %get3A_130 = vector.load %arg13[%get3A_128, %get3A_129] : memref<1x512xf32, #tpu.memory_space<vmem>>, vector<1x512xf32>
    %add3A_131 = vector.broadcast %get3A_130 : vector<1x512xf32> to vector<256x512xf32>
    %add3A_132 = arith.addf %dot_general3A_127, %add3A_131 : vector<256x512xf32>
    %mul3A_133 = arith.constant 5.000000e-01 : f32
    %mul3A_134 = vector.broadcast %mul3A_133 : f32 to vector<256x512xf32>
    %mul3A_135 = arith.mulf %mul3A_134, %add3A_132 : vector<256x512xf32>
    %mul3A_136 = arith.constant 0.707106769 : f32
    %mul3A_137 = vector.broadcast %mul3A_136 : f32 to vector<256x512xf32>
    %mul3A_138 = arith.mulf %add3A_132, %mul3A_137 : vector<256x512xf32>
    %erf3A_139 = math.erf %mul3A_138 : vector<256x512xf32>
    %add3A_140 = arith.constant 1.000000e+00 : f32
    %add3A_141 = vector.broadcast %add3A_140 : f32 to vector<256x512xf32>
    %add3A_142 = arith.addf %add3A_141, %erf3A_139 : vector<256x512xf32>
    %mul3A_143 = arith.mulf %mul3A_135, %add3A_142 : vector<256x512xf32>
    %get3A_144 = arith.constant 0 : index
    %get3A_145 = arith.constant 0 : index
    %get3A_146 = vector.load %arg11[%get3A_144, %get3A_145] : memref<512x128xf32, #tpu.memory_space<vmem>>, vector<512x128xf32>
    %dot_general3A_147 = arith.constant dense<0.000000e+00> : vector<256x128xf32>
    %dot_general3A_148 = tpu.matmul %mul3A_143, %get3A_146, %dot_general3A_147 {dimension_numbers = #tpu.dot_dimension_numbers<[1], [0], [0], [1], [0, 0, 1, 1], [], []>, transpose_lhs_hint = false} : vector<256x512xf32>, vector<512x128xf32>, vector<256x128xf32> -> vector<256x128xf32>
    %add3A_149 = vector.broadcast %get3A_31 : vector<1x128xf32> to vector<256x128xf32>
    %add3A_150 = arith.addf %dot_general3A_148, %add3A_149 : vector<256x128xf32>
    %add3A_151 = arith.addf %add3A_122, %add3A_150 : vector<256x128xf32>
    %reduce_sum3A_152 = arith.constant dense<0.000000e+00> : vector<256xf32>
    %reduce_sum3A_153 = vector.multi_reduction <add>, %add3A_151, %reduce_sum3A_152 [1] : vector<256x128xf32> to vector<256xf32>
    %broadcast_in_dim3A_154 = vector.shape_cast %reduce_sum3A_153 : vector<256xf32> to vector<256x1xf32>
    %div3A_155 = arith.constant 1.280000e+02 : f32
    %div3A_156 = vector.broadcast %div3A_155 : f32 to vector<256x1xf32>
    %div3A_157 = arith.divf %broadcast_in_dim3A_154, %div3A_156 : vector<256x1xf32>
    %sub3A_158 = vector.broadcast %div3A_157 : vector<256x1xf32> to vector<256x128xf32>
    %sub3A_159 = arith.subf %add3A_151, %sub3A_158 : vector<256x128xf32>
    %mul3A_160 = arith.mulf %sub3A_159, %sub3A_159 : vector<256x128xf32>
    %reduce_sum3A_161 = arith.constant dense<0.000000e+00> : vector<256xf32>
    %reduce_sum3A_162 = vector.multi_reduction <add>, %mul3A_160, %reduce_sum3A_161 [1] : vector<256x128xf32> to vector<256xf32>
    %broadcast_in_dim3A_163 = vector.shape_cast %reduce_sum3A_162 : vector<256xf32> to vector<256x1xf32>
    %div3A_164 = arith.constant 1.280000e+02 : f32
    %div3A_165 = vector.broadcast %div3A_164 : f32 to vector<256x1xf32>
    %div3A_166 = arith.divf %broadcast_in_dim3A_163, %div3A_165 : vector<256x1xf32>
    %add3A_167 = arith.constant 9.99999974E-6 : f32
    %add3A_168 = vector.broadcast %add3A_167 : f32 to vector<256x1xf32>
    %add3A_169 = arith.addf %div3A_166, %add3A_168 : vector<256x1xf32>
    %rsqrt3A_170 = math.rsqrt %add3A_169 : vector<256x1xf32>
    %mul3A_171 = vector.broadcast %rsqrt3A_170 : vector<256x1xf32> to vector<256x128xf32>
    %mul3A_172 = arith.mulf %sub3A_159, %mul3A_171 : vector<256x128xf32>
    %mul3A_173 = vector.broadcast %get3A_40 : vector<1x128xf32> to vector<256x128xf32>
    %mul3A_174 = arith.mulf %mul3A_172, %mul3A_173 : vector<256x128xf32>
    %add3A_175 = vector.broadcast %get3A_43 : vector<1x128xf32> to vector<256x128xf32>
    %add3A_176 = arith.addf %mul3A_174, %add3A_175 : vector<256x128xf32>
    %swap3A = arith.constant 0 : index
    %swap3A_177 = arith.constant 0 : index
    %swap3A_178 = vector.load %arg16[%swap3A, %swap3A_177] : memref<256x128xf32, #tpu.memory_space<vmem>>, vector<256x128xf32>
    tpu.vector_store %arg16[%swap3A, %swap3A_177], %add3A_176 {strides = array<i32>} : memref<256x128xf32, #tpu.memory_space<vmem>>, vector<256x128xf32>,
    %get3A_179 = arith.constant 0 : index
    %get3A_180 = arith.constant 0 : index
    %get3A_181 = vector.load %arg15[%get3A_179, %get3A_180] : memref<128x128xf32, #tpu.memory_space<vmem>>, vector<128x128xf32>
    %get3A_182 = arith.constant 0 : index
    %get3A_183 = arith.constant 0 : index
    %get3A_184 = vector.load %arg3[%get3A_182, %get3A_183] : memref<256x128xf32, #tpu.memory_space<vmem>>, vector<256x128xf32>
    %dot_general3A_185 = arith.constant dense<0.000000e+00> : vector<256x128xf32>
    %dot_general3A_186 = tpu.matmul %get3A_184, %get3A_181, %dot_general3A_185 {dimension_numbers = #tpu.dot_dimension_numbers<[1], [0], [0], [1], [0, 0, 1, 1], [], []>, transpose_lhs_hint = false} : vector<256x128xf32>, vector<128x128xf32>, vector<256x128xf32> -> vector<256x128xf32>
    %get3A_187 = arith.constant 0 : index
    %get3A_188 = arith.constant 0 : index
    %get3A_189 = vector.load %arg2[%get3A_187, %get3A_188] : memref<256x128xf32, #tpu.memory_space<vmem>>, vector<256x128xf32>
    %get3A_190 = arith.constant 0 : index
    %get3A_191 = arith.constant 0 : index
    %get3A_192 = vector.load %arg14[%get3A_190, %get3A_191] : memref<128x128xf32, #tpu.memory_space<vmem>>, vector<128x128xf32>
    %dot_general3A_193 = arith.constant dense<0.000000e+00> : vector<256x128xf32>
    %dot_general3A_194 = tpu.matmul %get3A_189, %get3A_192, %dot_general3A_193 {dimension_numbers = #tpu.dot_dimension_numbers<[1], [0], [0], [1], [0, 0, 1, 1], [], []>, transpose_lhs_hint = false} : vector<256x128xf32>, vector<128x128xf32>, vector<256x128xf32> -> vector<256x128xf32>
    %dot_general3A_195 = arith.constant dense<0.000000e+00> : vector<256x128xf32>
    %dot_general3A_196 = tpu.matmul %add3A_176, %get3A_181, %dot_general3A_195 {dimension_numbers = #tpu.dot_dimension_numbers<[1], [0], [0], [1], [0, 0, 1, 1], [], []>, transpose_lhs_hint = false} : vector<256x128xf32>, vector<128x128xf32>, vector<256x128xf32> -> vector<256x128xf32>
    %add3A_197 = arith.addf %dot_general3A_194, %dot_general3A_196 : vector<256x128xf32>
    %sub3A_198 = arith.subf %add3A_197, %dot_general3A_186 : vector<256x128xf32>
    %bitcast_convert_type3A_199 = tpu.bitcast %sub3A_198 : vector<256x128xf32> -> vector<256x128xi32>
    %add3A_200 = arith.constant 32768 : i32
    %add3A_201 = vector.broadcast %add3A_200 : i32 to vector<256x128xi32>
    %add3A_202 = arith.addi %bitcast_convert_type3A_199, %add3A_201 : vector<256x128xi32>
    %shift_right_arithmetic3A = arith.constant 16 : i32
    %shift_right_arithmetic3A_203 = vector.broadcast %shift_right_arithmetic3A : i32 to vector<256x128xi32>
    %shift_right_arithmetic3A_204 = arith.shrsi %bitcast_convert_type3A_199, %shift_right_arithmetic3A_203 : vector<256x128xi32>
    %and3A_205 = arith.constant 1 : i32
    %and3A_206 = vector.broadcast %and3A_205 : i32 to vector<256x128xi32>
    %and3A_207 = arith.andi %shift_right_arithmetic3A_204, %and3A_206 : vector<256x128xi32>
    %add3A_208 = arith.addi %add3A_202, %and3A_207 : vector<256x128xi32>
    %shift_right_arithmetic3A_209 = arith.constant 16 : i32
    %shift_right_arithmetic3A_210 = vector.broadcast %shift_right_arithmetic3A_209 : i32 to vector<256x128xi32>
    %shift_right_arithmetic3A_211 = arith.shrsi %add3A_208, %shift_right_arithmetic3A_210 : vector<256x128xi32>
    %shift_left3A_212 = arith.constant 16 : i32
    %shift_left3A_213 = vector.broadcast %shift_left3A_212 : i32 to vector<256x128xi32>
    %shift_left3A_214 = arith.shli %shift_right_arithmetic3A_211, %shift_left3A_213 : vector<256x128xi32>
    %bitcast_convert_type3A_215 = tpu.bitcast %dot_general3A_186 : vector<256x128xf32> -> vector<256x128xi32>
    %add3A_216 = arith.constant 32768 : i32
    %add3A_217 = vector.broadcast %add3A_216 : i32 to vector<256x128xi32>
    %add3A_218 = arith.addi %bitcast_convert_type3A_215, %add3A_217 : vector<256x128xi32>
    %shift_right_arithmetic3A_219 = arith.constant 16 : i32
    %shift_right_arithmetic3A_220 = vector.broadcast %shift_right_arithmetic3A_219 : i32 to vector<256x128xi32>
    %shift_right_arithmetic3A_221 = arith.shrsi %bitcast_convert_type3A_215, %shift_right_arithmetic3A_220 : vector<256x128xi32>
    %and3A_222 = arith.constant 1 : i32
    %and3A_223 = vector.broadcast %and3A_222 : i32 to vector<256x128xi32>
    %and3A_224 = arith.andi %shift_right_arithmetic3A_221, %and3A_223 : vector<256x128xi32>
    %add3A_225 = arith.addi %add3A_218, %and3A_224 : vector<256x128xi32>
    %shift_right_arithmetic3A_226 = arith.constant 16 : i32
    %shift_right_arithmetic3A_227 = vector.broadcast %shift_right_arithmetic3A_226 : i32 to vector<256x128xi32>
    %shift_right_arithmetic3A_228 = arith.shrsi %add3A_225, %shift_right_arithmetic3A_227 : vector<256x128xi32>
    %and3A_229 = arith.constant 65535 : i32
    %and3A_230 = vector.broadcast %and3A_229 : i32 to vector<256x128xi32>
    %and3A_231 = arith.andi %shift_right_arithmetic3A_228, %and3A_230 : vector<256x128xi32>
    %or3A = arith.ori %shift_left3A_214, %and3A_231 : vector<256x128xi32>
    %swap3A_232 = arith.constant 0 : index
    %swap3A_233 = arith.constant 0 : index
    %swap3A_234 = vector.load %arg17[%swap3A_232, %swap3A_233] : memref<256x128xi32, #tpu.memory_space<vmem>>, vector<256x128xi32>
    tpu.vector_store %arg17[%swap3A_232, %swap3A_233], %or3A {strides = array<i32>} : memref<256x128xi32, #tpu.memory_space<vmem>>, vector<256x128xi32>,
    return
  }
  func.func @transform_0(%arg0: i32) -> (i32, i32) {
    %c0_i32 = arith.constant 0 : i32
    %c0_i32_0 = arith.constant 0 : i32
    return %arg0, %c0_i32 : i32, i32
  }
  func.func @transform_1(%arg0: i32) -> (i32, i32) {
    %c0_i32 = arith.constant 0 : i32
    %c0_i32_0 = arith.constant 0 : i32
    return %arg0, %c0_i32 : i32, i32
  }
  func.func @transform_2(%arg0: i32) -> (i32, i32) {
    %c0_i32 = arith.constant 0 : i32
    %c0_i32_0 = arith.constant 0 : i32
    return %arg0, %c0_i32 : i32, i32
  }
  func.func @transform_3(%arg0: i32) -> (i32, i32) {
    %c0_i32 = arith.constant 0 : i32
    %c0_i32_0 = arith.constant 0 : i32
    return %arg0, %c0_i32 : i32, i32
  }
  func.func @transform_4(%arg0: i32) -> (i32, i32) {
    %c0_i32 = arith.constant 0 : i32
    %c0_i32_0 = arith.constant 0 : i32
    return %arg0, %c0_i32 : i32, i32
  }
  func.func @transform_5(%arg0: i32) -> (i32, i32) {
    %c0_i32 = arith.constant 0 : i32
    %c0_i32_0 = arith.constant 0 : i32
    return %arg0, %c0_i32 : i32, i32
  }
  func.func @transform_6(%arg0: i32) -> (i32, i32) {
    %c0_i32 = arith.constant 0 : i32
    %c0_i32_0 = arith.constant 0 : i32
    %c0_i32_1 = arith.constant 0 : i32
    return %c0_i32, %c0_i32_0 : i32, i32
  }
  func.func @transform_7(%arg0: i32) -> (i32, i32) {
    %c0_i32 = arith.constant 0 : i32
    %c0_i32_0 = arith.constant 0 : i32
    %c0_i32_1 = arith.constant 0 : i32
    return %c0_i32, %c0_i32_0 : i32, i32
  }
  func.func @transform_8(%arg0: i32) -> (i32, i32) {
    %c0_i32 = arith.constant 0 : i32
    %c0_i32_0 = arith.constant 0 : i32
    %c0_i32_1 = arith.constant 0 : i32
    return %c0_i32, %c0_i32_0 : i32, i32
  }
  func.func @transform_9(%arg0: i32) -> (i32, i32) {
    %c0_i32 = arith.constant 0 : i32
    %c0_i32_0 = arith.constant 0 : i32
    %c0_i32_1 = arith.constant 0 : i32
    return %c0_i32, %c0_i32_0 : i32, i32
  }
  func.func @transform_10(%arg0: i32) -> (i32, i32) {
    %c0_i32 = arith.constant 0 : i32
    %c0_i32_0 = arith.constant 0 : i32
    %c0_i32_1 = arith.constant 0 : i32
    return %c0_i32, %c0_i32_0 : i32, i32
  }
  func.func @transform_11(%arg0: i32) -> (i32, i32) {
    %c0_i32 = arith.constant 0 : i32
    %c0_i32_0 = arith.constant 0 : i32
    %c0_i32_1 = arith.constant 0 : i32
    return %c0_i32, %c0_i32_0 : i32, i32
  }
  func.func @transform_12(%arg0: i32) -> (i32, i32) {
    %c0_i32 = arith.constant 0 : i32
    %c0_i32_0 = arith.constant 0 : i32
    %c0_i32_1 = arith.constant 0 : i32
    return %c0_i32, %c0_i32_0 : i32, i32
  }
  func.func @transform_13(%arg0: i32) -> (i32, i32) {
    %c0_i32 = arith.constant 0 : i32
    %c0_i32_0 = arith.constant 0 : i32
    %c0_i32_1 = arith.constant 0 : i32
    return %c0_i32, %c0_i32_0 : i32, i32
  }
  func.func @transform_14(%arg0: i32) -> (i32, i32) {
    %c0_i32 = arith.constant 0 : i32
    %c0_i32_0 = arith.constant 0 : i32
    %c0_i32_1 = arith.constant 0 : i32
    return %c0_i32, %c0_i32_0 : i32, i32
  }
  func.func @transform_15(%arg0: i32) -> (i32, i32) {
    %c0_i32 = arith.constant 0 : i32
    %c0_i32_0 = arith.constant 0 : i32
    return %arg0, %c0_i32 : i32, i32
  }
  func.func @transform_16(%arg0: i32) -> (i32, i32) {
    %c0_i32 = arith.constant 0 : i32
    %c0_i32_0 = arith.constant 0 : i32
    return %arg0, %c0_i32 : i32, i32
  }
}

module attributes {stable_mosaic.version = 14 : i64} {
  func.func @_layer_body(%arg0: i32, %arg1: memref<256x128xf32, #tpu.memory_space<vmem>>, %arg2: memref<256x128xf32, #tpu.memory_space<vmem>>, %arg3: memref<256x128xf32, #tpu.memory_space<vmem>>, %arg4: memref<8192x128xf32, #tpu.memory_space<vmem>>, %arg5: memref<8192x128xi32, #tpu.memory_space<vmem>>, %arg6: memref<8192x1xf32, #tpu.memory_space<vmem>>, %arg7: memref<512x128xf32, #tpu.memory_space<vmem>>, %arg8: memref<128x128xf32, #tpu.memory_space<vmem>>, %arg9: memref<128x128xf32, #tpu.memory_space<vmem>>, %arg10: memref<128x512xf32, #tpu.memory_space<vmem>>, %arg11: memref<512x128xf32, #tpu.memory_space<vmem>>, %arg12: memref<8x128xf32, #tpu.memory_space<vmem>>, %arg13: memref<1x512xf32, #tpu.memory_space<vmem>>, %arg14: memref<128x128xf32, #tpu.memory_space<vmem>>, %arg15: memref<128x128xf32, #tpu.memory_space<vmem>>, %arg16: memref<256x128xf32, #tpu.memory_space<vmem>>, %arg17: memref<256x128xi32, #tpu.memory_space<vmem>>) attributes {dimension_semantics = [#tpu.dimension_semantics<arbitrary>], iteration_bounds = array<i64: 8>, scalar_prefetch = 0 : i64, scratch_operands = 0 : i64, tpu.core_type = #tpu.core_type<tc>, window_params = [{transform_indices = @transform_0, window_bounds = array<i64: 256, 128>}, {transform_indices = @transform_1, window_bounds = array<i64: 256, 128>}, {transform_indices = @transform_2, window_bounds = array<i64: 256, 128>}, {transform_indices = @transform_3, window_bounds = array<i64: 8192, 128>}, {transform_indices = @transform_4, window_bounds = array<i64: 8192, 128>}, {transform_indices = @transform_5, window_bounds = array<i64: 8192, 1>}, {pipeline_mode = #tpu.pipeline_mode<synchronous>, transform_indices = @transform_6, window_bounds = array<i64: 512, 128>}, {pipeline_mode = #tpu.pipeline_mode<synchronous>, transform_indices = @transform_7, window_bounds = array<i64: 128, 128>}, {pipeline_mode = #tpu.pipeline_mode<synchronous>, transform_indices = @transform_8, window_bounds = array<i64: 128, 128>}, {pipeline_mode = #tpu.pipeline_mode<synchronous>, transform_indices = @transform_9, window_bounds = array<i64: 128, 512>}, {pipeline_mode = #tpu.pipeline_mode<synchronous>, transform_indices = @transform_10, window_bounds = array<i64: 512, 128>}, {pipeline_mode = #tpu.pipeline_mode<synchronous>, transform_indices = @transform_11, window_bounds = array<i64: 8, 128>}, {pipeline_mode = #tpu.pipeline_mode<synchronous>, transform_indices = @transform_12, window_bounds = array<i64: 1, 512>}, {pipeline_mode = #tpu.pipeline_mode<synchronous>, transform_indices = @transform_13, window_bounds = array<i64: 128, 128>}, {pipeline_mode = #tpu.pipeline_mode<synchronous>, transform_indices = @transform_14, window_bounds = array<i64: 128, 128>}, {transform_indices = @transform_15, window_bounds = array<i64: 256, 128>}, {transform_indices = @transform_16, window_bounds = array<i64: 256, 128>}]} {
    %get3A = arith.constant 0 : index
    %get3A_0 = arith.constant 0 : index
    %get3A_1 = vector.load %arg1[%get3A, %get3A_0] : memref<256x128xf32, #tpu.memory_space<vmem>>, vector<256x128xf32>
    %get3A_2 = arith.constant 0 : index
    %get3A_3 = arith.constant 0 : index
    %get3A_4 = vector.load %arg4[%get3A_2, %get3A_3] : memref<8192x128xf32, #tpu.memory_space<vmem>>, vector<8192x128xf32>
    %get3A_5 = arith.constant 0 : index
    %get3A_6 = arith.constant 0 : index
    %get3A_7 = vector.load %arg5[%get3A_5, %get3A_6] : memref<8192x128xi32, #tpu.memory_space<vmem>>, vector<8192x128xi32>
    %and3A = arith.constant -65536 : i32
    %and3A_8 = vector.broadcast %and3A : i32 to vector<8192x128xi32>
    %and3A_9 = arith.andi %get3A_7, %and3A_8 : vector<8192x128xi32>
    %bitcast_convert_type3A = tpu.bitcast %and3A_9 : vector<8192x128xi32> -> vector<8192x128xf32>
    %shift_left3A = arith.constant 16 : i32
    %shift_left3A_10 = vector.broadcast %shift_left3A : i32 to vector<8192x128xi32>
    %shift_left3A_11 = arith.shli %get3A_7, %shift_left3A_10 : vector<8192x128xi32>
    %bitcast_convert_type3A_12 = tpu.bitcast %shift_left3A_11 : vector<8192x128xi32> -> vector<8192x128xf32>
    %get3A_13 = arith.constant 0 : index
    %get3A_14 = arith.constant 0 : index
    %get3A_15 = vector.load %arg6[%get3A_13, %get3A_14] : memref<8192x1xf32, #tpu.memory_space<vmem>>, vector<8192x1xf32>
    %get3A_16 = arith.constant 0 : index
    %get3A_17 = arith.constant 0 : index
    %get3A_18 = vector.load %arg7[%get3A_16, %get3A_17] : memref<512x128xf32, #tpu.memory_space<vmem>>, vector<512x128xf32>
    %slice3A = vector.extract_strided_slice %get3A_18 {offsets = [0, 0], sizes = [128, 128], strides = [1, 1]} : vector<512x128xf32> to vector<128x128xf32>
    %slice3A_19 = vector.extract_strided_slice %get3A_18 {offsets = [128, 0], sizes = [128, 128], strides = [1, 1]} : vector<512x128xf32> to vector<128x128xf32>
    %get3A_20 = arith.constant 0 : index
    %get3A_21 = arith.constant 0 : index
    %get3A_22 = vector.load %arg12[%get3A_20, %get3A_21] : memref<8x128xf32, #tpu.memory_space<vmem>>, vector<1x128xf32>
    %get3A_23 = arith.constant 1 : index
    %get3A_24 = arith.constant 0 : index
    %get3A_25 = vector.load %arg12[%get3A_23, %get3A_24] : memref<8x128xf32, #tpu.memory_space<vmem>>, vector<1x128xf32>
    %get3A_26 = arith.constant 2 : index
    %get3A_27 = arith.constant 0 : index
    %get3A_28 = vector.load %arg12[%get3A_26, %get3A_27] : memref<8x128xf32, #tpu.memory_space<vmem>>, vector<1x128xf32>
    %get3A_29 = arith.constant 3 : index
    %get3A_30 = arith.constant 0 : index
    %get3A_31 = vector.load %arg12[%get3A_29, %get3A_30] : memref<8x128xf32, #tpu.memory_space<vmem>>, vector<1x128xf32>
    %get3A_32 = arith.constant 4 : index
    %get3A_33 = arith.constant 0 : index
    %get3A_34 = vector.load %arg12[%get3A_32, %get3A_33] : memref<8x128xf32, #tpu.memory_space<vmem>>, vector<1x128xf32>
    %get3A_35 = arith.constant 5 : index
    %get3A_36 = arith.constant 0 : index
    %get3A_37 = vector.load %arg12[%get3A_35, %get3A_36] : memref<8x128xf32, #tpu.memory_space<vmem>>, vector<1x128xf32>
    %get3A_38 = arith.constant 6 : index
    %get3A_39 = arith.constant 0 : index
    %get3A_40 = vector.load %arg12[%get3A_38, %get3A_39] : memref<8x128xf32, #tpu.memory_space<vmem>>, vector<1x128xf32>
    %get3A_41 = arith.constant 7 : index
    %get3A_42 = arith.constant 0 : index
    %get3A_43 = vector.load %arg12[%get3A_41, %get3A_42] : memref<8x128xf32, #tpu.memory_space<vmem>>, vector<1x128xf32>
    %dot_general3A = arith.constant dense<0.000000e+00> : vector<256x128xf32>
    %dot_general3A_44 = tpu.matmul %get3A_1, %slice3A, %dot_general3A {dimension_numbers = #tpu.dot_dimension_numbers<[1], [0], [0], [1], [0, 0, 1, 1], [], []>, transpose_lhs_hint = false} : vector<256x128xf32>, vector<128x128xf32>, vector<256x128xf32> -> vector<256x128xf32>
    %add3A = vector.broadcast %get3A_22 : vector<1x128xf32> to vector<256x128xf32>
    %add3A_45 = arith.addf %dot_general3A_44, %add3A : vector<256x128xf32>
    %convert_element_type3A = arith.truncf %get3A_4 : vector<8192x128xf32> to vector<8192x128xbf16>
    %convert_element_type3A_46 = arith.truncf %slice3A_19 : vector<128x128xf32> to vector<128x128xbf16>
    %dot_general3A_47 = arith.constant dense<0.000000e+00> : vector<8192x128xf32>
    %dot_general3A_48 = tpu.matmul %convert_element_type3A, %convert_element_type3A_46, %dot_general3A_47 {dimension_numbers = #tpu.dot_dimension_numbers<[1], [0], [0], [1], [0, 0, 1, 1], [], []>, transpose_lhs_hint = false} : vector<8192x128xbf16>, vector<128x128xbf16>, vector<8192x128xf32> -> vector<8192x128xf32>
    %add3A_49 = arith.addf %dot_general3A_48, %bitcast_convert_type3A_12 : vector<8192x128xf32>
    %mul3A = vector.broadcast %get3A_15 : vector<8192x1xf32> to vector<8192x128xf32>
    %mul3A_50 = arith.mulf %mul3A, %bitcast_convert_type3A : vector<8192x128xf32>
    %add3A_51 = arith.addf %add3A_49, %mul3A_50 : vector<8192x128xf32>
    %reshape3A = vector.shape_cast %add3A_45 : vector<256x128xf32> to vector<256x1x128xf32>
    %reshape3A_52 = vector.shape_cast %add3A_51 : vector<8192x128xf32> to vector<256x32x128xf32>
    %add3A_53 = vector.broadcast %reshape3A : vector<256x1x128xf32> to vector<256x32x128xf32>
    %add3A_54 = arith.addf %add3A_53, %reshape3A_52 : vector<256x32x128xf32>
    %mul3A_55 = arith.constant 5.000000e-01 : f32
    %mul3A_56 = vector.broadcast %mul3A_55 : f32 to vector<256x32x128xf32>
    %mul3A_57 = arith.mulf %mul3A_56, %add3A_54 : vector<256x32x128xf32>
    %mul3A_58 = arith.constant 0.707106769 : f32
    %mul3A_59 = vector.broadcast %mul3A_58 : f32 to vector<256x32x128xf32>
    %mul3A_60 = arith.mulf %add3A_54, %mul3A_59 : vector<256x32x128xf32>
    %erf3A = math.erf %mul3A_60 : vector<256x32x128xf32>
    %add3A_61 = arith.constant 1.000000e+00 : f32
    %add3A_62 = vector.broadcast %add3A_61 : f32 to vector<256x32x128xf32>
    %add3A_63 = arith.addf %add3A_62, %erf3A : vector<256x32x128xf32>
    %mul3A_64 = arith.mulf %mul3A_57, %add3A_63 : vector<256x32x128xf32>
    %reshape3A_65 = vector.shape_cast %mul3A_64 : vector<256x32x128xf32> to vector<8192x128xf32>
    %convert_element_type3A_66 = arith.truncf %reshape3A_65 : vector<8192x128xf32> to vector<8192x128xbf16>
    %get3A_67 = arith.constant 0 : index
    %get3A_68 = arith.constant 0 : index
    %get3A_69 = vector.load %arg8[%get3A_67, %get3A_68] : memref<128x128xf32, #tpu.memory_space<vmem>>, vector<128x128xf32>
    %convert_element_type3A_70 = arith.truncf %get3A_69 : vector<128x128xf32> to vector<128x128xbf16>
    %dot_general3A_71 = arith.constant dense<0.000000e+00> : vector<8192x128xf32>
    %dot_general3A_72 = tpu.matmul %convert_element_type3A_66, %convert_element_type3A_70, %dot_general3A_71 {dimension_numbers = #tpu.dot_dimension_numbers<[1], [0], [0], [1], [0, 0, 1, 1], [], []>, transpose_lhs_hint = false} : vector<8192x128xbf16>, vector<128x128xbf16>, vector<8192x128xf32> -> vector<8192x128xf32>
    %add3A_73 = vector.broadcast %get3A_25 : vector<1x128xf32> to vector<8192x128xf32>
    %add3A_74 = arith.addf %dot_general3A_72, %add3A_73 : vector<8192x128xf32>
    %mul3A_75 = arith.constant 5.000000e-01 : f32
    %mul3A_76 = vector.broadcast %mul3A_75 : f32 to vector<8192x128xf32>
    %mul3A_77 = arith.mulf %mul3A_76, %add3A_74 : vector<8192x128xf32>
    %mul3A_78 = arith.constant 0.707106769 : f32
    %mul3A_79 = vector.broadcast %mul3A_78 : f32 to vector<8192x128xf32>
    %mul3A_80 = arith.mulf %add3A_74, %mul3A_79 : vector<8192x128xf32>
    %erf3A_81 = math.erf %mul3A_80 : vector<8192x128xf32>
    %add3A_82 = arith.constant 1.000000e+00 : f32
    %add3A_83 = vector.broadcast %add3A_82 : f32 to vector<8192x128xf32>
    %add3A_84 = arith.addf %add3A_83, %erf3A_81 : vector<8192x128xf32>
    %mul3A_85 = arith.mulf %mul3A_77, %add3A_84 : vector<8192x128xf32>
    %reshape3A_86 = vector.shape_cast %mul3A_85 : vector<8192x128xf32> to vector<256x32x128xf32>
    %reduce_sum3A = arith.constant dense<0.000000e+00> : vector<256x128xf32>
    %reduce_sum3A_87 = vector.multi_reduction <add>, %reshape3A_86, %reduce_sum3A [1] : vector<256x32x128xf32> to vector<256x128xf32>
    %get3A_88 = arith.constant 0 : index
    %get3A_89 = arith.constant 0 : index
    %get3A_90 = vector.load %arg9[%get3A_88, %get3A_89] : memref<128x128xf32, #tpu.memory_space<vmem>>, vector<128x128xf32>
    %dot_general3A_91 = arith.constant dense<0.000000e+00> : vector<256x128xf32>
    %dot_general3A_92 = tpu.matmul %reduce_sum3A_87, %get3A_90, %dot_general3A_91 {dimension_numbers = #tpu.dot_dimension_numbers<[1], [0], [0], [1], [0, 0, 1, 1], [], []>, transpose_lhs_hint = false} : vector<256x128xf32>, vector<128x128xf32>, vector<256x128xf32> -> vector<256x128xf32>
    %mul3A_93 = arith.constant 0.0333333351 : f32
    %mul3A_94 = vector.broadcast %mul3A_93 : f32 to vector<256x128xf32>
    %mul3A_95 = arith.mulf %dot_general3A_92, %mul3A_94 : vector<256x128xf32>
    %mul3A_96 = arith.constant 1.06666672 : f32
    %mul3A_97 = vector.broadcast %mul3A_96 : f32 to vector<1x128xf32>
    %mul3A_98 = arith.mulf %get3A_28, %mul3A_97 : vector<1x128xf32>
    %add3A_99 = vector.broadcast %mul3A_98 : vector<1x128xf32> to vector<256x128xf32>
    %add3A_100 = arith.addf %mul3A_95, %add3A_99 : vector<256x128xf32>
    %add3A_101 = arith.addf %get3A_1, %add3A_100 : vector<256x128xf32>
    %reduce_sum3A_102 = arith.constant dense<0.000000e+00> : vector<256xf32>
    %reduce_sum3A_103 = vector.multi_reduction <add>, %add3A_101, %reduce_sum3A_102 [1] : vector<256x128xf32> to vector<256xf32>
    %broadcast_in_dim3A = vector.shape_cast %reduce_sum3A_103 : vector<256xf32> to vector<256x1xf32>
    %div3A = arith.constant 1.280000e+02 : f32
    %div3A_104 = vector.broadcast %div3A : f32 to vector<256x1xf32>
    %div3A_105 = arith.divf %broadcast_in_dim3A, %div3A_104 : vector<256x1xf32>
    %sub3A = vector.broadcast %div3A_105 : vector<256x1xf32> to vector<256x128xf32>
    %sub3A_106 = arith.subf %add3A_101, %sub3A : vector<256x128xf32>
    %mul3A_107 = arith.mulf %sub3A_106, %sub3A_106 : vector<256x128xf32>
    %reduce_sum3A_108 = arith.constant dense<0.000000e+00> : vector<256xf32>
    %reduce_sum3A_109 = vector.multi_reduction <add>, %mul3A_107, %reduce_sum3A_108 [1] : vector<256x128xf32> to vector<256xf32>
    %broadcast_in_dim3A_110 = vector.shape_cast %reduce_sum3A_109 : vector<256xf32> to vector<256x1xf32>
    %div3A_111 = arith.constant 1.280000e+02 : f32
    %div3A_112 = vector.broadcast %div3A_111 : f32 to vector<256x1xf32>
    %div3A_113 = arith.divf %broadcast_in_dim3A_110, %div3A_112 : vector<256x1xf32>
    %add3A_114 = arith.constant 9.99999974E-6 : f32
    %add3A_115 = vector.broadcast %add3A_114 : f32 to vector<256x1xf32>
    %add3A_116 = arith.addf %div3A_113, %add3A_115 : vector<256x1xf32>
    %rsqrt3A = math.rsqrt %add3A_116 : vector<256x1xf32>
    %mul3A_117 = vector.broadcast %rsqrt3A : vector<256x1xf32> to vector<256x128xf32>
    %mul3A_118 = arith.mulf %sub3A_106, %mul3A_117 : vector<256x128xf32>
    %mul3A_119 = vector.broadcast %get3A_34 : vector<1x128xf32> to vector<256x128xf32>
    %mul3A_120 = arith.mulf %mul3A_118, %mul3A_119 : vector<256x128xf32>
    %add3A_121 = vector.broadcast %get3A_37 : vector<1x128xf32> to vector<256x128xf32>
    %add3A_122 = arith.addf %mul3A_120, %add3A_121 : vector<256x128xf32>
    %get3A_123 = arith.constant 0 : index
    %get3A_124 = arith.constant 0 : index
    %get3A_125 = vector.load %arg10[%get3A_123, %get3A_124] : memref<128x512xf32, #tpu.memory_space<vmem>>, vector<128x512xf32>
    %dot_general3A_126 = arith.constant dense<0.000000e+00> : vector<256x512xf32>
    %dot_general3A_127 = tpu.matmul %add3A_122, %get3A_125, %dot_general3A_126 {dimension_numbers = #tpu.dot_dimension_numbers<[1], [0], [0], [1], [0, 0, 1, 1], [], []>, transpose_lhs_hint = false} : vector<256x128xf32>, vector<128x512xf32>, vector<256x512xf32> -> vector<256x512xf32>
    %get3A_128 = arith.constant 0 : index
    %get3A_129 = arith.constant 0 : index
    %get3A_130 = vector.load %arg13[%get3A_128, %get3A_129] : memref<1x512xf32, #tpu.memory_space<vmem>>, vector<1x512xf32>
    %add3A_131 = vector.broadcast %get3A_130 : vector<1x512xf32> to vector<256x512xf32>
    %add3A_132 = arith.addf %dot_general3A_127, %add3A_131 : vector<256x512xf32>
    %mul3A_133 = arith.constant 5.000000e-01 : f32
    %mul3A_134 = vector.broadcast %mul3A_133 : f32 to vector<256x512xf32>
    %mul3A_135 = arith.mulf %mul3A_134, %add3A_132 : vector<256x512xf32>
    %mul3A_136 = arith.constant 0.707106769 : f32
    %mul3A_137 = vector.broadcast %mul3A_136 : f32 to vector<256x512xf32>
    %mul3A_138 = arith.mulf %add3A_132, %mul3A_137 : vector<256x512xf32>
    %erf3A_139 = math.erf %mul3A_138 : vector<256x512xf32>
    %add3A_140 = arith.constant 1.000000e+00 : f32
    %add3A_141 = vector.broadcast %add3A_140 : f32 to vector<256x512xf32>
    %add3A_142 = arith.addf %add3A_141, %erf3A_139 : vector<256x512xf32>
    %mul3A_143 = arith.mulf %mul3A_135, %add3A_142 : vector<256x512xf32>
    %get3A_144 = arith.constant 0 : index
    %get3A_145 = arith.constant 0 : index
    %get3A_146 = vector.load %arg11[%get3A_144, %get3A_145] : memref<512x128xf32, #tpu.memory_space<vmem>>, vector<512x128xf32>
    %dot_general3A_147 = arith.constant dense<0.000000e+00> : vector<256x128xf32>
    %dot_general3A_148 = tpu.matmul %mul3A_143, %get3A_146, %dot_general3A_147 {dimension_numbers = #tpu.dot_dimension_numbers<[1], [0], [0], [1], [0, 0, 1, 1], [], []>, transpose_lhs_hint = false} : vector<256x512xf32>, vector<512x128xf32>, vector<256x128xf32> -> vector<256x128xf32>
    %add3A_149 = vector.broadcast %get3A_31 : vector<1x128xf32> to vector<256x128xf32>
    %add3A_150 = arith.addf %dot_general3A_148, %add3A_149 : vector<256x128xf32>
    %add3A_151 = arith.addf %add3A_122, %add3A_150 : vector<256x128xf32>
    %reduce_sum3A_152 = arith.constant dense<0.000000e+00> : vector<256xf32>
    %reduce_sum3A_153 = vector.multi_reduction <add>, %add3A_151, %reduce_sum3A_152 [1] : vector<256x128xf32> to vector<256xf32>
    %broadcast_in_dim3A_154 = vector.shape_cast %reduce_sum3A_153 : vector<256xf32> to vector<256x1xf32>
    %div3A_155 = arith.constant 1.280000e+02 : f32
    %div3A_156 = vector.broadcast %div3A_155 : f32 to vector<256x1xf32>
    %div3A_157 = arith.divf %broadcast_in_dim3A_154, %div3A_156 : vector<256x1xf32>
    %sub3A_158 = vector.broadcast %div3A_157 : vector<256x1xf32> to vector<256x128xf32>
    %sub3A_159 = arith.subf %add3A_151, %sub3A_158 : vector<256x128xf32>
    %mul3A_160 = arith.mulf %sub3A_159, %sub3A_159 : vector<256x128xf32>
    %reduce_sum3A_161 = arith.constant dense<0.000000e+00> : vector<256xf32>
    %reduce_sum3A_162 = vector.multi_reduction <add>, %mul3A_160, %reduce_sum3A_161 [1] : vector<256x128xf32> to vector<256xf32>
    %broadcast_in_dim3A_163 = vector.shape_cast %reduce_sum3A_162 : vector<256xf32> to vector<256x1xf32>
    %div3A_164 = arith.constant 1.280000e+02 : f32
    %div3A_165 = vector.broadcast %div3A_164 : f32 to vector<256x1xf32>
    %div3A_166 = arith.divf %broadcast_in_dim3A_163, %div3A_165 : vector<256x1xf32>
    %add3A_167 = arith.constant 9.99999974E-6 : f32
    %add3A_168 = vector.broadcast %add3A_167 : f32 to vector<256x1xf32>
    %add3A_169 = arith.addf %div3A_166, %add3A_168 : vector<256x1xf32>
    %rsqrt3A_170 = math.rsqrt %add3A_169 : vector<256x1xf32>
    %mul3A_171 = vector.broadcast %rsqrt3A_170 : vector<256x1xf32> to vector<256x128xf32>
    %mul3A_172 = arith.mulf %sub3A_159, %mul3A_171 : vector<256x128xf32>
    %mul3A_173 = vector.broadcast %get3A_40 : vector<1x128xf32> to vector<256x128xf32>
    %mul3A_174 = arith.mulf %mul3A_172, %mul3A_173 : vector<256x128xf32>
    %add3A_175 = vector.broadcast %get3A_43 : vector<1x128xf32> to vector<256x128xf32>
    %add3A_176 = arith.addf %mul3A_174, %add3A_175 : vector<256x128xf32>
    %swap3A = arith.constant 0 : index
    %swap3A_177 = arith.constant 0 : index
    %swap3A_178 = vector.load %arg16[%swap3A, %swap3A_177] : memref<256x128xf32, #tpu.memory_space<vmem>>, vector<256x128xf32>
    tpu.vector_store %arg16[%swap3A, %swap3A_177], %add3A_176 {strides = array<i32>} : memref<256x128xf32, #tpu.memory_space<vmem>>, vector<256x128xf32>,
    %get3A_179 = arith.constant 0 : index
    %get3A_180 = arith.constant 0 : index
    %get3A_181 = vector.load %arg15[%get3A_179, %get3A_180] : memref<128x128xf32, #tpu.memory_space<vmem>>, vector<128x128xf32>
    %get3A_182 = arith.constant 0 : index
    %get3A_183 = arith.constant 0 : index
    %get3A_184 = vector.load %arg3[%get3A_182, %get3A_183] : memref<256x128xf32, #tpu.memory_space<vmem>>, vector<256x128xf32>
    %dot_general3A_185 = arith.constant dense<0.000000e+00> : vector<256x128xf32>
    %dot_general3A_186 = tpu.matmul %get3A_184, %get3A_181, %dot_general3A_185 {dimension_numbers = #tpu.dot_dimension_numbers<[1], [0], [0], [1], [0, 0, 1, 1], [], []>, transpose_lhs_hint = false} : vector<256x128xf32>, vector<128x128xf32>, vector<256x128xf32> -> vector<256x128xf32>
    %get3A_187 = arith.constant 0 : index
    %get3A_188 = arith.constant 0 : index
    %get3A_189 = vector.load %arg2[%get3A_187, %get3A_188] : memref<256x128xf32, #tpu.memory_space<vmem>>, vector<256x128xf32>
    %get3A_190 = arith.constant 0 : index
    %get3A_191 = arith.constant 0 : index
    %get3A_192 = vector.load %arg14[%get3A_190, %get3A_191] : memref<128x128xf32, #tpu.memory_space<vmem>>, vector<128x128xf32>
    %dot_general3A_193 = arith.constant dense<0.000000e+00> : vector<256x128xf32>
    %dot_general3A_194 = tpu.matmul %get3A_189, %get3A_192, %dot_general3A_193 {dimension_numbers = #tpu.dot_dimension_numbers<[1], [0], [0], [1], [0, 0, 1, 1], [], []>, transpose_lhs_hint = false} : vector<256x128xf32>, vector<128x128xf32>, vector<256x128xf32> -> vector<256x128xf32>
    %dot_general3A_195 = arith.constant dense<0.000000e+00> : vector<256x128xf32>
    %dot_general3A_196 = tpu.matmul %add3A_176, %get3A_181, %dot_general3A_195 {dimension_numbers = #tpu.dot_dimension_numbers<[1], [0], [0], [1], [0, 0, 1, 1], [], []>, transpose_lhs_hint = false} : vector<256x128xf32>, vector<128x128xf32>, vector<256x128xf32> -> vector<256x128xf32>
    %add3A_197 = arith.addf %dot_general3A_194, %dot_general3A_196 : vector<256x128xf32>
    %sub3A_198 = arith.subf %add3A_197, %dot_general3A_186 : vector<256x128xf32>
    %bitcast_convert_type3A_199 = tpu.bitcast %sub3A_198 : vector<256x128xf32> -> vector<256x128xi32>
    %add3A_200 = arith.constant 32768 : i32
    %add3A_201 = vector.broadcast %add3A_200 : i32 to vector<256x128xi32>
    %add3A_202 = arith.addi %bitcast_convert_type3A_199, %add3A_201 : vector<256x128xi32>
    %shift_right_arithmetic3A = arith.constant 16 : i32
    %shift_right_arithmetic3A_203 = vector.broadcast %shift_right_arithmetic3A : i32 to vector<256x128xi32>
    %shift_right_arithmetic3A_204 = arith.shrsi %bitcast_convert_type3A_199, %shift_right_arithmetic3A_203 : vector<256x128xi32>
    %and3A_205 = arith.constant 1 : i32
    %and3A_206 = vector.broadcast %and3A_205 : i32 to vector<256x128xi32>
    %and3A_207 = arith.andi %shift_right_arithmetic3A_204, %and3A_206 : vector<256x128xi32>
    %add3A_208 = arith.addi %add3A_202, %and3A_207 : vector<256x128xi32>
    %shift_right_arithmetic3A_209 = arith.constant 16 : i32
    %shift_right_arithmetic3A_210 = vector.broadcast %shift_right_arithmetic3A_209 : i32 to vector<256x128xi32>
    %shift_right_arithmetic3A_211 = arith.shrsi %add3A_208, %shift_right_arithmetic3A_210 : vector<256x128xi32>
    %shift_left3A_212 = arith.constant 16 : i32
    %shift_left3A_213 = vector.broadcast %shift_left3A_212 : i32 to vector<256x128xi32>
    %shift_left3A_214 = arith.shli %shift_right_arithmetic3A_211, %shift_left3A_213 : vector<256x128xi32>
    %bitcast_convert_type3A_215 = tpu.bitcast %dot_general3A_186 : vector<256x128xf32> -> vector<256x128xi32>
    %add3A_216 = arith.constant 32768 : i32
    %add3A_217 = vector.broadcast %add3A_216 : i32 to vector<256x128xi32>
    %add3A_218 = arith.addi %bitcast_convert_type3A_215, %add3A_217 : vector<256x128xi32>
    %shift_right_arithmetic3A_219 = arith.constant 16 : i32
    %shift_right_arithmetic3A_220 = vector.broadcast %shift_right_arithmetic3A_219 : i32 to vector<256x128xi32>
    %shift_right_arithmetic3A_221 = arith.shrsi %bitcast_convert_type3A_215, %shift_right_arithmetic3A_220 : vector<256x128xi32>
    %and3A_222 = arith.constant 1 : i32
    %and3A_223 = vector.broadcast %and3A_222 : i32 to vector<256x128xi32>
    %and3A_224 = arith.andi %shift_right_arithmetic3A_221, %and3A_223 : vector<256x128xi32>
    %add3A_225 = arith.addi %add3A_218, %and3A_224 : vector<256x128xi32>
    %shift_right_arithmetic3A_226 = arith.constant 16 : i32
    %shift_right_arithmetic3A_227 = vector.broadcast %shift_right_arithmetic3A_226 : i32 to vector<256x128xi32>
    %shift_right_arithmetic3A_228 = arith.shrsi %add3A_225, %shift_right_arithmetic3A_227 : vector<256x128xi32>
    %and3A_229 = arith.constant 65535 : i32
    %and3A_230 = vector.broadcast %and3A_229 : i32 to vector<256x128xi32>
    %and3A_231 = arith.andi %shift_right_arithmetic3A_228, %and3A_230 : vector<256x128xi32>
    %or3A = arith.ori %shift_left3A_214, %and3A_231 : vector<256x128xi32>
    %swap3A_232 = arith.constant 0 : index
    %swap3A_233 = arith.constant 0 : index
    %swap3A_234 = vector.load %arg17[%swap3A_232, %swap3A_233] : memref<256x128xi32, #tpu.memory_space<vmem>>, vector<256x128xi32>
    tpu.vector_store %arg17[%swap3A_232, %swap3A_233], %or3A {strides = array<i32>} : memref<256x128xi32, #tpu.memory_space<vmem>>, vector<256x128xi32>,
    return
  }
  func.func @transform_0(%arg0: i32) -> (i32, i32) {
    %c0_i32 = arith.constant 0 : i32
    %c0_i32_0 = arith.constant 0 : i32
    return %arg0, %c0_i32 : i32, i32
  }
  func.func @transform_1(%arg0: i32) -> (i32, i32) {
    %c0_i32 = arith.constant 0 : i32
    %c0_i32_0 = arith.constant 0 : i32
    return %arg0, %c0_i32 : i32, i32
  }
  func.func @transform_2(%arg0: i32) -> (i32, i32) {
    %c0_i32 = arith.constant 0 : i32
    %c0_i32_0 = arith.constant 0 : i32
    return %arg0, %c0_i32 : i32, i32
  }
  func.func @transform_3(%arg0: i32) -> (i32, i32) {
    %c0_i32 = arith.constant 0 : i32
    %c0_i32_0 = arith.constant 0 : i32
    return %arg0, %c0_i32 : i32, i32
  }
  func.func @transform_4(%arg0: i32) -> (i32, i32) {
    %c0_i32 = arith.constant 0 : i32
    %c0_i32_0 = arith.constant 0 : i32
    return %arg0, %c0_i32 : i32, i32
  }
  func.func @transform_5(%arg0: i32) -> (i32, i32) {
    %c0_i32 = arith.constant 0 : i32
    %c0_i32_0 = arith.constant 0 : i32
    return %arg0, %c0_i32 : i32, i32
  }
  func.func @transform_6(%arg0: i32) -> (i32, i32) {
    %c0_i32 = arith.constant 0 : i32
    %c0_i32_0 = arith.constant 0 : i32
    %c0_i32_1 = arith.constant 0 : i32
    return %c0_i32, %c0_i32_0 : i32, i32
  }
  func.func @transform_7(%arg0: i32) -> (i32, i32) {
    %c0_i32 = arith.constant 0 : i32
    %c0_i32_0 = arith.constant 0 : i32
    %c0_i32_1 = arith.constant 0 : i32
    return %c0_i32, %c0_i32_0 : i32, i32
  }
  func.func @transform_8(%arg0: i32) -> (i32, i32) {
    %c0_i32 = arith.constant 0 : i32
    %c0_i32_0 = arith.constant 0 : i32
    %c0_i32_1 = arith.constant 0 : i32
    return %c0_i32, %c0_i32_0 : i32, i32
  }
  func.func @transform_9(%arg0: i32) -> (i32, i32) {
    %c0_i32 = arith.constant 0 : i32
    %c0_i32_0 = arith.constant 0 : i32
    %c0_i32_1 = arith.constant 0 : i32
    return %c0_i32, %c0_i32_0 : i32, i32
  }
  func.func @transform_10(%arg0: i32) -> (i32, i32) {
    %c0_i32 = arith.constant 0 : i32
    %c0_i32_0 = arith.constant 0 : i32
    %c0_i32_1 = arith.constant 0 : i32
    return %c0_i32, %c0_i32_0 : i32, i32
  }
  func.func @transform_11(%arg0: i32) -> (i32, i32) {
    %c0_i32 = arith.constant 0 : i32
    %c0_i32_0 = arith.constant 0 : i32
    %c0_i32_1 = arith.constant 0 : i32
    return %c0_i32, %c0_i32_0 : i32, i32
  }
  func.func @transform_12(%arg0: i32) -> (i32, i32) {
    %c0_i32 = arith.constant 0 : i32
    %c0_i32_0 = arith.constant 0 : i32
    %c0_i32_1 = arith.constant 0 : i32
    return %c0_i32, %c0_i32_0 : i32, i32
  }
  func.func @transform_13(%arg0: i32) -> (i32, i32) {
    %c0_i32 = arith.constant 0 : i32
    %c0_i32_0 = arith.constant 0 : i32
    %c0_i32_1 = arith.constant 0 : i32
    return %c0_i32, %c0_i32_0 : i32, i32
  }
  func.func @transform_14(%arg0: i32) -> (i32, i32) {
    %c0_i32 = arith.constant 0 : i32
    %c0_i32_0 = arith.constant 0 : i32
    %c0_i32_1 = arith.constant 0 : i32
    return %c0_i32, %c0_i32_0 : i32, i32
  }
  func.func @transform_15(%arg0: i32) -> (i32, i32) {
    %c0_i32 = arith.constant 0 : i32
    %c0_i32_0 = arith.constant 0 : i32
    return %arg0, %c0_i32 : i32, i32
  }
  func.func @transform_16(%arg0: i32) -> (i32, i32) {
    %c0_i32 = arith.constant 0 : i32
    %c0_i32_0 = arith.constant 0 : i32
    return %arg0, %c0_i32 : i32, i32
  }
}

</mosaic_0001>

<sc_bundles>
// kernel: kernel.12.cloned.1.call-start
scs
__scs_entry_jumppad:
0x0: {  	(pc) =	sbr.rel $0x88, $3  }
0x1: {  	(tag) =	ssettag $0x0;
	lr =	simm.s32 $0x1  }
0x2: {  	[smem:$0x3F72] =	sst lr;
	_ =	strace $0xD0000000  }
0x3: {  	_ = 	snop  }
0x4: {  	_ = 	snop  }
0x5: {  	_ = 	snop  }
0x6: {  	_ = 	snop  }
0x7: {  	_ = 	snop  }
__scs_overlays_trampoline_lowered:
0x8: {  	[smem:$0x3F81] =	sst s0  }
0x9: {  	[smem:$0x3F82] =	sst s1  }
0xa: {  	[smem:$0x3F83] =	sst s2  }
0xb: {  	[smem:$0x3F84] =	sst s3  }
0xc: {  	[smem:$0x3F85] =	sst s4  }
0xd: {  	[smem:$0x3F86] =	sst s5  }
0xe: {  	[smem:$0x3F87] =	sst s6  }
0xf: {  	[smem:$0x3F88] =	sst s7  }
0x10: {  	[smem:$0x3F89] =	sst s8  }
0x11: {  	[smem:$0x3F8A] =	sst s9;
	s0 =	simm.s32 @!p0 $0x0  }
0x12: {  	s1 =	sld [smem:$0x3F70];
	s0 =	simm.s32 @p0 $0x1  }
0x13: {  	[smem:$0x3F8B] =	sst s0;
	s0 =	simm.s32 @!p1 $0x0  }
0x14: {  	s2 =	sld [smem:$0x3F6F];
	s0 =	simm.s32 @p1 $0x1  }
0x15: {  	[smem:$0x3F8C] =	sst s0;
	s0 =	simm.s32 @!p2 $0x0  }
0x16: {  	s3 =	sld [smem:$0x3FDB];
	s0 =	simm.s32 @p2 $0x1  }
0x17: {  	s4 =	simm.s32 $0x1BF5;
	[smem:$0x3F8E] =	sst s0  }
0x18: {  	s0 =	sld [smem:$0x3F71];
	_ =	swait.ge [sflag:s4], $0x0  }
0x19: {  	s7 =	sld [smem:$0x3F72]  }
0x1a: {  	s8 =	sadd.s32 $0xFFFFE003, lr  }
0x1b: {  	s9 =	sadd.s32 $0xFFFFFEF7, lr;
	s5 =	simm.s32 $0xFFFFFFFF;
	p2 =	slt.u32 s8, $0xFFFFF086  }
0x1c: {  	p1 =	slt.u32 s9, $0xF7A;
	s5 =	simm.s32 @!p2 $0x0  }
0x1d: {  	s5 =	simm.s32 @p1 $0x1;
	p0 =	seq.s32 s7, s2  }
0x1e: {  	s7 =	smul.u32 @!p0 $0xF7A, s2;
	p2 =	seq.s32 @!p0 s5, $0x0  }
0x1f: {  	s9 =	smul.u32 $0xF7A, s1;
	s8 =	simm.s32 @!p0 $0x1BF5;
	p2 =	por !p2, p0  }
0x20: {  	[sflag:s8] =	ssyncset.s32 @!p0 $0xFFFFF086;
	s6 =	sadd.s32 @!p0 s3, s7;
	s7 =	simm.s32 @!p0 $0x108  }
0x21: {  	s3 =	sadd.s32 s3, s9;
	s6 =	sadd.s32 @!p0 $0x88, s6;
	s7 =	simm.s32 @p2 $0x1082  }
0x22: {  	[simem:s7], [sflag:s8] =	dma.local @!p0 [hbm:s6], $0xF7A  }
0x23: {  	s9 =	sor.u32 $0xD0000000, s2;
	s6 =	simm.s32 $0x108;
	_ =	swait.ge @!p0 [sflag:s8], $0x0  }
0x24: {  	s3 =	sadd.s32 $0x88, s3;
	s6 =	simm.s32 @!p1 $0x1082;
	[sflag:s4] =	ssyncset.s32 $0xFFFFF086  }
0x25: {  	[simem:s6], [sflag:s4] =	dma.local [hbm:s3], $0xF7A  }
0x26: {  	[smem:$0x3F72] =	sst s1;
	(tag) =	ssettag s2;
	_ =	strace s9  }
0x27: {  	s1 =	sld [smem:$0x3F82]  }
0x28: {  	s2 =	sld [smem:$0x3F83]  }
0x29: {  	s4 =	sld [smem:$0x3F85]  }
0x2a: {  	p0 =	seq.s32 s5, $0x0;
	s5 =	sld [smem:$0x3F86]  }
0x2b: {  	s6 =	sld [smem:$0x3F87]  }
0x2c: {  	s7 =	sld [smem:$0x3F88]  }
0x2d: {  	s3 =	simm.s32 $0x108;
	s8 =	sld [smem:$0x3F89]  }
0x2e: {  	s3 =	simm.s32 @!p0 $0x1082;
	s9 =	sld [smem:$0x3F8A]  }
0x2f: {  	lr =	sadd.s32 s0, s3;
	s0 =	sld [smem:$0x3F81]  }
0x30: {  	s3 =	sld [smem:$0x3F84]  }
0x31: {  	[smem:$0x3F8D] =	sst s10  }
0x32: {  	s10 =	sld [smem:$0x3F8B];
	_ =	sdelay $0x3  }
0x33: {  	p0 =	seq.s32 s10, $0x1;
	s10 =	sld [smem:$0x3F8D];
	_ =	sdelay $0x3  }
0x34: {  	[smem:$0x3F8D] =	sst s10  }
0x35: {  	s10 =	sld [smem:$0x3F8C];
	_ =	sdelay $0x3  }
0x36: {  	p1 =	seq.s32 s10, $0x1;
	s10 =	sld [smem:$0x3F8D];
	_ =	sdelay $0x3  }
0x37: {  	[smem:$0x3F8D] =	sst s10  }
0x38: {  	s10 =	sld [smem:$0x3F8E]  }
0x39: {  	_ = 	snop;
	(pc) =	sbr.ind lr, $3  }
0x3a: {  	_ = 	snop  }
0x3b: {  	_ = 	snop  }
0x3c: {  	p2 =	seq.s32 s10, $0x1;
	s10 =	sld [smem:$0x3F8D]  }
0x3d: {  	_ =	shalt  }
0x3e: {  	_ =	shalt  }
0x3f: {  	_ =	shalt  }
0x40: {  	_ =	shalt  }
0x41: {  	_ =	shalt  }
0x42: {  	_ =	shalt  }
0x43: {  	_ =	shalt  }
0x44: {  	_ =	shalt  }
0x45: {  	_ =	shalt  }
0x46: {  	_ =	shalt  }
0x47: {  	_ =	shalt  }
0x48: {  	_ =	shalt  }
0x49: {  	_ =	shalt  }
0x4a: {  	_ =	shalt  }
0x4b: {  	_ =	shalt  }
0x4c: {  	_ =	shalt  }
0x4d: {  	_ =	shalt  }
0x4e: {  	_ =	shalt  }
0x4f: {  	_ =	shalt  }
0x50: {  	_ =	shalt  }
0x51: {  	_ =	shalt  }
0x52: {  	_ =	shalt  }
0x53: {  	_ =	shalt  }
0x54: {  	_ =	shalt  }
0x55: {  	_ =	shalt  }
0x56: {  	_ =	shalt  }
0x57: {  	_ =	shalt  }
0x58: {  	_ =	shalt  }
0x59: {  	_ =	shalt  }
0x5a: {  	_ =	shalt  }
0x5b: {  	_ =	shalt  }
0x5c: {  	_ =	shalt  }
0x5d: {  	_ =	shalt  }
0x5e: {  	_ =	shalt  }
0x5f: {  	_ =	shalt  }
0x60: {  	_ =	shalt  }
0x61: {  	_ =	shalt  }
0x62: {  	_ =	shalt  }
0x63: {  	_ =	shalt  }
0x64: {  	_ =	shalt  }
0x65: {  	_ =	shalt  }
0x66: {  	_ =	shalt  }
0x67: {  	_ =	shalt  }
0x68: {  	_ =	shalt  }
0x69: {  	_ =	shalt  }
0x6a: {  	_ =	shalt  }
0x6b: {  	_ =	shalt  }
0x6c: {  	_ =	shalt  }
0x6d: {  	_ =	shalt  }
0x6e: {  	_ =	shalt  }
0x6f: {  	_ =	shalt  }
0x70: {  	_ =	shalt  }
0x71: {  	_ =	shalt  }
0x72: {  	_ =	shalt  }
0x73: {  	_ =	shalt  }
0x74: {  	_ =	shalt  }
0x75: {  	_ =	shalt  }
0x76: {  	_ =	shalt  }
0x77: {  	_ =	shalt  }
0x78: {  	_ =	shalt  }
0x79: {  	_ =	shalt  }
0x7a: {  	_ =	shalt  }
0x7b: {  	_ =	shalt  }
0x7c: {  	_ =	shalt  }
0x7d: {  	_ =	shalt  }
0x7e: {  	_ =	shalt  }
0x7f: {  	_ =	shalt  }
0x80: {  	_ =	shalt  }
0x81: {  	_ =	shalt  }
0x82: {  	_ =	shalt  }
0x83: {  	_ =	shalt  }
0x84: {  	_ =	shalt  }
0x85: {  	_ =	shalt  }
0x86: {  	_ =	shalt  }
0x87: {  	_ =	shalt  }
.Lfunc_end0:
.L_simem_size_0:
called_computation.1_lowered:
.L_overlay_start_0:
0x88: {  	s2 =	sld [smem:$0x3FD9]  }
0x89: {  	s3 =	sld [smem:$0x3FFE];
	_ =	sdelay $0x1  }
0x8a: {  	s1 =	srdreg.scid  }
0x8b: {  	s0 =	sand.u32 $0x1, s1  }
0x8c: {  	s17 =	sshll.u32 s0, $0xA;
	s2 =	sadd.s32 s3, s2  }
0x8d: {  	s2 =	sadd.s32 s2, s17  }
0x8e: {  	[smem:$0x3F99] =	sst s2  }
0x8f: {  	_ = 	snop  }
0x90: {  	s2 =	sld [smem:$0x3FD0];
	(tm) =	ssettm $0x1  }
0x91: {  	s18 =	sld [smem:$0x3FFB];
	_ =	sdelay $0x3  }
0x92: {  	_ =	strace s18  }
0x93: {  	s3 =	sld [smem:$0x3FFC];
	_ =	sdelay $0x3  }
0x94: {  	_ =	strace s3  }
0x95: {  	s3 =	sld [smem:$0x3FFD];
	_ =	sdelay $0x3  }
0x96: {  	_ =	strace s3  }
0x97: {  	_ =	strace $0x8FFFFFFF  }
0x98: {  	s19 =	sld [smem:$0x3FDB];
	_ =	sdelay $0x1  }
0x99: {  	s4 =	simm.s32 $_scs_section_size  }
0x9a: {  	s5 =	simm.s32 $_size__tile_overlayer_lowered;
	s6 =	simm.s32 $_tile_overlayer_lowered  }
0x9b: {  	s22 =	simm.s32 $0x1BFF;
	s21 =	sshll.u32 s6, $0x1;
	s3 =	sadd.s32 s4, s19  }
0x9c: {  	s7 =	simm.s32 $0x0;
	s20 =	sshll.u32 s5, $0x1;
	s5 =	sadd.s32 s21, s3  }
0x9d: {  	[timem:s7], [sflag:s22] =	dma.local [hbm:s5], s20  }
0x9e: {  	_ =	swait.ge [sflag:s22], s20  }
0x9f: {  	s4 =	ssub.s32 $0x0, s20;
	[sflag:s22] =	ssyncset.done $0x0  }
0xa0: {  	[sflag:s22] =	ssyncadd.s32 s4;
	_ =	sdelay $0x1  }
0xa1: {  	s23 =	simm.s32 $0x1B8B  }
0xa2: {  	_ =	swait.ge [sflag:s23], $0x1  }
0xa3: {  	[sflag:s23] =	ssyncset.done $0x0  }
0xa4: {  	s25 =	simm.s32 $0x1B8E;
	s24 =	sld [smem:$0x3FFE];
	[sflag:s23] =	ssyncadd.s32 $0xFFFFFFFF  }
0xa5: {  	s26 =	simm.s32 $execute0_lowered;
	[smem:$0x3FD2] =	sst s25  }
0xa6: {  	s5 =	sshll.u32 s26, $0x1;
	_ =	strace $0x80000049;
	[dreg:$0x1] =	wrdreg $0xFFFFFFFF  }
0xa7: {  	s28 =	simm.s32 $_size_execute0_lowered;
	s3 =	sadd.s32 s3, s5;
	[dreg:$0x0] =	wrdreg $0x0  }
0xa8: {  	s5 =	sshll.u32 s28, $0x1;
	[dreg:$0x2] =	wrdreg s3  }
0xa9: {  	[dreg:$0x3] =	wrdreg s5  }
0xaa: {  	[dreg:$0x4] =	wrdreg $0xC0  }
0xab: {  	_ =	task [dreg:s7], $0x5FFFF  }
0xac: {  	[dreg:$0x1] =	wrdreg $0xFFFFFFFF  }
0xad: {  	[dreg:$0x0] =	wrdreg $0x60  }
0xae: {  	[dreg:$0x2] =	wrdreg s2  }
0xaf: {  	[dreg:$0x3] =	wrdreg s24  }
0xb0: {  	[dreg:$0x4] =	wrdreg $0x9  }
0xb1: {  	_ =	task.clear_ibuf [dreg:s7], $0x5FFFF;
	_ =	strace $0x90000049  }
0xb2: {  	s29 =	simm.s32 $0x9;
	_ =	strace $0x8000004B  }
0xb3: {  	_ =	swait.ge [sflag:s29], $0x1  }
0xb4: {  	[sflag:s29] =	ssyncadd.s32 $0xFFFFFFFF  }
0xb5: {  	_ =	strace $0x9000004B  }
0xb6: {  	_ =	sfence  }
0xb7: {  	s30 =	sld [smem:$0x0];
	_ =	sdelay $0x2  }
0xb8: {  	s31 =	sshll.u32 s1, $0xD;
	s1 =	sshrl.u32 s1, $0x2  }
0xb9: {  	s3 =	sand.u32 $0x4000, s31;
	s1 =	sadd.s32 s1, s30  }
0xba: {  	s0 =	sor.u32 s3, s0;
	s1 =	sshll.u32 s1, $0x11  }
0xbb: {  	s0 =	sor.u32 s1, s0  }
0xbc: {  	s0 =	sadd.s32 $0x8F2B, s0  }
0xbd: {  	[sflag:s0] =	ssyncadd.remote.s32 $0x1  }
0xbe: {  	_ =	sfence.sel $0xFFFF  }
0xbf: {  	[dreg:$0x0] =	wrdreg $0xFFFFFFFF;
	(pc) =	sbr.abs _section_cstart, $3  }
0xc0: {  	[dreg:$0x1] =	wrdreg $0xFFFFFFFF  }
0xc1: {  	_ =	task.clear_ibuf [dreg:s7], $0x2FFFF;
	_ =	strace $0x9FFFFFFF  }
0xc2: {  	(tm) =	ssettm $0x7FFFFFFF  }
0xc3: {  	_ =	shalt  }
tec
execute0_lowered:
.L_overlay_start_1:
0x0: {  	(tag) =	ssettag $0x1  }
0x1: {  	s1 =	srdreg.scid  }
0x2: {  	s0 =	stileid.u32;
	s1 =	sand.u32 $0x1, s1  }
0x3: {  	s3 =	sshll.u32 s0, $0xC;
	s4 =	sshll.u32 s1, $0xB  }
0x4: {  	s2 =	rddreg [dreg:$0x0];
	s4 =	sor.u32 s4, s3  }
0x5: {  	s5 =	rddreg [dreg:$0x1];
	s6 =	sshrl.u32 s4, $0x3  }
0x6: {  	s3 =	simm.s32 $0x0;
	s4 =	sshll.u32 s4, $0x4;
	s6 =	sadd.s32 s6, s5  }
0x7: {  	[smem:$0x7FF] =	sst s3;
	s31 =	sadd.s32 s4, s5;
	s14 =	sadd.s32 $0x10B400, s6  }
0x8: {  	_ =	strace $0x8000004A;
	s15 =	sadd.s32 $0x7200, s31;
	[dreg:$0x3] =	wrdreg s14  }
0x9: {  	s16 =	sadd.s32 $0x7A00, s31;
	[dreg:$0x4] =	wrdreg s15  }
0xa: {  	s17 =	sadd.s32 $0x8200, s31;
	[dreg:$0x5] =	wrdreg s16  }
0xb: {  	s18 =	sadd.s32 $0x8A00, s31;
	[dreg:$0x6] =	wrdreg s17  }
0xc: {  	s19 =	sadd.s32 $0x9200, s31;
	[dreg:$0x7] =	wrdreg s18  }
0xd: {  	s20 =	sadd.s32 $0x9A00, s31;
	[dreg:$0x8] =	wrdreg s19  }
0xe: {  	s21 =	sadd.s32 $0xA200, s31;
	[dreg:$0x9] =	wrdreg s20  }
0xf: {  	s22 =	sadd.s32 $0xAA00, s31;
	[dreg:$0xa] =	wrdreg s21  }
0x10: {  	s23 =	sadd.s32 $0xB200, s31;
	[dreg:$0xb] =	wrdreg s22  }
0x11: {  	s24 =	sadd.s32 $0xBA00, s31;
	[dreg:$0xc] =	wrdreg s23  }
0x12: {  	s26 =	sadd.s32 $0xC200, s31;
	[dreg:$0xd] =	wrdreg s24  }
0x13: {  	[dreg:$0xe] =	wrdreg s26  }
0x14: {  	s4 =	simm.s32 $0x5;
	s25 =	rddreg [dreg:$0x3]  }
0x15: {  	[tilespmem:s3], [sflag:$0x5] =	stream.linear.gather [hbm4b:s25+s3], $0x800, $0x38;
	[tilespmem:$0x8800] =	vst v63  }
0x16: {  	_ =	swait.ge [sflag:s4], $0x800  }
0x17: {  	[sflag:s4] =	ssyncset.done $0x0  }
0x18: {  	s5 =	simm.s32 $0x80;
	s6 =	simm.s32 $0x800;
	[sflag:s4] =	ssyncadd.s32 $0xFFFFF800  }
0x19: {  	[tilespmem:s6], [sflag:$0x1] =	stream.indirect.gather [hbm4b:s2+s5], $0x80, s3, s5, $0xb8;
	[tilespmem:$0x8800] =	vst v63  }
0x1a: {  	s7 =	simm.s32 $0x4800;
	s8 =	simm.s32 $0x1  }
0x1b: {  	[tilespmem:s7], [sflag:$0x2] =	stream.indirect.gather [hbm4b:s2+s5], $0x80, s5, s5, $0xb8;
	[tilespmem:$0x8800] =	vst v63  }
0x1c: {  	_ =	swait.ge [sflag:s8], $0x4000  }
0x1d: {  	[sflag:s8] =	ssyncset.done $0x0  }
0x1e: {  	s9 =	simm.s32 $0x3;
	s10 =	rddreg [dreg:$0x4];
	[sflag:s8] =	ssyncadd.s32 $0xFFFFC000  }
0x1f: {  	[hbm4b:s10+s3] =	stream.linear.scatter [tilespmem:s6], [sflag:$0x3], $0x4000, $0x38;
	[tilespmem:$0x8800] =	vst v63  }
0x20: {  	_ =	swait.ge [sflag:s9], $0x4000  }
0x21: {  	[sflag:s9] =	ssyncset.done $0x0  }
0x22: {  	s11 =	simm.s32 $0x2;
	s10 =	simm.s32 $0x100;
	[sflag:s9] =	ssyncadd.s32 $0xFFFFC000  }
0x23: {  	[tilespmem:s6], [sflag:$0x1] =	stream.indirect.gather [hbm4b:s2+s5], $0x80, s10, s5, $0xb8;
	[tilespmem:$0x8800] =	vst v63  }
0x24: {  	_ =	swait.ge [sflag:s11], $0x4000  }
0x25: {  	[sflag:s11] =	ssyncset.done $0x0  }
0x26: {  	s12 =	simm.s32 $0x4;
	s13 =	rddreg [dreg:$0x5];
	[sflag:s11] =	ssyncadd.s32 $0xFFFFC000  }
0x27: {  	[hbm4b:s13+s3] =	stream.linear.scatter [tilespmem:s7], [sflag:$0x4], $0x4000, $0x38;
	[tilespmem:$0x8800] =	vst v63  }
0x28: {  	_ =	swait.ge [sflag:s12], $0x4000  }
0x29: {  	[sflag:s12] =	ssyncset.done $0x0  }
0x2a: {  	s13 =	simm.s32 $0x180;
	[sflag:s12] =	ssyncadd.s32 $0xFFFFC000  }
0x2b: {  	[tilespmem:s7], [sflag:$0x2] =	stream.indirect.gather [hbm4b:s2+s5], $0x80, s13, s5, $0xb8;
	[tilespmem:$0x8800] =	vst v63  }
0x2c: {  	_ =	swait.ge [sflag:s8], $0x4000  }
0x2d: {  	[sflag:s8] =	ssyncset.done $0x0  }
0x2e: {  	s14 =	rddreg [dreg:$0x6];
	[sflag:s8] =	ssyncadd.s32 $0xFFFFC000  }
0x2f: {  	[hbm4b:s14+s3] =	stream.linear.scatter [tilespmem:s6], [sflag:$0x3], $0x4000, $0x38;
	[tilespmem:$0x8800] =	vst v63  }
0x30: {  	_ =	swait.ge [sflag:s9], $0x4000  }
0x31: {  	[sflag:s9] =	ssyncset.done $0x0  }
0x32: {  	s14 =	simm.s32 $0x200;
	[sflag:s9] =	ssyncadd.s32 $0xFFFFC000  }
0x33: {  	[tilespmem:s6], [sflag:$0x1] =	stream.indirect.gather [hbm4b:s2+s5], $0x80, s14, s5, $0xb8;
	[tilespmem:$0x8800] =	vst v63  }
0x34: {  	_ =	swait.ge [sflag:s11], $0x4000  }
0x35: {  	[sflag:s11] =	ssyncset.done $0x0  }
0x36: {  	s15 =	rddreg [dreg:$0x7];
	[sflag:s11] =	ssyncadd.s32 $0xFFFFC000  }
0x37: {  	[hbm4b:s15+s3] =	stream.linear.scatter [tilespmem:s7], [sflag:$0x4], $0x4000, $0x38;
	[tilespmem:$0x8800] =	vst v63  }
0x38: {  	_ =	swait.ge [sflag:s12], $0x4000  }
0x39: {  	[sflag:s12] =	ssyncset.done $0x0  }
0x3a: {  	s15 =	simm.s32 $0x280;
	[sflag:s12] =	ssyncadd.s32 $0xFFFFC000  }
0x3b: {  	[tilespmem:s7], [sflag:$0x2] =	stream.indirect.gather [hbm4b:s2+s5], $0x80, s15, s5, $0xb8;
	[tilespmem:$0x8800] =	vst v63  }
0x3c: {  	_ =	swait.ge [sflag:s8], $0x4000  }
0x3d: {  	[sflag:s8] =	ssyncset.done $0x0  }
0x3e: {  	s16 =	rddreg [dreg:$0x8];
	[sflag:s8] =	ssyncadd.s32 $0xFFFFC000  }
0x3f: {  	[hbm4b:s16+s3] =	stream.linear.scatter [tilespmem:s6], [sflag:$0x3], $0x4000, $0x38;
	[tilespmem:$0x8800] =	vst v63  }
0x40: {  	_ =	swait.ge [sflag:s9], $0x4000  }
0x41: {  	[sflag:s9] =	ssyncset.done $0x0  }
0x42: {  	s16 =	simm.s32 $0x300;
	[sflag:s9] =	ssyncadd.s32 $0xFFFFC000  }
0x43: {  	[tilespmem:s6], [sflag:$0x1] =	stream.indirect.gather [hbm4b:s2+s5], $0x80, s16, s5, $0xb8;
	[tilespmem:$0x8800] =	vst v63  }
0x44: {  	_ =	swait.ge [sflag:s11], $0x4000  }
0x45: {  	[sflag:s11] =	ssyncset.done $0x0  }
0x46: {  	s17 =	rddreg [dreg:$0x9];
	[sflag:s11] =	ssyncadd.s32 $0xFFFFC000  }
0x47: {  	[hbm4b:s17+s3] =	stream.linear.scatter [tilespmem:s7], [sflag:$0x4], $0x4000, $0x38;
	[tilespmem:$0x8800] =	vst v63  }
0x48: {  	_ =	swait.ge [sflag:s12], $0x4000  }
0x49: {  	[sflag:s12] =	ssyncset.done $0x0  }
0x4a: {  	s17 =	simm.s32 $0x380;
	[sflag:s12] =	ssyncadd.s32 $0xFFFFC000  }
0x4b: {  	[tilespmem:s7], [sflag:$0x2] =	stream.indirect.gather [hbm4b:s2+s5], $0x80, s17, s5, $0xb8;
	[tilespmem:$0x8800] =	vst v63  }
0x4c: {  	_ =	swait.ge [sflag:s8], $0x4000  }
0x4d: {  	[sflag:s8] =	ssyncset.done $0x0  }
0x4e: {  	s18 =	rddreg [dreg:$0xa];
	[sflag:s8] =	ssyncadd.s32 $0xFFFFC000  }
0x4f: {  	[hbm4b:s18+s3] =	stream.linear.scatter [tilespmem:s6], [sflag:$0x3], $0x4000, $0x38;
	[tilespmem:$0x8800] =	vst v63  }
0x50: {  	_ =	swait.ge [sflag:s9], $0x4000  }
0x51: {  	[sflag:s9] =	ssyncset.done $0x0  }
0x52: {  	s18 =	simm.s32 $0x400;
	[sflag:s9] =	ssyncadd.s32 $0xFFFFC000  }
0x53: {  	[tilespmem:s6], [sflag:$0x1] =	stream.indirect.gather [hbm4b:s2+s5], $0x80, s18, s5, $0xb8;
	[tilespmem:$0x8800] =	vst v63  }
0x54: {  	_ =	swait.ge [sflag:s11], $0x4000  }
0x55: {  	[sflag:s11] =	ssyncset.done $0x0  }
0x56: {  	s19 =	rddreg [dreg:$0xb];
	[sflag:s11] =	ssyncadd.s32 $0xFFFFC000  }
0x57: {  	[hbm4b:s19+s3] =	stream.linear.scatter [tilespmem:s7], [sflag:$0x4], $0x4000, $0x38;
	[tilespmem:$0x8800] =	vst v63  }
0x58: {  	_ =	swait.ge [sflag:s12], $0x4000  }
0x59: {  	[sflag:s12] =	ssyncset.done $0x0  }
0x5a: {  	s19 =	simm.s32 $0x480;
	[sflag:s12] =	ssyncadd.s32 $0xFFFFC000  }
0x5b: {  	[tilespmem:s7], [sflag:$0x2] =	stream.indirect.gather [hbm4b:s2+s5], $0x80, s19, s5, $0xb8;
	[tilespmem:$0x8800] =	vst v63  }
0x5c: {  	_ =	swait.ge [sflag:s8], $0x4000  }
0x5d: {  	[sflag:s8] =	ssyncset.done $0x0  }
0x5e: {  	s20 =	rddreg [dreg:$0xc];
	[sflag:s8] =	ssyncadd.s32 $0xFFFFC000  }
0x5f: {  	[hbm4b:s20+s3] =	stream.linear.scatter [tilespmem:s6], [sflag:$0x3], $0x4000, $0x38;
	[tilespmem:$0x8800] =	vst v63  }
0x60: {  	_ =	swait.ge [sflag:s9], $0x4000  }
0x61: {  	[sflag:s9] =	ssyncset.done $0x0  }
0x62: {  	s20 =	simm.s32 $0x500;
	[sflag:s9] =	ssyncadd.s32 $0xFFFFC000  }
0x63: {  	[tilespmem:s6], [sflag:$0x1] =	stream.indirect.gather [hbm4b:s2+s5], $0x80, s20, s5, $0xb8;
	[tilespmem:$0x8800] =	vst v63  }
0x64: {  	_ =	swait.ge [sflag:s11], $0x4000  }
0x65: {  	[sflag:s11] =	ssyncset.done $0x0  }
0x66: {  	s21 =	rddreg [dreg:$0xd];
	[sflag:s11] =	ssyncadd.s32 $0xFFFFC000  }
0x67: {  	[hbm4b:s21+s3] =	stream.linear.scatter [tilespmem:s7], [sflag:$0x4], $0x4000, $0x38;
	[tilespmem:$0x8800] =	vst v63  }
0x68: {  	_ =	swait.ge [sflag:s12], $0x4000  }
0x69: {  	[sflag:s12] =	ssyncset.done $0x0  }
0x6a: {  	s21 =	simm.s32 $0x580;
	[sflag:s12] =	ssyncadd.s32 $0xFFFFC000  }
0x6b: {  	[tilespmem:s7], [sflag:$0x2] =	stream.indirect.gather [hbm4b:s2+s5], $0x80, s21, s5, $0xb8;
	[tilespmem:$0x8800] =	vst v63  }
0x6c: {  	_ =	swait.ge [sflag:s8], $0x4000  }
0x6d: {  	[sflag:s8] =	ssyncset.done $0x0  }
0x6e: {  	s22 =	rddreg [dreg:$0xe];
	[sflag:s8] =	ssyncadd.s32 $0xFFFFC000  }
0x6f: {  	[hbm4b:s22+s3] =	stream.linear.scatter [tilespmem:s6], [sflag:$0x3], $0x4000, $0x38;
	[tilespmem:$0x8800] =	vst v63  }
0x70: {  	_ =	swait.ge [sflag:s9], $0x4000  }
0x71: {  	[sflag:s9] =	ssyncset.done $0x0  }
0x72: {  	s22 =	simm.s32 $0x600;
	[sflag:s9] =	ssyncadd.s32 $0xFFFFC000  }
0x73: {  	[tilespmem:s6], [sflag:$0x1] =	stream.indirect.gather [hbm4b:s2+s5], $0x80, s22, s5, $0xb8;
	[tilespmem:$0x8800] =	vst v63  }
0x74: {  	_ =	swait.ge [sflag:s11], $0x4000  }
0x75: {  	[sflag:s11] =	ssyncset.done $0x0  }
0x76: {  	s23 =	sadd.s32 $0xCA00, s31;
	[sflag:s11] =	ssyncadd.s32 $0xFFFFC000  }
0x77: {  	[hbm4b:s23+s3] =	stream.linear.scatter [tilespmem:s7], [sflag:$0x4], $0x4000, $0x38;
	[tilespmem:$0x8800] =	vst v63  }
0x78: {  	_ =	swait.ge [sflag:s12], $0x4000  }
0x79: {  	[sflag:s12] =	ssyncset.done $0x0  }
0x7a: {  	s24 =	simm.s32 $0x680;
	[sflag:s12] =	ssyncadd.s32 $0xFFFFC000  }
0x7b: {  	[tilespmem:s7], [sflag:$0x2] =	stream.indirect.gather [hbm4b:s2+s5], $0x80, s24, s5, $0xb8;
	[tilespmem:$0x8800] =	vst v63  }
0x7c: {  	_ =	swait.ge [sflag:s8], $0x4000  }
0x7d: {  	[sflag:s8] =	ssyncset.done $0x0  }
0x7e: {  	s25 =	sadd.s32 $0xD200, s31;
	[sflag:s8] =	ssyncadd.s32 $0xFFFFC000  }
0x7f: {  	[hbm4b:s25+s3] =	stream.linear.scatter [tilespmem:s6], [sflag:$0x3], $0x4000, $0x38;
	[tilespmem:$0x8800] =	vst v63  }
0x80: {  	_ =	swait.ge [sflag:s9], $0x4000  }
0x81: {  	[sflag:s9] =	ssyncset.done $0x0  }
0x82: {  	s26 =	simm.s32 $0x700;
	[sflag:s9] =	ssyncadd.s32 $0xFFFFC000  }
0x83: {  	[tilespmem:s6], [sflag:$0x1] =	stream.indirect.gather [hbm4b:s2+s5], $0x80, s26, s5, $0xb8;
	[tilespmem:$0x8800] =	vst v63  }
0x84: {  	_ =	swait.ge [sflag:s11], $0x4000  }
0x85: {  	[sflag:s11] =	ssyncset.done $0x0  }
0x86: {  	s28 =	sadd.s32 $0xDA00, s31;
	[sflag:s11] =	ssyncadd.s32 $0xFFFFC000  }
0x87: {  	[hbm4b:s28+s3] =	stream.linear.scatter [tilespmem:s7], [sflag:$0x4], $0x4000, $0x38;
	[tilespmem:$0x8800] =	vst v63  }
0x88: {  	_ =	swait.ge [sflag:s12], $0x4000  }
0x89: {  	[sflag:s12] =	ssyncset.done $0x0  }
0x8a: {  	s29 =	simm.s32 $0x780;
	[sflag:s12] =	ssyncadd.s32 $0xFFFFC000  }
0x8b: {  	[tilespmem:s7], [sflag:$0x2] =	stream.indirect.gather [hbm4b:s2+s5], $0x80, s29, s5, $0xb8;
	[tilespmem:$0x8800] =	vst v63  }
0x8c: {  	_ =	swait.ge [sflag:s8], $0x4000  }
0x8d: {  	s1 =	ssub.s32 $0x2, s1;
	[sflag:s8] =	ssyncset.done $0x0  }
0x8e: {  	s0 =	sshrl.u32 s1, $0x1;
	s30 =	sadd.s32 $0xE200, s31;
	[sflag:s8] =	ssyncadd.s32 $0xFFFFC000  }
0x8f: {  	[hbm4b:s30+s3] =	stream.linear.scatter [tilespmem:s6], [sflag:$0x3], $0x4000, $0x38;
	[tilespmem:$0x8800] =	vst v63  }
0x90: {  	s0 =	ssub.s32 s1, s0;
	_ =	swait.ge [sflag:s11], $0x4000  }
0x91: {  	s0 =	smax.u32 s0, $0x1;
	[sflag:s11] =	ssyncset.done $0x0  }
0x92: {  	p0 =	sne.s32 s0, $0x1;
	s31 =	sadd.s32 $0xEA00, s31;
	[sflag:s11] =	ssyncadd.s32 $0xFFFFC000  }
0x93: {  	[hbm4b:s31+s3] =	stream.linear.scatter [tilespmem:s7], [sflag:$0x4], $0x4000, $0x38;
	[tilespmem:$0x8800] =	vst v63  }
.Ltmp0:
0x94: {  	_ =	swait.ge [sflag:s9], $0x4000;
	(pc) =	sbr.rel @!p0 .LBB2_2-.Ltmp0, $4  }
0x95: {  	[sflag:s9] =	ssyncset.done $0x0  }
0x96: {  	[sflag:s9] =	ssyncadd.s32 $0xFFFFC000  }
0x97: {  	_ =	swait.ge [sflag:s12], $0x4000  }
0x98: {  	s1 =	sadd.s32 $0xFFFFFFFF, s0;
	[sflag:s12] =	ssyncset.done $0x0  }
.LBB2_1:
0x99: {  	s0 =	rddreg [dreg:$0x3];
	[sflag:s12] =	ssyncadd.s32 $0xFFFFC000  }
0x9a: {  	[tilespmem:s3], [sflag:$0x5] =	stream.linear.gather [hbm4b:s0+s3], $0x800, $0x38;
	[tilespmem:$0x8800] =	vst v63  }
0x9b: {  	_ =	swait.ge [sflag:s4], $0x800  }
0x9c: {  	[sflag:s4] =	ssyncset.done $0x0  }
0x9d: {  	[sflag:s4] =	ssyncadd.s32 $0xFFFFF800  }
0x9e: {  	[tilespmem:s6], [sflag:$0x1] =	stream.indirect.gather [hbm4b:s2+s5], $0x80, s3, s5, $0xb8;
	[tilespmem:$0x8800] =	vst v63  }
0x9f: {  	_ = 	snop  }
0xa0: {  	[tilespmem:s7], [sflag:$0x2] =	stream.indirect.gather [hbm4b:s2+s5], $0x80, s5, s5, $0xb8;
	[tilespmem:$0x8800] =	vst v63  }
0xa1: {  	_ =	swait.ge [sflag:s8], $0x4000  }
0xa2: {  	[sflag:s8] =	ssyncset.done $0x0  }
0xa3: {  	s0 =	rddreg [dreg:$0x4];
	[sflag:s8] =	ssyncadd.s32 $0xFFFFC000  }
0xa4: {  	[hbm4b:s0+s3] =	stream.linear.scatter [tilespmem:s6], [sflag:$0x3], $0x4000, $0x38;
	[tilespmem:$0x8800] =	vst v63  }
0xa5: {  	_ =	swait.ge [sflag:s9], $0x4000  }
0xa6: {  	[sflag:s9] =	ssyncset.done $0x0  }
0xa7: {  	[sflag:s9] =	ssyncadd.s32 $0xFFFFC000  }
0xa8: {  	[tilespmem:s6], [sflag:$0x1] =	stream.indirect.gather [hbm4b:s2+s5], $0x80, s10, s5, $0xb8;
	[tilespmem:$0x8800] =	vst v63  }
0xa9: {  	_ =	swait.ge [sflag:s11], $0x4000  }
0xaa: {  	[sflag:s11] =	ssyncset.done $0x0  }
0xab: {  	s0 =	rddreg [dreg:$0x5];
	[sflag:s11] =	ssyncadd.s32 $0xFFFFC000  }
0xac: {  	[hbm4b:s0+s3] =	stream.linear.scatter [tilespmem:s7], [sflag:$0x4], $0x4000, $0x38;
	[tilespmem:$0x8800] =	vst v63  }
0xad: {  	_ =	swait.ge [sflag:s12], $0x4000  }
0xae: {  	[sflag:s12] =	ssyncset.done $0x0  }
0xaf: {  	[sflag:s12] =	ssyncadd.s32 $0xFFFFC000  }
0xb0: {  	[tilespmem:s7], [sflag:$0x2] =	stream.indirect.gather [hbm4b:s2+s5], $0x80, s13, s5, $0xb8;
	[tilespmem:$0x8800] =	vst v63  }
0xb1: {  	_ =	swait.ge [sflag:s8], $0x4000  }
0xb2: {  	[sflag:s8] =	ssyncset.done $0x0  }
0xb3: {  	s0 =	rddreg [dreg:$0x6];
	[sflag:s8] =	ssyncadd.s32 $0xFFFFC000  }
0xb4: {  	[hbm4b:s0+s3] =	stream.linear.scatter [tilespmem:s6], [sflag:$0x3], $0x4000, $0x38;
	[tilespmem:$0x8800] =	vst v63  }
0xb5: {  	_ =	swait.ge [sflag:s9], $0x4000  }
0xb6: {  	[sflag:s9] =	ssyncset.done $0x0  }
0xb7: {  	[sflag:s9] =	ssyncadd.s32 $0xFFFFC000  }
0xb8: {  	[tilespmem:s6], [sflag:$0x1] =	stream.indirect.gather [hbm4b:s2+s5], $0x80, s14, s5, $0xb8;
	[tilespmem:$0x8800] =	vst v63  }
0xb9: {  	_ =	swait.ge [sflag:s11], $0x4000  }
0xba: {  	[sflag:s11] =	ssyncset.done $0x0  }
0xbb: {  	s0 =	rddreg [dreg:$0x7];
	[sflag:s11] =	ssyncadd.s32 $0xFFFFC000  }
0xbc: {  	[hbm4b:s0+s3] =	stream.linear.scatter [tilespmem:s7], [sflag:$0x4], $0x4000, $0x38;
	[tilespmem:$0x8800] =	vst v63  }
0xbd: {  	_ =	swait.ge [sflag:s12], $0x4000  }
0xbe: {  	[sflag:s12] =	ssyncset.done $0x0  }
0xbf: {  	[sflag:s12] =	ssyncadd.s32 $0xFFFFC000  }
0xc0: {  	[tilespmem:s7], [sflag:$0x2] =	stream.indirect.gather [hbm4b:s2+s5], $0x80, s15, s5, $0xb8;
	[tilespmem:$0x8800] =	vst v63  }
0xc1: {  	_ =	swait.ge [sflag:s8], $0x4000  }
0xc2: {  	[sflag:s8] =	ssyncset.done $0x0  }
0xc3: {  	s0 =	rddreg [dreg:$0x8];
	[sflag:s8] =	ssyncadd.s32 $0xFFFFC000  }
0xc4: {  	[hbm4b:s0+s3] =	stream.linear.scatter [tilespmem:s6], [sflag:$0x3], $0x4000, $0x38;
	[tilespmem:$0x8800] =	vst v63  }
0xc5: {  	_ =	swait.ge [sflag:s9], $0x4000  }
0xc6: {  	[sflag:s9] =	ssyncset.done $0x0  }
0xc7: {  	[sflag:s9] =	ssyncadd.s32 $0xFFFFC000  }
0xc8: {  	[tilespmem:s6], [sflag:$0x1] =	stream.indirect.gather [hbm4b:s2+s5], $0x80, s16, s5, $0xb8;
	[tilespmem:$0x8800] =	vst v63  }
0xc9: {  	_ =	swait.ge [sflag:s11], $0x4000  }
0xca: {  	[sflag:s11] =	ssyncset.done $0x0  }
0xcb: {  	s0 =	rddreg [dreg:$0x9];
	[sflag:s11] =	ssyncadd.s32 $0xFFFFC000  }
0xcc: {  	[hbm4b:s0+s3] =	stream.linear.scatter [tilespmem:s7], [sflag:$0x4], $0x4000, $0x38;
	[tilespmem:$0x8800] =	vst v63  }
0xcd: {  	_ =	swait.ge [sflag:s12], $0x4000  }
0xce: {  	[sflag:s12] =	ssyncset.done $0x0  }
0xcf: {  	[sflag:s12] =	ssyncadd.s32 $0xFFFFC000  }
0xd0: {  	[tilespmem:s7], [sflag:$0x2] =	stream.indirect.gather [hbm4b:s2+s5], $0x80, s17, s5, $0xb8;
	[tilespmem:$0x8800] =	vst v63  }
0xd1: {  	_ =	swait.ge [sflag:s8], $0x4000  }
0xd2: {  	[sflag:s8] =	ssyncset.done $0x0  }
0xd3: {  	s0 =	rddreg [dreg:$0xa];
	[sflag:s8] =	ssyncadd.s32 $0xFFFFC000  }
0xd4: {  	[hbm4b:s0+s3] =	stream.linear.scatter [tilespmem:s6], [sflag:$0x3], $0x4000, $0x38;
	[tilespmem:$0x8800] =	vst v63  }
0xd5: {  	_ =	swait.ge [sflag:s9], $0x4000  }
0xd6: {  	[sflag:s9] =	ssyncset.done $0x0  }
0xd7: {  	[sflag:s9] =	ssyncadd.s32 $0xFFFFC000  }
0xd8: {  	[tilespmem:s6], [sflag:$0x1] =	stream.indirect.gather [hbm4b:s2+s5], $0x80, s18, s5, $0xb8;
	[tilespmem:$0x8800] =	vst v63  }
0xd9: {  	_ =	swait.ge [sflag:s11], $0x4000  }
0xda: {  	[sflag:s11] =	ssyncset.done $0x0  }
0xdb: {  	s0 =	rddreg [dreg:$0xb];
	[sflag:s11] =	ssyncadd.s32 $0xFFFFC000  }
0xdc: {  	[hbm4b:s0+s3] =	stream.linear.scatter [tilespmem:s7], [sflag:$0x4], $0x4000, $0x38;
	[tilespmem:$0x8800] =	vst v63  }
0xdd: {  	_ =	swait.ge [sflag:s12], $0x4000  }
0xde: {  	[sflag:s12] =	ssyncset.done $0x0  }
0xdf: {  	[sflag:s12] =	ssyncadd.s32 $0xFFFFC000  }
0xe0: {  	[tilespmem:s7], [sflag:$0x2] =	stream.indirect.gather [hbm4b:s2+s5], $0x80, s19, s5, $0xb8;
	[tilespmem:$0x8800] =	vst v63  }
0xe1: {  	_ =	swait.ge [sflag:s8], $0x4000  }
0xe2: {  	[sflag:s8] =	ssyncset.done $0x0  }
0xe3: {  	s0 =	rddreg [dreg:$0xc];
	[sflag:s8] =	ssyncadd.s32 $0xFFFFC000  }
0xe4: {  	[hbm4b:s0+s3] =	stream.linear.scatter [tilespmem:s6], [sflag:$0x3], $0x4000, $0x38;
	[tilespmem:$0x8800] =	vst v63  }
0xe5: {  	_ =	swait.ge [sflag:s9], $0x4000  }
0xe6: {  	[sflag:s9] =	ssyncset.done $0x0  }
0xe7: {  	[sflag:s9] =	ssyncadd.s32 $0xFFFFC000  }
0xe8: {  	[tilespmem:s6], [sflag:$0x1] =	stream.indirect.gather [hbm4b:s2+s5], $0x80, s20, s5, $0xb8;
	[tilespmem:$0x8800] =	vst v63  }
0xe9: {  	_ =	swait.ge [sflag:s11], $0x4000  }
0xea: {  	[sflag:s11] =	ssyncset.done $0x0  }
0xeb: {  	s0 =	rddreg [dreg:$0xd];
	[sflag:s11] =	ssyncadd.s32 $0xFFFFC000  }
0xec: {  	[hbm4b:s0+s3] =	stream.linear.scatter [tilespmem:s7], [sflag:$0x4], $0x4000, $0x38;
	[tilespmem:$0x8800] =	vst v63  }
0xed: {  	_ =	swait.ge [sflag:s12], $0x4000  }
0xee: {  	[sflag:s12] =	ssyncset.done $0x0  }
0xef: {  	[sflag:s12] =	ssyncadd.s32 $0xFFFFC000  }
0xf0: {  	[tilespmem:s7], [sflag:$0x2] =	stream.indirect.gather [hbm4b:s2+s5], $0x80, s21, s5, $0xb8;
	[tilespmem:$0x8800] =	vst v63  }
0xf1: {  	_ =	swait.ge [sflag:s8], $0x4000  }
0xf2: {  	[sflag:s8] =	ssyncset.done $0x0  }
0xf3: {  	s0 =	rddreg [dreg:$0xe];
	[sflag:s8] =	ssyncadd.s32 $0xFFFFC000  }
0xf4: {  	[hbm4b:s0+s3] =	stream.linear.scatter [tilespmem:s6], [sflag:$0x3], $0x4000, $0x38;
	[tilespmem:$0x8800] =	vst v63  }
0xf5: {  	_ =	swait.ge [sflag:s9], $0x4000  }
0xf6: {  	[sflag:s9] =	ssyncset.done $0x0  }
0xf7: {  	[sflag:s9] =	ssyncadd.s32 $0xFFFFC000  }
0xf8: {  	[tilespmem:s6], [sflag:$0x1] =	stream.indirect.gather [hbm4b:s2+s5], $0x80, s22, s5, $0xb8;
	[tilespmem:$0x8800] =	vst v63  }
0xf9: {  	_ =	swait.ge [sflag:s11], $0x4000  }
0xfa: {  	[sflag:s11] =	ssyncset.done $0x0  }
0xfb: {  	[sflag:s11] =	ssyncadd.s32 $0xFFFFC000  }
0xfc: {  	[hbm4b:s23+s3] =	stream.linear.scatter [tilespmem:s7], [sflag:$0x4], $0x4000, $0x38;
	[tilespmem:$0x8800] =	vst v63  }
0xfd: {  	_ =	swait.ge [sflag:s12], $0x4000  }
0xfe: {  	[sflag:s12] =	ssyncset.done $0x0  }
0xff: {  	[sflag:s12] =	ssyncadd.s32 $0xFFFFC000  }
0x100: {  	[tilespmem:s7], [sflag:$0x2] =	stream.indirect.gather [hbm4b:s2+s5], $0x80, s24, s5, $0xb8;
	[tilespmem:$0x8800] =	vst v63  }
0x101: {  	_ =	swait.ge [sflag:s8], $0x4000  }
0x102: {  	[sflag:s8] =	ssyncset.done $0x0  }
0x103: {  	[sflag:s8] =	ssyncadd.s32 $0xFFFFC000  }
0x104: {  	[hbm4b:s25+s3] =	stream.linear.scatter [tilespmem:s6], [sflag:$0x3], $0x4000, $0x38;
	[tilespmem:$0x8800] =	vst v63  }
0x105: {  	_ =	swait.ge [sflag:s9], $0x4000  }
0x106: {  	[sflag:s9] =	ssyncset.done $0x0  }
0x107: {  	[sflag:s9] =	ssyncadd.s32 $0xFFFFC000  }
0x108: {  	[tilespmem:s6], [sflag:$0x1] =	stream.indirect.gather [hbm4b:s2+s5], $0x80, s26, s5, $0xb8;
	[tilespmem:$0x8800] =	vst v63  }
0x109: {  	_ =	swait.ge [sflag:s11], $0x4000  }
0x10a: {  	[sflag:s11] =	ssyncset.done $0x0  }
0x10b: {  	[sflag:s11] =	ssyncadd.s32 $0xFFFFC000  }
0x10c: {  	[hbm4b:s28+s3] =	stream.linear.scatter [tilespmem:s7], [sflag:$0x4], $0x4000, $0x38;
	[tilespmem:$0x8800] =	vst v63  }
0x10d: {  	_ =	swait.ge [sflag:s12], $0x4000  }
0x10e: {  	[sflag:s12] =	ssyncset.done $0x0  }
0x10f: {  	[sflag:s12] =	ssyncadd.s32 $0xFFFFC000  }
0x110: {  	[tilespmem:s7], [sflag:$0x2] =	stream.indirect.gather [hbm4b:s2+s5], $0x80, s29, s5, $0xb8;
	[tilespmem:$0x8800] =	vst v63  }
0x111: {  	_ =	swait.ge [sflag:s8], $0x4000  }
0x112: {  	[sflag:s8] =	ssyncset.done $0x0  }
0x113: {  	[sflag:s8] =	ssyncadd.s32 $0xFFFFC000  }
0x114: {  	[hbm4b:s30+s3] =	stream.linear.scatter [tilespmem:s6], [sflag:$0x3], $0x4000, $0x38;
	[tilespmem:$0x8800] =	vst v63  }
0x115: {  	_ =	swait.ge [sflag:s11], $0x4000  }
0x116: {  	[sflag:s11] =	ssyncset.done $0x0  }
0x117: {  	p0 =	sne.s32 s1, $0x1;
	[sflag:s11] =	ssyncadd.s32 $0xFFFFC000  }
0x118: {  	[hbm4b:s31+s3] =	stream.linear.scatter [tilespmem:s7], [sflag:$0x4], $0x4000, $0x38;
	[tilespmem:$0x8800] =	vst v63  }
.Ltmp1:
0x119: {  	_ =	swait.ge [sflag:s9], $0x4000;
	(pc) =	sbr.rel @p0 .LBB2_1-.Ltmp1, $4  }
0x11a: {  	[sflag:s9] =	ssyncset.done $0x0  }
0x11b: {  	[sflag:s9] =	ssyncadd.s32 $0xFFFFC000  }
0x11c: {  	_ =	swait.ge [sflag:s12], $0x4000  }
0x11d: {  	s1 =	sadd.s32 $0xFFFFFFFF, s1;
	[sflag:s12] =	ssyncset.done $0x0  }
.LBB2_2:
0x11e: {  	[sflag:s12] =	ssyncadd.s32 $0xFFFFC000  }
0x11f: {  	_ =	sfence.sel $0x180000  }
0x120: {  	[bflag:$0x0] =	sbarrier.arrive $0xFFFF  }
0x121: {  	_ =	strace $0x9000004A  }
0x122: {  	s0 =	stileid.u32;
	[bflag:$0x2] =	sbarrier.arrive $0xFFFF  }
0x123: {  	p0 =	sne.s32 s0, $0x0;
	s0 =	rddreg [dreg:$0x2]  }
0x124: {  	s0 =	sadd.s32 @!p0 $0x100000, s0  }
0x125: {  	[sflag:s0] =	ssyncadd.tile.s32 @!p0 $0x1;
	_ =	shalt  }
.Lfunc_end2:
_tile_overlayer_lowered:
.L_overlay_start_2:
0x126: {  	(tag) =	ssettag $0x2  }
0x127: {  	s0 =	rddreg [dreg:$0x0];
	s2 =	stileid.u32  }
0x128: {  	s1 =	rddreg [dreg:$0x1];
	p0 =	sne.s32 s2, $0x0  }
0x129: {  	s3 =	rddreg [dreg:$0x2];
	[bflag:$0x3] =	sbarrier.arrive $0xFFFF;
	s2 =	simm.s32 @!p0 $0x1C05  }
0x12a: {  	[timem:s3], [sflag:s2] =	dma.local @!p0 [hbm:s0], s1  }
0x12b: {  	s0 =	simm.s32 @!p0 $0x5  }
0x12c: {  	_ =	swait.ge @!p0 [sflag:s0], s1  }
0x12d: {  	s1 =	ssub.s32 @!p0 $0x0, s1;
	[sflag:s0] =	ssyncset.done @!p0 $0x0  }
0x12e: {  	[sflag:s0] =	ssyncadd.s32 @!p0 s1  }
0x12f: {  	[bflag:$0x3] =	sbarrier.arrive $0xFFFF  }
0x130: {  	_ =	shalt  }

// kernel: kernel.15.cloned.1.call-start
scs
__scs_entry_jumppad:
0x0: {  	(pc) =	sbr.rel $0x88, $3  }
0x1: {  	(tag) =	ssettag $0x0;
	lr =	simm.s32 $0x1  }
0x2: {  	[smem:$0x3F72] =	sst lr;
	_ =	strace $0xD0000000  }
0x3: {  	_ = 	snop  }
0x4: {  	_ = 	snop  }
0x5: {  	_ = 	snop  }
0x6: {  	_ = 	snop  }
0x7: {  	_ = 	snop  }
__scs_overlays_trampoline_lowered:
0x8: {  	[smem:$0x3F81] =	sst s0  }
0x9: {  	[smem:$0x3F82] =	sst s1  }
0xa: {  	[smem:$0x3F83] =	sst s2  }
0xb: {  	[smem:$0x3F84] =	sst s3  }
0xc: {  	[smem:$0x3F85] =	sst s4  }
0xd: {  	[smem:$0x3F86] =	sst s5  }
0xe: {  	[smem:$0x3F87] =	sst s6  }
0xf: {  	[smem:$0x3F88] =	sst s7  }
0x10: {  	[smem:$0x3F89] =	sst s8  }
0x11: {  	[smem:$0x3F8A] =	sst s9;
	s0 =	simm.s32 @!p0 $0x0  }
0x12: {  	s1 =	sld [smem:$0x3F70];
	s0 =	simm.s32 @p0 $0x1  }
0x13: {  	[smem:$0x3F8B] =	sst s0;
	s0 =	simm.s32 @!p1 $0x0  }
0x14: {  	s2 =	sld [smem:$0x3F6F];
	s0 =	simm.s32 @p1 $0x1  }
0x15: {  	[smem:$0x3F8C] =	sst s0;
	s0 =	simm.s32 @!p2 $0x0  }
0x16: {  	s3 =	sld [smem:$0x3FDB];
	s0 =	simm.s32 @p2 $0x1  }
0x17: {  	s4 =	simm.s32 $0x1BF5;
	[smem:$0x3F8E] =	sst s0  }
0x18: {  	s0 =	sld [smem:$0x3F71];
	_ =	swait.ge [sflag:s4], $0x0  }
0x19: {  	s7 =	sld [smem:$0x3F72]  }
0x1a: {  	s8 =	sadd.s32 $0xFFFFE003, lr  }
0x1b: {  	s9 =	sadd.s32 $0xFFFFFEF7, lr;
	s5 =	simm.s32 $0xFFFFFFFF;
	p2 =	slt.u32 s8, $0xFFFFF086  }
0x1c: {  	p1 =	slt.u32 s9, $0xF7A;
	s5 =	simm.s32 @!p2 $0x0  }
0x1d: {  	s5 =	simm.s32 @p1 $0x1;
	p0 =	seq.s32 s7, s2  }
0x1e: {  	s7 =	smul.u32 @!p0 $0xF7A, s2;
	p2 =	seq.s32 @!p0 s5, $0x0  }
0x1f: {  	s9 =	smul.u32 $0xF7A, s1;
	s8 =	simm.s32 @!p0 $0x1BF5;
	p2 =	por !p2, p0  }
0x20: {  	[sflag:s8] =	ssyncset.s32 @!p0 $0xFFFFF086;
	s6 =	sadd.s32 @!p0 s3, s7;
	s7 =	simm.s32 @!p0 $0x108  }
0x21: {  	s3 =	sadd.s32 s3, s9;
	s6 =	sadd.s32 @!p0 $0x88, s6;
	s7 =	simm.s32 @p2 $0x1082  }
0x22: {  	[simem:s7], [sflag:s8] =	dma.local @!p0 [hbm:s6], $0xF7A  }
0x23: {  	s9 =	sor.u32 $0xD0000000, s2;
	s6 =	simm.s32 $0x108;
	_ =	swait.ge @!p0 [sflag:s8], $0x0  }
0x24: {  	s3 =	sadd.s32 $0x88, s3;
	s6 =	simm.s32 @!p1 $0x1082;
	[sflag:s4] =	ssyncset.s32 $0xFFFFF086  }
0x25: {  	[simem:s6], [sflag:s4] =	dma.local [hbm:s3], $0xF7A  }
0x26: {  	[smem:$0x3F72] =	sst s1;
	(tag) =	ssettag s2;
	_ =	strace s9  }
0x27: {  	s1 =	sld [smem:$0x3F82]  }
0x28: {  	s2 =	sld [smem:$0x3F83]  }
0x29: {  	s4 =	sld [smem:$0x3F85]  }
0x2a: {  	p0 =	seq.s32 s5, $0x0;
	s5 =	sld [smem:$0x3F86]  }
0x2b: {  	s6 =	sld [smem:$0x3F87]  }
0x2c: {  	s7 =	sld [smem:$0x3F88]  }
0x2d: {  	s3 =	simm.s32 $0x108;
	s8 =	sld [smem:$0x3F89]  }
0x2e: {  	s3 =	simm.s32 @!p0 $0x1082;
	s9 =	sld [smem:$0x3F8A]  }
0x2f: {  	lr =	sadd.s32 s0, s3;
	s0 =	sld [smem:$0x3F81]  }
0x30: {  	s3 =	sld [smem:$0x3F84]  }
0x31: {  	[smem:$0x3F8D] =	sst s10  }
0x32: {  	s10 =	sld [smem:$0x3F8B];
	_ =	sdelay $0x3  }
0x33: {  	p0 =	seq.s32 s10, $0x1;
	s10 =	sld [smem:$0x3F8D];
	_ =	sdelay $0x3  }
0x34: {  	[smem:$0x3F8D] =	sst s10  }
0x35: {  	s10 =	sld [smem:$0x3F8C];
	_ =	sdelay $0x3  }
0x36: {  	p1 =	seq.s32 s10, $0x1;
	s10 =	sld [smem:$0x3F8D];
	_ =	sdelay $0x3  }
0x37: {  	[smem:$0x3F8D] =	sst s10  }
0x38: {  	s10 =	sld [smem:$0x3F8E]  }
0x39: {  	_ = 	snop;
	(pc) =	sbr.ind lr, $3  }
0x3a: {  	_ = 	snop  }
0x3b: {  	_ = 	snop  }
0x3c: {  	p2 =	seq.s32 s10, $0x1;
	s10 =	sld [smem:$0x3F8D]  }
0x3d: {  	_ =	shalt  }
0x3e: {  	_ =	shalt  }
0x3f: {  	_ =	shalt  }
0x40: {  	_ =	shalt  }
0x41: {  	_ =	shalt  }
0x42: {  	_ =	shalt  }
0x43: {  	_ =	shalt  }
0x44: {  	_ =	shalt  }
0x45: {  	_ =	shalt  }
0x46: {  	_ =	shalt  }
0x47: {  	_ =	shalt  }
0x48: {  	_ =	shalt  }
0x49: {  	_ =	shalt  }
0x4a: {  	_ =	shalt  }
0x4b: {  	_ =	shalt  }
0x4c: {  	_ =	shalt  }
0x4d: {  	_ =	shalt  }
0x4e: {  	_ =	shalt  }
0x4f: {  	_ =	shalt  }
0x50: {  	_ =	shalt  }
0x51: {  	_ =	shalt  }
0x52: {  	_ =	shalt  }
0x53: {  	_ =	shalt  }
0x54: {  	_ =	shalt  }
0x55: {  	_ =	shalt  }
0x56: {  	_ =	shalt  }
0x57: {  	_ =	shalt  }
0x58: {  	_ =	shalt  }
0x59: {  	_ =	shalt  }
0x5a: {  	_ =	shalt  }
0x5b: {  	_ =	shalt  }
0x5c: {  	_ =	shalt  }
0x5d: {  	_ =	shalt  }
0x5e: {  	_ =	shalt  }
0x5f: {  	_ =	shalt  }
0x60: {  	_ =	shalt  }
0x61: {  	_ =	shalt  }
0x62: {  	_ =	shalt  }
0x63: {  	_ =	shalt  }
0x64: {  	_ =	shalt  }
0x65: {  	_ =	shalt  }
0x66: {  	_ =	shalt  }
0x67: {  	_ =	shalt  }
0x68: {  	_ =	shalt  }
0x69: {  	_ =	shalt  }
0x6a: {  	_ =	shalt  }
0x6b: {  	_ =	shalt  }
0x6c: {  	_ =	shalt  }
0x6d: {  	_ =	shalt  }
0x6e: {  	_ =	shalt  }
0x6f: {  	_ =	shalt  }
0x70: {  	_ =	shalt  }
0x71: {  	_ =	shalt  }
0x72: {  	_ =	shalt  }
0x73: {  	_ =	shalt  }
0x74: {  	_ =	shalt  }
0x75: {  	_ =	shalt  }
0x76: {  	_ =	shalt  }
0x77: {  	_ =	shalt  }
0x78: {  	_ =	shalt  }
0x79: {  	_ =	shalt  }
0x7a: {  	_ =	shalt  }
0x7b: {  	_ =	shalt  }
0x7c: {  	_ =	shalt  }
0x7d: {  	_ =	shalt  }
0x7e: {  	_ =	shalt  }
0x7f: {  	_ =	shalt  }
0x80: {  	_ =	shalt  }
0x81: {  	_ =	shalt  }
0x82: {  	_ =	shalt  }
0x83: {  	_ =	shalt  }
0x84: {  	_ =	shalt  }
0x85: {  	_ =	shalt  }
0x86: {  	_ =	shalt  }
0x87: {  	_ =	shalt  }
.Lfunc_end0:
.L_simem_size_0:
called_computation.2_lowered:
.L_overlay_start_0:
0x88: {  	s2 =	sld [smem:$0x3FD9]  }
0x89: {  	s3 =	sld [smem:$0x3FFE];
	_ =	sdelay $0x1  }
0x8a: {  	s1 =	srdreg.scid  }
0x8b: {  	s0 =	sand.u32 $0x1, s1  }
0x8c: {  	s17 =	sshll.u32 s0, $0xA;
	s2 =	sadd.s32 s3, s2  }
0x8d: {  	s2 =	sadd.s32 s2, s17  }
0x8e: {  	[smem:$0x3F99] =	sst s2  }
0x8f: {  	_ = 	snop  }
0x90: {  	s2 =	sld [smem:$0x3FD0];
	(tm) =	ssettm $0x1  }
0x91: {  	s18 =	sld [smem:$0x3FFB];
	_ =	sdelay $0x3  }
0x92: {  	_ =	strace s18  }
0x93: {  	s3 =	sld [smem:$0x3FFC];
	_ =	sdelay $0x3  }
0x94: {  	_ =	strace s3  }
0x95: {  	s3 =	sld [smem:$0x3FFD];
	_ =	sdelay $0x3  }
0x96: {  	_ =	strace s3  }
0x97: {  	_ =	strace $0x8FFFFFFF  }
0x98: {  	s19 =	sld [smem:$0x3FDB];
	_ =	sdelay $0x1  }
0x99: {  	s4 =	simm.s32 $_scs_section_size  }
0x9a: {  	s5 =	simm.s32 $_size__tile_overlayer_lowered;
	s6 =	simm.s32 $_tile_overlayer_lowered  }
0x9b: {  	s22 =	simm.s32 $0x1BFF;
	s21 =	sshll.u32 s6, $0x1;
	s3 =	sadd.s32 s4, s19  }
0x9c: {  	s7 =	simm.s32 $0x0;
	s20 =	sshll.u32 s5, $0x1;
	s5 =	sadd.s32 s21, s3  }
0x9d: {  	[timem:s7], [sflag:s22] =	dma.local [hbm:s5], s20  }
0x9e: {  	_ =	swait.ge [sflag:s22], s20  }
0x9f: {  	s4 =	ssub.s32 $0x0, s20;
	[sflag:s22] =	ssyncset.done $0x0  }
0xa0: {  	[sflag:s22] =	ssyncadd.s32 s4;
	_ =	sdelay $0x1  }
0xa1: {  	s23 =	simm.s32 $0x1B8B  }
0xa2: {  	_ =	swait.ge [sflag:s23], $0x1  }
0xa3: {  	[sflag:s23] =	ssyncset.done $0x0  }
0xa4: {  	s25 =	simm.s32 $0x1B8E;
	s24 =	sld [smem:$0x3FFE];
	[sflag:s23] =	ssyncadd.s32 $0xFFFFFFFF  }
0xa5: {  	s26 =	simm.s32 $execute0_lowered;
	[smem:$0x3FD2] =	sst s25  }
0xa6: {  	s5 =	sshll.u32 s26, $0x1;
	_ =	strace $0x8000004C;
	[dreg:$0x1] =	wrdreg $0xFFFFFFFF  }
0xa7: {  	s28 =	simm.s32 $_size_execute0_lowered;
	s3 =	sadd.s32 s3, s5;
	[dreg:$0x0] =	wrdreg $0x0  }
0xa8: {  	s5 =	sshll.u32 s28, $0x1;
	[dreg:$0x2] =	wrdreg s3  }
0xa9: {  	[dreg:$0x3] =	wrdreg s5  }
0xaa: {  	[dreg:$0x4] =	wrdreg $0xC0  }
0xab: {  	_ =	task [dreg:s7], $0x5FFFF  }
0xac: {  	[dreg:$0x1] =	wrdreg $0xFFFFFFFF  }
0xad: {  	[dreg:$0x0] =	wrdreg $0x60  }
0xae: {  	[dreg:$0x2] =	wrdreg s2  }
0xaf: {  	[dreg:$0x3] =	wrdreg s24  }
0xb0: {  	[dreg:$0x4] =	wrdreg $0x9  }
0xb1: {  	_ =	task.clear_ibuf [dreg:s7], $0x5FFFF;
	_ =	strace $0x9000004C  }
0xb2: {  	s29 =	simm.s32 $0x9;
	_ =	strace $0x8000004E  }
0xb3: {  	_ =	swait.ge [sflag:s29], $0x1  }
0xb4: {  	[sflag:s29] =	ssyncadd.s32 $0xFFFFFFFF  }
0xb5: {  	_ =	strace $0x9000004E  }
0xb6: {  	_ =	sfence  }
0xb7: {  	s30 =	sld [smem:$0x0];
	_ =	sdelay $0x2  }
0xb8: {  	s31 =	sshll.u32 s1, $0xD;
	s1 =	sshrl.u32 s1, $0x2  }
0xb9: {  	s3 =	sand.u32 $0x4000, s31;
	s1 =	sadd.s32 s1, s30  }
0xba: {  	s0 =	sor.u32 s3, s0;
	s1 =	sshll.u32 s1, $0x11  }
0xbb: {  	s0 =	sor.u32 s1, s0  }
0xbc: {  	s0 =	sadd.s32 $0x8F2B, s0  }
0xbd: {  	[sflag:s0] =	ssyncadd.remote.s32 $0x1  }
0xbe: {  	_ =	sfence.sel $0xFFFF  }
0xbf: {  	[dreg:$0x0] =	wrdreg $0xFFFFFFFF;
	(pc) =	sbr.abs _section_cstart, $3  }
0xc0: {  	[dreg:$0x1] =	wrdreg $0xFFFFFFFF  }
0xc1: {  	_ =	task.clear_ibuf [dreg:s7], $0x2FFFF;
	_ =	strace $0x9FFFFFFF  }
0xc2: {  	(tm) =	ssettm $0x7FFFFFFF  }
0xc3: {  	_ =	shalt  }
tec
execute0_lowered:
.L_overlay_start_1:
0x0: {  	(tag) =	ssettag $0x1  }
0x1: {  	s1 =	srdreg.scid  }
0x2: {  	s0 =	stileid.u32;
	s1 =	sand.u32 $0x1, s1  }
0x3: {  	s3 =	sshll.u32 s0, $0xC;
	s4 =	sshll.u32 s1, $0xB  }
0x4: {  	s2 =	rddreg [dreg:$0x0];
	s4 =	sor.u32 s4, s3  }
0x5: {  	s5 =	rddreg [dreg:$0x1];
	s6 =	sshrl.u32 s4, $0x3  }
0x6: {  	s3 =	simm.s32 $0x0;
	s4 =	sshll.u32 s4, $0x4;
	s6 =	sadd.s32 s6, s5  }
0x7: {  	[smem:$0x7FF] =	sst s3;
	s31 =	sadd.s32 s4, s5;
	s14 =	sadd.s32 $0x10B400, s6  }
0x8: {  	_ =	strace $0x8000004D;
	s15 =	sadd.s32 $0x7200, s31;
	[dreg:$0x3] =	wrdreg s14  }
0x9: {  	s16 =	sadd.s32 $0x7A00, s31;
	[dreg:$0x4] =	wrdreg s15  }
0xa: {  	s17 =	sadd.s32 $0x8200, s31;
	[dreg:$0x5] =	wrdreg s16  }
0xb: {  	s18 =	sadd.s32 $0x8A00, s31;
	[dreg:$0x6] =	wrdreg s17  }
0xc: {  	s19 =	sadd.s32 $0x9200, s31;
	[dreg:$0x7] =	wrdreg s18  }
0xd: {  	s20 =	sadd.s32 $0x9A00, s31;
	[dreg:$0x8] =	wrdreg s19  }
0xe: {  	s21 =	sadd.s32 $0xA200, s31;
	[dreg:$0x9] =	wrdreg s20  }
0xf: {  	s22 =	sadd.s32 $0xAA00, s31;
	[dreg:$0xa] =	wrdreg s21  }
0x10: {  	s23 =	sadd.s32 $0xB200, s31;
	[dreg:$0xb] =	wrdreg s22  }
0x11: {  	s24 =	sadd.s32 $0xBA00, s31;
	[dreg:$0xc] =	wrdreg s23  }
0x12: {  	s26 =	sadd.s32 $0xC200, s31;
	[dreg:$0xd] =	wrdreg s24  }
0x13: {  	[dreg:$0xe] =	wrdreg s26  }
0x14: {  	s4 =	simm.s32 $0x5;
	s25 =	rddreg [dreg:$0x3]  }
0x15: {  	[tilespmem:s3], [sflag:$0x5] =	stream.linear.gather [hbm4b:s25+s3], $0x800, $0x38;
	[tilespmem:$0x8800] =	vst v63  }
0x16: {  	_ =	swait.ge [sflag:s4], $0x800  }
0x17: {  	[sflag:s4] =	ssyncset.done $0x0  }
0x18: {  	s5 =	simm.s32 $0x80;
	s6 =	simm.s32 $0x800;
	[sflag:s4] =	ssyncadd.s32 $0xFFFFF800  }
0x19: {  	[tilespmem:s6], [sflag:$0x1] =	stream.indirect.gather [hbm4b:s2+s5], $0x80, s3, s5, $0xb8;
	[tilespmem:$0x8800] =	vst v63  }
0x1a: {  	s7 =	simm.s32 $0x4800;
	s8 =	simm.s32 $0x1  }
0x1b: {  	[tilespmem:s7], [sflag:$0x2] =	stream.indirect.gather [hbm4b:s2+s5], $0x80, s5, s5, $0xb8;
	[tilespmem:$0x8800] =	vst v63  }
0x1c: {  	_ =	swait.ge [sflag:s8], $0x4000  }
0x1d: {  	[sflag:s8] =	ssyncset.done $0x0  }
0x1e: {  	s9 =	simm.s32 $0x3;
	s10 =	rddreg [dreg:$0x4];
	[sflag:s8] =	ssyncadd.s32 $0xFFFFC000  }
0x1f: {  	[hbm4b:s10+s3] =	stream.linear.scatter [tilespmem:s6], [sflag:$0x3], $0x4000, $0x38;
	[tilespmem:$0x8800] =	vst v63  }
0x20: {  	_ =	swait.ge [sflag:s9], $0x4000  }
0x21: {  	[sflag:s9] =	ssyncset.done $0x0  }
0x22: {  	s11 =	simm.s32 $0x2;
	s10 =	simm.s32 $0x100;
	[sflag:s9] =	ssyncadd.s32 $0xFFFFC000  }
0x23: {  	[tilespmem:s6], [sflag:$0x1] =	stream.indirect.gather [hbm4b:s2+s5], $0x80, s10, s5, $0xb8;
	[tilespmem:$0x8800] =	vst v63  }
0x24: {  	_ =	swait.ge [sflag:s11], $0x4000  }
0x25: {  	[sflag:s11] =	ssyncset.done $0x0  }
0x26: {  	s12 =	simm.s32 $0x4;
	s13 =	rddreg [dreg:$0x5];
	[sflag:s11] =	ssyncadd.s32 $0xFFFFC000  }
0x27: {  	[hbm4b:s13+s3] =	stream.linear.scatter [tilespmem:s7], [sflag:$0x4], $0x4000, $0x38;
	[tilespmem:$0x8800] =	vst v63  }
0x28: {  	_ =	swait.ge [sflag:s12], $0x4000  }
0x29: {  	[sflag:s12] =	ssyncset.done $0x0  }
0x2a: {  	s13 =	simm.s32 $0x180;
	[sflag:s12] =	ssyncadd.s32 $0xFFFFC000  }
0x2b: {  	[tilespmem:s7], [sflag:$0x2] =	stream.indirect.gather [hbm4b:s2+s5], $0x80, s13, s5, $0xb8;
	[tilespmem:$0x8800] =	vst v63  }
0x2c: {  	_ =	swait.ge [sflag:s8], $0x4000  }
0x2d: {  	[sflag:s8] =	ssyncset.done $0x0  }
0x2e: {  	s14 =	rddreg [dreg:$0x6];
	[sflag:s8] =	ssyncadd.s32 $0xFFFFC000  }
0x2f: {  	[hbm4b:s14+s3] =	stream.linear.scatter [tilespmem:s6], [sflag:$0x3], $0x4000, $0x38;
	[tilespmem:$0x8800] =	vst v63  }
0x30: {  	_ =	swait.ge [sflag:s9], $0x4000  }
0x31: {  	[sflag:s9] =	ssyncset.done $0x0  }
0x32: {  	s14 =	simm.s32 $0x200;
	[sflag:s9] =	ssyncadd.s32 $0xFFFFC000  }
0x33: {  	[tilespmem:s6], [sflag:$0x1] =	stream.indirect.gather [hbm4b:s2+s5], $0x80, s14, s5, $0xb8;
	[tilespmem:$0x8800] =	vst v63  }
0x34: {  	_ =	swait.ge [sflag:s11], $0x4000  }
0x35: {  	[sflag:s11] =	ssyncset.done $0x0  }
0x36: {  	s15 =	rddreg [dreg:$0x7];
	[sflag:s11] =	ssyncadd.s32 $0xFFFFC000  }
0x37: {  	[hbm4b:s15+s3] =	stream.linear.scatter [tilespmem:s7], [sflag:$0x4], $0x4000, $0x38;
	[tilespmem:$0x8800] =	vst v63  }
0x38: {  	_ =	swait.ge [sflag:s12], $0x4000  }
0x39: {  	[sflag:s12] =	ssyncset.done $0x0  }
0x3a: {  	s15 =	simm.s32 $0x280;
	[sflag:s12] =	ssyncadd.s32 $0xFFFFC000  }
0x3b: {  	[tilespmem:s7], [sflag:$0x2] =	stream.indirect.gather [hbm4b:s2+s5], $0x80, s15, s5, $0xb8;
	[tilespmem:$0x8800] =	vst v63  }
0x3c: {  	_ =	swait.ge [sflag:s8], $0x4000  }
0x3d: {  	[sflag:s8] =	ssyncset.done $0x0  }
0x3e: {  	s16 =	rddreg [dreg:$0x8];
	[sflag:s8] =	ssyncadd.s32 $0xFFFFC000  }
0x3f: {  	[hbm4b:s16+s3] =	stream.linear.scatter [tilespmem:s6], [sflag:$0x3], $0x4000, $0x38;
	[tilespmem:$0x8800] =	vst v63  }
0x40: {  	_ =	swait.ge [sflag:s9], $0x4000  }
0x41: {  	[sflag:s9] =	ssyncset.done $0x0  }
0x42: {  	s16 =	simm.s32 $0x300;
	[sflag:s9] =	ssyncadd.s32 $0xFFFFC000  }
0x43: {  	[tilespmem:s6], [sflag:$0x1] =	stream.indirect.gather [hbm4b:s2+s5], $0x80, s16, s5, $0xb8;
	[tilespmem:$0x8800] =	vst v63  }
0x44: {  	_ =	swait.ge [sflag:s11], $0x4000  }
0x45: {  	[sflag:s11] =	ssyncset.done $0x0  }
0x46: {  	s17 =	rddreg [dreg:$0x9];
	[sflag:s11] =	ssyncadd.s32 $0xFFFFC000  }
0x47: {  	[hbm4b:s17+s3] =	stream.linear.scatter [tilespmem:s7], [sflag:$0x4], $0x4000, $0x38;
	[tilespmem:$0x8800] =	vst v63  }
0x48: {  	_ =	swait.ge [sflag:s12], $0x4000  }
0x49: {  	[sflag:s12] =	ssyncset.done $0x0  }
0x4a: {  	s17 =	simm.s32 $0x380;
	[sflag:s12] =	ssyncadd.s32 $0xFFFFC000  }
0x4b: {  	[tilespmem:s7], [sflag:$0x2] =	stream.indirect.gather [hbm4b:s2+s5], $0x80, s17, s5, $0xb8;
	[tilespmem:$0x8800] =	vst v63  }
0x4c: {  	_ =	swait.ge [sflag:s8], $0x4000  }
0x4d: {  	[sflag:s8] =	ssyncset.done $0x0  }
0x4e: {  	s18 =	rddreg [dreg:$0xa];
	[sflag:s8] =	ssyncadd.s32 $0xFFFFC000  }
0x4f: {  	[hbm4b:s18+s3] =	stream.linear.scatter [tilespmem:s6], [sflag:$0x3], $0x4000, $0x38;
	[tilespmem:$0x8800] =	vst v63  }
0x50: {  	_ =	swait.ge [sflag:s9], $0x4000  }
0x51: {  	[sflag:s9] =	ssyncset.done $0x0  }
0x52: {  	s18 =	simm.s32 $0x400;
	[sflag:s9] =	ssyncadd.s32 $0xFFFFC000  }
0x53: {  	[tilespmem:s6], [sflag:$0x1] =	stream.indirect.gather [hbm4b:s2+s5], $0x80, s18, s5, $0xb8;
	[tilespmem:$0x8800] =	vst v63  }
0x54: {  	_ =	swait.ge [sflag:s11], $0x4000  }
0x55: {  	[sflag:s11] =	ssyncset.done $0x0  }
0x56: {  	s19 =	rddreg [dreg:$0xb];
	[sflag:s11] =	ssyncadd.s32 $0xFFFFC000  }
0x57: {  	[hbm4b:s19+s3] =	stream.linear.scatter [tilespmem:s7], [sflag:$0x4], $0x4000, $0x38;
	[tilespmem:$0x8800] =	vst v63  }
0x58: {  	_ =	swait.ge [sflag:s12], $0x4000  }
0x59: {  	[sflag:s12] =	ssyncset.done $0x0  }
0x5a: {  	s19 =	simm.s32 $0x480;
	[sflag:s12] =	ssyncadd.s32 $0xFFFFC000  }
0x5b: {  	[tilespmem:s7], [sflag:$0x2] =	stream.indirect.gather [hbm4b:s2+s5], $0x80, s19, s5, $0xb8;
	[tilespmem:$0x8800] =	vst v63  }
0x5c: {  	_ =	swait.ge [sflag:s8], $0x4000  }
0x5d: {  	[sflag:s8] =	ssyncset.done $0x0  }
0x5e: {  	s20 =	rddreg [dreg:$0xc];
	[sflag:s8] =	ssyncadd.s32 $0xFFFFC000  }
0x5f: {  	[hbm4b:s20+s3] =	stream.linear.scatter [tilespmem:s6], [sflag:$0x3], $0x4000, $0x38;
	[tilespmem:$0x8800] =	vst v63  }
0x60: {  	_ =	swait.ge [sflag:s9], $0x4000  }
0x61: {  	[sflag:s9] =	ssyncset.done $0x0  }
0x62: {  	s20 =	simm.s32 $0x500;
	[sflag:s9] =	ssyncadd.s32 $0xFFFFC000  }
0x63: {  	[tilespmem:s6], [sflag:$0x1] =	stream.indirect.gather [hbm4b:s2+s5], $0x80, s20, s5, $0xb8;
	[tilespmem:$0x8800] =	vst v63  }
0x64: {  	_ =	swait.ge [sflag:s11], $0x4000  }
0x65: {  	[sflag:s11] =	ssyncset.done $0x0  }
0x66: {  	s21 =	rddreg [dreg:$0xd];
	[sflag:s11] =	ssyncadd.s32 $0xFFFFC000  }
0x67: {  	[hbm4b:s21+s3] =	stream.linear.scatter [tilespmem:s7], [sflag:$0x4], $0x4000, $0x38;
	[tilespmem:$0x8800] =	vst v63  }
0x68: {  	_ =	swait.ge [sflag:s12], $0x4000  }
0x69: {  	[sflag:s12] =	ssyncset.done $0x0  }
0x6a: {  	s21 =	simm.s32 $0x580;
	[sflag:s12] =	ssyncadd.s32 $0xFFFFC000  }
0x6b: {  	[tilespmem:s7], [sflag:$0x2] =	stream.indirect.gather [hbm4b:s2+s5], $0x80, s21, s5, $0xb8;
	[tilespmem:$0x8800] =	vst v63  }
0x6c: {  	_ =	swait.ge [sflag:s8], $0x4000  }
0x6d: {  	[sflag:s8] =	ssyncset.done $0x0  }
0x6e: {  	s22 =	rddreg [dreg:$0xe];
	[sflag:s8] =	ssyncadd.s32 $0xFFFFC000  }
0x6f: {  	[hbm4b:s22+s3] =	stream.linear.scatter [tilespmem:s6], [sflag:$0x3], $0x4000, $0x38;
	[tilespmem:$0x8800] =	vst v63  }
0x70: {  	_ =	swait.ge [sflag:s9], $0x4000  }
0x71: {  	[sflag:s9] =	ssyncset.done $0x0  }
0x72: {  	s22 =	simm.s32 $0x600;
	[sflag:s9] =	ssyncadd.s32 $0xFFFFC000  }
0x73: {  	[tilespmem:s6], [sflag:$0x1] =	stream.indirect.gather [hbm4b:s2+s5], $0x80, s22, s5, $0xb8;
	[tilespmem:$0x8800] =	vst v63  }
0x74: {  	_ =	swait.ge [sflag:s11], $0x4000  }
0x75: {  	[sflag:s11] =	ssyncset.done $0x0  }
0x76: {  	s23 =	sadd.s32 $0xCA00, s31;
	[sflag:s11] =	ssyncadd.s32 $0xFFFFC000  }
0x77: {  	[hbm4b:s23+s3] =	stream.linear.scatter [tilespmem:s7], [sflag:$0x4], $0x4000, $0x38;
	[tilespmem:$0x8800] =	vst v63  }
0x78: {  	_ =	swait.ge [sflag:s12], $0x4000  }
0x79: {  	[sflag:s12] =	ssyncset.done $0x0  }
0x7a: {  	s24 =	simm.s32 $0x680;
	[sflag:s12] =	ssyncadd.s32 $0xFFFFC000  }
0x7b: {  	[tilespmem:s7], [sflag:$0x2] =	stream.indirect.gather [hbm4b:s2+s5], $0x80, s24, s5, $0xb8;
	[tilespmem:$0x8800] =	vst v63  }
0x7c: {  	_ =	swait.ge [sflag:s8], $0x4000  }
0x7d: {  	[sflag:s8] =	ssyncset.done $0x0  }
0x7e: {  	s25 =	sadd.s32 $0xD200, s31;
	[sflag:s8] =	ssyncadd.s32 $0xFFFFC000  }
0x7f: {  	[hbm4b:s25+s3] =	stream.linear.scatter [tilespmem:s6], [sflag:$0x3], $0x4000, $0x38;
	[tilespmem:$0x8800] =	vst v63  }
0x80: {  	_ =	swait.ge [sflag:s9], $0x4000  }
0x81: {  	[sflag:s9] =	ssyncset.done $0x0  }
0x82: {  	s26 =	simm.s32 $0x700;
	[sflag:s9] =	ssyncadd.s32 $0xFFFFC000  }
0x83: {  	[tilespmem:s6], [sflag:$0x1] =	stream.indirect.gather [hbm4b:s2+s5], $0x80, s26, s5, $0xb8;
	[tilespmem:$0x8800] =	vst v63  }
0x84: {  	_ =	swait.ge [sflag:s11], $0x4000  }
0x85: {  	[sflag:s11] =	ssyncset.done $0x0  }
0x86: {  	s28 =	sadd.s32 $0xDA00, s31;
	[sflag:s11] =	ssyncadd.s32 $0xFFFFC000  }
0x87: {  	[hbm4b:s28+s3] =	stream.linear.scatter [tilespmem:s7], [sflag:$0x4], $0x4000, $0x38;
	[tilespmem:$0x8800] =	vst v63  }
0x88: {  	_ =	swait.ge [sflag:s12], $0x4000  }
0x89: {  	[sflag:s12] =	ssyncset.done $0x0  }
0x8a: {  	s29 =	simm.s32 $0x780;
	[sflag:s12] =	ssyncadd.s32 $0xFFFFC000  }
0x8b: {  	[tilespmem:s7], [sflag:$0x2] =	stream.indirect.gather [hbm4b:s2+s5], $0x80, s29, s5, $0xb8;
	[tilespmem:$0x8800] =	vst v63  }
0x8c: {  	_ =	swait.ge [sflag:s8], $0x4000  }
0x8d: {  	s1 =	ssub.s32 $0x2, s1;
	[sflag:s8] =	ssyncset.done $0x0  }
0x8e: {  	s0 =	sshrl.u32 s1, $0x1;
	s30 =	sadd.s32 $0xE200, s31;
	[sflag:s8] =	ssyncadd.s32 $0xFFFFC000  }
0x8f: {  	[hbm4b:s30+s3] =	stream.linear.scatter [tilespmem:s6], [sflag:$0x3], $0x4000, $0x38;
	[tilespmem:$0x8800] =	vst v63  }
0x90: {  	s0 =	ssub.s32 s1, s0;
	_ =	swait.ge [sflag:s11], $0x4000  }
0x91: {  	s0 =	smax.u32 s0, $0x1;
	[sflag:s11] =	ssyncset.done $0x0  }
0x92: {  	p0 =	sne.s32 s0, $0x1;
	s31 =	sadd.s32 $0xEA00, s31;
	[sflag:s11] =	ssyncadd.s32 $0xFFFFC000  }
0x93: {  	[hbm4b:s31+s3] =	stream.linear.scatter [tilespmem:s7], [sflag:$0x4], $0x4000, $0x38;
	[tilespmem:$0x8800] =	vst v63  }
.Ltmp0:
0x94: {  	_ =	swait.ge [sflag:s9], $0x4000;
	(pc) =	sbr.rel @!p0 .LBB2_2-.Ltmp0, $4  }
0x95: {  	[sflag:s9] =	ssyncset.done $0x0  }
0x96: {  	[sflag:s9] =	ssyncadd.s32 $0xFFFFC000  }
0x97: {  	_ =	swait.ge [sflag:s12], $0x4000  }
0x98: {  	s1 =	sadd.s32 $0xFFFFFFFF, s0;
	[sflag:s12] =	ssyncset.done $0x0  }
.LBB2_1:
0x99: {  	s0 =	rddreg [dreg:$0x3];
	[sflag:s12] =	ssyncadd.s32 $0xFFFFC000  }
0x9a: {  	[tilespmem:s3], [sflag:$0x5] =	stream.linear.gather [hbm4b:s0+s3], $0x800, $0x38;
	[tilespmem:$0x8800] =	vst v63  }
0x9b: {  	_ =	swait.ge [sflag:s4], $0x800  }
0x9c: {  	[sflag:s4] =	ssyncset.done $0x0  }
0x9d: {  	[sflag:s4] =	ssyncadd.s32 $0xFFFFF800  }
0x9e: {  	[tilespmem:s6], [sflag:$0x1] =	stream.indirect.gather [hbm4b:s2+s5], $0x80, s3, s5, $0xb8;
	[tilespmem:$0x8800] =	vst v63  }
0x9f: {  	_ = 	snop  }
0xa0: {  	[tilespmem:s7], [sflag:$0x2] =	stream.indirect.gather [hbm4b:s2+s5], $0x80, s5, s5, $0xb8;
	[tilespmem:$0x8800] =	vst v63  }
0xa1: {  	_ =	swait.ge [sflag:s8], $0x4000  }
0xa2: {  	[sflag:s8] =	ssyncset.done $0x0  }
0xa3: {  	s0 =	rddreg [dreg:$0x4];
	[sflag:s8] =	ssyncadd.s32 $0xFFFFC000  }
0xa4: {  	[hbm4b:s0+s3] =	stream.linear.scatter [tilespmem:s6], [sflag:$0x3], $0x4000, $0x38;
	[tilespmem:$0x8800] =	vst v63  }
0xa5: {  	_ =	swait.ge [sflag:s9], $0x4000  }
0xa6: {  	[sflag:s9] =	ssyncset.done $0x0  }
0xa7: {  	[sflag:s9] =	ssyncadd.s32 $0xFFFFC000  }
0xa8: {  	[tilespmem:s6], [sflag:$0x1] =	stream.indirect.gather [hbm4b:s2+s5], $0x80, s10, s5, $0xb8;
	[tilespmem:$0x8800] =	vst v63  }
0xa9: {  	_ =	swait.ge [sflag:s11], $0x4000  }
0xaa: {  	[sflag:s11] =	ssyncset.done $0x0  }
0xab: {  	s0 =	rddreg [dreg:$0x5];
	[sflag:s11] =	ssyncadd.s32 $0xFFFFC000  }
0xac: {  	[hbm4b:s0+s3] =	stream.linear.scatter [tilespmem:s7], [sflag:$0x4], $0x4000, $0x38;
	[tilespmem:$0x8800] =	vst v63  }
0xad: {  	_ =	swait.ge [sflag:s12], $0x4000  }
0xae: {  	[sflag:s12] =	ssyncset.done $0x0  }
0xaf: {  	[sflag:s12] =	ssyncadd.s32 $0xFFFFC000  }
0xb0: {  	[tilespmem:s7], [sflag:$0x2] =	stream.indirect.gather [hbm4b:s2+s5], $0x80, s13, s5, $0xb8;
	[tilespmem:$0x8800] =	vst v63  }
0xb1: {  	_ =	swait.ge [sflag:s8], $0x4000  }
0xb2: {  	[sflag:s8] =	ssyncset.done $0x0  }
0xb3: {  	s0 =	rddreg [dreg:$0x6];
	[sflag:s8] =	ssyncadd.s32 $0xFFFFC000  }
0xb4: {  	[hbm4b:s0+s3] =	stream.linear.scatter [tilespmem:s6], [sflag:$0x3], $0x4000, $0x38;
	[tilespmem:$0x8800] =	vst v63  }
0xb5: {  	_ =	swait.ge [sflag:s9], $0x4000  }
0xb6: {  	[sflag:s9] =	ssyncset.done $0x0  }
0xb7: {  	[sflag:s9] =	ssyncadd.s32 $0xFFFFC000  }
0xb8: {  	[tilespmem:s6], [sflag:$0x1] =	stream.indirect.gather [hbm4b:s2+s5], $0x80, s14, s5, $0xb8;
	[tilespmem:$0x8800] =	vst v63  }
0xb9: {  	_ =	swait.ge [sflag:s11], $0x4000  }
0xba: {  	[sflag:s11] =	ssyncset.done $0x0  }
0xbb: {  	s0 =	rddreg [dreg:$0x7];
	[sflag:s11] =	ssyncadd.s32 $0xFFFFC000  }
0xbc: {  	[hbm4b:s0+s3] =	stream.linear.scatter [tilespmem:s7], [sflag:$0x4], $0x4000, $0x38;
	[tilespmem:$0x8800] =	vst v63  }
0xbd: {  	_ =	swait.ge [sflag:s12], $0x4000  }
0xbe: {  	[sflag:s12] =	ssyncset.done $0x0  }
0xbf: {  	[sflag:s12] =	ssyncadd.s32 $0xFFFFC000  }
0xc0: {  	[tilespmem:s7], [sflag:$0x2] =	stream.indirect.gather [hbm4b:s2+s5], $0x80, s15, s5, $0xb8;
	[tilespmem:$0x8800] =	vst v63  }
0xc1: {  	_ =	swait.ge [sflag:s8], $0x4000  }
0xc2: {  	[sflag:s8] =	ssyncset.done $0x0  }
0xc3: {  	s0 =	rddreg [dreg:$0x8];
	[sflag:s8] =	ssyncadd.s32 $0xFFFFC000  }
0xc4: {  	[hbm4b:s0+s3] =	stream.linear.scatter [tilespmem:s6], [sflag:$0x3], $0x4000, $0x38;
	[tilespmem:$0x8800] =	vst v63  }
0xc5: {  	_ =	swait.ge [sflag:s9], $0x4000  }
0xc6: {  	[sflag:s9] =	ssyncset.done $0x0  }
0xc7: {  	[sflag:s9] =	ssyncadd.s32 $0xFFFFC000  }
0xc8: {  	[tilespmem:s6], [sflag:$0x1] =	stream.indirect.gather [hbm4b:s2+s5], $0x80, s16, s5, $0xb8;
	[tilespmem:$0x8800] =	vst v63  }
0xc9: {  	_ =	swait.ge [sflag:s11], $0x4000  }
0xca: {  	[sflag:s11] =	ssyncset.done $0x0  }
0xcb: {  	s0 =	rddreg [dreg:$0x9];
	[sflag:s11] =	ssyncadd.s32 $0xFFFFC000  }
0xcc: {  	[hbm4b:s0+s3] =	stream.linear.scatter [tilespmem:s7], [sflag:$0x4], $0x4000, $0x38;
	[tilespmem:$0x8800] =	vst v63  }
0xcd: {  	_ =	swait.ge [sflag:s12], $0x4000  }
0xce: {  	[sflag:s12] =	ssyncset.done $0x0  }
0xcf: {  	[sflag:s12] =	ssyncadd.s32 $0xFFFFC000  }
0xd0: {  	[tilespmem:s7], [sflag:$0x2] =	stream.indirect.gather [hbm4b:s2+s5], $0x80, s17, s5, $0xb8;
	[tilespmem:$0x8800] =	vst v63  }
0xd1: {  	_ =	swait.ge [sflag:s8], $0x4000  }
0xd2: {  	[sflag:s8] =	ssyncset.done $0x0  }
0xd3: {  	s0 =	rddreg [dreg:$0xa];
	[sflag:s8] =	ssyncadd.s32 $0xFFFFC000  }
0xd4: {  	[hbm4b:s0+s3] =	stream.linear.scatter [tilespmem:s6], [sflag:$0x3], $0x4000, $0x38;
	[tilespmem:$0x8800] =	vst v63  }
0xd5: {  	_ =	swait.ge [sflag:s9], $0x4000  }
0xd6: {  	[sflag:s9] =	ssyncset.done $0x0  }
0xd7: {  	[sflag:s9] =	ssyncadd.s32 $0xFFFFC000  }
0xd8: {  	[tilespmem:s6], [sflag:$0x1] =	stream.indirect.gather [hbm4b:s2+s5], $0x80, s18, s5, $0xb8;
	[tilespmem:$0x8800] =	vst v63  }
0xd9: {  	_ =	swait.ge [sflag:s11], $0x4000  }
0xda: {  	[sflag:s11] =	ssyncset.done $0x0  }
0xdb: {  	s0 =	rddreg [dreg:$0xb];
	[sflag:s11] =	ssyncadd.s32 $0xFFFFC000  }
0xdc: {  	[hbm4b:s0+s3] =	stream.linear.scatter [tilespmem:s7], [sflag:$0x4], $0x4000, $0x38;
	[tilespmem:$0x8800] =	vst v63  }
0xdd: {  	_ =	swait.ge [sflag:s12], $0x4000  }
0xde: {  	[sflag:s12] =	ssyncset.done $0x0  }
0xdf: {  	[sflag:s12] =	ssyncadd.s32 $0xFFFFC000  }
0xe0: {  	[tilespmem:s7], [sflag:$0x2] =	stream.indirect.gather [hbm4b:s2+s5], $0x80, s19, s5, $0xb8;
	[tilespmem:$0x8800] =	vst v63  }
0xe1: {  	_ =	swait.ge [sflag:s8], $0x4000  }
0xe2: {  	[sflag:s8] =	ssyncset.done $0x0  }
0xe3: {  	s0 =	rddreg [dreg:$0xc];
	[sflag:s8] =	ssyncadd.s32 $0xFFFFC000  }
0xe4: {  	[hbm4b:s0+s3] =	stream.linear.scatter [tilespmem:s6], [sflag:$0x3], $0x4000, $0x38;
	[tilespmem:$0x8800] =	vst v63  }
0xe5: {  	_ =	swait.ge [sflag:s9], $0x4000  }
0xe6: {  	[sflag:s9] =	ssyncset.done $0x0  }
0xe7: {  	[sflag:s9] =	ssyncadd.s32 $0xFFFFC000  }
0xe8: {  	[tilespmem:s6], [sflag:$0x1] =	stream.indirect.gather [hbm4b:s2+s5], $0x80, s20, s5, $0xb8;
	[tilespmem:$0x8800] =	vst v63  }
0xe9: {  	_ =	swait.ge [sflag:s11], $0x4000  }
0xea: {  	[sflag:s11] =	ssyncset.done $0x0  }
0xeb: {  	s0 =	rddreg [dreg:$0xd];
	[sflag:s11] =	ssyncadd.s32 $0xFFFFC000  }
0xec: {  	[hbm4b:s0+s3] =	stream.linear.scatter [tilespmem:s7], [sflag:$0x4], $0x4000, $0x38;
	[tilespmem:$0x8800] =	vst v63  }
0xed: {  	_ =	swait.ge [sflag:s12], $0x4000  }
0xee: {  	[sflag:s12] =	ssyncset.done $0x0  }
0xef: {  	[sflag:s12] =	ssyncadd.s32 $0xFFFFC000  }
0xf0: {  	[tilespmem:s7], [sflag:$0x2] =	stream.indirect.gather [hbm4b:s2+s5], $0x80, s21, s5, $0xb8;
	[tilespmem:$0x8800] =	vst v63  }
0xf1: {  	_ =	swait.ge [sflag:s8], $0x4000  }
0xf2: {  	[sflag:s8] =	ssyncset.done $0x0  }
0xf3: {  	s0 =	rddreg [dreg:$0xe];
	[sflag:s8] =	ssyncadd.s32 $0xFFFFC000  }
0xf4: {  	[hbm4b:s0+s3] =	stream.linear.scatter [tilespmem:s6], [sflag:$0x3], $0x4000, $0x38;
	[tilespmem:$0x8800] =	vst v63  }
0xf5: {  	_ =	swait.ge [sflag:s9], $0x4000  }
0xf6: {  	[sflag:s9] =	ssyncset.done $0x0  }
0xf7: {  	[sflag:s9] =	ssyncadd.s32 $0xFFFFC000  }
0xf8: {  	[tilespmem:s6], [sflag:$0x1] =	stream.indirect.gather [hbm4b:s2+s5], $0x80, s22, s5, $0xb8;
	[tilespmem:$0x8800] =	vst v63  }
0xf9: {  	_ =	swait.ge [sflag:s11], $0x4000  }
0xfa: {  	[sflag:s11] =	ssyncset.done $0x0  }
0xfb: {  	[sflag:s11] =	ssyncadd.s32 $0xFFFFC000  }
0xfc: {  	[hbm4b:s23+s3] =	stream.linear.scatter [tilespmem:s7], [sflag:$0x4], $0x4000, $0x38;
	[tilespmem:$0x8800] =	vst v63  }
0xfd: {  	_ =	swait.ge [sflag:s12], $0x4000  }
0xfe: {  	[sflag:s12] =	ssyncset.done $0x0  }
0xff: {  	[sflag:s12] =	ssyncadd.s32 $0xFFFFC000  }
0x100: {  	[tilespmem:s7], [sflag:$0x2] =	stream.indirect.gather [hbm4b:s2+s5], $0x80, s24, s5, $0xb8;
	[tilespmem:$0x8800] =	vst v63  }
0x101: {  	_ =	swait.ge [sflag:s8], $0x4000  }
0x102: {  	[sflag:s8] =	ssyncset.done $0x0  }
0x103: {  	[sflag:s8] =	ssyncadd.s32 $0xFFFFC000  }
0x104: {  	[hbm4b:s25+s3] =	stream.linear.scatter [tilespmem:s6], [sflag:$0x3], $0x4000, $0x38;
	[tilespmem:$0x8800] =	vst v63  }
0x105: {  	_ =	swait.ge [sflag:s9], $0x4000  }
0x106: {  	[sflag:s9] =	ssyncset.done $0x0  }
0x107: {  	[sflag:s9] =	ssyncadd.s32 $0xFFFFC000  }
0x108: {  	[tilespmem:s6], [sflag:$0x1] =	stream.indirect.gather [hbm4b:s2+s5], $0x80, s26, s5, $0xb8;
	[tilespmem:$0x8800] =	vst v63  }
0x109: {  	_ =	swait.ge [sflag:s11], $0x4000  }
0x10a: {  	[sflag:s11] =	ssyncset.done $0x0  }
0x10b: {  	[sflag:s11] =	ssyncadd.s32 $0xFFFFC000  }
0x10c: {  	[hbm4b:s28+s3] =	stream.linear.scatter [tilespmem:s7], [sflag:$0x4], $0x4000, $0x38;
	[tilespmem:$0x8800] =	vst v63  }
0x10d: {  	_ =	swait.ge [sflag:s12], $0x4000  }
0x10e: {  	[sflag:s12] =	ssyncset.done $0x0  }
0x10f: {  	[sflag:s12] =	ssyncadd.s32 $0xFFFFC000  }
0x110: {  	[tilespmem:s7], [sflag:$0x2] =	stream.indirect.gather [hbm4b:s2+s5], $0x80, s29, s5, $0xb8;
	[tilespmem:$0x8800] =	vst v63  }
0x111: {  	_ =	swait.ge [sflag:s8], $0x4000  }
0x112: {  	[sflag:s8] =	ssyncset.done $0x0  }
0x113: {  	[sflag:s8] =	ssyncadd.s32 $0xFFFFC000  }
0x114: {  	[hbm4b:s30+s3] =	stream.linear.scatter [tilespmem:s6], [sflag:$0x3], $0x4000, $0x38;
	[tilespmem:$0x8800] =	vst v63  }
0x115: {  	_ =	swait.ge [sflag:s11], $0x4000  }
0x116: {  	[sflag:s11] =	ssyncset.done $0x0  }
0x117: {  	p0 =	sne.s32 s1, $0x1;
	[sflag:s11] =	ssyncadd.s32 $0xFFFFC000  }
0x118: {  	[hbm4b:s31+s3] =	stream.linear.scatter [tilespmem:s7], [sflag:$0x4], $0x4000, $0x38;
	[tilespmem:$0x8800] =	vst v63  }
.Ltmp1:
0x119: {  	_ =	swait.ge [sflag:s9], $0x4000;
	(pc) =	sbr.rel @p0 .LBB2_1-.Ltmp1, $4  }
0x11a: {  	[sflag:s9] =	ssyncset.done $0x0  }
0x11b: {  	[sflag:s9] =	ssyncadd.s32 $0xFFFFC000  }
0x11c: {  	_ =	swait.ge [sflag:s12], $0x4000  }
0x11d: {  	s1 =	sadd.s32 $0xFFFFFFFF, s1;
	[sflag:s12] =	ssyncset.done $0x0  }
.LBB2_2:
0x11e: {  	[sflag:s12] =	ssyncadd.s32 $0xFFFFC000  }
0x11f: {  	_ =	sfence.sel $0x180000  }
0x120: {  	[bflag:$0x0] =	sbarrier.arrive $0xFFFF  }
0x121: {  	_ =	strace $0x9000004D  }
0x122: {  	s0 =	stileid.u32;
	[bflag:$0x2] =	sbarrier.arrive $0xFFFF  }
0x123: {  	p0 =	sne.s32 s0, $0x0;
	s0 =	rddreg [dreg:$0x2]  }
0x124: {  	s0 =	sadd.s32 @!p0 $0x100000, s0  }
0x125: {  	[sflag:s0] =	ssyncadd.tile.s32 @!p0 $0x1;
	_ =	shalt  }
.Lfunc_end2:
_tile_overlayer_lowered:
.L_overlay_start_2:
0x126: {  	(tag) =	ssettag $0x2  }
0x127: {  	s0 =	rddreg [dreg:$0x0];
	s2 =	stileid.u32  }
0x128: {  	s1 =	rddreg [dreg:$0x1];
	p0 =	sne.s32 s2, $0x0  }
0x129: {  	s3 =	rddreg [dreg:$0x2];
	[bflag:$0x3] =	sbarrier.arrive $0xFFFF;
	s2 =	simm.s32 @!p0 $0x1C05  }
0x12a: {  	[timem:s3], [sflag:s2] =	dma.local @!p0 [hbm:s0], s1  }
0x12b: {  	s0 =	simm.s32 @!p0 $0x5  }
0x12c: {  	_ =	swait.ge @!p0 [sflag:s0], s1  }
0x12d: {  	s1 =	ssub.s32 @!p0 $0x0, s1;
	[sflag:s0] =	ssyncset.done @!p0 $0x0  }
0x12e: {  	[sflag:s0] =	ssyncadd.s32 @!p0 s1  }
0x12f: {  	[bflag:$0x3] =	sbarrier.arrive $0xFFFF  }
0x130: {  	_ =	shalt  }

// kernel: kernel.9.cloned.1.call-start
scs
__scs_entry_jumppad:
0x0: {  	(pc) =	sbr.rel $0x88, $3  }
0x1: {  	(tag) =	ssettag $0x0;
	lr =	simm.s32 $0x1  }
0x2: {  	[smem:$0x3F72] =	sst lr;
	_ =	strace $0xD0000000  }
0x3: {  	_ = 	snop  }
0x4: {  	_ = 	snop  }
0x5: {  	_ = 	snop  }
0x6: {  	_ = 	snop  }
0x7: {  	_ = 	snop  }
__scs_overlays_trampoline_lowered:
0x8: {  	[smem:$0x3F81] =	sst s0  }
0x9: {  	[smem:$0x3F82] =	sst s1  }
0xa: {  	[smem:$0x3F83] =	sst s2  }
0xb: {  	[smem:$0x3F84] =	sst s3  }
0xc: {  	[smem:$0x3F85] =	sst s4  }
0xd: {  	[smem:$0x3F86] =	sst s5  }
0xe: {  	[smem:$0x3F87] =	sst s6  }
0xf: {  	[smem:$0x3F88] =	sst s7  }
0x10: {  	[smem:$0x3F89] =	sst s8  }
0x11: {  	[smem:$0x3F8A] =	sst s9;
	s0 =	simm.s32 @!p0 $0x0  }
0x12: {  	s1 =	sld [smem:$0x3F70];
	s0 =	simm.s32 @p0 $0x1  }
0x13: {  	[smem:$0x3F8B] =	sst s0;
	s0 =	simm.s32 @!p1 $0x0  }
0x14: {  	s2 =	sld [smem:$0x3F6F];
	s0 =	simm.s32 @p1 $0x1  }
0x15: {  	[smem:$0x3F8C] =	sst s0;
	s0 =	simm.s32 @!p2 $0x0  }
0x16: {  	s3 =	sld [smem:$0x3FDB];
	s0 =	simm.s32 @p2 $0x1  }
0x17: {  	s4 =	simm.s32 $0x1BF5;
	[smem:$0x3F8E] =	sst s0  }
0x18: {  	s0 =	sld [smem:$0x3F71];
	_ =	swait.ge [sflag:s4], $0x0  }
0x19: {  	s7 =	sld [smem:$0x3F72]  }
0x1a: {  	s8 =	sadd.s32 $0xFFFFE003, lr  }
0x1b: {  	s9 =	sadd.s32 $0xFFFFFEF7, lr;
	s5 =	simm.s32 $0xFFFFFFFF;
	p2 =	slt.u32 s8, $0xFFFFF086  }
0x1c: {  	p1 =	slt.u32 s9, $0xF7A;
	s5 =	simm.s32 @!p2 $0x0  }
0x1d: {  	s5 =	simm.s32 @p1 $0x1;
	p0 =	seq.s32 s7, s2  }
0x1e: {  	s7 =	smul.u32 @!p0 $0xF7A, s2;
	p2 =	seq.s32 @!p0 s5, $0x0  }
0x1f: {  	s9 =	smul.u32 $0xF7A, s1;
	s8 =	simm.s32 @!p0 $0x1BF5;
	p2 =	por !p2, p0  }
0x20: {  	[sflag:s8] =	ssyncset.s32 @!p0 $0xFFFFF086;
	s6 =	sadd.s32 @!p0 s3, s7;
	s7 =	simm.s32 @!p0 $0x108  }
0x21: {  	s3 =	sadd.s32 s3, s9;
	s6 =	sadd.s32 @!p0 $0x88, s6;
	s7 =	simm.s32 @p2 $0x1082  }
0x22: {  	[simem:s7], [sflag:s8] =	dma.local @!p0 [hbm:s6], $0xF7A  }
0x23: {  	s9 =	sor.u32 $0xD0000000, s2;
	s6 =	simm.s32 $0x108;
	_ =	swait.ge @!p0 [sflag:s8], $0x0  }
0x24: {  	s3 =	sadd.s32 $0x88, s3;
	s6 =	simm.s32 @!p1 $0x1082;
	[sflag:s4] =	ssyncset.s32 $0xFFFFF086  }
0x25: {  	[simem:s6], [sflag:s4] =	dma.local [hbm:s3], $0xF7A  }
0x26: {  	[smem:$0x3F72] =	sst s1;
	(tag) =	ssettag s2;
	_ =	strace s9  }
0x27: {  	s1 =	sld [smem:$0x3F82]  }
0x28: {  	s2 =	sld [smem:$0x3F83]  }
0x29: {  	s4 =	sld [smem:$0x3F85]  }
0x2a: {  	p0 =	seq.s32 s5, $0x0;
	s5 =	sld [smem:$0x3F86]  }
0x2b: {  	s6 =	sld [smem:$0x3F87]  }
0x2c: {  	s7 =	sld [smem:$0x3F88]  }
0x2d: {  	s3 =	simm.s32 $0x108;
	s8 =	sld [smem:$0x3F89]  }
0x2e: {  	s3 =	simm.s32 @!p0 $0x1082;
	s9 =	sld [smem:$0x3F8A]  }
0x2f: {  	lr =	sadd.s32 s0, s3;
	s0 =	sld [smem:$0x3F81]  }
0x30: {  	s3 =	sld [smem:$0x3F84]  }
0x31: {  	[smem:$0x3F8D] =	sst s10  }
0x32: {  	s10 =	sld [smem:$0x3F8B];
	_ =	sdelay $0x3  }
0x33: {  	p0 =	seq.s32 s10, $0x1;
	s10 =	sld [smem:$0x3F8D];
	_ =	sdelay $0x3  }
0x34: {  	[smem:$0x3F8D] =	sst s10  }
0x35: {  	s10 =	sld [smem:$0x3F8C];
	_ =	sdelay $0x3  }
0x36: {  	p1 =	seq.s32 s10, $0x1;
	s10 =	sld [smem:$0x3F8D];
	_ =	sdelay $0x3  }
0x37: {  	[smem:$0x3F8D] =	sst s10  }
0x38: {  	s10 =	sld [smem:$0x3F8E]  }
0x39: {  	_ = 	snop;
	(pc) =	sbr.ind lr, $3  }
0x3a: {  	_ = 	snop  }
0x3b: {  	_ = 	snop  }
0x3c: {  	p2 =	seq.s32 s10, $0x1;
	s10 =	sld [smem:$0x3F8D]  }
0x3d: {  	_ =	shalt  }
0x3e: {  	_ =	shalt  }
0x3f: {  	_ =	shalt  }
0x40: {  	_ =	shalt  }
0x41: {  	_ =	shalt  }
0x42: {  	_ =	shalt  }
0x43: {  	_ =	shalt  }
0x44: {  	_ =	shalt  }
0x45: {  	_ =	shalt  }
0x46: {  	_ =	shalt  }
0x47: {  	_ =	shalt  }
0x48: {  	_ =	shalt  }
0x49: {  	_ =	shalt  }
0x4a: {  	_ =	shalt  }
0x4b: {  	_ =	shalt  }
0x4c: {  	_ =	shalt  }
0x4d: {  	_ =	shalt  }
0x4e: {  	_ =	shalt  }
0x4f: {  	_ =	shalt  }
0x50: {  	_ =	shalt  }
0x51: {  	_ =	shalt  }
0x52: {  	_ =	shalt  }
0x53: {  	_ =	shalt  }
0x54: {  	_ =	shalt  }
0x55: {  	_ =	shalt  }
0x56: {  	_ =	shalt  }
0x57: {  	_ =	shalt  }
0x58: {  	_ =	shalt  }
0x59: {  	_ =	shalt  }
0x5a: {  	_ =	shalt  }
0x5b: {  	_ =	shalt  }
0x5c: {  	_ =	shalt  }
0x5d: {  	_ =	shalt  }
0x5e: {  	_ =	shalt  }
0x5f: {  	_ =	shalt  }
0x60: {  	_ =	shalt  }
0x61: {  	_ =	shalt  }
0x62: {  	_ =	shalt  }
0x63: {  	_ =	shalt  }
0x64: {  	_ =	shalt  }
0x65: {  	_ =	shalt  }
0x66: {  	_ =	shalt  }
0x67: {  	_ =	shalt  }
0x68: {  	_ =	shalt  }
0x69: {  	_ =	shalt  }
0x6a: {  	_ =	shalt  }
0x6b: {  	_ =	shalt  }
0x6c: {  	_ =	shalt  }
0x6d: {  	_ =	shalt  }
0x6e: {  	_ =	shalt  }
0x6f: {  	_ =	shalt  }
0x70: {  	_ =	shalt  }
0x71: {  	_ =	shalt  }
0x72: {  	_ =	shalt  }
0x73: {  	_ =	shalt  }
0x74: {  	_ =	shalt  }
0x75: {  	_ =	shalt  }
0x76: {  	_ =	shalt  }
0x77: {  	_ =	shalt  }
0x78: {  	_ =	shalt  }
0x79: {  	_ =	shalt  }
0x7a: {  	_ =	shalt  }
0x7b: {  	_ =	shalt  }
0x7c: {  	_ =	shalt  }
0x7d: {  	_ =	shalt  }
0x7e: {  	_ =	shalt  }
0x7f: {  	_ =	shalt  }
0x80: {  	_ =	shalt  }
0x81: {  	_ =	shalt  }
0x82: {  	_ =	shalt  }
0x83: {  	_ =	shalt  }
0x84: {  	_ =	shalt  }
0x85: {  	_ =	shalt  }
0x86: {  	_ =	shalt  }
0x87: {  	_ =	shalt  }
.Lfunc_end0:
.L_simem_size_0:
called_computation_lowered:
.L_overlay_start_0:
0x88: {  	s2 =	sld [smem:$0x3FD9]  }
0x89: {  	s3 =	sld [smem:$0x3FFE];
	_ =	sdelay $0x1  }
0x8a: {  	s1 =	srdreg.scid  }
0x8b: {  	s0 =	sand.u32 $0x1, s1  }
0x8c: {  	s17 =	sshll.u32 s0, $0xA;
	s2 =	sadd.s32 s3, s2  }
0x8d: {  	s2 =	sadd.s32 s2, s17  }
0x8e: {  	[smem:$0x3F99] =	sst s2  }
0x8f: {  	_ = 	snop  }
0x90: {  	s2 =	sld [smem:$0x3FD0];
	(tm) =	ssettm $0x1  }
0x91: {  	s18 =	sld [smem:$0x3FFB];
	_ =	sdelay $0x3  }
0x92: {  	_ =	strace s18  }
0x93: {  	s3 =	sld [smem:$0x3FFC];
	_ =	sdelay $0x3  }
0x94: {  	_ =	strace s3  }
0x95: {  	s3 =	sld [smem:$0x3FFD];
	_ =	sdelay $0x3  }
0x96: {  	_ =	strace s3  }
0x97: {  	_ =	strace $0x8FFFFFFF  }
0x98: {  	s19 =	sld [smem:$0x3FDB];
	_ =	sdelay $0x1  }
0x99: {  	s4 =	simm.s32 $_scs_section_size  }
0x9a: {  	s5 =	simm.s32 $_size__tile_overlayer_lowered;
	s6 =	simm.s32 $_tile_overlayer_lowered  }
0x9b: {  	s22 =	simm.s32 $0x1BFF;
	s21 =	sshll.u32 s6, $0x1;
	s3 =	sadd.s32 s4, s19  }
0x9c: {  	s7 =	simm.s32 $0x0;
	s20 =	sshll.u32 s5, $0x1;
	s5 =	sadd.s32 s21, s3  }
0x9d: {  	[timem:s7], [sflag:s22] =	dma.local [hbm:s5], s20  }
0x9e: {  	_ =	swait.ge [sflag:s22], s20  }
0x9f: {  	s4 =	ssub.s32 $0x0, s20;
	[sflag:s22] =	ssyncset.done $0x0  }
0xa0: {  	[sflag:s22] =	ssyncadd.s32 s4;
	_ =	sdelay $0x1  }
0xa1: {  	s23 =	simm.s32 $0x1B8B  }
0xa2: {  	_ =	swait.ge [sflag:s23], $0x1  }
0xa3: {  	[sflag:s23] =	ssyncset.done $0x0  }
0xa4: {  	s25 =	simm.s32 $0x1B8E;
	s24 =	sld [smem:$0x3FFE];
	[sflag:s23] =	ssyncadd.s32 $0xFFFFFFFF  }
0xa5: {  	s26 =	simm.s32 $execute0_lowered;
	[smem:$0x3FD2] =	sst s25  }
0xa6: {  	s5 =	sshll.u32 s26, $0x1;
	_ =	strace $0x80000046;
	[dreg:$0x1] =	wrdreg $0xFFFFFFFF  }
0xa7: {  	s28 =	simm.s32 $_size_execute0_lowered;
	s3 =	sadd.s32 s3, s5;
	[dreg:$0x0] =	wrdreg $0x0  }
0xa8: {  	s5 =	sshll.u32 s28, $0x1;
	[dreg:$0x2] =	wrdreg s3  }
0xa9: {  	[dreg:$0x3] =	wrdreg s5  }
0xaa: {  	[dreg:$0x4] =	wrdreg $0xC0  }
0xab: {  	_ =	task [dreg:s7], $0x5FFFF  }
0xac: {  	[dreg:$0x1] =	wrdreg $0xFFFFFFFF  }
0xad: {  	[dreg:$0x0] =	wrdreg $0x60  }
0xae: {  	[dreg:$0x2] =	wrdreg s24  }
0xaf: {  	[dreg:$0x3] =	wrdreg s2  }
0xb0: {  	[dreg:$0x4] =	wrdreg $0x9  }
0xb1: {  	_ =	task.clear_ibuf [dreg:s7], $0x5FFFF;
	_ =	strace $0x90000046  }
0xb2: {  	s29 =	simm.s32 $0x9;
	_ =	strace $0x80000048  }
0xb3: {  	_ =	swait.ge [sflag:s29], $0x1  }
0xb4: {  	[sflag:s29] =	ssyncadd.s32 $0xFFFFFFFF  }
0xb5: {  	_ =	strace $0x90000048  }
0xb6: {  	_ =	sfence  }
0xb7: {  	s30 =	sld [smem:$0x0];
	_ =	sdelay $0x2  }
0xb8: {  	s31 =	sshll.u32 s1, $0xD;
	s1 =	sshrl.u32 s1, $0x2  }
0xb9: {  	s3 =	sand.u32 $0x4000, s31;
	s1 =	sadd.s32 s1, s30  }
0xba: {  	s0 =	sor.u32 s3, s0;
	s1 =	sshll.u32 s1, $0x11  }
0xbb: {  	s0 =	sor.u32 s1, s0  }
0xbc: {  	s0 =	sadd.s32 $0x8F2B, s0  }
0xbd: {  	[sflag:s0] =	ssyncadd.remote.s32 $0x1  }
0xbe: {  	_ =	sfence.sel $0xFFFF  }
0xbf: {  	[dreg:$0x0] =	wrdreg $0xFFFFFFFF;
	(pc) =	sbr.abs _section_cstart, $3  }
0xc0: {  	[dreg:$0x1] =	wrdreg $0xFFFFFFFF  }
0xc1: {  	_ =	task.clear_ibuf [dreg:s7], $0x2FFFF;
	_ =	strace $0x9FFFFFFF  }
0xc2: {  	(tm) =	ssettm $0x7FFFFFFF  }
0xc3: {  	_ =	shalt  }
tec
execute0_lowered:
.L_overlay_start_1:
0x0: {  	(tag) =	ssettag $0x1  }
0x1: {  	s0 =	rddreg [dreg:$0x0]  }
0x2: {  	s2 =	rddreg [dreg:$0x1];
	s3 =	simm.s32 $0x0  }
0x3: {  	s5 =	stileid.u32;
	s1 =	srdreg.scid;
	s28 =	simm.s32 $0x800  }
0x4: {  	s29 =	simm.s32 $0xC00;
	s30 =	simm.s32 $0x1400;
	s31 =	simm.s32 $0x80  }
0x5: {  	s4 =	sshll.u32 s5, $0x7;
	s1 =	sand.u32 $0x1, s1;
	s5 =	sshll.u32 s5, $0x1  }
0x6: {  	[smem:$0x7FF] =	sst s3;
	s9 =	sand.u32 $0x400, s4;
	s16 =	sor.u32 s1, s5  }
0x7: {  	_ =	strace $0x80000047;
	s1 =	ssub.s32 $0x2, s1;
	s6 =	sshll.u32 s16, $0x8  }
0x8: {  	s17 =	sshrl.u32 s9, $0x3;
	s7 =	sshll.u32 s16, $0xF;
	s6 =	sadd.s32 s6, s0  }
0x9: {  	s8 =	sshrl.u32 s1, $0x1;
	s5 =	sadd.s32 s17, s0;
	s18 =	sadd.s32 $0x7400, s6  }
0xa: {  	s4 =	sshll.u32 s16, $0x6;
	s5 =	sadd.s32 $0x7200, s5;
	[dreg:$0x3] =	wrdreg s18  }
0xb: {  	v0 =	vmov s9;
	s9 =	simm.s32 $0x0;
	s19 =	sadd.s32 $0x9400, s6;
	[dreg:$0x4] =	wrdreg s5  }
0xc: {  	s0 =	sadd.s32 s7, s0;
	s20 =	sadd.s32 $0x10B400, s6;
	[dreg:$0x5] =	wrdreg s19  }
0xd: {  	s1 =	ssub.s32 s1, s8;
	s21 =	sadd.s32 $0xB400, s0;
	[dreg:$0x6] =	wrdreg s20  }
0xe: {  	s4 =	sand.u32 $0x3C0, s4;
	s22 =	sadd.s32 $0xBC00, s0;
	[dreg:$0x7] =	wrdreg s21  }
0xf: {  	s7 =	simm.s32 $0x2;
	s23 =	sadd.s32 $0xC400, s0;
	[dreg:$0x8] =	wrdreg s22  }
0x10: {  	s8 =	simm.s32 $0x4;
	s24 =	sadd.s32 $0xCC00, s0;
	[dreg:$0x9] =	wrdreg s23  }
0x11: {  	s25 =	sadd.s32 $0xD400, s0;
	s26 =	sadd.s32 $0xDC00, s0;
	[dreg:$0xa] =	wrdreg s24  }
0x12: {  	s15 =	sadd.s32 $0xE400, s0;
	s16 =	sadd.s32 $0xEC00, s0;
	[dreg:$0xb] =	wrdreg s25  }
0x13: {  	s17 =	sadd.s32 $0xF400, s0;
	s6 =	simm.s32 $0x3;
	[dreg:$0xc] =	wrdreg s26  }
0x14: {  	s18 =	sadd.s32 $0xFC00, s0;
	s19 =	sadd.s32 $0x10400, s0;
	s20 =	sadd.s32 $0x10C00, s0  }
0x15: {  	s21 =	sadd.s32 $0x11400, s0;
	s22 =	sadd.s32 $0x11C00, s0;
	s23 =	sadd.s32 $0x12400, s0  }
0x16: {  	s24 =	sadd.s32 $0x12C00, s0;
	s25 =	smax.u32 s1, $0x1;
	s26 =	simm.s32 $0x5  }
0x17: {  	s0 =	simm.s32 $0x1C00;
	s1 =	simm.s32 $0x5C00;
	s5 =	simm.s32 $0x1  }
.LBB2_1:
0x18: {  	s10 =	rddreg [dreg:$0x3]  }
0x19: {  	[tilespmem:s3], [sflag:$0x5] =	stream.linear.gather [hbm4b:s10+s3], $0x800, $0x38;
	[tilespmem:$0x9C00] =	vst v63  }
0x1a: {  	_ =	swait.ge [sflag:s26], $0x800  }
0x1b: {  	[sflag:s26] =	ssyncset.done $0x0  }
0x1c: {  	s12 =	rddreg [dreg:$0x4];
	[sflag:s26] =	ssyncadd.s32 $0xFFFFF800  }
0x1d: {  	[tilespmem:s28], [sflag:$0x5] =	stream.linear.gather [hbm4b:s12+s3], $0x400, $0x38;
	[tilespmem:$0x9C00] =	vst v63  }
0x1e: {  	_ =	swait.ge [sflag:s26], $0x400  }
0x1f: {  	s13 =	simm.s32 $0x0;
	[sflag:s26] =	ssyncset.done $0x0  }
0x20: {  	s10 =	sor.u32 s4, s13;
	[sflag:s26] =	ssyncadd.s32 $0xFFFFFC00  }
0x21: {  	v2 =	vmov s10;
	v1 =	vld [tilespmem:s3+$0x0];
	_ =	sdelay $0x4  }
0x22: {  	v3 =	vld.idx.msk [tilespmem:v2+s28+$0x0], $0xffff;
	_ =	sdelay $0x2  }
0x23: {  	v4 =	vld.idx.msk [tilespmem:v1+s28+$0x0], $0xffff;
	_ =	sdelay $0x1  }
0x24: {  	v5 =	vmul.f32 $5.000000000e-01, v3;
	v6 =	vadd.f32 $-1.000000000e+00, v3;
	_ =	sdelay $0x1  }
0x25: {  	v5 =	vmul.f32 v6, v5  }
0x26: {  	vm0 =	veq.s32 v2, v1;
	v3 =	vmul.f32 v3, v4  }
0x27: {  	vm1 =	vgt.s32 v2, v1;
	v2 =	vnsel vm0, $0x0, v5  }
0x28: {  	s14 =	simm.s32 $0x0;
	v2 =	vsel vm1, v3, v2  }
0x29: {  	s11 =	simm.s32 $0xC00;
	s14 =	sor.u32 s4, s14;
	v1 =	vadd.s32 v0, v1;
	[tilespmem:s29+$0x0] =	vst v2  }
0x2a: {  	s13 =	simm.s32 $0x10;
	s10 =	simm.s32 $0x1400;
	s12 =	simm.s32 $0x2;
	[tilespmem:s30+$0x0] =	vst v1  }
.LBB2_2:
0x2b: {  	p0 =	sne.s32 s12, $0x7F;
	v1 =	vld [tilespmem:s13+$0x0];
	v2 =	vmov s14;
	_ =	sdelay $0x4  }
0x2c: {  	v3 =	vld.idx.msk [tilespmem:v2+s28+$0x0], $0xffff;
	v4 =	vadd.s32 v0, v1;
	_ =	sdelay $0x2  }
0x2d: {  	v5 =	vld.idx.msk [tilespmem:v1+s28+$0x0], $0xffff;
	_ =	sdelay $0x2  }
0x2e: {  	v6 =	vmul.f32 $5.000000000e-01, v3;
	v7 =	vadd.f32 $-1.000000000e+00, v3;
	_ =	sdelay $0x1  }
0x2f: {  	v6 =	vmul.f32 v7, v6  }
.Ltmp0:
0x30: {  	vm0 =	veq.s32 v2, v1;
	v3 =	vmul.f32 v3, v5;
	(pc) =	sbr.rel @p0 .LBB2_2-.Ltmp0, $4  }
0x31: {  	vm1 =	vgt.s32 v2, v1;
	v1 =	vnsel vm0, $0x0, v6  }
0x32: {  	s11 =	sadd.s32 $0x10, s11;
	v1 =	vsel vm1, v3, v1  }
0x33: {  	s14 =	sshrl.u32 s12, $0x1;
	s10 =	sadd.s32 $0x10, s10;
	[tilespmem:s11+$0x0] =	vst v1  }
0x34: {  	s12 =	sadd.s32 $0x1, s12;
	s13 =	sadd.s32 $0x10, s13;
	s14 =	sor.u32 s4, s14;
	[tilespmem:s10+$0x0] =	vst v4  }
0x35: {  	v1 =	vld [tilespmem:s13+$0x0];
	v2 =	vmov s14;
	_ =	sdelay $0x4  }
0x36: {  	v3 =	vld.idx.msk [tilespmem:v2+s28+$0x0], $0xffff;
	_ =	sdelay $0x2  }
0x37: {  	v4 =	vld.idx.msk [tilespmem:v1+s28+$0x0], $0xffff;
	_ =	sdelay $0x1  }
0x38: {  	v5 =	vmul.f32 $5.000000000e-01, v3;
	v6 =	vadd.f32 $-1.000000000e+00, v3;
	_ =	sdelay $0x1  }
0x39: {  	v5 =	vmul.f32 v6, v5  }
0x3a: {  	vm0 =	veq.s32 v2, v1;
	v3 =	vmul.f32 v3, v4  }
0x3b: {  	vm1 =	vgt.s32 v2, v1;
	v2 =	vnsel vm0, $0x0, v5  }
0x3c: {  	s11 =	sadd.s32 $0x10, s11;
	v2 =	vsel vm1, v3, v2  }
0x3d: {  	s10 =	sadd.s32 $0x10, s10;
	v1 =	vadd.s32 v0, v1;
	[tilespmem:s11+$0x0] =	vst v2  }
0x3e: {  	s12 =	rddreg [dreg:$0x5];
	[tilespmem:s10+$0x0] =	vst v1  }
0x3f: {  	[hbm4b:s12+s3] =	stream.linear.scatter [tilespmem:s29], [sflag:$0x5], $0x800, $0x38;
	[tilespmem:$0x9C00] =	vst v63  }
0x40: {  	_ =	swait.ge [sflag:s26], $0x800  }
0x41: {  	[sflag:s26] =	ssyncset.done $0x0  }
0x42: {  	s13 =	rddreg [dreg:$0x6];
	[sflag:s26] =	ssyncadd.s32 $0xFFFFF800  }
0x43: {  	[hbm4b:s13+s3] =	stream.linear.scatter [tilespmem:s30], [sflag:$0x5], $0x800, $0x38;
	[tilespmem:$0x9C00] =	vst v63  }
0x44: {  	_ =	swait.ge [sflag:s26], $0x800  }
0x45: {  	[sflag:s26] =	ssyncset.done $0x0  }
0x46: {  	[sflag:s26] =	ssyncadd.s32 $0xFFFFF800  }
0x47: {  	[tilespmem:s0], [sflag:$0x1] =	stream.indirect.gather [hbm4b:s2+s31], $0x80, s30, s31, $0xb8;
	[tilespmem:$0x9C00] =	vst v63  }
0x48: {  	s14 =	simm.s32 $0x1480  }
0x49: {  	[tilespmem:s1], [sflag:$0x2] =	stream.indirect.gather [hbm4b:s2+s31], $0x80, s14, s31, $0xb8;
	[tilespmem:$0x9C00] =	vst v63  }
0x4a: {  	_ =	swait.ge [sflag:s5], $0x4000  }
0x4b: {  	[sflag:s5] =	ssyncset.done $0x0  }
0x4c: {  	s11 =	rddreg [dreg:$0x7];
	[sflag:s5] =	ssyncadd.s32 $0xFFFFC000  }
0x4d: {  	[hbm4b:s11+s3] =	stream.linear.scatter [tilespmem:s0], [sflag:$0x3], $0x4000, $0x38;
	[tilespmem:$0x9C00] =	vst v63  }
0x4e: {  	_ =	swait.ge [sflag:s6], $0x4000  }
0x4f: {  	[sflag:s6] =	ssyncset.done $0x0  }
0x50: {  	s12 =	simm.s32 $0x1500;
	[sflag:s6] =	ssyncadd.s32 $0xFFFFC000  }
0x51: {  	[tilespmem:s0], [sflag:$0x1] =	stream.indirect.gather [hbm4b:s2+s31], $0x80, s12, s31, $0xb8;
	[tilespmem:$0x9C00] =	vst v63  }
0x52: {  	_ =	swait.ge [sflag:s7], $0x4000  }
0x53: {  	[sflag:s7] =	ssyncset.done $0x0  }
0x54: {  	s13 =	rddreg [dreg:$0x8];
	[sflag:s7] =	ssyncadd.s32 $0xFFFFC000  }
0x55: {  	[hbm4b:s13+s3] =	stream.linear.scatter [tilespmem:s1], [sflag:$0x4], $0x4000, $0x38;
	[tilespmem:$0x9C00] =	vst v63  }
0x56: {  	_ =	swait.ge [sflag:s8], $0x4000  }
0x57: {  	[sflag:s8] =	ssyncset.done $0x0  }
0x58: {  	s14 =	simm.s32 $0x1580;
	[sflag:s8] =	ssyncadd.s32 $0xFFFFC000  }
0x59: {  	[tilespmem:s1], [sflag:$0x2] =	stream.indirect.gather [hbm4b:s2+s31], $0x80, s14, s31, $0xb8;
	[tilespmem:$0x9C00] =	vst v63  }
0x5a: {  	_ =	swait.ge [sflag:s5], $0x4000  }
0x5b: {  	[sflag:s5] =	ssyncset.done $0x0  }
0x5c: {  	s11 =	rddreg [dreg:$0x9];
	[sflag:s5] =	ssyncadd.s32 $0xFFFFC000  }
0x5d: {  	[hbm4b:s11+s3] =	stream.linear.scatter [tilespmem:s0], [sflag:$0x3], $0x4000, $0x38;
	[tilespmem:$0x9C00] =	vst v63  }
0x5e: {  	_ =	swait.ge [sflag:s6], $0x4000  }
0x5f: {  	[sflag:s6] =	ssyncset.done $0x0  }
0x60: {  	s12 =	simm.s32 $0x1600;
	[sflag:s6] =	ssyncadd.s32 $0xFFFFC000  }
0x61: {  	[tilespmem:s0], [sflag:$0x1] =	stream.indirect.gather [hbm4b:s2+s31], $0x80, s12, s31, $0xb8;
	[tilespmem:$0x9C00] =	vst v63  }
0x62: {  	_ =	swait.ge [sflag:s7], $0x4000  }
0x63: {  	[sflag:s7] =	ssyncset.done $0x0  }
0x64: {  	s13 =	rddreg [dreg:$0xa];
	[sflag:s7] =	ssyncadd.s32 $0xFFFFC000  }
0x65: {  	[hbm4b:s13+s3] =	stream.linear.scatter [tilespmem:s1], [sflag:$0x4], $0x4000, $0x38;
	[tilespmem:$0x9C00] =	vst v63  }
0x66: {  	_ =	swait.ge [sflag:s8], $0x4000  }
0x67: {  	[sflag:s8] =	ssyncset.done $0x0  }
0x68: {  	s14 =	simm.s32 $0x1680;
	[sflag:s8] =	ssyncadd.s32 $0xFFFFC000  }
0x69: {  	[tilespmem:s1], [sflag:$0x2] =	stream.indirect.gather [hbm4b:s2+s31], $0x80, s14, s31, $0xb8;
	[tilespmem:$0x9C00] =	vst v63  }
0x6a: {  	_ =	swait.ge [sflag:s5], $0x4000  }
0x6b: {  	[sflag:s5] =	ssyncset.done $0x0  }
0x6c: {  	s11 =	rddreg [dreg:$0xb];
	[sflag:s5] =	ssyncadd.s32 $0xFFFFC000  }
0x6d: {  	[hbm4b:s11+s3] =	stream.linear.scatter [tilespmem:s0], [sflag:$0x3], $0x4000, $0x38;
	[tilespmem:$0x9C00] =	vst v63  }
0x6e: {  	_ =	swait.ge [sflag:s6], $0x4000  }
0x6f: {  	[sflag:s6] =	ssyncset.done $0x0  }
0x70: {  	s12 =	simm.s32 $0x1700;
	[sflag:s6] =	ssyncadd.s32 $0xFFFFC000  }
0x71: {  	[tilespmem:s0], [sflag:$0x1] =	stream.indirect.gather [hbm4b:s2+s31], $0x80, s12, s31, $0xb8;
	[tilespmem:$0x9C00] =	vst v63  }
0x72: {  	_ =	swait.ge [sflag:s7], $0x4000  }
0x73: {  	[sflag:s7] =	ssyncset.done $0x0  }
0x74: {  	s13 =	rddreg [dreg:$0xc];
	[sflag:s7] =	ssyncadd.s32 $0xFFFFC000  }
0x75: {  	[hbm4b:s13+s3] =	stream.linear.scatter [tilespmem:s1], [sflag:$0x4], $0x4000, $0x38;
	[tilespmem:$0x9C00] =	vst v63  }
0x76: {  	_ =	swait.ge [sflag:s8], $0x4000  }
0x77: {  	[sflag:s8] =	ssyncset.done $0x0  }
0x78: {  	s14 =	simm.s32 $0x1780;
	[sflag:s8] =	ssyncadd.s32 $0xFFFFC000  }
0x79: {  	[tilespmem:s1], [sflag:$0x2] =	stream.indirect.gather [hbm4b:s2+s31], $0x80, s14, s31, $0xb8;
	[tilespmem:$0x9C00] =	vst v63  }
0x7a: {  	_ =	swait.ge [sflag:s5], $0x4000  }
0x7b: {  	[sflag:s5] =	ssyncset.done $0x0  }
0x7c: {  	[sflag:s5] =	ssyncadd.s32 $0xFFFFC000  }
0x7d: {  	[hbm4b:s15+s3] =	stream.linear.scatter [tilespmem:s0], [sflag:$0x3], $0x4000, $0x38;
	[tilespmem:$0x9C00] =	vst v63  }
0x7e: {  	_ =	swait.ge [sflag:s6], $0x4000  }
0x7f: {  	[sflag:s6] =	ssyncset.done $0x0  }
0x80: {  	s11 =	simm.s32 $0x1800;
	[sflag:s6] =	ssyncadd.s32 $0xFFFFC000  }
0x81: {  	[tilespmem:s0], [sflag:$0x1] =	stream.indirect.gather [hbm4b:s2+s31], $0x80, s11, s31, $0xb8;
	[tilespmem:$0x9C00] =	vst v63  }
0x82: {  	_ =	swait.ge [sflag:s7], $0x4000  }
0x83: {  	[sflag:s7] =	ssyncset.done $0x0  }
0x84: {  	[sflag:s7] =	ssyncadd.s32 $0xFFFFC000  }
0x85: {  	[hbm4b:s16+s3] =	stream.linear.scatter [tilespmem:s1], [sflag:$0x4], $0x4000, $0x38;
	[tilespmem:$0x9C00] =	vst v63  }
0x86: {  	_ =	swait.ge [sflag:s8], $0x4000  }
0x87: {  	[sflag:s8] =	ssyncset.done $0x0  }
0x88: {  	s12 =	simm.s32 $0x1880;
	[sflag:s8] =	ssyncadd.s32 $0xFFFFC000  }
0x89: {  	[tilespmem:s1], [sflag:$0x2] =	stream.indirect.gather [hbm4b:s2+s31], $0x80, s12, s31, $0xb8;
	[tilespmem:$0x9C00] =	vst v63  }
0x8a: {  	_ =	swait.ge [sflag:s5], $0x4000  }
0x8b: {  	[sflag:s5] =	ssyncset.done $0x0  }
0x8c: {  	[sflag:s5] =	ssyncadd.s32 $0xFFFFC000  }
0x8d: {  	[hbm4b:s17+s3] =	stream.linear.scatter [tilespmem:s0], [sflag:$0x3], $0x4000, $0x38;
	[tilespmem:$0x9C00] =	vst v63  }
0x8e: {  	_ =	swait.ge [sflag:s6], $0x4000  }
0x8f: {  	[sflag:s6] =	ssyncset.done $0x0  }
0x90: {  	s13 =	simm.s32 $0x1900;
	[sflag:s6] =	ssyncadd.s32 $0xFFFFC000  }
0x91: {  	[tilespmem:s0], [sflag:$0x1] =	stream.indirect.gather [hbm4b:s2+s31], $0x80, s13, s31, $0xb8;
	[tilespmem:$0x9C00] =	vst v63  }
0x92: {  	_ =	swait.ge [sflag:s7], $0x4000  }
0x93: {  	[sflag:s7] =	ssyncset.done $0x0  }
0x94: {  	[sflag:s7] =	ssyncadd.s32 $0xFFFFC000  }
0x95: {  	[hbm4b:s18+s3] =	stream.linear.scatter [tilespmem:s1], [sflag:$0x4], $0x4000, $0x38;
	[tilespmem:$0x9C00] =	vst v63  }
0x96: {  	_ =	swait.ge [sflag:s8], $0x4000  }
0x97: {  	[sflag:s8] =	ssyncset.done $0x0  }
0x98: {  	s14 =	simm.s32 $0x1980;
	[sflag:s8] =	ssyncadd.s32 $0xFFFFC000  }
0x99: {  	[tilespmem:s1], [sflag:$0x2] =	stream.indirect.gather [hbm4b:s2+s31], $0x80, s14, s31, $0xb8;
	[tilespmem:$0x9C00] =	vst v63  }
0x9a: {  	_ =	swait.ge [sflag:s5], $0x4000  }
0x9b: {  	[sflag:s5] =	ssyncset.done $0x0  }
0x9c: {  	[sflag:s5] =	ssyncadd.s32 $0xFFFFC000  }
0x9d: {  	[hbm4b:s19+s3] =	stream.linear.scatter [tilespmem:s0], [sflag:$0x3], $0x4000, $0x38;
	[tilespmem:$0x9C00] =	vst v63  }
0x9e: {  	_ =	swait.ge [sflag:s6], $0x4000  }
0x9f: {  	[sflag:s6] =	ssyncset.done $0x0  }
0xa0: {  	s11 =	simm.s32 $0x1A00;
	[sflag:s6] =	ssyncadd.s32 $0xFFFFC000  }
0xa1: {  	[tilespmem:s0], [sflag:$0x1] =	stream.indirect.gather [hbm4b:s2+s31], $0x80, s11, s31, $0xb8;
	[tilespmem:$0x9C00] =	vst v63  }
0xa2: {  	_ =	swait.ge [sflag:s7], $0x4000  }
0xa3: {  	[sflag:s7] =	ssyncset.done $0x0  }
0xa4: {  	[sflag:s7] =	ssyncadd.s32 $0xFFFFC000  }
0xa5: {  	[hbm4b:s20+s3] =	stream.linear.scatter [tilespmem:s1], [sflag:$0x4], $0x4000, $0x38;
	[tilespmem:$0x9C00] =	vst v63  }
0xa6: {  	_ =	swait.ge [sflag:s8], $0x4000  }
0xa7: {  	[sflag:s8] =	ssyncset.done $0x0  }
0xa8: {  	s12 =	simm.s32 $0x1A80;
	[sflag:s8] =	ssyncadd.s32 $0xFFFFC000  }
0xa9: {  	[tilespmem:s1], [sflag:$0x2] =	stream.indirect.gather [hbm4b:s2+s31], $0x80, s12, s31, $0xb8;
	[tilespmem:$0x9C00] =	vst v63  }
0xaa: {  	_ =	swait.ge [sflag:s5], $0x4000  }
0xab: {  	[sflag:s5] =	ssyncset.done $0x0  }
0xac: {  	[sflag:s5] =	ssyncadd.s32 $0xFFFFC000  }
0xad: {  	[hbm4b:s21+s3] =	stream.linear.scatter [tilespmem:s0], [sflag:$0x3], $0x4000, $0x38;
	[tilespmem:$0x9C00] =	vst v63  }
0xae: {  	_ =	swait.ge [sflag:s6], $0x4000  }
0xaf: {  	[sflag:s6] =	ssyncset.done $0x0  }
0xb0: {  	s13 =	simm.s32 $0x1B00;
	[sflag:s6] =	ssyncadd.s32 $0xFFFFC000  }
0xb1: {  	[tilespmem:s0], [sflag:$0x1] =	stream.indirect.gather [hbm4b:s2+s31], $0x80, s13, s31, $0xb8;
	[tilespmem:$0x9C00] =	vst v63  }
0xb2: {  	_ =	swait.ge [sflag:s7], $0x4000  }
0xb3: {  	[sflag:s7] =	ssyncset.done $0x0  }
0xb4: {  	[sflag:s7] =	ssyncadd.s32 $0xFFFFC000  }
0xb5: {  	[hbm4b:s22+s3] =	stream.linear.scatter [tilespmem:s1], [sflag:$0x4], $0x4000, $0x38;
	[tilespmem:$0x9C00] =	vst v63  }
0xb6: {  	_ =	swait.ge [sflag:s8], $0x4000  }
0xb7: {  	[sflag:s8] =	ssyncset.done $0x0  }
0xb8: {  	s14 =	simm.s32 $0x1B80;
	[sflag:s8] =	ssyncadd.s32 $0xFFFFC000  }
0xb9: {  	[tilespmem:s1], [sflag:$0x2] =	stream.indirect.gather [hbm4b:s2+s31], $0x80, s14, s31, $0xb8;
	[tilespmem:$0x9C00] =	vst v63  }
0xba: {  	_ =	swait.ge [sflag:s5], $0x4000  }
0xbb: {  	[sflag:s5] =	ssyncset.done $0x0  }
0xbc: {  	[sflag:s5] =	ssyncadd.s32 $0xFFFFC000  }
0xbd: {  	[hbm4b:s23+s3] =	stream.linear.scatter [tilespmem:s0], [sflag:$0x3], $0x4000, $0x38;
	[tilespmem:$0x9C00] =	vst v63  }
0xbe: {  	_ =	swait.ge [sflag:s7], $0x4000  }
0xbf: {  	[sflag:s7] =	ssyncset.done $0x0  }
0xc0: {  	s9 =	sadd.s32 $0x1, s9;
	[sflag:s7] =	ssyncadd.s32 $0xFFFFC000  }
0xc1: {  	[hbm4b:s24+s3] =	stream.linear.scatter [tilespmem:s1], [sflag:$0x4], $0x4000, $0x38;
	[tilespmem:$0x9C00] =	vst v63  }
0xc2: {  	p0 =	sne.s32 s9, s25;
	_ =	swait.ge [sflag:s6], $0x4000  }
.Ltmp1:
0xc3: {  	[sflag:s6] =	ssyncset.done $0x0;
	(pc) =	sbr.rel @p0 .LBB2_1-.Ltmp1, $4  }
0xc4: {  	[sflag:s6] =	ssyncadd.s32 $0xFFFFC000  }
0xc5: {  	_ =	swait.ge [sflag:s8], $0x4000  }
0xc6: {  	[sflag:s8] =	ssyncset.done $0x0  }
0xc7: {  	[sflag:s8] =	ssyncadd.s32 $0xFFFFC000  }
0xc8: {  	_ =	sfence.sel $0x180000  }
0xc9: {  	[bflag:$0x0] =	sbarrier.arrive $0xFFFF  }
0xca: {  	_ =	strace $0x90000047  }
0xcb: {  	s0 =	stileid.u32;
	[bflag:$0x2] =	sbarrier.arrive $0xFFFF  }
0xcc: {  	p0 =	sne.s32 s0, $0x0;
	s0 =	rddreg [dreg:$0x2]  }
0xcd: {  	s0 =	sadd.s32 @!p0 $0x100000, s0  }
0xce: {  	[sflag:s0] =	ssyncadd.tile.s32 @!p0 $0x1;
	_ =	shalt  }
.Lfunc_end2:
_tile_overlayer_lowered:
.L_overlay_start_2:
0xcf: {  	(tag) =	ssettag $0x2  }
0xd0: {  	s0 =	rddreg [dreg:$0x0];
	s2 =	stileid.u32  }
0xd1: {  	s1 =	rddreg [dreg:$0x1];
	p0 =	sne.s32 s2, $0x0  }
0xd2: {  	s3 =	rddreg [dreg:$0x2];
	[bflag:$0x3] =	sbarrier.arrive $0xFFFF;
	s2 =	simm.s32 @!p0 $0x1C05  }
0xd3: {  	[timem:s3], [sflag:s2] =	dma.local @!p0 [hbm:s0], s1  }
0xd4: {  	s0 =	simm.s32 @!p0 $0x5  }
0xd5: {  	_ =	swait.ge @!p0 [sflag:s0], s1  }
0xd6: {  	s1 =	ssub.s32 @!p0 $0x0, s1;
	[sflag:s0] =	ssyncset.done @!p0 $0x0  }
0xd7: {  	[sflag:s0] =	ssyncadd.s32 @!p0 s1  }
0xd8: {  	[bflag:$0x3] =	sbarrier.arrive $0xFFFF  }
0xd9: {  	_ =	shalt  }

</sc_bundles>
